<compile_context>
chip_gen: v7x
topology: tpu7x:2x2x1
jax: 0.10.2.dev20260603
libtpu: 0.0.44.dev20260713+nightly
codegen_flags: <defaults>
</compile_context>

<pallas_src>
import functools

import jax
import jax.numpy as jnp
from jax import lax
from jax.experimental import pallas as pl
from jax.experimental.pallas import tpu as pltpu
from jax.experimental.pallas import tpu_sc as plsc

_NC = 2
_NS = 16
_NW = _NC * _NS

_B, _C, _R, _K = 4, 192, 512, 15
_NCH = 8
_N = 8
_BC = _B * _C
_PER_W = _BC // _NW
_ROW_IN = _R * _K
_ROW_OUT = _R * _N
_T_STEPS = _ROW_OUT // 16

_OUT_TYPE = jax.ShapeDtypeStruct((_BC * _NCH, _ROW_OUT), jnp.float32)
_SCRATCH = [
    pltpu.VMEM((_NCH * 16,), jnp.float32),
    pltpu.VMEM((16,), jnp.int32),
    pltpu.VMEM((16,), jnp.float32),
    pltpu.VMEM((_NCH * 16,), jnp.int32),
    pltpu.VMEM((_NCH * 16,), jnp.float32),
    pltpu.VMEM((_ROW_IN,), jnp.float32),
    pltpu.VMEM((_NCH, _ROW_OUT), jnp.float32),
    pltpu.SemaphoreType.DMA,
]


def _body(x_hbm, pw_hbm, out_hbm, pwbuf, ktbl, wtbl, bidx, wvecs, xbuf, obuf, sem):
    iota = lax.iota(jnp.int32, 16)

    pltpu.sync_copy(pw_hbm, pwbuf)
    for i in range(_NCH):
        v = pwbuf[pl.ds(16 * i, 16)]
        rank = jnp.zeros((16,), jnp.int32)
        for j in range(_K):
            vj = plsc.load_gather(pwbuf, [jnp.full((16,), 16 * i + j, jnp.int32)])
            take = (vj < v) | ((vj == v) & (iota > j))
            rank = rank + jnp.where(take, 1, 0)
        sel = rank < _N
        plsc.store_scatter(ktbl, [rank], iota, mask=sel)
        plsc.store_scatter(wtbl, [rank], v, mask=sel)
        lo = iota & 7
        km = plsc.load_gather(ktbl, [lo])
        wm = plsc.load_gather(wtbl, [lo])
        bidx[pl.ds(16 * i, 16)] = km + jnp.where(iota >= 8, _K, 0)
        wvecs[pl.ds(16 * i, 16)] = wm

    wid = lax.axis_index("s") * _NC + lax.axis_index("c")

    def bc_body(t, _):
        bc = wid * _PER_W + t
        b = bc // _C
        c = bc - b * _C
        pltpu.sync_copy(x_hbm.at[bc], xbuf)
        copies = []
        for i in range(_NCH):
            base = bidx[pl.ds(16 * i, 16)]
            wv = wvecs[pl.ds(16 * i, 16)]

            def g_body(g, idxv, i=i, wv=wv):
                obuf[i, pl.ds(g * 16, 16)] = plsc.load_gather(xbuf, [idxv]) * wv
                return idxv + 2 * _K

            lax.fori_loop(0, _T_STEPS, g_body, base, unroll=4)
            row = b * (_NCH * _C) + i * _C + c
            copies.append(pltpu.async_copy(obuf.at[i], out_hbm.at[row], sem))
        for cp in copies:
            cp.wait()
        return 0

    lax.fori_loop(0, _PER_W, bc_body, 0)


@functools.cache
def _call():
    mesh = plsc.VectorSubcoreMesh(
        core_axis_name="c", subcore_axis_name="s", num_cores=_NC, num_subcores=_NS
    )
    return pl.kernel(
        _body,
        out_type=_OUT_TYPE,
        mesh=mesh,
        scratch_types=_SCRATCH,
        compiler_params=pltpu.CompilerParams(needs_layout_passes=False),
    )


def kernel(X, partition_weights):
    pw_sig = jax.nn.sigmoid(partition_weights)
    pw_pad = jnp.concatenate(
        [pw_sig, jnp.full((_NCH, 1), 2.0, jnp.float32)], axis=1
    ).reshape(-1)
    x2 = X.reshape(_BC, _ROW_IN)
    out = _call()(x2, pw_pad)
    return out.reshape(_B, _NCH * _C, _R, _N)

# --- scband reference (transcript-rebuilt; emitter-appended) ---
"""Pipeline reference for scband-dynamic-column-partition-with-projection-layer-6236292514457 (READ-ONLY COPY).

The authoritative reference and input builder live on the scoring server;
editing this copy changes nothing except your own understanding.
"""

import jax, jax.numpy as jnp
import numpy as np

N = 8
MAX_CHANNELS = 8


def setup_inputs(seed: int = 0) -> dict:
    key = jax.random.key(seed)
    k1, k2 = jax.random.split(key)
    X = jax.random.normal(k1, (4, 192, 512, 15), dtype=jnp.float32)
    partition_weights = jax.random.normal(k2, (MAX_CHANNELS, 15), dtype=jnp.float32)
    return {"X": X, "partition_weights": partition_weights}


def reference(X, partition_weights):
    # sigmoid of learned partition weights
    pw = jax.nn.sigmoid(partition_weights)  # [MAX_CHANNELS, 15]
    # select_columns: ascending argsort, take first n indices per channel
    column_indices = jnp.argsort(pw, axis=1)[:, :N]  # [MAX_CHANNELS, N] int
    parts = []
    for i in range(MAX_CHANNELS):
        selected_columns = jnp.take(X, column_indices[i], axis=3)  # [B, C, R, N]
        selected_weights = pw[i][column_indices[i]][None, None, :]  # [1, 1, N]
        weighted_columns = selected_columns * selected_weights
        parts.append(weighted_columns)
    out = jnp.concatenate(parts, axis=1)  # [B, C*MAX_CHANNELS, R, N]
    return out

if __name__ == "__main__":
    import jax
    _d = setup_inputs()
    print(jax.jit(kernel)(*tuple(_d.values())))

</pallas_src>

<mosaic_0001>
#map = affine_map<(d0, d1) -> (0, 0)>
#map1 = affine_map<(d0, d1) -> (0)>
module attributes {stable_mosaic.version = 14 : i64} {
  func.func @_body(%arg0: i32, %arg1: i32, %arg2: memref<768x7680xf32, #tpu.memory_space<hbm>>, %arg3: memref<128xf32, #tpu.memory_space<hbm>>, %arg4: memref<6144x4096xf32, #tpu.memory_space<hbm>>, %arg5: memref<128xf32, #tpu.memory_space<vmem>>, %arg6: memref<16xi32, #tpu.memory_space<vmem>>, %arg7: memref<16xf32, #tpu.memory_space<vmem>>, %arg8: memref<128xi32, #tpu.memory_space<vmem>>, %arg9: memref<128xf32, #tpu.memory_space<vmem>>, %arg10: memref<7680xf32, #tpu.memory_space<vmem>>, %arg11: memref<8x4096xf32, #tpu.memory_space<vmem>>, %arg12: memref<!tpu.dma_semaphore, #tpu.memory_space<semaphore_mem>>) attributes {dimension_semantics = [#tpu.dimension_semantics<core_parallel>, #tpu.dimension_semantics<subcore_parallel>], iteration_bounds = array<i64: 2, 16>, scalar_prefetch = 0 : i64, scratch_operands = 8 : i64, tpu.core_type = #tpu.core_type<sc_vector_subcore>, window_params = [{transform_indices = #map}, {transform_indices = #map1}, {transform_indices = #map}]} {
    %iota3A = tpu.iota {dimensions = array<i32: 0>} : vector<16xi32>
    "tpu.region"() ({
      %run_scoped3A = tpu.sem_alloc : memref<!tpu.dma_semaphore, #tpu.memory_space<semaphore_mem>>
      tpu.enqueue_dma source(%arg3 : memref<128xf32, #tpu.memory_space<hbm>>) target(%arg5 : memref<128xf32, #tpu.memory_space<vmem>>) target_semaphore(%run_scoped3A : memref<!tpu.dma_semaphore, #tpu.memory_space<semaphore_mem>>)
      tpu.wait_dma2 semaphore(%run_scoped3A : memref<!tpu.dma_semaphore, #tpu.memory_space<semaphore_mem>>) src(%arg3 : memref<128xf32, #tpu.memory_space<hbm>>) dst(%arg5 : memref<128xf32, #tpu.memory_space<vmem>>)
      tpu.yield
    }) : () -> ()
    %get3A = arith.constant 0 : index
    %get3A_0 = tpu.vector_load %arg5[%get3A] {strides = array<i32>} : memref<128xf32, #tpu.memory_space<vmem>>, vector<16xf32>,
    %broadcast_in_dim3A = arith.constant 0 : i32
    %broadcast_in_dim3A_1 = vector.broadcast %broadcast_in_dim3A : i32 to vector<16xi32>
    %broadcast_in_dim3A_2 = arith.constant 0 : i32
    %broadcast_in_dim3A_3 = vector.broadcast %broadcast_in_dim3A_2 : i32 to vector<16xi32>
    %gather3A = tpu.vector_load_idx %arg5[%broadcast_in_dim3A_3] : memref<128xf32, #tpu.memory_space<vmem>>[vector<16xi32>], vector<16xf32>,
    %lt3A = arith.cmpf olt, %gather3A, %get3A_0 : vector<16xf32>
    %eq3A = arith.cmpf oeq, %gather3A, %get3A_0 : vector<16xf32>
    %gt3A = arith.constant 0 : i32
    %gt3A_4 = vector.broadcast %gt3A : i32 to vector<16xi32>
    %gt3A_5 = arith.cmpi sgt, %iota3A, %gt3A_4 : vector<16xi32>
    %and3A = arith.andi %eq3A, %gt3A_5 : vector<16xi1>
    %or3A = arith.ori %lt3A, %and3A : vector<16xi1>
    %jit3A = arith.constant 1 : i32
    %jit3A_6 = arith.constant 0 : i32
    %broadcast_in_dim3A_7 = vector.broadcast %jit3A : i32 to vector<16xi32>
    %broadcast_in_dim3A_8 = vector.broadcast %jit3A_6 : i32 to vector<16xi32>
    %select_n3A = arith.select %or3A, %broadcast_in_dim3A_7, %broadcast_in_dim3A_8 : vector<16xi1>, vector<16xi32>
    %add3A = arith.addi %broadcast_in_dim3A_1, %select_n3A : vector<16xi32>
    %broadcast_in_dim3A_9 = arith.constant 1 : i32
    %broadcast_in_dim3A_10 = vector.broadcast %broadcast_in_dim3A_9 : i32 to vector<16xi32>
    %gather3A_11 = tpu.vector_load_idx %arg5[%broadcast_in_dim3A_10] : memref<128xf32, #tpu.memory_space<vmem>>[vector<16xi32>], vector<16xf32>,
    %lt3A_12 = arith.cmpf olt, %gather3A_11, %get3A_0 : vector<16xf32>
    %eq3A_13 = arith.cmpf oeq, %gather3A_11, %get3A_0 : vector<16xf32>
    %gt3A_14 = arith.constant 1 : i32
    %gt3A_15 = vector.broadcast %gt3A_14 : i32 to vector<16xi32>
    %gt3A_16 = arith.cmpi sgt, %iota3A, %gt3A_15 : vector<16xi32>
    %and3A_17 = arith.andi %eq3A_13, %gt3A_16 : vector<16xi1>
    %or3A_18 = arith.ori %lt3A_12, %and3A_17 : vector<16xi1>
    %jit3A_19 = arith.constant 1 : i32
    %jit3A_20 = arith.constant 0 : i32
    %broadcast_in_dim3A_21 = vector.broadcast %jit3A_19 : i32 to vector<16xi32>
    %broadcast_in_dim3A_22 = vector.broadcast %jit3A_20 : i32 to vector<16xi32>
    %select_n3A_23 = arith.select %or3A_18, %broadcast_in_dim3A_21, %broadcast_in_dim3A_22 : vector<16xi1>, vector<16xi32>
    %add3A_24 = arith.addi %add3A, %select_n3A_23 : vector<16xi32>
    %broadcast_in_dim3A_25 = arith.constant 2 : i32
    %broadcast_in_dim3A_26 = vector.broadcast %broadcast_in_dim3A_25 : i32 to vector<16xi32>
    %gather3A_27 = tpu.vector_load_idx %arg5[%broadcast_in_dim3A_26] : memref<128xf32, #tpu.memory_space<vmem>>[vector<16xi32>], vector<16xf32>,
    %lt3A_28 = arith.cmpf olt, %gather3A_27, %get3A_0 : vector<16xf32>
    %eq3A_29 = arith.cmpf oeq, %gather3A_27, %get3A_0 : vector<16xf32>
    %gt3A_30 = arith.constant 2 : i32
    %gt3A_31 = vector.broadcast %gt3A_30 : i32 to vector<16xi32>
    %gt3A_32 = arith.cmpi sgt, %iota3A, %gt3A_31 : vector<16xi32>
    %and3A_33 = arith.andi %eq3A_29, %gt3A_32 : vector<16xi1>
    %or3A_34 = arith.ori %lt3A_28, %and3A_33 : vector<16xi1>
    %jit3A_35 = arith.constant 1 : i32
    %jit3A_36 = arith.constant 0 : i32
    %broadcast_in_dim3A_37 = vector.broadcast %jit3A_35 : i32 to vector<16xi32>
    %broadcast_in_dim3A_38 = vector.broadcast %jit3A_36 : i32 to vector<16xi32>
    %select_n3A_39 = arith.select %or3A_34, %broadcast_in_dim3A_37, %broadcast_in_dim3A_38 : vector<16xi1>, vector<16xi32>
    %add3A_40 = arith.addi %add3A_24, %select_n3A_39 : vector<16xi32>
    %broadcast_in_dim3A_41 = arith.constant 3 : i32
    %broadcast_in_dim3A_42 = vector.broadcast %broadcast_in_dim3A_41 : i32 to vector<16xi32>
    %gather3A_43 = tpu.vector_load_idx %arg5[%broadcast_in_dim3A_42] : memref<128xf32, #tpu.memory_space<vmem>>[vector<16xi32>], vector<16xf32>,
    %lt3A_44 = arith.cmpf olt, %gather3A_43, %get3A_0 : vector<16xf32>
    %eq3A_45 = arith.cmpf oeq, %gather3A_43, %get3A_0 : vector<16xf32>
    %gt3A_46 = arith.constant 3 : i32
    %gt3A_47 = vector.broadcast %gt3A_46 : i32 to vector<16xi32>
    %gt3A_48 = arith.cmpi sgt, %iota3A, %gt3A_47 : vector<16xi32>
    %and3A_49 = arith.andi %eq3A_45, %gt3A_48 : vector<16xi1>
    %or3A_50 = arith.ori %lt3A_44, %and3A_49 : vector<16xi1>
    %jit3A_51 = arith.constant 1 : i32
    %jit3A_52 = arith.constant 0 : i32
    %broadcast_in_dim3A_53 = vector.broadcast %jit3A_51 : i32 to vector<16xi32>
    %broadcast_in_dim3A_54 = vector.broadcast %jit3A_52 : i32 to vector<16xi32>
    %select_n3A_55 = arith.select %or3A_50, %broadcast_in_dim3A_53, %broadcast_in_dim3A_54 : vector<16xi1>, vector<16xi32>
    %add3A_56 = arith.addi %add3A_40, %select_n3A_55 : vector<16xi32>
    %broadcast_in_dim3A_57 = arith.constant 4 : i32
    %broadcast_in_dim3A_58 = vector.broadcast %broadcast_in_dim3A_57 : i32 to vector<16xi32>
    %gather3A_59 = tpu.vector_load_idx %arg5[%broadcast_in_dim3A_58] : memref<128xf32, #tpu.memory_space<vmem>>[vector<16xi32>], vector<16xf32>,
    %lt3A_60 = arith.cmpf olt, %gather3A_59, %get3A_0 : vector<16xf32>
    %eq3A_61 = arith.cmpf oeq, %gather3A_59, %get3A_0 : vector<16xf32>
    %gt3A_62 = arith.constant 4 : i32
    %gt3A_63 = vector.broadcast %gt3A_62 : i32 to vector<16xi32>
    %gt3A_64 = arith.cmpi sgt, %iota3A, %gt3A_63 : vector<16xi32>
    %and3A_65 = arith.andi %eq3A_61, %gt3A_64 : vector<16xi1>
    %or3A_66 = arith.ori %lt3A_60, %and3A_65 : vector<16xi1>
    %jit3A_67 = arith.constant 1 : i32
    %jit3A_68 = arith.constant 0 : i32
    %broadcast_in_dim3A_69 = vector.broadcast %jit3A_67 : i32 to vector<16xi32>
    %broadcast_in_dim3A_70 = vector.broadcast %jit3A_68 : i32 to vector<16xi32>
    %select_n3A_71 = arith.select %or3A_66, %broadcast_in_dim3A_69, %broadcast_in_dim3A_70 : vector<16xi1>, vector<16xi32>
    %add3A_72 = arith.addi %add3A_56, %select_n3A_71 : vector<16xi32>
    %broadcast_in_dim3A_73 = arith.constant 5 : i32
    %broadcast_in_dim3A_74 = vector.broadcast %broadcast_in_dim3A_73 : i32 to vector<16xi32>
    %gather3A_75 = tpu.vector_load_idx %arg5[%broadcast_in_dim3A_74] : memref<128xf32, #tpu.memory_space<vmem>>[vector<16xi32>], vector<16xf32>,
    %lt3A_76 = arith.cmpf olt, %gather3A_75, %get3A_0 : vector<16xf32>
    %eq3A_77 = arith.cmpf oeq, %gather3A_75, %get3A_0 : vector<16xf32>
    %gt3A_78 = arith.constant 5 : i32
    %gt3A_79 = vector.broadcast %gt3A_78 : i32 to vector<16xi32>
    %gt3A_80 = arith.cmpi sgt, %iota3A, %gt3A_79 : vector<16xi32>
    %and3A_81 = arith.andi %eq3A_77, %gt3A_80 : vector<16xi1>
    %or3A_82 = arith.ori %lt3A_76, %and3A_81 : vector<16xi1>
    %jit3A_83 = arith.constant 1 : i32
    %jit3A_84 = arith.constant 0 : i32
    %broadcast_in_dim3A_85 = vector.broadcast %jit3A_83 : i32 to vector<16xi32>
    %broadcast_in_dim3A_86 = vector.broadcast %jit3A_84 : i32 to vector<16xi32>
    %select_n3A_87 = arith.select %or3A_82, %broadcast_in_dim3A_85, %broadcast_in_dim3A_86 : vector<16xi1>, vector<16xi32>
    %add3A_88 = arith.addi %add3A_72, %select_n3A_87 : vector<16xi32>
    %broadcast_in_dim3A_89 = arith.constant 6 : i32
    %broadcast_in_dim3A_90 = vector.broadcast %broadcast_in_dim3A_89 : i32 to vector<16xi32>
    %gather3A_91 = tpu.vector_load_idx %arg5[%broadcast_in_dim3A_90] : memref<128xf32, #tpu.memory_space<vmem>>[vector<16xi32>], vector<16xf32>,
    %lt3A_92 = arith.cmpf olt, %gather3A_91, %get3A_0 : vector<16xf32>
    %eq3A_93 = arith.cmpf oeq, %gather3A_91, %get3A_0 : vector<16xf32>
    %gt3A_94 = arith.constant 6 : i32
    %gt3A_95 = vector.broadcast %gt3A_94 : i32 to vector<16xi32>
    %gt3A_96 = arith.cmpi sgt, %iota3A, %gt3A_95 : vector<16xi32>
    %and3A_97 = arith.andi %eq3A_93, %gt3A_96 : vector<16xi1>
    %or3A_98 = arith.ori %lt3A_92, %and3A_97 : vector<16xi1>
    %jit3A_99 = arith.constant 1 : i32
    %jit3A_100 = arith.constant 0 : i32
    %broadcast_in_dim3A_101 = vector.broadcast %jit3A_99 : i32 to vector<16xi32>
    %broadcast_in_dim3A_102 = vector.broadcast %jit3A_100 : i32 to vector<16xi32>
    %select_n3A_103 = arith.select %or3A_98, %broadcast_in_dim3A_101, %broadcast_in_dim3A_102 : vector<16xi1>, vector<16xi32>
    %add3A_104 = arith.addi %add3A_88, %select_n3A_103 : vector<16xi32>
    %broadcast_in_dim3A_105 = arith.constant 7 : i32
    %broadcast_in_dim3A_106 = vector.broadcast %broadcast_in_dim3A_105 : i32 to vector<16xi32>
    %gather3A_107 = tpu.vector_load_idx %arg5[%broadcast_in_dim3A_106] : memref<128xf32, #tpu.memory_space<vmem>>[vector<16xi32>], vector<16xf32>,
    %lt3A_108 = arith.cmpf olt, %gather3A_107, %get3A_0 : vector<16xf32>
    %eq3A_109 = arith.cmpf oeq, %gather3A_107, %get3A_0 : vector<16xf32>
    %gt3A_110 = arith.constant 7 : i32
    %gt3A_111 = vector.broadcast %gt3A_110 : i32 to vector<16xi32>
    %gt3A_112 = arith.cmpi sgt, %iota3A, %gt3A_111 : vector<16xi32>
    %and3A_113 = arith.andi %eq3A_109, %gt3A_112 : vector<16xi1>
    %or3A_114 = arith.ori %lt3A_108, %and3A_113 : vector<16xi1>
    %jit3A_115 = arith.constant 1 : i32
    %jit3A_116 = arith.constant 0 : i32
    %broadcast_in_dim3A_117 = vector.broadcast %jit3A_115 : i32 to vector<16xi32>
    %broadcast_in_dim3A_118 = vector.broadcast %jit3A_116 : i32 to vector<16xi32>
    %select_n3A_119 = arith.select %or3A_114, %broadcast_in_dim3A_117, %broadcast_in_dim3A_118 : vector<16xi1>, vector<16xi32>
    %add3A_120 = arith.addi %add3A_104, %select_n3A_119 : vector<16xi32>
    %broadcast_in_dim3A_121 = arith.constant 8 : i32
    %broadcast_in_dim3A_122 = vector.broadcast %broadcast_in_dim3A_121 : i32 to vector<16xi32>
    %gather3A_123 = tpu.vector_load_idx %arg5[%broadcast_in_dim3A_122] : memref<128xf32, #tpu.memory_space<vmem>>[vector<16xi32>], vector<16xf32>,
    %lt3A_124 = arith.cmpf olt, %gather3A_123, %get3A_0 : vector<16xf32>
    %eq3A_125 = arith.cmpf oeq, %gather3A_123, %get3A_0 : vector<16xf32>
    %gt3A_126 = arith.constant 8 : i32
    %gt3A_127 = vector.broadcast %gt3A_126 : i32 to vector<16xi32>
    %gt3A_128 = arith.cmpi sgt, %iota3A, %gt3A_127 : vector<16xi32>
    %and3A_129 = arith.andi %eq3A_125, %gt3A_128 : vector<16xi1>
    %or3A_130 = arith.ori %lt3A_124, %and3A_129 : vector<16xi1>
    %jit3A_131 = arith.constant 1 : i32
    %jit3A_132 = arith.constant 0 : i32
    %broadcast_in_dim3A_133 = vector.broadcast %jit3A_131 : i32 to vector<16xi32>
    %broadcast_in_dim3A_134 = vector.broadcast %jit3A_132 : i32 to vector<16xi32>
    %select_n3A_135 = arith.select %or3A_130, %broadcast_in_dim3A_133, %broadcast_in_dim3A_134 : vector<16xi1>, vector<16xi32>
    %add3A_136 = arith.addi %add3A_120, %select_n3A_135 : vector<16xi32>
    %broadcast_in_dim3A_137 = arith.constant 9 : i32
    %broadcast_in_dim3A_138 = vector.broadcast %broadcast_in_dim3A_137 : i32 to vector<16xi32>
    %gather3A_139 = tpu.vector_load_idx %arg5[%broadcast_in_dim3A_138] : memref<128xf32, #tpu.memory_space<vmem>>[vector<16xi32>], vector<16xf32>,
    %lt3A_140 = arith.cmpf olt, %gather3A_139, %get3A_0 : vector<16xf32>
    %eq3A_141 = arith.cmpf oeq, %gather3A_139, %get3A_0 : vector<16xf32>
    %gt3A_142 = arith.constant 9 : i32
    %gt3A_143 = vector.broadcast %gt3A_142 : i32 to vector<16xi32>
    %gt3A_144 = arith.cmpi sgt, %iota3A, %gt3A_143 : vector<16xi32>
    %and3A_145 = arith.andi %eq3A_141, %gt3A_144 : vector<16xi1>
    %or3A_146 = arith.ori %lt3A_140, %and3A_145 : vector<16xi1>
    %jit3A_147 = arith.constant 1 : i32
    %jit3A_148 = arith.constant 0 : i32
    %broadcast_in_dim3A_149 = vector.broadcast %jit3A_147 : i32 to vector<16xi32>
    %broadcast_in_dim3A_150 = vector.broadcast %jit3A_148 : i32 to vector<16xi32>
    %select_n3A_151 = arith.select %or3A_146, %broadcast_in_dim3A_149, %broadcast_in_dim3A_150 : vector<16xi1>, vector<16xi32>
    %add3A_152 = arith.addi %add3A_136, %select_n3A_151 : vector<16xi32>
    %broadcast_in_dim3A_153 = arith.constant 10 : i32
    %broadcast_in_dim3A_154 = vector.broadcast %broadcast_in_dim3A_153 : i32 to vector<16xi32>
    %gather3A_155 = tpu.vector_load_idx %arg5[%broadcast_in_dim3A_154] : memref<128xf32, #tpu.memory_space<vmem>>[vector<16xi32>], vector<16xf32>,
    %lt3A_156 = arith.cmpf olt, %gather3A_155, %get3A_0 : vector<16xf32>
    %eq3A_157 = arith.cmpf oeq, %gather3A_155, %get3A_0 : vector<16xf32>
    %gt3A_158 = arith.constant 10 : i32
    %gt3A_159 = vector.broadcast %gt3A_158 : i32 to vector<16xi32>
    %gt3A_160 = arith.cmpi sgt, %iota3A, %gt3A_159 : vector<16xi32>
    %and3A_161 = arith.andi %eq3A_157, %gt3A_160 : vector<16xi1>
    %or3A_162 = arith.ori %lt3A_156, %and3A_161 : vector<16xi1>
    %jit3A_163 = arith.constant 1 : i32
    %jit3A_164 = arith.constant 0 : i32
    %broadcast_in_dim3A_165 = vector.broadcast %jit3A_163 : i32 to vector<16xi32>
    %broadcast_in_dim3A_166 = vector.broadcast %jit3A_164 : i32 to vector<16xi32>
    %select_n3A_167 = arith.select %or3A_162, %broadcast_in_dim3A_165, %broadcast_in_dim3A_166 : vector<16xi1>, vector<16xi32>
    %add3A_168 = arith.addi %add3A_152, %select_n3A_167 : vector<16xi32>
    %broadcast_in_dim3A_169 = arith.constant 11 : i32
    %broadcast_in_dim3A_170 = vector.broadcast %broadcast_in_dim3A_169 : i32 to vector<16xi32>
    %gather3A_171 = tpu.vector_load_idx %arg5[%broadcast_in_dim3A_170] : memref<128xf32, #tpu.memory_space<vmem>>[vector<16xi32>], vector<16xf32>,
    %lt3A_172 = arith.cmpf olt, %gather3A_171, %get3A_0 : vector<16xf32>
    %eq3A_173 = arith.cmpf oeq, %gather3A_171, %get3A_0 : vector<16xf32>
    %gt3A_174 = arith.constant 11 : i32
    %gt3A_175 = vector.broadcast %gt3A_174 : i32 to vector<16xi32>
    %gt3A_176 = arith.cmpi sgt, %iota3A, %gt3A_175 : vector<16xi32>
    %and3A_177 = arith.andi %eq3A_173, %gt3A_176 : vector<16xi1>
    %or3A_178 = arith.ori %lt3A_172, %and3A_177 : vector<16xi1>
    %jit3A_179 = arith.constant 1 : i32
    %jit3A_180 = arith.constant 0 : i32
    %broadcast_in_dim3A_181 = vector.broadcast %jit3A_179 : i32 to vector<16xi32>
    %broadcast_in_dim3A_182 = vector.broadcast %jit3A_180 : i32 to vector<16xi32>
    %select_n3A_183 = arith.select %or3A_178, %broadcast_in_dim3A_181, %broadcast_in_dim3A_182 : vector<16xi1>, vector<16xi32>
    %add3A_184 = arith.addi %add3A_168, %select_n3A_183 : vector<16xi32>
    %broadcast_in_dim3A_185 = arith.constant 12 : i32
    %broadcast_in_dim3A_186 = vector.broadcast %broadcast_in_dim3A_185 : i32 to vector<16xi32>
    %gather3A_187 = tpu.vector_load_idx %arg5[%broadcast_in_dim3A_186] : memref<128xf32, #tpu.memory_space<vmem>>[vector<16xi32>], vector<16xf32>,
    %lt3A_188 = arith.cmpf olt, %gather3A_187, %get3A_0 : vector<16xf32>
    %eq3A_189 = arith.cmpf oeq, %gather3A_187, %get3A_0 : vector<16xf32>
    %gt3A_190 = arith.constant 12 : i32
    %gt3A_191 = vector.broadcast %gt3A_190 : i32 to vector<16xi32>
    %gt3A_192 = arith.cmpi sgt, %iota3A, %gt3A_191 : vector<16xi32>
    %and3A_193 = arith.andi %eq3A_189, %gt3A_192 : vector<16xi1>
    %or3A_194 = arith.ori %lt3A_188, %and3A_193 : vector<16xi1>
    %jit3A_195 = arith.constant 1 : i32
    %jit3A_196 = arith.constant 0 : i32
    %broadcast_in_dim3A_197 = vector.broadcast %jit3A_195 : i32 to vector<16xi32>
    %broadcast_in_dim3A_198 = vector.broadcast %jit3A_196 : i32 to vector<16xi32>
    %select_n3A_199 = arith.select %or3A_194, %broadcast_in_dim3A_197, %broadcast_in_dim3A_198 : vector<16xi1>, vector<16xi32>
    %add3A_200 = arith.addi %add3A_184, %select_n3A_199 : vector<16xi32>
    %broadcast_in_dim3A_201 = arith.constant 13 : i32
    %broadcast_in_dim3A_202 = vector.broadcast %broadcast_in_dim3A_201 : i32 to vector<16xi32>
    %gather3A_203 = tpu.vector_load_idx %arg5[%broadcast_in_dim3A_202] : memref<128xf32, #tpu.memory_space<vmem>>[vector<16xi32>], vector<16xf32>,
    %lt3A_204 = arith.cmpf olt, %gather3A_203, %get3A_0 : vector<16xf32>
    %eq3A_205 = arith.cmpf oeq, %gather3A_203, %get3A_0 : vector<16xf32>
    %gt3A_206 = arith.constant 13 : i32
    %gt3A_207 = vector.broadcast %gt3A_206 : i32 to vector<16xi32>
    %gt3A_208 = arith.cmpi sgt, %iota3A, %gt3A_207 : vector<16xi32>
    %and3A_209 = arith.andi %eq3A_205, %gt3A_208 : vector<16xi1>
    %or3A_210 = arith.ori %lt3A_204, %and3A_209 : vector<16xi1>
    %jit3A_211 = arith.constant 1 : i32
    %jit3A_212 = arith.constant 0 : i32
    %broadcast_in_dim3A_213 = vector.broadcast %jit3A_211 : i32 to vector<16xi32>
    %broadcast_in_dim3A_214 = vector.broadcast %jit3A_212 : i32 to vector<16xi32>
    %select_n3A_215 = arith.select %or3A_210, %broadcast_in_dim3A_213, %broadcast_in_dim3A_214 : vector<16xi1>, vector<16xi32>
    %add3A_216 = arith.addi %add3A_200, %select_n3A_215 : vector<16xi32>
    %broadcast_in_dim3A_217 = arith.constant 14 : i32
    %broadcast_in_dim3A_218 = vector.broadcast %broadcast_in_dim3A_217 : i32 to vector<16xi32>
    %gather3A_219 = tpu.vector_load_idx %arg5[%broadcast_in_dim3A_218] : memref<128xf32, #tpu.memory_space<vmem>>[vector<16xi32>], vector<16xf32>,
    %lt3A_220 = arith.cmpf olt, %gather3A_219, %get3A_0 : vector<16xf32>
    %eq3A_221 = arith.cmpf oeq, %gather3A_219, %get3A_0 : vector<16xf32>
    %gt3A_222 = arith.constant 14 : i32
    %gt3A_223 = vector.broadcast %gt3A_222 : i32 to vector<16xi32>
    %gt3A_224 = arith.cmpi sgt, %iota3A, %gt3A_223 : vector<16xi32>
    %and3A_225 = arith.andi %eq3A_221, %gt3A_224 : vector<16xi1>
    %or3A_226 = arith.ori %lt3A_220, %and3A_225 : vector<16xi1>
    %jit3A_227 = arith.constant 1 : i32
    %jit3A_228 = arith.constant 0 : i32
    %broadcast_in_dim3A_229 = vector.broadcast %jit3A_227 : i32 to vector<16xi32>
    %broadcast_in_dim3A_230 = vector.broadcast %jit3A_228 : i32 to vector<16xi32>
    %select_n3A_231 = arith.select %or3A_226, %broadcast_in_dim3A_229, %broadcast_in_dim3A_230 : vector<16xi1>, vector<16xi32>
    %add3A_232 = arith.addi %add3A_216, %select_n3A_231 : vector<16xi32>
    %lt3A_233 = arith.constant 8 : i32
    %lt3A_234 = vector.broadcast %lt3A_233 : i32 to vector<16xi32>
    %lt3A_235 = arith.cmpi slt, %add3A_232, %lt3A_234 : vector<16xi32>
    tpu.vector_store_idx %arg6[%add3A_232], %iota3A masked %lt3A_235 : memref<16xi32, #tpu.memory_space<vmem>>[vector<16xi32>], vector<16xi32>, vector<16xi1>
    tpu.vector_store_idx %arg7[%add3A_232], %get3A_0 masked %lt3A_235 : memref<16xf32, #tpu.memory_space<vmem>>[vector<16xi32>], vector<16xf32>, vector<16xi1>
    %and3A_236 = arith.constant 7 : i32
    %and3A_237 = vector.broadcast %and3A_236 : i32 to vector<16xi32>
    %and3A_238 = arith.andi %iota3A, %and3A_237 : vector<16xi32>
    %gather3A_239 = tpu.vector_load_idx %arg6[%and3A_238] : memref<16xi32, #tpu.memory_space<vmem>>[vector<16xi32>], vector<16xi32>,
    %gather3A_240 = tpu.vector_load_idx %arg7[%and3A_238] : memref<16xf32, #tpu.memory_space<vmem>>[vector<16xi32>], vector<16xf32>,
    %ge3A = arith.constant 8 : i32
    %ge3A_241 = vector.broadcast %ge3A : i32 to vector<16xi32>
    %ge3A_242 = arith.cmpi sge, %iota3A, %ge3A_241 : vector<16xi32>
    %jit3A_243 = arith.constant 15 : i32
    %jit3A_244 = arith.constant 0 : i32
    %broadcast_in_dim3A_245 = vector.broadcast %jit3A_243 : i32 to vector<16xi32>
    %broadcast_in_dim3A_246 = vector.broadcast %jit3A_244 : i32 to vector<16xi32>
    %select_n3A_247 = arith.select %ge3A_242, %broadcast_in_dim3A_245, %broadcast_in_dim3A_246 : vector<16xi1>, vector<16xi32>
    %add3A_248 = arith.addi %gather3A_239, %select_n3A_247 : vector<16xi32>
    %swap3A = arith.constant 0 : index
    %swap3A_249 = tpu.vector_load %arg8[%swap3A] {strides = array<i32>} : memref<128xi32, #tpu.memory_space<vmem>>, vector<16xi32>,
    tpu.vector_store %arg8[%swap3A], %add3A_248 {strides = array<i32>} : memref<128xi32, #tpu.memory_space<vmem>>, vector<16xi32>,
    %swap3A_250 = arith.constant 0 : index
    %swap3A_251 = tpu.vector_load %arg9[%swap3A_250] {strides = array<i32>} : memref<128xf32, #tpu.memory_space<vmem>>, vector<16xf32>,
    tpu.vector_store %arg9[%swap3A_250], %gather3A_240 {strides = array<i32>} : memref<128xf32, #tpu.memory_space<vmem>>, vector<16xf32>,
    %get3A_252 = arith.constant 16 : index
    %get3A_253 = tpu.vector_load %arg5[%get3A_252] {strides = array<i32>} : memref<128xf32, #tpu.memory_space<vmem>>, vector<16xf32>,
    %broadcast_in_dim3A_254 = arith.constant 0 : i32
    %broadcast_in_dim3A_255 = vector.broadcast %broadcast_in_dim3A_254 : i32 to vector<16xi32>
    %broadcast_in_dim3A_256 = arith.constant 16 : i32
    %broadcast_in_dim3A_257 = vector.broadcast %broadcast_in_dim3A_256 : i32 to vector<16xi32>
    %gather3A_258 = tpu.vector_load_idx %arg5[%broadcast_in_dim3A_257] : memref<128xf32, #tpu.memory_space<vmem>>[vector<16xi32>], vector<16xf32>,
    %lt3A_259 = arith.cmpf olt, %gather3A_258, %get3A_253 : vector<16xf32>
    %eq3A_260 = arith.cmpf oeq, %gather3A_258, %get3A_253 : vector<16xf32>
    %gt3A_261 = arith.constant 0 : i32
    %gt3A_262 = vector.broadcast %gt3A_261 : i32 to vector<16xi32>
    %gt3A_263 = arith.cmpi sgt, %iota3A, %gt3A_262 : vector<16xi32>
    %and3A_264 = arith.andi %eq3A_260, %gt3A_263 : vector<16xi1>
    %or3A_265 = arith.ori %lt3A_259, %and3A_264 : vector<16xi1>
    %jit3A_266 = arith.constant 1 : i32
    %jit3A_267 = arith.constant 0 : i32
    %broadcast_in_dim3A_268 = vector.broadcast %jit3A_266 : i32 to vector<16xi32>
    %broadcast_in_dim3A_269 = vector.broadcast %jit3A_267 : i32 to vector<16xi32>
    %select_n3A_270 = arith.select %or3A_265, %broadcast_in_dim3A_268, %broadcast_in_dim3A_269 : vector<16xi1>, vector<16xi32>
    %add3A_271 = arith.addi %broadcast_in_dim3A_255, %select_n3A_270 : vector<16xi32>
    %broadcast_in_dim3A_272 = arith.constant 17 : i32
    %broadcast_in_dim3A_273 = vector.broadcast %broadcast_in_dim3A_272 : i32 to vector<16xi32>
    %gather3A_274 = tpu.vector_load_idx %arg5[%broadcast_in_dim3A_273] : memref<128xf32, #tpu.memory_space<vmem>>[vector<16xi32>], vector<16xf32>,
    %lt3A_275 = arith.cmpf olt, %gather3A_274, %get3A_253 : vector<16xf32>
    %eq3A_276 = arith.cmpf oeq, %gather3A_274, %get3A_253 : vector<16xf32>
    %gt3A_277 = arith.constant 1 : i32
    %gt3A_278 = vector.broadcast %gt3A_277 : i32 to vector<16xi32>
    %gt3A_279 = arith.cmpi sgt, %iota3A, %gt3A_278 : vector<16xi32>
    %and3A_280 = arith.andi %eq3A_276, %gt3A_279 : vector<16xi1>
    %or3A_281 = arith.ori %lt3A_275, %and3A_280 : vector<16xi1>
    %jit3A_282 = arith.constant 1 : i32
    %jit3A_283 = arith.constant 0 : i32
    %broadcast_in_dim3A_284 = vector.broadcast %jit3A_282 : i32 to vector<16xi32>
    %broadcast_in_dim3A_285 = vector.broadcast %jit3A_283 : i32 to vector<16xi32>
    %select_n3A_286 = arith.select %or3A_281, %broadcast_in_dim3A_284, %broadcast_in_dim3A_285 : vector<16xi1>, vector<16xi32>
    %add3A_287 = arith.addi %add3A_271, %select_n3A_286 : vector<16xi32>
    %broadcast_in_dim3A_288 = arith.constant 18 : i32
    %broadcast_in_dim3A_289 = vector.broadcast %broadcast_in_dim3A_288 : i32 to vector<16xi32>
    %gather3A_290 = tpu.vector_load_idx %arg5[%broadcast_in_dim3A_289] : memref<128xf32, #tpu.memory_space<vmem>>[vector<16xi32>], vector<16xf32>,
    %lt3A_291 = arith.cmpf olt, %gather3A_290, %get3A_253 : vector<16xf32>
    %eq3A_292 = arith.cmpf oeq, %gather3A_290, %get3A_253 : vector<16xf32>
    %gt3A_293 = arith.constant 2 : i32
    %gt3A_294 = vector.broadcast %gt3A_293 : i32 to vector<16xi32>
    %gt3A_295 = arith.cmpi sgt, %iota3A, %gt3A_294 : vector<16xi32>
    %and3A_296 = arith.andi %eq3A_292, %gt3A_295 : vector<16xi1>
    %or3A_297 = arith.ori %lt3A_291, %and3A_296 : vector<16xi1>
    %jit3A_298 = arith.constant 1 : i32
    %jit3A_299 = arith.constant 0 : i32
    %broadcast_in_dim3A_300 = vector.broadcast %jit3A_298 : i32 to vector<16xi32>
    %broadcast_in_dim3A_301 = vector.broadcast %jit3A_299 : i32 to vector<16xi32>
    %select_n3A_302 = arith.select %or3A_297, %broadcast_in_dim3A_300, %broadcast_in_dim3A_301 : vector<16xi1>, vector<16xi32>
    %add3A_303 = arith.addi %add3A_287, %select_n3A_302 : vector<16xi32>
    %broadcast_in_dim3A_304 = arith.constant 19 : i32
    %broadcast_in_dim3A_305 = vector.broadcast %broadcast_in_dim3A_304 : i32 to vector<16xi32>
    %gather3A_306 = tpu.vector_load_idx %arg5[%broadcast_in_dim3A_305] : memref<128xf32, #tpu.memory_space<vmem>>[vector<16xi32>], vector<16xf32>,
    %lt3A_307 = arith.cmpf olt, %gather3A_306, %get3A_253 : vector<16xf32>
    %eq3A_308 = arith.cmpf oeq, %gather3A_306, %get3A_253 : vector<16xf32>
    %gt3A_309 = arith.constant 3 : i32
    %gt3A_310 = vector.broadcast %gt3A_309 : i32 to vector<16xi32>
    %gt3A_311 = arith.cmpi sgt, %iota3A, %gt3A_310 : vector<16xi32>
    %and3A_312 = arith.andi %eq3A_308, %gt3A_311 : vector<16xi1>
    %or3A_313 = arith.ori %lt3A_307, %and3A_312 : vector<16xi1>
    %jit3A_314 = arith.constant 1 : i32
    %jit3A_315 = arith.constant 0 : i32
    %broadcast_in_dim3A_316 = vector.broadcast %jit3A_314 : i32 to vector<16xi32>
    %broadcast_in_dim3A_317 = vector.broadcast %jit3A_315 : i32 to vector<16xi32>
    %select_n3A_318 = arith.select %or3A_313, %broadcast_in_dim3A_316, %broadcast_in_dim3A_317 : vector<16xi1>, vector<16xi32>
    %add3A_319 = arith.addi %add3A_303, %select_n3A_318 : vector<16xi32>
    %broadcast_in_dim3A_320 = arith.constant 20 : i32
    %broadcast_in_dim3A_321 = vector.broadcast %broadcast_in_dim3A_320 : i32 to vector<16xi32>
    %gather3A_322 = tpu.vector_load_idx %arg5[%broadcast_in_dim3A_321] : memref<128xf32, #tpu.memory_space<vmem>>[vector<16xi32>], vector<16xf32>,
    %lt3A_323 = arith.cmpf olt, %gather3A_322, %get3A_253 : vector<16xf32>
    %eq3A_324 = arith.cmpf oeq, %gather3A_322, %get3A_253 : vector<16xf32>
    %gt3A_325 = arith.constant 4 : i32
    %gt3A_326 = vector.broadcast %gt3A_325 : i32 to vector<16xi32>
    %gt3A_327 = arith.cmpi sgt, %iota3A, %gt3A_326 : vector<16xi32>
    %and3A_328 = arith.andi %eq3A_324, %gt3A_327 : vector<16xi1>
    %or3A_329 = arith.ori %lt3A_323, %and3A_328 : vector<16xi1>
    %jit3A_330 = arith.constant 1 : i32
    %jit3A_331 = arith.constant 0 : i32
    %broadcast_in_dim3A_332 = vector.broadcast %jit3A_330 : i32 to vector<16xi32>
    %broadcast_in_dim3A_333 = vector.broadcast %jit3A_331 : i32 to vector<16xi32>
    %select_n3A_334 = arith.select %or3A_329, %broadcast_in_dim3A_332, %broadcast_in_dim3A_333 : vector<16xi1>, vector<16xi32>
    %add3A_335 = arith.addi %add3A_319, %select_n3A_334 : vector<16xi32>
    %broadcast_in_dim3A_336 = arith.constant 21 : i32
    %broadcast_in_dim3A_337 = vector.broadcast %broadcast_in_dim3A_336 : i32 to vector<16xi32>
    %gather3A_338 = tpu.vector_load_idx %arg5[%broadcast_in_dim3A_337] : memref<128xf32, #tpu.memory_space<vmem>>[vector<16xi32>], vector<16xf32>,
    %lt3A_339 = arith.cmpf olt, %gather3A_338, %get3A_253 : vector<16xf32>
    %eq3A_340 = arith.cmpf oeq, %gather3A_338, %get3A_253 : vector<16xf32>
    %gt3A_341 = arith.constant 5 : i32
    %gt3A_342 = vector.broadcast %gt3A_341 : i32 to vector<16xi32>
    %gt3A_343 = arith.cmpi sgt, %iota3A, %gt3A_342 : vector<16xi32>
    %and3A_344 = arith.andi %eq3A_340, %gt3A_343 : vector<16xi1>
    %or3A_345 = arith.ori %lt3A_339, %and3A_344 : vector<16xi1>
    %jit3A_346 = arith.constant 1 : i32
    %jit3A_347 = arith.constant 0 : i32
    %broadcast_in_dim3A_348 = vector.broadcast %jit3A_346 : i32 to vector<16xi32>
    %broadcast_in_dim3A_349 = vector.broadcast %jit3A_347 : i32 to vector<16xi32>
    %select_n3A_350 = arith.select %or3A_345, %broadcast_in_dim3A_348, %broadcast_in_dim3A_349 : vector<16xi1>, vector<16xi32>
    %add3A_351 = arith.addi %add3A_335, %select_n3A_350 : vector<16xi32>
    %broadcast_in_dim3A_352 = arith.constant 22 : i32
    %broadcast_in_dim3A_353 = vector.broadcast %broadcast_in_dim3A_352 : i32 to vector<16xi32>
    %gather3A_354 = tpu.vector_load_idx %arg5[%broadcast_in_dim3A_353] : memref<128xf32, #tpu.memory_space<vmem>>[vector<16xi32>], vector<16xf32>,
    %lt3A_355 = arith.cmpf olt, %gather3A_354, %get3A_253 : vector<16xf32>
    %eq3A_356 = arith.cmpf oeq, %gather3A_354, %get3A_253 : vector<16xf32>
    %gt3A_357 = arith.constant 6 : i32
    %gt3A_358 = vector.broadcast %gt3A_357 : i32 to vector<16xi32>
    %gt3A_359 = arith.cmpi sgt, %iota3A, %gt3A_358 : vector<16xi32>
    %and3A_360 = arith.andi %eq3A_356, %gt3A_359 : vector<16xi1>
    %or3A_361 = arith.ori %lt3A_355, %and3A_360 : vector<16xi1>
    %jit3A_362 = arith.constant 1 : i32
    %jit3A_363 = arith.constant 0 : i32
    %broadcast_in_dim3A_364 = vector.broadcast %jit3A_362 : i32 to vector<16xi32>
    %broadcast_in_dim3A_365 = vector.broadcast %jit3A_363 : i32 to vector<16xi32>
    %select_n3A_366 = arith.select %or3A_361, %broadcast_in_dim3A_364, %broadcast_in_dim3A_365 : vector<16xi1>, vector<16xi32>
    %add3A_367 = arith.addi %add3A_351, %select_n3A_366 : vector<16xi32>
    %broadcast_in_dim3A_368 = arith.constant 23 : i32
    %broadcast_in_dim3A_369 = vector.broadcast %broadcast_in_dim3A_368 : i32 to vector<16xi32>
    %gather3A_370 = tpu.vector_load_idx %arg5[%broadcast_in_dim3A_369] : memref<128xf32, #tpu.memory_space<vmem>>[vector<16xi32>], vector<16xf32>,
    %lt3A_371 = arith.cmpf olt, %gather3A_370, %get3A_253 : vector<16xf32>
    %eq3A_372 = arith.cmpf oeq, %gather3A_370, %get3A_253 : vector<16xf32>
    %gt3A_373 = arith.constant 7 : i32
    %gt3A_374 = vector.broadcast %gt3A_373 : i32 to vector<16xi32>
    %gt3A_375 = arith.cmpi sgt, %iota3A, %gt3A_374 : vector<16xi32>
    %and3A_376 = arith.andi %eq3A_372, %gt3A_375 : vector<16xi1>
    %or3A_377 = arith.ori %lt3A_371, %and3A_376 : vector<16xi1>
    %jit3A_378 = arith.constant 1 : i32
    %jit3A_379 = arith.constant 0 : i32
    %broadcast_in_dim3A_380 = vector.broadcast %jit3A_378 : i32 to vector<16xi32>
    %broadcast_in_dim3A_381 = vector.broadcast %jit3A_379 : i32 to vector<16xi32>
    %select_n3A_382 = arith.select %or3A_377, %broadcast_in_dim3A_380, %broadcast_in_dim3A_381 : vector<16xi1>, vector<16xi32>
    %add3A_383 = arith.addi %add3A_367, %select_n3A_382 : vector<16xi32>
    %broadcast_in_dim3A_384 = arith.constant 24 : i32
    %broadcast_in_dim3A_385 = vector.broadcast %broadcast_in_dim3A_384 : i32 to vector<16xi32>
    %gather3A_386 = tpu.vector_load_idx %arg5[%broadcast_in_dim3A_385] : memref<128xf32, #tpu.memory_space<vmem>>[vector<16xi32>], vector<16xf32>,
    %lt3A_387 = arith.cmpf olt, %gather3A_386, %get3A_253 : vector<16xf32>
    %eq3A_388 = arith.cmpf oeq, %gather3A_386, %get3A_253 : vector<16xf32>
    %gt3A_389 = arith.constant 8 : i32
    %gt3A_390 = vector.broadcast %gt3A_389 : i32 to vector<16xi32>
    %gt3A_391 = arith.cmpi sgt, %iota3A, %gt3A_390 : vector<16xi32>
    %and3A_392 = arith.andi %eq3A_388, %gt3A_391 : vector<16xi1>
    %or3A_393 = arith.ori %lt3A_387, %and3A_392 : vector<16xi1>
    %jit3A_394 = arith.constant 1 : i32
    %jit3A_395 = arith.constant 0 : i32
    %broadcast_in_dim3A_396 = vector.broadcast %jit3A_394 : i32 to vector<16xi32>
    %broadcast_in_dim3A_397 = vector.broadcast %jit3A_395 : i32 to vector<16xi32>
    %select_n3A_398 = arith.select %or3A_393, %broadcast_in_dim3A_396, %broadcast_in_dim3A_397 : vector<16xi1>, vector<16xi32>
    %add3A_399 = arith.addi %add3A_383, %select_n3A_398 : vector<16xi32>
    %broadcast_in_dim3A_400 = arith.constant 25 : i32
    %broadcast_in_dim3A_401 = vector.broadcast %broadcast_in_dim3A_400 : i32 to vector<16xi32>
    %gather3A_402 = tpu.vector_load_idx %arg5[%broadcast_in_dim3A_401] : memref<128xf32, #tpu.memory_space<vmem>>[vector<16xi32>], vector<16xf32>,
    %lt3A_403 = arith.cmpf olt, %gather3A_402, %get3A_253 : vector<16xf32>
    %eq3A_404 = arith.cmpf oeq, %gather3A_402, %get3A_253 : vector<16xf32>
    %gt3A_405 = arith.constant 9 : i32
    %gt3A_406 = vector.broadcast %gt3A_405 : i32 to vector<16xi32>
    %gt3A_407 = arith.cmpi sgt, %iota3A, %gt3A_406 : vector<16xi32>
    %and3A_408 = arith.andi %eq3A_404, %gt3A_407 : vector<16xi1>
    %or3A_409 = arith.ori %lt3A_403, %and3A_408 : vector<16xi1>
    %jit3A_410 = arith.constant 1 : i32
    %jit3A_411 = arith.constant 0 : i32
    %broadcast_in_dim3A_412 = vector.broadcast %jit3A_410 : i32 to vector<16xi32>
    %broadcast_in_dim3A_413 = vector.broadcast %jit3A_411 : i32 to vector<16xi32>
    %select_n3A_414 = arith.select %or3A_409, %broadcast_in_dim3A_412, %broadcast_in_dim3A_413 : vector<16xi1>, vector<16xi32>
    %add3A_415 = arith.addi %add3A_399, %select_n3A_414 : vector<16xi32>
    %broadcast_in_dim3A_416 = arith.constant 26 : i32
    %broadcast_in_dim3A_417 = vector.broadcast %broadcast_in_dim3A_416 : i32 to vector<16xi32>
    %gather3A_418 = tpu.vector_load_idx %arg5[%broadcast_in_dim3A_417] : memref<128xf32, #tpu.memory_space<vmem>>[vector<16xi32>], vector<16xf32>,
    %lt3A_419 = arith.cmpf olt, %gather3A_418, %get3A_253 : vector<16xf32>
    %eq3A_420 = arith.cmpf oeq, %gather3A_418, %get3A_253 : vector<16xf32>
    %gt3A_421 = arith.constant 10 : i32
    %gt3A_422 = vector.broadcast %gt3A_421 : i32 to vector<16xi32>
    %gt3A_423 = arith.cmpi sgt, %iota3A, %gt3A_422 : vector<16xi32>
    %and3A_424 = arith.andi %eq3A_420, %gt3A_423 : vector<16xi1>
    %or3A_425 = arith.ori %lt3A_419, %and3A_424 : vector<16xi1>
    %jit3A_426 = arith.constant 1 : i32
    %jit3A_427 = arith.constant 0 : i32
    %broadcast_in_dim3A_428 = vector.broadcast %jit3A_426 : i32 to vector<16xi32>
    %broadcast_in_dim3A_429 = vector.broadcast %jit3A_427 : i32 to vector<16xi32>
    %select_n3A_430 = arith.select %or3A_425, %broadcast_in_dim3A_428, %broadcast_in_dim3A_429 : vector<16xi1>, vector<16xi32>
    %add3A_431 = arith.addi %add3A_415, %select_n3A_430 : vector<16xi32>
    %broadcast_in_dim3A_432 = arith.constant 27 : i32
    %broadcast_in_dim3A_433 = vector.broadcast %broadcast_in_dim3A_432 : i32 to vector<16xi32>
    %gather3A_434 = tpu.vector_load_idx %arg5[%broadcast_in_dim3A_433] : memref<128xf32, #tpu.memory_space<vmem>>[vector<16xi32>], vector<16xf32>,
    %lt3A_435 = arith.cmpf olt, %gather3A_434, %get3A_253 : vector<16xf32>
    %eq3A_436 = arith.cmpf oeq, %gather3A_434, %get3A_253 : vector<16xf32>
    %gt3A_437 = arith.constant 11 : i32
    %gt3A_438 = vector.broadcast %gt3A_437 : i32 to vector<16xi32>
    %gt3A_439 = arith.cmpi sgt, %iota3A, %gt3A_438 : vector<16xi32>
    %and3A_440 = arith.andi %eq3A_436, %gt3A_439 : vector<16xi1>
    %or3A_441 = arith.ori %lt3A_435, %and3A_440 : vector<16xi1>
    %jit3A_442 = arith.constant 1 : i32
    %jit3A_443 = arith.constant 0 : i32
    %broadcast_in_dim3A_444 = vector.broadcast %jit3A_442 : i32 to vector<16xi32>
    %broadcast_in_dim3A_445 = vector.broadcast %jit3A_443 : i32 to vector<16xi32>
    %select_n3A_446 = arith.select %or3A_441, %broadcast_in_dim3A_444, %broadcast_in_dim3A_445 : vector<16xi1>, vector<16xi32>
    %add3A_447 = arith.addi %add3A_431, %select_n3A_446 : vector<16xi32>
    %broadcast_in_dim3A_448 = arith.constant 28 : i32
    %broadcast_in_dim3A_449 = vector.broadcast %broadcast_in_dim3A_448 : i32 to vector<16xi32>
    %gather3A_450 = tpu.vector_load_idx %arg5[%broadcast_in_dim3A_449] : memref<128xf32, #tpu.memory_space<vmem>>[vector<16xi32>], vector<16xf32>,
    %lt3A_451 = arith.cmpf olt, %gather3A_450, %get3A_253 : vector<16xf32>
    %eq3A_452 = arith.cmpf oeq, %gather3A_450, %get3A_253 : vector<16xf32>
    %gt3A_453 = arith.constant 12 : i32
    %gt3A_454 = vector.broadcast %gt3A_453 : i32 to vector<16xi32>
    %gt3A_455 = arith.cmpi sgt, %iota3A, %gt3A_454 : vector<16xi32>
    %and3A_456 = arith.andi %eq3A_452, %gt3A_455 : vector<16xi1>
    %or3A_457 = arith.ori %lt3A_451, %and3A_456 : vector<16xi1>
    %jit3A_458 = arith.constant 1 : i32
    %jit3A_459 = arith.constant 0 : i32
    %broadcast_in_dim3A_460 = vector.broadcast %jit3A_458 : i32 to vector<16xi32>
    %broadcast_in_dim3A_461 = vector.broadcast %jit3A_459 : i32 to vector<16xi32>
    %select_n3A_462 = arith.select %or3A_457, %broadcast_in_dim3A_460, %broadcast_in_dim3A_461 : vector<16xi1>, vector<16xi32>
    %add3A_463 = arith.addi %add3A_447, %select_n3A_462 : vector<16xi32>
    %broadcast_in_dim3A_464 = arith.constant 29 : i32
    %broadcast_in_dim3A_465 = vector.broadcast %broadcast_in_dim3A_464 : i32 to vector<16xi32>
    %gather3A_466 = tpu.vector_load_idx %arg5[%broadcast_in_dim3A_465] : memref<128xf32, #tpu.memory_space<vmem>>[vector<16xi32>], vector<16xf32>,
    %lt3A_467 = arith.cmpf olt, %gather3A_466, %get3A_253 : vector<16xf32>
    %eq3A_468 = arith.cmpf oeq, %gather3A_466, %get3A_253 : vector<16xf32>
    %gt3A_469 = arith.constant 13 : i32
    %gt3A_470 = vector.broadcast %gt3A_469 : i32 to vector<16xi32>
    %gt3A_471 = arith.cmpi sgt, %iota3A, %gt3A_470 : vector<16xi32>
    %and3A_472 = arith.andi %eq3A_468, %gt3A_471 : vector<16xi1>
    %or3A_473 = arith.ori %lt3A_467, %and3A_472 : vector<16xi1>
    %jit3A_474 = arith.constant 1 : i32
    %jit3A_475 = arith.constant 0 : i32
    %broadcast_in_dim3A_476 = vector.broadcast %jit3A_474 : i32 to vector<16xi32>
    %broadcast_in_dim3A_477 = vector.broadcast %jit3A_475 : i32 to vector<16xi32>
    %select_n3A_478 = arith.select %or3A_473, %broadcast_in_dim3A_476, %broadcast_in_dim3A_477 : vector<16xi1>, vector<16xi32>
    %add3A_479 = arith.addi %add3A_463, %select_n3A_478 : vector<16xi32>
    %broadcast_in_dim3A_480 = arith.constant 30 : i32
    %broadcast_in_dim3A_481 = vector.broadcast %broadcast_in_dim3A_480 : i32 to vector<16xi32>
    %gather3A_482 = tpu.vector_load_idx %arg5[%broadcast_in_dim3A_481] : memref<128xf32, #tpu.memory_space<vmem>>[vector<16xi32>], vector<16xf32>,
    %lt3A_483 = arith.cmpf olt, %gather3A_482, %get3A_253 : vector<16xf32>
    %eq3A_484 = arith.cmpf oeq, %gather3A_482, %get3A_253 : vector<16xf32>
    %gt3A_485 = arith.constant 14 : i32
    %gt3A_486 = vector.broadcast %gt3A_485 : i32 to vector<16xi32>
    %gt3A_487 = arith.cmpi sgt, %iota3A, %gt3A_486 : vector<16xi32>
    %and3A_488 = arith.andi %eq3A_484, %gt3A_487 : vector<16xi1>
    %or3A_489 = arith.ori %lt3A_483, %and3A_488 : vector<16xi1>
    %jit3A_490 = arith.constant 1 : i32
    %jit3A_491 = arith.constant 0 : i32
    %broadcast_in_dim3A_492 = vector.broadcast %jit3A_490 : i32 to vector<16xi32>
    %broadcast_in_dim3A_493 = vector.broadcast %jit3A_491 : i32 to vector<16xi32>
    %select_n3A_494 = arith.select %or3A_489, %broadcast_in_dim3A_492, %broadcast_in_dim3A_493 : vector<16xi1>, vector<16xi32>
    %add3A_495 = arith.addi %add3A_479, %select_n3A_494 : vector<16xi32>
    %lt3A_496 = arith.constant 8 : i32
    %lt3A_497 = vector.broadcast %lt3A_496 : i32 to vector<16xi32>
    %lt3A_498 = arith.cmpi slt, %add3A_495, %lt3A_497 : vector<16xi32>
    tpu.vector_store_idx %arg6[%add3A_495], %iota3A masked %lt3A_498 : memref<16xi32, #tpu.memory_space<vmem>>[vector<16xi32>], vector<16xi32>, vector<16xi1>
    tpu.vector_store_idx %arg7[%add3A_495], %get3A_253 masked %lt3A_498 : memref<16xf32, #tpu.memory_space<vmem>>[vector<16xi32>], vector<16xf32>, vector<16xi1>
    %and3A_499 = arith.constant 7 : i32
    %and3A_500 = vector.broadcast %and3A_499 : i32 to vector<16xi32>
    %and3A_501 = arith.andi %iota3A, %and3A_500 : vector<16xi32>
    %gather3A_502 = tpu.vector_load_idx %arg6[%and3A_501] : memref<16xi32, #tpu.memory_space<vmem>>[vector<16xi32>], vector<16xi32>,
    %gather3A_503 = tpu.vector_load_idx %arg7[%and3A_501] : memref<16xf32, #tpu.memory_space<vmem>>[vector<16xi32>], vector<16xf32>,
    %ge3A_504 = arith.constant 8 : i32
    %ge3A_505 = vector.broadcast %ge3A_504 : i32 to vector<16xi32>
    %ge3A_506 = arith.cmpi sge, %iota3A, %ge3A_505 : vector<16xi32>
    %jit3A_507 = arith.constant 15 : i32
    %jit3A_508 = arith.constant 0 : i32
    %broadcast_in_dim3A_509 = vector.broadcast %jit3A_507 : i32 to vector<16xi32>
    %broadcast_in_dim3A_510 = vector.broadcast %jit3A_508 : i32 to vector<16xi32>
    %select_n3A_511 = arith.select %ge3A_506, %broadcast_in_dim3A_509, %broadcast_in_dim3A_510 : vector<16xi1>, vector<16xi32>
    %add3A_512 = arith.addi %gather3A_502, %select_n3A_511 : vector<16xi32>
    %swap3A_513 = arith.constant 16 : index
    %swap3A_514 = tpu.vector_load %arg8[%swap3A_513] {strides = array<i32>} : memref<128xi32, #tpu.memory_space<vmem>>, vector<16xi32>,
    tpu.vector_store %arg8[%swap3A_513], %add3A_512 {strides = array<i32>} : memref<128xi32, #tpu.memory_space<vmem>>, vector<16xi32>,
    %swap3A_515 = arith.constant 16 : index
    %swap3A_516 = tpu.vector_load %arg9[%swap3A_515] {strides = array<i32>} : memref<128xf32, #tpu.memory_space<vmem>>, vector<16xf32>,
    tpu.vector_store %arg9[%swap3A_515], %gather3A_503 {strides = array<i32>} : memref<128xf32, #tpu.memory_space<vmem>>, vector<16xf32>,
    %get3A_517 = arith.constant 32 : index
    %get3A_518 = tpu.vector_load %arg5[%get3A_517] {strides = array<i32>} : memref<128xf32, #tpu.memory_space<vmem>>, vector<16xf32>,
    %broadcast_in_dim3A_519 = arith.constant 0 : i32
    %broadcast_in_dim3A_520 = vector.broadcast %broadcast_in_dim3A_519 : i32 to vector<16xi32>
    %broadcast_in_dim3A_521 = arith.constant 32 : i32
    %broadcast_in_dim3A_522 = vector.broadcast %broadcast_in_dim3A_521 : i32 to vector<16xi32>
    %gather3A_523 = tpu.vector_load_idx %arg5[%broadcast_in_dim3A_522] : memref<128xf32, #tpu.memory_space<vmem>>[vector<16xi32>], vector<16xf32>,
    %lt3A_524 = arith.cmpf olt, %gather3A_523, %get3A_518 : vector<16xf32>
    %eq3A_525 = arith.cmpf oeq, %gather3A_523, %get3A_518 : vector<16xf32>
    %gt3A_526 = arith.constant 0 : i32
    %gt3A_527 = vector.broadcast %gt3A_526 : i32 to vector<16xi32>
    %gt3A_528 = arith.cmpi sgt, %iota3A, %gt3A_527 : vector<16xi32>
    %and3A_529 = arith.andi %eq3A_525, %gt3A_528 : vector<16xi1>
    %or3A_530 = arith.ori %lt3A_524, %and3A_529 : vector<16xi1>
    %jit3A_531 = arith.constant 1 : i32
    %jit3A_532 = arith.constant 0 : i32
    %broadcast_in_dim3A_533 = vector.broadcast %jit3A_531 : i32 to vector<16xi32>
    %broadcast_in_dim3A_534 = vector.broadcast %jit3A_532 : i32 to vector<16xi32>
    %select_n3A_535 = arith.select %or3A_530, %broadcast_in_dim3A_533, %broadcast_in_dim3A_534 : vector<16xi1>, vector<16xi32>
    %add3A_536 = arith.addi %broadcast_in_dim3A_520, %select_n3A_535 : vector<16xi32>
    %broadcast_in_dim3A_537 = arith.constant 33 : i32
    %broadcast_in_dim3A_538 = vector.broadcast %broadcast_in_dim3A_537 : i32 to vector<16xi32>
    %gather3A_539 = tpu.vector_load_idx %arg5[%broadcast_in_dim3A_538] : memref<128xf32, #tpu.memory_space<vmem>>[vector<16xi32>], vector<16xf32>,
    %lt3A_540 = arith.cmpf olt, %gather3A_539, %get3A_518 : vector<16xf32>
    %eq3A_541 = arith.cmpf oeq, %gather3A_539, %get3A_518 : vector<16xf32>
    %gt3A_542 = arith.constant 1 : i32
    %gt3A_543 = vector.broadcast %gt3A_542 : i32 to vector<16xi32>
    %gt3A_544 = arith.cmpi sgt, %iota3A, %gt3A_543 : vector<16xi32>
    %and3A_545 = arith.andi %eq3A_541, %gt3A_544 : vector<16xi1>
    %or3A_546 = arith.ori %lt3A_540, %and3A_545 : vector<16xi1>
    %jit3A_547 = arith.constant 1 : i32
    %jit3A_548 = arith.constant 0 : i32
    %broadcast_in_dim3A_549 = vector.broadcast %jit3A_547 : i32 to vector<16xi32>
    %broadcast_in_dim3A_550 = vector.broadcast %jit3A_548 : i32 to vector<16xi32>
    %select_n3A_551 = arith.select %or3A_546, %broadcast_in_dim3A_549, %broadcast_in_dim3A_550 : vector<16xi1>, vector<16xi32>
    %add3A_552 = arith.addi %add3A_536, %select_n3A_551 : vector<16xi32>
    %broadcast_in_dim3A_553 = arith.constant 34 : i32
    %broadcast_in_dim3A_554 = vector.broadcast %broadcast_in_dim3A_553 : i32 to vector<16xi32>
    %gather3A_555 = tpu.vector_load_idx %arg5[%broadcast_in_dim3A_554] : memref<128xf32, #tpu.memory_space<vmem>>[vector<16xi32>], vector<16xf32>,
    %lt3A_556 = arith.cmpf olt, %gather3A_555, %get3A_518 : vector<16xf32>
    %eq3A_557 = arith.cmpf oeq, %gather3A_555, %get3A_518 : vector<16xf32>
    %gt3A_558 = arith.constant 2 : i32
    %gt3A_559 = vector.broadcast %gt3A_558 : i32 to vector<16xi32>
    %gt3A_560 = arith.cmpi sgt, %iota3A, %gt3A_559 : vector<16xi32>
    %and3A_561 = arith.andi %eq3A_557, %gt3A_560 : vector<16xi1>
    %or3A_562 = arith.ori %lt3A_556, %and3A_561 : vector<16xi1>
    %jit3A_563 = arith.constant 1 : i32
    %jit3A_564 = arith.constant 0 : i32
    %broadcast_in_dim3A_565 = vector.broadcast %jit3A_563 : i32 to vector<16xi32>
    %broadcast_in_dim3A_566 = vector.broadcast %jit3A_564 : i32 to vector<16xi32>
    %select_n3A_567 = arith.select %or3A_562, %broadcast_in_dim3A_565, %broadcast_in_dim3A_566 : vector<16xi1>, vector<16xi32>
    %add3A_568 = arith.addi %add3A_552, %select_n3A_567 : vector<16xi32>
    %broadcast_in_dim3A_569 = arith.constant 35 : i32
    %broadcast_in_dim3A_570 = vector.broadcast %broadcast_in_dim3A_569 : i32 to vector<16xi32>
    %gather3A_571 = tpu.vector_load_idx %arg5[%broadcast_in_dim3A_570] : memref<128xf32, #tpu.memory_space<vmem>>[vector<16xi32>], vector<16xf32>,
    %lt3A_572 = arith.cmpf olt, %gather3A_571, %get3A_518 : vector<16xf32>
    %eq3A_573 = arith.cmpf oeq, %gather3A_571, %get3A_518 : vector<16xf32>
    %gt3A_574 = arith.constant 3 : i32
    %gt3A_575 = vector.broadcast %gt3A_574 : i32 to vector<16xi32>
    %gt3A_576 = arith.cmpi sgt, %iota3A, %gt3A_575 : vector<16xi32>
    %and3A_577 = arith.andi %eq3A_573, %gt3A_576 : vector<16xi1>
    %or3A_578 = arith.ori %lt3A_572, %and3A_577 : vector<16xi1>
    %jit3A_579 = arith.constant 1 : i32
    %jit3A_580 = arith.constant 0 : i32
    %broadcast_in_dim3A_581 = vector.broadcast %jit3A_579 : i32 to vector<16xi32>
    %broadcast_in_dim3A_582 = vector.broadcast %jit3A_580 : i32 to vector<16xi32>
    %select_n3A_583 = arith.select %or3A_578, %broadcast_in_dim3A_581, %broadcast_in_dim3A_582 : vector<16xi1>, vector<16xi32>
    %add3A_584 = arith.addi %add3A_568, %select_n3A_583 : vector<16xi32>
    %broadcast_in_dim3A_585 = arith.constant 36 : i32
    %broadcast_in_dim3A_586 = vector.broadcast %broadcast_in_dim3A_585 : i32 to vector<16xi32>
    %gather3A_587 = tpu.vector_load_idx %arg5[%broadcast_in_dim3A_586] : memref<128xf32, #tpu.memory_space<vmem>>[vector<16xi32>], vector<16xf32>,
    %lt3A_588 = arith.cmpf olt, %gather3A_587, %get3A_518 : vector<16xf32>
    %eq3A_589 = arith.cmpf oeq, %gather3A_587, %get3A_518 : vector<16xf32>
    %gt3A_590 = arith.constant 4 : i32
    %gt3A_591 = vector.broadcast %gt3A_590 : i32 to vector<16xi32>
    %gt3A_592 = arith.cmpi sgt, %iota3A, %gt3A_591 : vector<16xi32>
    %and3A_593 = arith.andi %eq3A_589, %gt3A_592 : vector<16xi1>
    %or3A_594 = arith.ori %lt3A_588, %and3A_593 : vector<16xi1>
    %jit3A_595 = arith.constant 1 : i32
    %jit3A_596 = arith.constant 0 : i32
    %broadcast_in_dim3A_597 = vector.broadcast %jit3A_595 : i32 to vector<16xi32>
    %broadcast_in_dim3A_598 = vector.broadcast %jit3A_596 : i32 to vector<16xi32>
    %select_n3A_599 = arith.select %or3A_594, %broadcast_in_dim3A_597, %broadcast_in_dim3A_598 : vector<16xi1>, vector<16xi32>
    %add3A_600 = arith.addi %add3A_584, %select_n3A_599 : vector<16xi32>
    %broadcast_in_dim3A_601 = arith.constant 37 : i32
    %broadcast_in_dim3A_602 = vector.broadcast %broadcast_in_dim3A_601 : i32 to vector<16xi32>
    %gather3A_603 = tpu.vector_load_idx %arg5[%broadcast_in_dim3A_602] : memref<128xf32, #tpu.memory_space<vmem>>[vector<16xi32>], vector<16xf32>,
    %lt3A_604 = arith.cmpf olt, %gather3A_603, %get3A_518 : vector<16xf32>
    %eq3A_605 = arith.cmpf oeq, %gather3A_603, %get3A_518 : vector<16xf32>
    %gt3A_606 = arith.constant 5 : i32
    %gt3A_607 = vector.broadcast %gt3A_606 : i32 to vector<16xi32>
    %gt3A_608 = arith.cmpi sgt, %iota3A, %gt3A_607 : vector<16xi32>
    %and3A_609 = arith.andi %eq3A_605, %gt3A_608 : vector<16xi1>
    %or3A_610 = arith.ori %lt3A_604, %and3A_609 : vector<16xi1>
    %jit3A_611 = arith.constant 1 : i32
    %jit3A_612 = arith.constant 0 : i32
    %broadcast_in_dim3A_613 = vector.broadcast %jit3A_611 : i32 to vector<16xi32>
    %broadcast_in_dim3A_614 = vector.broadcast %jit3A_612 : i32 to vector<16xi32>
    %select_n3A_615 = arith.select %or3A_610, %broadcast_in_dim3A_613, %broadcast_in_dim3A_614 : vector<16xi1>, vector<16xi32>
    %add3A_616 = arith.addi %add3A_600, %select_n3A_615 : vector<16xi32>
    %broadcast_in_dim3A_617 = arith.constant 38 : i32
    %broadcast_in_dim3A_618 = vector.broadcast %broadcast_in_dim3A_617 : i32 to vector<16xi32>
    %gather3A_619 = tpu.vector_load_idx %arg5[%broadcast_in_dim3A_618] : memref<128xf32, #tpu.memory_space<vmem>>[vector<16xi32>], vector<16xf32>,
    %lt3A_620 = arith.cmpf olt, %gather3A_619, %get3A_518 : vector<16xf32>
    %eq3A_621 = arith.cmpf oeq, %gather3A_619, %get3A_518 : vector<16xf32>
    %gt3A_622 = arith.constant 6 : i32
    %gt3A_623 = vector.broadcast %gt3A_622 : i32 to vector<16xi32>
    %gt3A_624 = arith.cmpi sgt, %iota3A, %gt3A_623 : vector<16xi32>
    %and3A_625 = arith.andi %eq3A_621, %gt3A_624 : vector<16xi1>
    %or3A_626 = arith.ori %lt3A_620, %and3A_625 : vector<16xi1>
    %jit3A_627 = arith.constant 1 : i32
    %jit3A_628 = arith.constant 0 : i32
    %broadcast_in_dim3A_629 = vector.broadcast %jit3A_627 : i32 to vector<16xi32>
    %broadcast_in_dim3A_630 = vector.broadcast %jit3A_628 : i32 to vector<16xi32>
    %select_n3A_631 = arith.select %or3A_626, %broadcast_in_dim3A_629, %broadcast_in_dim3A_630 : vector<16xi1>, vector<16xi32>
    %add3A_632 = arith.addi %add3A_616, %select_n3A_631 : vector<16xi32>
    %broadcast_in_dim3A_633 = arith.constant 39 : i32
    %broadcast_in_dim3A_634 = vector.broadcast %broadcast_in_dim3A_633 : i32 to vector<16xi32>
    %gather3A_635 = tpu.vector_load_idx %arg5[%broadcast_in_dim3A_634] : memref<128xf32, #tpu.memory_space<vmem>>[vector<16xi32>], vector<16xf32>,
    %lt3A_636 = arith.cmpf olt, %gather3A_635, %get3A_518 : vector<16xf32>
    %eq3A_637 = arith.cmpf oeq, %gather3A_635, %get3A_518 : vector<16xf32>
    %gt3A_638 = arith.constant 7 : i32
    %gt3A_639 = vector.broadcast %gt3A_638 : i32 to vector<16xi32>
    %gt3A_640 = arith.cmpi sgt, %iota3A, %gt3A_639 : vector<16xi32>
    %and3A_641 = arith.andi %eq3A_637, %gt3A_640 : vector<16xi1>
    %or3A_642 = arith.ori %lt3A_636, %and3A_641 : vector<16xi1>
    %jit3A_643 = arith.constant 1 : i32
    %jit3A_644 = arith.constant 0 : i32
    %broadcast_in_dim3A_645 = vector.broadcast %jit3A_643 : i32 to vector<16xi32>
    %broadcast_in_dim3A_646 = vector.broadcast %jit3A_644 : i32 to vector<16xi32>
    %select_n3A_647 = arith.select %or3A_642, %broadcast_in_dim3A_645, %broadcast_in_dim3A_646 : vector<16xi1>, vector<16xi32>
    %add3A_648 = arith.addi %add3A_632, %select_n3A_647 : vector<16xi32>
    %broadcast_in_dim3A_649 = arith.constant 40 : i32
    %broadcast_in_dim3A_650 = vector.broadcast %broadcast_in_dim3A_649 : i32 to vector<16xi32>
    %gather3A_651 = tpu.vector_load_idx %arg5[%broadcast_in_dim3A_650] : memref<128xf32, #tpu.memory_space<vmem>>[vector<16xi32>], vector<16xf32>,
    %lt3A_652 = arith.cmpf olt, %gather3A_651, %get3A_518 : vector<16xf32>
    %eq3A_653 = arith.cmpf oeq, %gather3A_651, %get3A_518 : vector<16xf32>
    %gt3A_654 = arith.constant 8 : i32
    %gt3A_655 = vector.broadcast %gt3A_654 : i32 to vector<16xi32>
    %gt3A_656 = arith.cmpi sgt, %iota3A, %gt3A_655 : vector<16xi32>
    %and3A_657 = arith.andi %eq3A_653, %gt3A_656 : vector<16xi1>
    %or3A_658 = arith.ori %lt3A_652, %and3A_657 : vector<16xi1>
    %jit3A_659 = arith.constant 1 : i32
    %jit3A_660 = arith.constant 0 : i32
    %broadcast_in_dim3A_661 = vector.broadcast %jit3A_659 : i32 to vector<16xi32>
    %broadcast_in_dim3A_662 = vector.broadcast %jit3A_660 : i32 to vector<16xi32>
    %select_n3A_663 = arith.select %or3A_658, %broadcast_in_dim3A_661, %broadcast_in_dim3A_662 : vector<16xi1>, vector<16xi32>
    %add3A_664 = arith.addi %add3A_648, %select_n3A_663 : vector<16xi32>
    %broadcast_in_dim3A_665 = arith.constant 41 : i32
    %broadcast_in_dim3A_666 = vector.broadcast %broadcast_in_dim3A_665 : i32 to vector<16xi32>
    %gather3A_667 = tpu.vector_load_idx %arg5[%broadcast_in_dim3A_666] : memref<128xf32, #tpu.memory_space<vmem>>[vector<16xi32>], vector<16xf32>,
    %lt3A_668 = arith.cmpf olt, %gather3A_667, %get3A_518 : vector<16xf32>
    %eq3A_669 = arith.cmpf oeq, %gather3A_667, %get3A_518 : vector<16xf32>
    %gt3A_670 = arith.constant 9 : i32
    %gt3A_671 = vector.broadcast %gt3A_670 : i32 to vector<16xi32>
    %gt3A_672 = arith.cmpi sgt, %iota3A, %gt3A_671 : vector<16xi32>
    %and3A_673 = arith.andi %eq3A_669, %gt3A_672 : vector<16xi1>
    %or3A_674 = arith.ori %lt3A_668, %and3A_673 : vector<16xi1>
    %jit3A_675 = arith.constant 1 : i32
    %jit3A_676 = arith.constant 0 : i32
    %broadcast_in_dim3A_677 = vector.broadcast %jit3A_675 : i32 to vector<16xi32>
    %broadcast_in_dim3A_678 = vector.broadcast %jit3A_676 : i32 to vector<16xi32>
    %select_n3A_679 = arith.select %or3A_674, %broadcast_in_dim3A_677, %broadcast_in_dim3A_678 : vector<16xi1>, vector<16xi32>
    %add3A_680 = arith.addi %add3A_664, %select_n3A_679 : vector<16xi32>
    %broadcast_in_dim3A_681 = arith.constant 42 : i32
    %broadcast_in_dim3A_682 = vector.broadcast %broadcast_in_dim3A_681 : i32 to vector<16xi32>
    %gather3A_683 = tpu.vector_load_idx %arg5[%broadcast_in_dim3A_682] : memref<128xf32, #tpu.memory_space<vmem>>[vector<16xi32>], vector<16xf32>,
    %lt3A_684 = arith.cmpf olt, %gather3A_683, %get3A_518 : vector<16xf32>
    %eq3A_685 = arith.cmpf oeq, %gather3A_683, %get3A_518 : vector<16xf32>
    %gt3A_686 = arith.constant 10 : i32
    %gt3A_687 = vector.broadcast %gt3A_686 : i32 to vector<16xi32>
    %gt3A_688 = arith.cmpi sgt, %iota3A, %gt3A_687 : vector<16xi32>
    %and3A_689 = arith.andi %eq3A_685, %gt3A_688 : vector<16xi1>
    %or3A_690 = arith.ori %lt3A_684, %and3A_689 : vector<16xi1>
    %jit3A_691 = arith.constant 1 : i32
    %jit3A_692 = arith.constant 0 : i32
    %broadcast_in_dim3A_693 = vector.broadcast %jit3A_691 : i32 to vector<16xi32>
    %broadcast_in_dim3A_694 = vector.broadcast %jit3A_692 : i32 to vector<16xi32>
    %select_n3A_695 = arith.select %or3A_690, %broadcast_in_dim3A_693, %broadcast_in_dim3A_694 : vector<16xi1>, vector<16xi32>
    %add3A_696 = arith.addi %add3A_680, %select_n3A_695 : vector<16xi32>
    %broadcast_in_dim3A_697 = arith.constant 43 : i32
    %broadcast_in_dim3A_698 = vector.broadcast %broadcast_in_dim3A_697 : i32 to vector<16xi32>
    %gather3A_699 = tpu.vector_load_idx %arg5[%broadcast_in_dim3A_698] : memref<128xf32, #tpu.memory_space<vmem>>[vector<16xi32>], vector<16xf32>,
    %lt3A_700 = arith.cmpf olt, %gather3A_699, %get3A_518 : vector<16xf32>
    %eq3A_701 = arith.cmpf oeq, %gather3A_699, %get3A_518 : vector<16xf32>
    %gt3A_702 = arith.constant 11 : i32
    %gt3A_703 = vector.broadcast %gt3A_702 : i32 to vector<16xi32>
    %gt3A_704 = arith.cmpi sgt, %iota3A, %gt3A_703 : vector<16xi32>
    %and3A_705 = arith.andi %eq3A_701, %gt3A_704 : vector<16xi1>
    %or3A_706 = arith.ori %lt3A_700, %and3A_705 : vector<16xi1>
    %jit3A_707 = arith.constant 1 : i32
    %jit3A_708 = arith.constant 0 : i32
    %broadcast_in_dim3A_709 = vector.broadcast %jit3A_707 : i32 to vector<16xi32>
    %broadcast_in_dim3A_710 = vector.broadcast %jit3A_708 : i32 to vector<16xi32>
    %select_n3A_711 = arith.select %or3A_706, %broadcast_in_dim3A_709, %broadcast_in_dim3A_710 : vector<16xi1>, vector<16xi32>
    %add3A_712 = arith.addi %add3A_696, %select_n3A_711 : vector<16xi32>
    %broadcast_in_dim3A_713 = arith.constant 44 : i32
    %broadcast_in_dim3A_714 = vector.broadcast %broadcast_in_dim3A_713 : i32 to vector<16xi32>
    %gather3A_715 = tpu.vector_load_idx %arg5[%broadcast_in_dim3A_714] : memref<128xf32, #tpu.memory_space<vmem>>[vector<16xi32>], vector<16xf32>,
    %lt3A_716 = arith.cmpf olt, %gather3A_715, %get3A_518 : vector<16xf32>
    %eq3A_717 = arith.cmpf oeq, %gather3A_715, %get3A_518 : vector<16xf32>
    %gt3A_718 = arith.constant 12 : i32
    %gt3A_719 = vector.broadcast %gt3A_718 : i32 to vector<16xi32>
    %gt3A_720 = arith.cmpi sgt, %iota3A, %gt3A_719 : vector<16xi32>
    %and3A_721 = arith.andi %eq3A_717, %gt3A_720 : vector<16xi1>
    %or3A_722 = arith.ori %lt3A_716, %and3A_721 : vector<16xi1>
    %jit3A_723 = arith.constant 1 : i32
    %jit3A_724 = arith.constant 0 : i32
    %broadcast_in_dim3A_725 = vector.broadcast %jit3A_723 : i32 to vector<16xi32>
    %broadcast_in_dim3A_726 = vector.broadcast %jit3A_724 : i32 to vector<16xi32>
    %select_n3A_727 = arith.select %or3A_722, %broadcast_in_dim3A_725, %broadcast_in_dim3A_726 : vector<16xi1>, vector<16xi32>
    %add3A_728 = arith.addi %add3A_712, %select_n3A_727 : vector<16xi32>
    %broadcast_in_dim3A_729 = arith.constant 45 : i32
    %broadcast_in_dim3A_730 = vector.broadcast %broadcast_in_dim3A_729 : i32 to vector<16xi32>
    %gather3A_731 = tpu.vector_load_idx %arg5[%broadcast_in_dim3A_730] : memref<128xf32, #tpu.memory_space<vmem>>[vector<16xi32>], vector<16xf32>,
    %lt3A_732 = arith.cmpf olt, %gather3A_731, %get3A_518 : vector<16xf32>
    %eq3A_733 = arith.cmpf oeq, %gather3A_731, %get3A_518 : vector<16xf32>
    %gt3A_734 = arith.constant 13 : i32
    %gt3A_735 = vector.broadcast %gt3A_734 : i32 to vector<16xi32>
    %gt3A_736 = arith.cmpi sgt, %iota3A, %gt3A_735 : vector<16xi32>
    %and3A_737 = arith.andi %eq3A_733, %gt3A_736 : vector<16xi1>
    %or3A_738 = arith.ori %lt3A_732, %and3A_737 : vector<16xi1>
    %jit3A_739 = arith.constant 1 : i32
    %jit3A_740 = arith.constant 0 : i32
    %broadcast_in_dim3A_741 = vector.broadcast %jit3A_739 : i32 to vector<16xi32>
    %broadcast_in_dim3A_742 = vector.broadcast %jit3A_740 : i32 to vector<16xi32>
    %select_n3A_743 = arith.select %or3A_738, %broadcast_in_dim3A_741, %broadcast_in_dim3A_742 : vector<16xi1>, vector<16xi32>
    %add3A_744 = arith.addi %add3A_728, %select_n3A_743 : vector<16xi32>
    %broadcast_in_dim3A_745 = arith.constant 46 : i32
    %broadcast_in_dim3A_746 = vector.broadcast %broadcast_in_dim3A_745 : i32 to vector<16xi32>
    %gather3A_747 = tpu.vector_load_idx %arg5[%broadcast_in_dim3A_746] : memref<128xf32, #tpu.memory_space<vmem>>[vector<16xi32>], vector<16xf32>,
    %lt3A_748 = arith.cmpf olt, %gather3A_747, %get3A_518 : vector<16xf32>
    %eq3A_749 = arith.cmpf oeq, %gather3A_747, %get3A_518 : vector<16xf32>
    %gt3A_750 = arith.constant 14 : i32
    %gt3A_751 = vector.broadcast %gt3A_750 : i32 to vector<16xi32>
    %gt3A_752 = arith.cmpi sgt, %iota3A, %gt3A_751 : vector<16xi32>
    %and3A_753 = arith.andi %eq3A_749, %gt3A_752 : vector<16xi1>
    %or3A_754 = arith.ori %lt3A_748, %and3A_753 : vector<16xi1>
    %jit3A_755 = arith.constant 1 : i32
    %jit3A_756 = arith.constant 0 : i32
    %broadcast_in_dim3A_757 = vector.broadcast %jit3A_755 : i32 to vector<16xi32>
    %broadcast_in_dim3A_758 = vector.broadcast %jit3A_756 : i32 to vector<16xi32>
    %select_n3A_759 = arith.select %or3A_754, %broadcast_in_dim3A_757, %broadcast_in_dim3A_758 : vector<16xi1>, vector<16xi32>
    %add3A_760 = arith.addi %add3A_744, %select_n3A_759 : vector<16xi32>
    %lt3A_761 = arith.constant 8 : i32
    %lt3A_762 = vector.broadcast %lt3A_761 : i32 to vector<16xi32>
    %lt3A_763 = arith.cmpi slt, %add3A_760, %lt3A_762 : vector<16xi32>
    tpu.vector_store_idx %arg6[%add3A_760], %iota3A masked %lt3A_763 : memref<16xi32, #tpu.memory_space<vmem>>[vector<16xi32>], vector<16xi32>, vector<16xi1>
    tpu.vector_store_idx %arg7[%add3A_760], %get3A_518 masked %lt3A_763 : memref<16xf32, #tpu.memory_space<vmem>>[vector<16xi32>], vector<16xf32>, vector<16xi1>
    %and3A_764 = arith.constant 7 : i32
    %and3A_765 = vector.broadcast %and3A_764 : i32 to vector<16xi32>
    %and3A_766 = arith.andi %iota3A, %and3A_765 : vector<16xi32>
    %gather3A_767 = tpu.vector_load_idx %arg6[%and3A_766] : memref<16xi32, #tpu.memory_space<vmem>>[vector<16xi32>], vector<16xi32>,
    %gather3A_768 = tpu.vector_load_idx %arg7[%and3A_766] : memref<16xf32, #tpu.memory_space<vmem>>[vector<16xi32>], vector<16xf32>,
    %ge3A_769 = arith.constant 8 : i32
    %ge3A_770 = vector.broadcast %ge3A_769 : i32 to vector<16xi32>
    %ge3A_771 = arith.cmpi sge, %iota3A, %ge3A_770 : vector<16xi32>
    %jit3A_772 = arith.constant 15 : i32
    %jit3A_773 = arith.constant 0 : i32
    %broadcast_in_dim3A_774 = vector.broadcast %jit3A_772 : i32 to vector<16xi32>
    %broadcast_in_dim3A_775 = vector.broadcast %jit3A_773 : i32 to vector<16xi32>
    %select_n3A_776 = arith.select %ge3A_771, %broadcast_in_dim3A_774, %broadcast_in_dim3A_775 : vector<16xi1>, vector<16xi32>
    %add3A_777 = arith.addi %gather3A_767, %select_n3A_776 : vector<16xi32>
    %swap3A_778 = arith.constant 32 : index
    %swap3A_779 = tpu.vector_load %arg8[%swap3A_778] {strides = array<i32>} : memref<128xi32, #tpu.memory_space<vmem>>, vector<16xi32>,
    tpu.vector_store %arg8[%swap3A_778], %add3A_777 {strides = array<i32>} : memref<128xi32, #tpu.memory_space<vmem>>, vector<16xi32>,
    %swap3A_780 = arith.constant 32 : index
    %swap3A_781 = tpu.vector_load %arg9[%swap3A_780] {strides = array<i32>} : memref<128xf32, #tpu.memory_space<vmem>>, vector<16xf32>,
    tpu.vector_store %arg9[%swap3A_780], %gather3A_768 {strides = array<i32>} : memref<128xf32, #tpu.memory_space<vmem>>, vector<16xf32>,
    %get3A_782 = arith.constant 48 : index
    %get3A_783 = tpu.vector_load %arg5[%get3A_782] {strides = array<i32>} : memref<128xf32, #tpu.memory_space<vmem>>, vector<16xf32>,
    %broadcast_in_dim3A_784 = arith.constant 0 : i32
    %broadcast_in_dim3A_785 = vector.broadcast %broadcast_in_dim3A_784 : i32 to vector<16xi32>
    %broadcast_in_dim3A_786 = arith.constant 48 : i32
    %broadcast_in_dim3A_787 = vector.broadcast %broadcast_in_dim3A_786 : i32 to vector<16xi32>
    %gather3A_788 = tpu.vector_load_idx %arg5[%broadcast_in_dim3A_787] : memref<128xf32, #tpu.memory_space<vmem>>[vector<16xi32>], vector<16xf32>,
    %lt3A_789 = arith.cmpf olt, %gather3A_788, %get3A_783 : vector<16xf32>
    %eq3A_790 = arith.cmpf oeq, %gather3A_788, %get3A_783 : vector<16xf32>
    %gt3A_791 = arith.constant 0 : i32
    %gt3A_792 = vector.broadcast %gt3A_791 : i32 to vector<16xi32>
    %gt3A_793 = arith.cmpi sgt, %iota3A, %gt3A_792 : vector<16xi32>
    %and3A_794 = arith.andi %eq3A_790, %gt3A_793 : vector<16xi1>
    %or3A_795 = arith.ori %lt3A_789, %and3A_794 : vector<16xi1>
    %jit3A_796 = arith.constant 1 : i32
    %jit3A_797 = arith.constant 0 : i32
    %broadcast_in_dim3A_798 = vector.broadcast %jit3A_796 : i32 to vector<16xi32>
    %broadcast_in_dim3A_799 = vector.broadcast %jit3A_797 : i32 to vector<16xi32>
    %select_n3A_800 = arith.select %or3A_795, %broadcast_in_dim3A_798, %broadcast_in_dim3A_799 : vector<16xi1>, vector<16xi32>
    %add3A_801 = arith.addi %broadcast_in_dim3A_785, %select_n3A_800 : vector<16xi32>
    %broadcast_in_dim3A_802 = arith.constant 49 : i32
    %broadcast_in_dim3A_803 = vector.broadcast %broadcast_in_dim3A_802 : i32 to vector<16xi32>
    %gather3A_804 = tpu.vector_load_idx %arg5[%broadcast_in_dim3A_803] : memref<128xf32, #tpu.memory_space<vmem>>[vector<16xi32>], vector<16xf32>,
    %lt3A_805 = arith.cmpf olt, %gather3A_804, %get3A_783 : vector<16xf32>
    %eq3A_806 = arith.cmpf oeq, %gather3A_804, %get3A_783 : vector<16xf32>
    %gt3A_807 = arith.constant 1 : i32
    %gt3A_808 = vector.broadcast %gt3A_807 : i32 to vector<16xi32>
    %gt3A_809 = arith.cmpi sgt, %iota3A, %gt3A_808 : vector<16xi32>
    %and3A_810 = arith.andi %eq3A_806, %gt3A_809 : vector<16xi1>
    %or3A_811 = arith.ori %lt3A_805, %and3A_810 : vector<16xi1>
    %jit3A_812 = arith.constant 1 : i32
    %jit3A_813 = arith.constant 0 : i32
    %broadcast_in_dim3A_814 = vector.broadcast %jit3A_812 : i32 to vector<16xi32>
    %broadcast_in_dim3A_815 = vector.broadcast %jit3A_813 : i32 to vector<16xi32>
    %select_n3A_816 = arith.select %or3A_811, %broadcast_in_dim3A_814, %broadcast_in_dim3A_815 : vector<16xi1>, vector<16xi32>
    %add3A_817 = arith.addi %add3A_801, %select_n3A_816 : vector<16xi32>
    %broadcast_in_dim3A_818 = arith.constant 50 : i32
    %broadcast_in_dim3A_819 = vector.broadcast %broadcast_in_dim3A_818 : i32 to vector<16xi32>
    %gather3A_820 = tpu.vector_load_idx %arg5[%broadcast_in_dim3A_819] : memref<128xf32, #tpu.memory_space<vmem>>[vector<16xi32>], vector<16xf32>,
    %lt3A_821 = arith.cmpf olt, %gather3A_820, %get3A_783 : vector<16xf32>
    %eq3A_822 = arith.cmpf oeq, %gather3A_820, %get3A_783 : vector<16xf32>
    %gt3A_823 = arith.constant 2 : i32
    %gt3A_824 = vector.broadcast %gt3A_823 : i32 to vector<16xi32>
    %gt3A_825 = arith.cmpi sgt, %iota3A, %gt3A_824 : vector<16xi32>
    %and3A_826 = arith.andi %eq3A_822, %gt3A_825 : vector<16xi1>
    %or3A_827 = arith.ori %lt3A_821, %and3A_826 : vector<16xi1>
    %jit3A_828 = arith.constant 1 : i32
    %jit3A_829 = arith.constant 0 : i32
    %broadcast_in_dim3A_830 = vector.broadcast %jit3A_828 : i32 to vector<16xi32>
    %broadcast_in_dim3A_831 = vector.broadcast %jit3A_829 : i32 to vector<16xi32>
    %select_n3A_832 = arith.select %or3A_827, %broadcast_in_dim3A_830, %broadcast_in_dim3A_831 : vector<16xi1>, vector<16xi32>
    %add3A_833 = arith.addi %add3A_817, %select_n3A_832 : vector<16xi32>
    %broadcast_in_dim3A_834 = arith.constant 51 : i32
    %broadcast_in_dim3A_835 = vector.broadcast %broadcast_in_dim3A_834 : i32 to vector<16xi32>
    %gather3A_836 = tpu.vector_load_idx %arg5[%broadcast_in_dim3A_835] : memref<128xf32, #tpu.memory_space<vmem>>[vector<16xi32>], vector<16xf32>,
    %lt3A_837 = arith.cmpf olt, %gather3A_836, %get3A_783 : vector<16xf32>
    %eq3A_838 = arith.cmpf oeq, %gather3A_836, %get3A_783 : vector<16xf32>
    %gt3A_839 = arith.constant 3 : i32
    %gt3A_840 = vector.broadcast %gt3A_839 : i32 to vector<16xi32>
    %gt3A_841 = arith.cmpi sgt, %iota3A, %gt3A_840 : vector<16xi32>
    %and3A_842 = arith.andi %eq3A_838, %gt3A_841 : vector<16xi1>
    %or3A_843 = arith.ori %lt3A_837, %and3A_842 : vector<16xi1>
    %jit3A_844 = arith.constant 1 : i32
    %jit3A_845 = arith.constant 0 : i32
    %broadcast_in_dim3A_846 = vector.broadcast %jit3A_844 : i32 to vector<16xi32>
    %broadcast_in_dim3A_847 = vector.broadcast %jit3A_845 : i32 to vector<16xi32>
    %select_n3A_848 = arith.select %or3A_843, %broadcast_in_dim3A_846, %broadcast_in_dim3A_847 : vector<16xi1>, vector<16xi32>
    %add3A_849 = arith.addi %add3A_833, %select_n3A_848 : vector<16xi32>
    %broadcast_in_dim3A_850 = arith.constant 52 : i32
    %broadcast_in_dim3A_851 = vector.broadcast %broadcast_in_dim3A_850 : i32 to vector<16xi32>
    %gather3A_852 = tpu.vector_load_idx %arg5[%broadcast_in_dim3A_851] : memref<128xf32, #tpu.memory_space<vmem>>[vector<16xi32>], vector<16xf32>,
    %lt3A_853 = arith.cmpf olt, %gather3A_852, %get3A_783 : vector<16xf32>
    %eq3A_854 = arith.cmpf oeq, %gather3A_852, %get3A_783 : vector<16xf32>
    %gt3A_855 = arith.constant 4 : i32
    %gt3A_856 = vector.broadcast %gt3A_855 : i32 to vector<16xi32>
    %gt3A_857 = arith.cmpi sgt, %iota3A, %gt3A_856 : vector<16xi32>
    %and3A_858 = arith.andi %eq3A_854, %gt3A_857 : vector<16xi1>
    %or3A_859 = arith.ori %lt3A_853, %and3A_858 : vector<16xi1>
    %jit3A_860 = arith.constant 1 : i32
    %jit3A_861 = arith.constant 0 : i32
    %broadcast_in_dim3A_862 = vector.broadcast %jit3A_860 : i32 to vector<16xi32>
    %broadcast_in_dim3A_863 = vector.broadcast %jit3A_861 : i32 to vector<16xi32>
    %select_n3A_864 = arith.select %or3A_859, %broadcast_in_dim3A_862, %broadcast_in_dim3A_863 : vector<16xi1>, vector<16xi32>
    %add3A_865 = arith.addi %add3A_849, %select_n3A_864 : vector<16xi32>
    %broadcast_in_dim3A_866 = arith.constant 53 : i32
    %broadcast_in_dim3A_867 = vector.broadcast %broadcast_in_dim3A_866 : i32 to vector<16xi32>
    %gather3A_868 = tpu.vector_load_idx %arg5[%broadcast_in_dim3A_867] : memref<128xf32, #tpu.memory_space<vmem>>[vector<16xi32>], vector<16xf32>,
    %lt3A_869 = arith.cmpf olt, %gather3A_868, %get3A_783 : vector<16xf32>
    %eq3A_870 = arith.cmpf oeq, %gather3A_868, %get3A_783 : vector<16xf32>
    %gt3A_871 = arith.constant 5 : i32
    %gt3A_872 = vector.broadcast %gt3A_871 : i32 to vector<16xi32>
    %gt3A_873 = arith.cmpi sgt, %iota3A, %gt3A_872 : vector<16xi32>
    %and3A_874 = arith.andi %eq3A_870, %gt3A_873 : vector<16xi1>
    %or3A_875 = arith.ori %lt3A_869, %and3A_874 : vector<16xi1>
    %jit3A_876 = arith.constant 1 : i32
    %jit3A_877 = arith.constant 0 : i32
    %broadcast_in_dim3A_878 = vector.broadcast %jit3A_876 : i32 to vector<16xi32>
    %broadcast_in_dim3A_879 = vector.broadcast %jit3A_877 : i32 to vector<16xi32>
    %select_n3A_880 = arith.select %or3A_875, %broadcast_in_dim3A_878, %broadcast_in_dim3A_879 : vector<16xi1>, vector<16xi32>
    %add3A_881 = arith.addi %add3A_865, %select_n3A_880 : vector<16xi32>
    %broadcast_in_dim3A_882 = arith.constant 54 : i32
    %broadcast_in_dim3A_883 = vector.broadcast %broadcast_in_dim3A_882 : i32 to vector<16xi32>
    %gather3A_884 = tpu.vector_load_idx %arg5[%broadcast_in_dim3A_883] : memref<128xf32, #tpu.memory_space<vmem>>[vector<16xi32>], vector<16xf32>,
    %lt3A_885 = arith.cmpf olt, %gather3A_884, %get3A_783 : vector<16xf32>
    %eq3A_886 = arith.cmpf oeq, %gather3A_884, %get3A_783 : vector<16xf32>
    %gt3A_887 = arith.constant 6 : i32
    %gt3A_888 = vector.broadcast %gt3A_887 : i32 to vector<16xi32>
    %gt3A_889 = arith.cmpi sgt, %iota3A, %gt3A_888 : vector<16xi32>
    %and3A_890 = arith.andi %eq3A_886, %gt3A_889 : vector<16xi1>
    %or3A_891 = arith.ori %lt3A_885, %and3A_890 : vector<16xi1>
    %jit3A_892 = arith.constant 1 : i32
    %jit3A_893 = arith.constant 0 : i32
    %broadcast_in_dim3A_894 = vector.broadcast %jit3A_892 : i32 to vector<16xi32>
    %broadcast_in_dim3A_895 = vector.broadcast %jit3A_893 : i32 to vector<16xi32>
    %select_n3A_896 = arith.select %or3A_891, %broadcast_in_dim3A_894, %broadcast_in_dim3A_895 : vector<16xi1>, vector<16xi32>
    %add3A_897 = arith.addi %add3A_881, %select_n3A_896 : vector<16xi32>
    %broadcast_in_dim3A_898 = arith.constant 55 : i32
    %broadcast_in_dim3A_899 = vector.broadcast %broadcast_in_dim3A_898 : i32 to vector<16xi32>
    %gather3A_900 = tpu.vector_load_idx %arg5[%broadcast_in_dim3A_899] : memref<128xf32, #tpu.memory_space<vmem>>[vector<16xi32>], vector<16xf32>,
    %lt3A_901 = arith.cmpf olt, %gather3A_900, %get3A_783 : vector<16xf32>
    %eq3A_902 = arith.cmpf oeq, %gather3A_900, %get3A_783 : vector<16xf32>
    %gt3A_903 = arith.constant 7 : i32
    %gt3A_904 = vector.broadcast %gt3A_903 : i32 to vector<16xi32>
    %gt3A_905 = arith.cmpi sgt, %iota3A, %gt3A_904 : vector<16xi32>
    %and3A_906 = arith.andi %eq3A_902, %gt3A_905 : vector<16xi1>
    %or3A_907 = arith.ori %lt3A_901, %and3A_906 : vector<16xi1>
    %jit3A_908 = arith.constant 1 : i32
    %jit3A_909 = arith.constant 0 : i32
    %broadcast_in_dim3A_910 = vector.broadcast %jit3A_908 : i32 to vector<16xi32>
    %broadcast_in_dim3A_911 = vector.broadcast %jit3A_909 : i32 to vector<16xi32>
    %select_n3A_912 = arith.select %or3A_907, %broadcast_in_dim3A_910, %broadcast_in_dim3A_911 : vector<16xi1>, vector<16xi32>
    %add3A_913 = arith.addi %add3A_897, %select_n3A_912 : vector<16xi32>
    %broadcast_in_dim3A_914 = arith.constant 56 : i32
    %broadcast_in_dim3A_915 = vector.broadcast %broadcast_in_dim3A_914 : i32 to vector<16xi32>
    %gather3A_916 = tpu.vector_load_idx %arg5[%broadcast_in_dim3A_915] : memref<128xf32, #tpu.memory_space<vmem>>[vector<16xi32>], vector<16xf32>,
    %lt3A_917 = arith.cmpf olt, %gather3A_916, %get3A_783 : vector<16xf32>
    %eq3A_918 = arith.cmpf oeq, %gather3A_916, %get3A_783 : vector<16xf32>
    %gt3A_919 = arith.constant 8 : i32
    %gt3A_920 = vector.broadcast %gt3A_919 : i32 to vector<16xi32>
    %gt3A_921 = arith.cmpi sgt, %iota3A, %gt3A_920 : vector<16xi32>
    %and3A_922 = arith.andi %eq3A_918, %gt3A_921 : vector<16xi1>
    %or3A_923 = arith.ori %lt3A_917, %and3A_922 : vector<16xi1>
    %jit3A_924 = arith.constant 1 : i32
    %jit3A_925 = arith.constant 0 : i32
    %broadcast_in_dim3A_926 = vector.broadcast %jit3A_924 : i32 to vector<16xi32>
    %broadcast_in_dim3A_927 = vector.broadcast %jit3A_925 : i32 to vector<16xi32>
    %select_n3A_928 = arith.select %or3A_923, %broadcast_in_dim3A_926, %broadcast_in_dim3A_927 : vector<16xi1>, vector<16xi32>
    %add3A_929 = arith.addi %add3A_913, %select_n3A_928 : vector<16xi32>
    %broadcast_in_dim3A_930 = arith.constant 57 : i32
    %broadcast_in_dim3A_931 = vector.broadcast %broadcast_in_dim3A_930 : i32 to vector<16xi32>
    %gather3A_932 = tpu.vector_load_idx %arg5[%broadcast_in_dim3A_931] : memref<128xf32, #tpu.memory_space<vmem>>[vector<16xi32>], vector<16xf32>,
    %lt3A_933 = arith.cmpf olt, %gather3A_932, %get3A_783 : vector<16xf32>
    %eq3A_934 = arith.cmpf oeq, %gather3A_932, %get3A_783 : vector<16xf32>
    %gt3A_935 = arith.constant 9 : i32
    %gt3A_936 = vector.broadcast %gt3A_935 : i32 to vector<16xi32>
    %gt3A_937 = arith.cmpi sgt, %iota3A, %gt3A_936 : vector<16xi32>
    %and3A_938 = arith.andi %eq3A_934, %gt3A_937 : vector<16xi1>
    %or3A_939 = arith.ori %lt3A_933, %and3A_938 : vector<16xi1>
    %jit3A_940 = arith.constant 1 : i32
    %jit3A_941 = arith.constant 0 : i32
    %broadcast_in_dim3A_942 = vector.broadcast %jit3A_940 : i32 to vector<16xi32>
    %broadcast_in_dim3A_943 = vector.broadcast %jit3A_941 : i32 to vector<16xi32>
    %select_n3A_944 = arith.select %or3A_939, %broadcast_in_dim3A_942, %broadcast_in_dim3A_943 : vector<16xi1>, vector<16xi32>
    %add3A_945 = arith.addi %add3A_929, %select_n3A_944 : vector<16xi32>
    %broadcast_in_dim3A_946 = arith.constant 58 : i32
    %broadcast_in_dim3A_947 = vector.broadcast %broadcast_in_dim3A_946 : i32 to vector<16xi32>
    %gather3A_948 = tpu.vector_load_idx %arg5[%broadcast_in_dim3A_947] : memref<128xf32, #tpu.memory_space<vmem>>[vector<16xi32>], vector<16xf32>,
    %lt3A_949 = arith.cmpf olt, %gather3A_948, %get3A_783 : vector<16xf32>
    %eq3A_950 = arith.cmpf oeq, %gather3A_948, %get3A_783 : vector<16xf32>
    %gt3A_951 = arith.constant 10 : i32
    %gt3A_952 = vector.broadcast %gt3A_951 : i32 to vector<16xi32>
    %gt3A_953 = arith.cmpi sgt, %iota3A, %gt3A_952 : vector<16xi32>
    %and3A_954 = arith.andi %eq3A_950, %gt3A_953 : vector<16xi1>
    %or3A_955 = arith.ori %lt3A_949, %and3A_954 : vector<16xi1>
    %jit3A_956 = arith.constant 1 : i32
    %jit3A_957 = arith.constant 0 : i32
    %broadcast_in_dim3A_958 = vector.broadcast %jit3A_956 : i32 to vector<16xi32>
    %broadcast_in_dim3A_959 = vector.broadcast %jit3A_957 : i32 to vector<16xi32>
    %select_n3A_960 = arith.select %or3A_955, %broadcast_in_dim3A_958, %broadcast_in_dim3A_959 : vector<16xi1>, vector<16xi32>
    %add3A_961 = arith.addi %add3A_945, %select_n3A_960 : vector<16xi32>
    %broadcast_in_dim3A_962 = arith.constant 59 : i32
    %broadcast_in_dim3A_963 = vector.broadcast %broadcast_in_dim3A_962 : i32 to vector<16xi32>
    %gather3A_964 = tpu.vector_load_idx %arg5[%broadcast_in_dim3A_963] : memref<128xf32, #tpu.memory_space<vmem>>[vector<16xi32>], vector<16xf32>,
    %lt3A_965 = arith.cmpf olt, %gather3A_964, %get3A_783 : vector<16xf32>
    %eq3A_966 = arith.cmpf oeq, %gather3A_964, %get3A_783 : vector<16xf32>
    %gt3A_967 = arith.constant 11 : i32
    %gt3A_968 = vector.broadcast %gt3A_967 : i32 to vector<16xi32>
    %gt3A_969 = arith.cmpi sgt, %iota3A, %gt3A_968 : vector<16xi32>
    %and3A_970 = arith.andi %eq3A_966, %gt3A_969 : vector<16xi1>
    %or3A_971 = arith.ori %lt3A_965, %and3A_970 : vector<16xi1>
    %jit3A_972 = arith.constant 1 : i32
    %jit3A_973 = arith.constant 0 : i32
    %broadcast_in_dim3A_974 = vector.broadcast %jit3A_972 : i32 to vector<16xi32>
    %broadcast_in_dim3A_975 = vector.broadcast %jit3A_973 : i32 to vector<16xi32>
    %select_n3A_976 = arith.select %or3A_971, %broadcast_in_dim3A_974, %broadcast_in_dim3A_975 : vector<16xi1>, vector<16xi32>
    %add3A_977 = arith.addi %add3A_961, %select_n3A_976 : vector<16xi32>
    %broadcast_in_dim3A_978 = arith.constant 60 : i32
    %broadcast_in_dim3A_979 = vector.broadcast %broadcast_in_dim3A_978 : i32 to vector<16xi32>
    %gather3A_980 = tpu.vector_load_idx %arg5[%broadcast_in_dim3A_979] : memref<128xf32, #tpu.memory_space<vmem>>[vector<16xi32>], vector<16xf32>,
    %lt3A_981 = arith.cmpf olt, %gather3A_980, %get3A_783 : vector<16xf32>
    %eq3A_982 = arith.cmpf oeq, %gather3A_980, %get3A_783 : vector<16xf32>
    %gt3A_983 = arith.constant 12 : i32
    %gt3A_984 = vector.broadcast %gt3A_983 : i32 to vector<16xi32>
    %gt3A_985 = arith.cmpi sgt, %iota3A, %gt3A_984 : vector<16xi32>
    %and3A_986 = arith.andi %eq3A_982, %gt3A_985 : vector<16xi1>
    %or3A_987 = arith.ori %lt3A_981, %and3A_986 : vector<16xi1>
    %jit3A_988 = arith.constant 1 : i32
    %jit3A_989 = arith.constant 0 : i32
    %broadcast_in_dim3A_990 = vector.broadcast %jit3A_988 : i32 to vector<16xi32>
    %broadcast_in_dim3A_991 = vector.broadcast %jit3A_989 : i32 to vector<16xi32>
    %select_n3A_992 = arith.select %or3A_987, %broadcast_in_dim3A_990, %broadcast_in_dim3A_991 : vector<16xi1>, vector<16xi32>
    %add3A_993 = arith.addi %add3A_977, %select_n3A_992 : vector<16xi32>
    %broadcast_in_dim3A_994 = arith.constant 61 : i32
    %broadcast_in_dim3A_995 = vector.broadcast %broadcast_in_dim3A_994 : i32 to vector<16xi32>
    %gather3A_996 = tpu.vector_load_idx %arg5[%broadcast_in_dim3A_995] : memref<128xf32, #tpu.memory_space<vmem>>[vector<16xi32>], vector<16xf32>,
    %lt3A_997 = arith.cmpf olt, %gather3A_996, %get3A_783 : vector<16xf32>
    %eq3A_998 = arith.cmpf oeq, %gather3A_996, %get3A_783 : vector<16xf32>
    %gt3A_999 = arith.constant 13 : i32
    %gt3A_1000 = vector.broadcast %gt3A_999 : i32 to vector<16xi32>
    %gt3A_1001 = arith.cmpi sgt, %iota3A, %gt3A_1000 : vector<16xi32>
    %and3A_1002 = arith.andi %eq3A_998, %gt3A_1001 : vector<16xi1>
    %or3A_1003 = arith.ori %lt3A_997, %and3A_1002 : vector<16xi1>
    %jit3A_1004 = arith.constant 1 : i32
    %jit3A_1005 = arith.constant 0 : i32
    %broadcast_in_dim3A_1006 = vector.broadcast %jit3A_1004 : i32 to vector<16xi32>
    %broadcast_in_dim3A_1007 = vector.broadcast %jit3A_1005 : i32 to vector<16xi32>
    %select_n3A_1008 = arith.select %or3A_1003, %broadcast_in_dim3A_1006, %broadcast_in_dim3A_1007 : vector<16xi1>, vector<16xi32>
    %add3A_1009 = arith.addi %add3A_993, %select_n3A_1008 : vector<16xi32>
    %broadcast_in_dim3A_1010 = arith.constant 62 : i32
    %broadcast_in_dim3A_1011 = vector.broadcast %broadcast_in_dim3A_1010 : i32 to vector<16xi32>
    %gather3A_1012 = tpu.vector_load_idx %arg5[%broadcast_in_dim3A_1011] : memref<128xf32, #tpu.memory_space<vmem>>[vector<16xi32>], vector<16xf32>,
    %lt3A_1013 = arith.cmpf olt, %gather3A_1012, %get3A_783 : vector<16xf32>
    %eq3A_1014 = arith.cmpf oeq, %gather3A_1012, %get3A_783 : vector<16xf32>
    %gt3A_1015 = arith.constant 14 : i32
    %gt3A_1016 = vector.broadcast %gt3A_1015 : i32 to vector<16xi32>
    %gt3A_1017 = arith.cmpi sgt, %iota3A, %gt3A_1016 : vector<16xi32>
    %and3A_1018 = arith.andi %eq3A_1014, %gt3A_1017 : vector<16xi1>
    %or3A_1019 = arith.ori %lt3A_1013, %and3A_1018 : vector<16xi1>
    %jit3A_1020 = arith.constant 1 : i32
    %jit3A_1021 = arith.constant 0 : i32
    %broadcast_in_dim3A_1022 = vector.broadcast %jit3A_1020 : i32 to vector<16xi32>
    %broadcast_in_dim3A_1023 = vector.broadcast %jit3A_1021 : i32 to vector<16xi32>
    %select_n3A_1024 = arith.select %or3A_1019, %broadcast_in_dim3A_1022, %broadcast_in_dim3A_1023 : vector<16xi1>, vector<16xi32>
    %add3A_1025 = arith.addi %add3A_1009, %select_n3A_1024 : vector<16xi32>
    %lt3A_1026 = arith.constant 8 : i32
    %lt3A_1027 = vector.broadcast %lt3A_1026 : i32 to vector<16xi32>
    %lt3A_1028 = arith.cmpi slt, %add3A_1025, %lt3A_1027 : vector<16xi32>
    tpu.vector_store_idx %arg6[%add3A_1025], %iota3A masked %lt3A_1028 : memref<16xi32, #tpu.memory_space<vmem>>[vector<16xi32>], vector<16xi32>, vector<16xi1>
    tpu.vector_store_idx %arg7[%add3A_1025], %get3A_783 masked %lt3A_1028 : memref<16xf32, #tpu.memory_space<vmem>>[vector<16xi32>], vector<16xf32>, vector<16xi1>
    %and3A_1029 = arith.constant 7 : i32
    %and3A_1030 = vector.broadcast %and3A_1029 : i32 to vector<16xi32>
    %and3A_1031 = arith.andi %iota3A, %and3A_1030 : vector<16xi32>
    %gather3A_1032 = tpu.vector_load_idx %arg6[%and3A_1031] : memref<16xi32, #tpu.memory_space<vmem>>[vector<16xi32>], vector<16xi32>,
    %gather3A_1033 = tpu.vector_load_idx %arg7[%and3A_1031] : memref<16xf32, #tpu.memory_space<vmem>>[vector<16xi32>], vector<16xf32>,
    %ge3A_1034 = arith.constant 8 : i32
    %ge3A_1035 = vector.broadcast %ge3A_1034 : i32 to vector<16xi32>
    %ge3A_1036 = arith.cmpi sge, %iota3A, %ge3A_1035 : vector<16xi32>
    %jit3A_1037 = arith.constant 15 : i32
    %jit3A_1038 = arith.constant 0 : i32
    %broadcast_in_dim3A_1039 = vector.broadcast %jit3A_1037 : i32 to vector<16xi32>
    %broadcast_in_dim3A_1040 = vector.broadcast %jit3A_1038 : i32 to vector<16xi32>
    %select_n3A_1041 = arith.select %ge3A_1036, %broadcast_in_dim3A_1039, %broadcast_in_dim3A_1040 : vector<16xi1>, vector<16xi32>
    %add3A_1042 = arith.addi %gather3A_1032, %select_n3A_1041 : vector<16xi32>
    %swap3A_1043 = arith.constant 48 : index
    %swap3A_1044 = tpu.vector_load %arg8[%swap3A_1043] {strides = array<i32>} : memref<128xi32, #tpu.memory_space<vmem>>, vector<16xi32>,
    tpu.vector_store %arg8[%swap3A_1043], %add3A_1042 {strides = array<i32>} : memref<128xi32, #tpu.memory_space<vmem>>, vector<16xi32>,
    %swap3A_1045 = arith.constant 48 : index
    %swap3A_1046 = tpu.vector_load %arg9[%swap3A_1045] {strides = array<i32>} : memref<128xf32, #tpu.memory_space<vmem>>, vector<16xf32>,
    tpu.vector_store %arg9[%swap3A_1045], %gather3A_1033 {strides = array<i32>} : memref<128xf32, #tpu.memory_space<vmem>>, vector<16xf32>,
    %get3A_1047 = arith.constant 64 : index
    %get3A_1048 = tpu.vector_load %arg5[%get3A_1047] {strides = array<i32>} : memref<128xf32, #tpu.memory_space<vmem>>, vector<16xf32>,
    %broadcast_in_dim3A_1049 = arith.constant 0 : i32
    %broadcast_in_dim3A_1050 = vector.broadcast %broadcast_in_dim3A_1049 : i32 to vector<16xi32>
    %broadcast_in_dim3A_1051 = arith.constant 64 : i32
    %broadcast_in_dim3A_1052 = vector.broadcast %broadcast_in_dim3A_1051 : i32 to vector<16xi32>
    %gather3A_1053 = tpu.vector_load_idx %arg5[%broadcast_in_dim3A_1052] : memref<128xf32, #tpu.memory_space<vmem>>[vector<16xi32>], vector<16xf32>,
    %lt3A_1054 = arith.cmpf olt, %gather3A_1053, %get3A_1048 : vector<16xf32>
    %eq3A_1055 = arith.cmpf oeq, %gather3A_1053, %get3A_1048 : vector<16xf32>
    %gt3A_1056 = arith.constant 0 : i32
    %gt3A_1057 = vector.broadcast %gt3A_1056 : i32 to vector<16xi32>
    %gt3A_1058 = arith.cmpi sgt, %iota3A, %gt3A_1057 : vector<16xi32>
    %and3A_1059 = arith.andi %eq3A_1055, %gt3A_1058 : vector<16xi1>
    %or3A_1060 = arith.ori %lt3A_1054, %and3A_1059 : vector<16xi1>
    %jit3A_1061 = arith.constant 1 : i32
    %jit3A_1062 = arith.constant 0 : i32
    %broadcast_in_dim3A_1063 = vector.broadcast %jit3A_1061 : i32 to vector<16xi32>
    %broadcast_in_dim3A_1064 = vector.broadcast %jit3A_1062 : i32 to vector<16xi32>
    %select_n3A_1065 = arith.select %or3A_1060, %broadcast_in_dim3A_1063, %broadcast_in_dim3A_1064 : vector<16xi1>, vector<16xi32>
    %add3A_1066 = arith.addi %broadcast_in_dim3A_1050, %select_n3A_1065 : vector<16xi32>
    %broadcast_in_dim3A_1067 = arith.constant 65 : i32
    %broadcast_in_dim3A_1068 = vector.broadcast %broadcast_in_dim3A_1067 : i32 to vector<16xi32>
    %gather3A_1069 = tpu.vector_load_idx %arg5[%broadcast_in_dim3A_1068] : memref<128xf32, #tpu.memory_space<vmem>>[vector<16xi32>], vector<16xf32>,
    %lt3A_1070 = arith.cmpf olt, %gather3A_1069, %get3A_1048 : vector<16xf32>
    %eq3A_1071 = arith.cmpf oeq, %gather3A_1069, %get3A_1048 : vector<16xf32>
    %gt3A_1072 = arith.constant 1 : i32
    %gt3A_1073 = vector.broadcast %gt3A_1072 : i32 to vector<16xi32>
    %gt3A_1074 = arith.cmpi sgt, %iota3A, %gt3A_1073 : vector<16xi32>
    %and3A_1075 = arith.andi %eq3A_1071, %gt3A_1074 : vector<16xi1>
    %or3A_1076 = arith.ori %lt3A_1070, %and3A_1075 : vector<16xi1>
    %jit3A_1077 = arith.constant 1 : i32
    %jit3A_1078 = arith.constant 0 : i32
    %broadcast_in_dim3A_1079 = vector.broadcast %jit3A_1077 : i32 to vector<16xi32>
    %broadcast_in_dim3A_1080 = vector.broadcast %jit3A_1078 : i32 to vector<16xi32>
    %select_n3A_1081 = arith.select %or3A_1076, %broadcast_in_dim3A_1079, %broadcast_in_dim3A_1080 : vector<16xi1>, vector<16xi32>
    %add3A_1082 = arith.addi %add3A_1066, %select_n3A_1081 : vector<16xi32>
    %broadcast_in_dim3A_1083 = arith.constant 66 : i32
    %broadcast_in_dim3A_1084 = vector.broadcast %broadcast_in_dim3A_1083 : i32 to vector<16xi32>
    %gather3A_1085 = tpu.vector_load_idx %arg5[%broadcast_in_dim3A_1084] : memref<128xf32, #tpu.memory_space<vmem>>[vector<16xi32>], vector<16xf32>,
    %lt3A_1086 = arith.cmpf olt, %gather3A_1085, %get3A_1048 : vector<16xf32>
    %eq3A_1087 = arith.cmpf oeq, %gather3A_1085, %get3A_1048 : vector<16xf32>
    %gt3A_1088 = arith.constant 2 : i32
    %gt3A_1089 = vector.broadcast %gt3A_1088 : i32 to vector<16xi32>
    %gt3A_1090 = arith.cmpi sgt, %iota3A, %gt3A_1089 : vector<16xi32>
    %and3A_1091 = arith.andi %eq3A_1087, %gt3A_1090 : vector<16xi1>
    %or3A_1092 = arith.ori %lt3A_1086, %and3A_1091 : vector<16xi1>
    %jit3A_1093 = arith.constant 1 : i32
    %jit3A_1094 = arith.constant 0 : i32
    %broadcast_in_dim3A_1095 = vector.broadcast %jit3A_1093 : i32 to vector<16xi32>
    %broadcast_in_dim3A_1096 = vector.broadcast %jit3A_1094 : i32 to vector<16xi32>
    %select_n3A_1097 = arith.select %or3A_1092, %broadcast_in_dim3A_1095, %broadcast_in_dim3A_1096 : vector<16xi1>, vector<16xi32>
    %add3A_1098 = arith.addi %add3A_1082, %select_n3A_1097 : vector<16xi32>
    %broadcast_in_dim3A_1099 = arith.constant 67 : i32
    %broadcast_in_dim3A_1100 = vector.broadcast %broadcast_in_dim3A_1099 : i32 to vector<16xi32>
    %gather3A_1101 = tpu.vector_load_idx %arg5[%broadcast_in_dim3A_1100] : memref<128xf32, #tpu.memory_space<vmem>>[vector<16xi32>], vector<16xf32>,
    %lt3A_1102 = arith.cmpf olt, %gather3A_1101, %get3A_1048 : vector<16xf32>
    %eq3A_1103 = arith.cmpf oeq, %gather3A_1101, %get3A_1048 : vector<16xf32>
    %gt3A_1104 = arith.constant 3 : i32
    %gt3A_1105 = vector.broadcast %gt3A_1104 : i32 to vector<16xi32>
    %gt3A_1106 = arith.cmpi sgt, %iota3A, %gt3A_1105 : vector<16xi32>
    %and3A_1107 = arith.andi %eq3A_1103, %gt3A_1106 : vector<16xi1>
    %or3A_1108 = arith.ori %lt3A_1102, %and3A_1107 : vector<16xi1>
    %jit3A_1109 = arith.constant 1 : i32
    %jit3A_1110 = arith.constant 0 : i32
    %broadcast_in_dim3A_1111 = vector.broadcast %jit3A_1109 : i32 to vector<16xi32>
    %broadcast_in_dim3A_1112 = vector.broadcast %jit3A_1110 : i32 to vector<16xi32>
    %select_n3A_1113 = arith.select %or3A_1108, %broadcast_in_dim3A_1111, %broadcast_in_dim3A_1112 : vector<16xi1>, vector<16xi32>
    %add3A_1114 = arith.addi %add3A_1098, %select_n3A_1113 : vector<16xi32>
    %broadcast_in_dim3A_1115 = arith.constant 68 : i32
    %broadcast_in_dim3A_1116 = vector.broadcast %broadcast_in_dim3A_1115 : i32 to vector<16xi32>
    %gather3A_1117 = tpu.vector_load_idx %arg5[%broadcast_in_dim3A_1116] : memref<128xf32, #tpu.memory_space<vmem>>[vector<16xi32>], vector<16xf32>,
    %lt3A_1118 = arith.cmpf olt, %gather3A_1117, %get3A_1048 : vector<16xf32>
    %eq3A_1119 = arith.cmpf oeq, %gather3A_1117, %get3A_1048 : vector<16xf32>
    %gt3A_1120 = arith.constant 4 : i32
    %gt3A_1121 = vector.broadcast %gt3A_1120 : i32 to vector<16xi32>
    %gt3A_1122 = arith.cmpi sgt, %iota3A, %gt3A_1121 : vector<16xi32>
    %and3A_1123 = arith.andi %eq3A_1119, %gt3A_1122 : vector<16xi1>
    %or3A_1124 = arith.ori %lt3A_1118, %and3A_1123 : vector<16xi1>
    %jit3A_1125 = arith.constant 1 : i32
    %jit3A_1126 = arith.constant 0 : i32
    %broadcast_in_dim3A_1127 = vector.broadcast %jit3A_1125 : i32 to vector<16xi32>
    %broadcast_in_dim3A_1128 = vector.broadcast %jit3A_1126 : i32 to vector<16xi32>
    %select_n3A_1129 = arith.select %or3A_1124, %broadcast_in_dim3A_1127, %broadcast_in_dim3A_1128 : vector<16xi1>, vector<16xi32>
    %add3A_1130 = arith.addi %add3A_1114, %select_n3A_1129 : vector<16xi32>
    %broadcast_in_dim3A_1131 = arith.constant 69 : i32
    %broadcast_in_dim3A_1132 = vector.broadcast %broadcast_in_dim3A_1131 : i32 to vector<16xi32>
    %gather3A_1133 = tpu.vector_load_idx %arg5[%broadcast_in_dim3A_1132] : memref<128xf32, #tpu.memory_space<vmem>>[vector<16xi32>], vector<16xf32>,
    %lt3A_1134 = arith.cmpf olt, %gather3A_1133, %get3A_1048 : vector<16xf32>
    %eq3A_1135 = arith.cmpf oeq, %gather3A_1133, %get3A_1048 : vector<16xf32>
    %gt3A_1136 = arith.constant 5 : i32
    %gt3A_1137 = vector.broadcast %gt3A_1136 : i32 to vector<16xi32>
    %gt3A_1138 = arith.cmpi sgt, %iota3A, %gt3A_1137 : vector<16xi32>
    %and3A_1139 = arith.andi %eq3A_1135, %gt3A_1138 : vector<16xi1>
    %or3A_1140 = arith.ori %lt3A_1134, %and3A_1139 : vector<16xi1>
    %jit3A_1141 = arith.constant 1 : i32
    %jit3A_1142 = arith.constant 0 : i32
    %broadcast_in_dim3A_1143 = vector.broadcast %jit3A_1141 : i32 to vector<16xi32>
    %broadcast_in_dim3A_1144 = vector.broadcast %jit3A_1142 : i32 to vector<16xi32>
    %select_n3A_1145 = arith.select %or3A_1140, %broadcast_in_dim3A_1143, %broadcast_in_dim3A_1144 : vector<16xi1>, vector<16xi32>
    %add3A_1146 = arith.addi %add3A_1130, %select_n3A_1145 : vector<16xi32>
    %broadcast_in_dim3A_1147 = arith.constant 70 : i32
    %broadcast_in_dim3A_1148 = vector.broadcast %broadcast_in_dim3A_1147 : i32 to vector<16xi32>
    %gather3A_1149 = tpu.vector_load_idx %arg5[%broadcast_in_dim3A_1148] : memref<128xf32, #tpu.memory_space<vmem>>[vector<16xi32>], vector<16xf32>,
    %lt3A_1150 = arith.cmpf olt, %gather3A_1149, %get3A_1048 : vector<16xf32>
    %eq3A_1151 = arith.cmpf oeq, %gather3A_1149, %get3A_1048 : vector<16xf32>
    %gt3A_1152 = arith.constant 6 : i32
    %gt3A_1153 = vector.broadcast %gt3A_1152 : i32 to vector<16xi32>
    %gt3A_1154 = arith.cmpi sgt, %iota3A, %gt3A_1153 : vector<16xi32>
    %and3A_1155 = arith.andi %eq3A_1151, %gt3A_1154 : vector<16xi1>
    %or3A_1156 = arith.ori %lt3A_1150, %and3A_1155 : vector<16xi1>
    %jit3A_1157 = arith.constant 1 : i32
    %jit3A_1158 = arith.constant 0 : i32
    %broadcast_in_dim3A_1159 = vector.broadcast %jit3A_1157 : i32 to vector<16xi32>
    %broadcast_in_dim3A_1160 = vector.broadcast %jit3A_1158 : i32 to vector<16xi32>
    %select_n3A_1161 = arith.select %or3A_1156, %broadcast_in_dim3A_1159, %broadcast_in_dim3A_1160 : vector<16xi1>, vector<16xi32>
    %add3A_1162 = arith.addi %add3A_1146, %select_n3A_1161 : vector<16xi32>
    %broadcast_in_dim3A_1163 = arith.constant 71 : i32
    %broadcast_in_dim3A_1164 = vector.broadcast %broadcast_in_dim3A_1163 : i32 to vector<16xi32>
    %gather3A_1165 = tpu.vector_load_idx %arg5[%broadcast_in_dim3A_1164] : memref<128xf32, #tpu.memory_space<vmem>>[vector<16xi32>], vector<16xf32>,
    %lt3A_1166 = arith.cmpf olt, %gather3A_1165, %get3A_1048 : vector<16xf32>
    %eq3A_1167 = arith.cmpf oeq, %gather3A_1165, %get3A_1048 : vector<16xf32>
    %gt3A_1168 = arith.constant 7 : i32
    %gt3A_1169 = vector.broadcast %gt3A_1168 : i32 to vector<16xi32>
    %gt3A_1170 = arith.cmpi sgt, %iota3A, %gt3A_1169 : vector<16xi32>
    %and3A_1171 = arith.andi %eq3A_1167, %gt3A_1170 : vector<16xi1>
    %or3A_1172 = arith.ori %lt3A_1166, %and3A_1171 : vector<16xi1>
    %jit3A_1173 = arith.constant 1 : i32
    %jit3A_1174 = arith.constant 0 : i32
    %broadcast_in_dim3A_1175 = vector.broadcast %jit3A_1173 : i32 to vector<16xi32>
    %broadcast_in_dim3A_1176 = vector.broadcast %jit3A_1174 : i32 to vector<16xi32>
    %select_n3A_1177 = arith.select %or3A_1172, %broadcast_in_dim3A_1175, %broadcast_in_dim3A_1176 : vector<16xi1>, vector<16xi32>
    %add3A_1178 = arith.addi %add3A_1162, %select_n3A_1177 : vector<16xi32>
    %broadcast_in_dim3A_1179 = arith.constant 72 : i32
    %broadcast_in_dim3A_1180 = vector.broadcast %broadcast_in_dim3A_1179 : i32 to vector<16xi32>
    %gather3A_1181 = tpu.vector_load_idx %arg5[%broadcast_in_dim3A_1180] : memref<128xf32, #tpu.memory_space<vmem>>[vector<16xi32>], vector<16xf32>,
    %lt3A_1182 = arith.cmpf olt, %gather3A_1181, %get3A_1048 : vector<16xf32>
    %eq3A_1183 = arith.cmpf oeq, %gather3A_1181, %get3A_1048 : vector<16xf32>
    %gt3A_1184 = arith.constant 8 : i32
    %gt3A_1185 = vector.broadcast %gt3A_1184 : i32 to vector<16xi32>
    %gt3A_1186 = arith.cmpi sgt, %iota3A, %gt3A_1185 : vector<16xi32>
    %and3A_1187 = arith.andi %eq3A_1183, %gt3A_1186 : vector<16xi1>
    %or3A_1188 = arith.ori %lt3A_1182, %and3A_1187 : vector<16xi1>
    %jit3A_1189 = arith.constant 1 : i32
    %jit3A_1190 = arith.constant 0 : i32
    %broadcast_in_dim3A_1191 = vector.broadcast %jit3A_1189 : i32 to vector<16xi32>
    %broadcast_in_dim3A_1192 = vector.broadcast %jit3A_1190 : i32 to vector<16xi32>
    %select_n3A_1193 = arith.select %or3A_1188, %broadcast_in_dim3A_1191, %broadcast_in_dim3A_1192 : vector<16xi1>, vector<16xi32>
    %add3A_1194 = arith.addi %add3A_1178, %select_n3A_1193 : vector<16xi32>
    %broadcast_in_dim3A_1195 = arith.constant 73 : i32
    %broadcast_in_dim3A_1196 = vector.broadcast %broadcast_in_dim3A_1195 : i32 to vector<16xi32>
    %gather3A_1197 = tpu.vector_load_idx %arg5[%broadcast_in_dim3A_1196] : memref<128xf32, #tpu.memory_space<vmem>>[vector<16xi32>], vector<16xf32>,
    %lt3A_1198 = arith.cmpf olt, %gather3A_1197, %get3A_1048 : vector<16xf32>
    %eq3A_1199 = arith.cmpf oeq, %gather3A_1197, %get3A_1048 : vector<16xf32>
    %gt3A_1200 = arith.constant 9 : i32
    %gt3A_1201 = vector.broadcast %gt3A_1200 : i32 to vector<16xi32>
    %gt3A_1202 = arith.cmpi sgt, %iota3A, %gt3A_1201 : vector<16xi32>
    %and3A_1203 = arith.andi %eq3A_1199, %gt3A_1202 : vector<16xi1>
    %or3A_1204 = arith.ori %lt3A_1198, %and3A_1203 : vector<16xi1>
    %jit3A_1205 = arith.constant 1 : i32
    %jit3A_1206 = arith.constant 0 : i32
    %broadcast_in_dim3A_1207 = vector.broadcast %jit3A_1205 : i32 to vector<16xi32>
    %broadcast_in_dim3A_1208 = vector.broadcast %jit3A_1206 : i32 to vector<16xi32>
    %select_n3A_1209 = arith.select %or3A_1204, %broadcast_in_dim3A_1207, %broadcast_in_dim3A_1208 : vector<16xi1>, vector<16xi32>
    %add3A_1210 = arith.addi %add3A_1194, %select_n3A_1209 : vector<16xi32>
    %broadcast_in_dim3A_1211 = arith.constant 74 : i32
    %broadcast_in_dim3A_1212 = vector.broadcast %broadcast_in_dim3A_1211 : i32 to vector<16xi32>
    %gather3A_1213 = tpu.vector_load_idx %arg5[%broadcast_in_dim3A_1212] : memref<128xf32, #tpu.memory_space<vmem>>[vector<16xi32>], vector<16xf32>,
    %lt3A_1214 = arith.cmpf olt, %gather3A_1213, %get3A_1048 : vector<16xf32>
    %eq3A_1215 = arith.cmpf oeq, %gather3A_1213, %get3A_1048 : vector<16xf32>
    %gt3A_1216 = arith.constant 10 : i32
    %gt3A_1217 = vector.broadcast %gt3A_1216 : i32 to vector<16xi32>
    %gt3A_1218 = arith.cmpi sgt, %iota3A, %gt3A_1217 : vector<16xi32>
    %and3A_1219 = arith.andi %eq3A_1215, %gt3A_1218 : vector<16xi1>
    %or3A_1220 = arith.ori %lt3A_1214, %and3A_1219 : vector<16xi1>
    %jit3A_1221 = arith.constant 1 : i32
    %jit3A_1222 = arith.constant 0 : i32
    %broadcast_in_dim3A_1223 = vector.broadcast %jit3A_1221 : i32 to vector<16xi32>
    %broadcast_in_dim3A_1224 = vector.broadcast %jit3A_1222 : i32 to vector<16xi32>
    %select_n3A_1225 = arith.select %or3A_1220, %broadcast_in_dim3A_1223, %broadcast_in_dim3A_1224 : vector<16xi1>, vector<16xi32>
    %add3A_1226 = arith.addi %add3A_1210, %select_n3A_1225 : vector<16xi32>
    %broadcast_in_dim3A_1227 = arith.constant 75 : i32
    %broadcast_in_dim3A_1228 = vector.broadcast %broadcast_in_dim3A_1227 : i32 to vector<16xi32>
    %gather3A_1229 = tpu.vector_load_idx %arg5[%broadcast_in_dim3A_1228] : memref<128xf32, #tpu.memory_space<vmem>>[vector<16xi32>], vector<16xf32>,
    %lt3A_1230 = arith.cmpf olt, %gather3A_1229, %get3A_1048 : vector<16xf32>
    %eq3A_1231 = arith.cmpf oeq, %gather3A_1229, %get3A_1048 : vector<16xf32>
    %gt3A_1232 = arith.constant 11 : i32
    %gt3A_1233 = vector.broadcast %gt3A_1232 : i32 to vector<16xi32>
    %gt3A_1234 = arith.cmpi sgt, %iota3A, %gt3A_1233 : vector<16xi32>
    %and3A_1235 = arith.andi %eq3A_1231, %gt3A_1234 : vector<16xi1>
    %or3A_1236 = arith.ori %lt3A_1230, %and3A_1235 : vector<16xi1>
    %jit3A_1237 = arith.constant 1 : i32
    %jit3A_1238 = arith.constant 0 : i32
    %broadcast_in_dim3A_1239 = vector.broadcast %jit3A_1237 : i32 to vector<16xi32>
    %broadcast_in_dim3A_1240 = vector.broadcast %jit3A_1238 : i32 to vector<16xi32>
    %select_n3A_1241 = arith.select %or3A_1236, %broadcast_in_dim3A_1239, %broadcast_in_dim3A_1240 : vector<16xi1>, vector<16xi32>
    %add3A_1242 = arith.addi %add3A_1226, %select_n3A_1241 : vector<16xi32>
    %broadcast_in_dim3A_1243 = arith.constant 76 : i32
    %broadcast_in_dim3A_1244 = vector.broadcast %broadcast_in_dim3A_1243 : i32 to vector<16xi32>
    %gather3A_1245 = tpu.vector_load_idx %arg5[%broadcast_in_dim3A_1244] : memref<128xf32, #tpu.memory_space<vmem>>[vector<16xi32>], vector<16xf32>,
    %lt3A_1246 = arith.cmpf olt, %gather3A_1245, %get3A_1048 : vector<16xf32>
    %eq3A_1247 = arith.cmpf oeq, %gather3A_1245, %get3A_1048 : vector<16xf32>
    %gt3A_1248 = arith.constant 12 : i32
    %gt3A_1249 = vector.broadcast %gt3A_1248 : i32 to vector<16xi32>
    %gt3A_1250 = arith.cmpi sgt, %iota3A, %gt3A_1249 : vector<16xi32>
    %and3A_1251 = arith.andi %eq3A_1247, %gt3A_1250 : vector<16xi1>
    %or3A_1252 = arith.ori %lt3A_1246, %and3A_1251 : vector<16xi1>
    %jit3A_1253 = arith.constant 1 : i32
    %jit3A_1254 = arith.constant 0 : i32
    %broadcast_in_dim3A_1255 = vector.broadcast %jit3A_1253 : i32 to vector<16xi32>
    %broadcast_in_dim3A_1256 = vector.broadcast %jit3A_1254 : i32 to vector<16xi32>
    %select_n3A_1257 = arith.select %or3A_1252, %broadcast_in_dim3A_1255, %broadcast_in_dim3A_1256 : vector<16xi1>, vector<16xi32>
    %add3A_1258 = arith.addi %add3A_1242, %select_n3A_1257 : vector<16xi32>
    %broadcast_in_dim3A_1259 = arith.constant 77 : i32
    %broadcast_in_dim3A_1260 = vector.broadcast %broadcast_in_dim3A_1259 : i32 to vector<16xi32>
    %gather3A_1261 = tpu.vector_load_idx %arg5[%broadcast_in_dim3A_1260] : memref<128xf32, #tpu.memory_space<vmem>>[vector<16xi32>], vector<16xf32>,
    %lt3A_1262 = arith.cmpf olt, %gather3A_1261, %get3A_1048 : vector<16xf32>
    %eq3A_1263 = arith.cmpf oeq, %gather3A_1261, %get3A_1048 : vector<16xf32>
    %gt3A_1264 = arith.constant 13 : i32
    %gt3A_1265 = vector.broadcast %gt3A_1264 : i32 to vector<16xi32>
    %gt3A_1266 = arith.cmpi sgt, %iota3A, %gt3A_1265 : vector<16xi32>
    %and3A_1267 = arith.andi %eq3A_1263, %gt3A_1266 : vector<16xi1>
    %or3A_1268 = arith.ori %lt3A_1262, %and3A_1267 : vector<16xi1>
    %jit3A_1269 = arith.constant 1 : i32
    %jit3A_1270 = arith.constant 0 : i32
    %broadcast_in_dim3A_1271 = vector.broadcast %jit3A_1269 : i32 to vector<16xi32>
    %broadcast_in_dim3A_1272 = vector.broadcast %jit3A_1270 : i32 to vector<16xi32>
    %select_n3A_1273 = arith.select %or3A_1268, %broadcast_in_dim3A_1271, %broadcast_in_dim3A_1272 : vector<16xi1>, vector<16xi32>
    %add3A_1274 = arith.addi %add3A_1258, %select_n3A_1273 : vector<16xi32>
    %broadcast_in_dim3A_1275 = arith.constant 78 : i32
    %broadcast_in_dim3A_1276 = vector.broadcast %broadcast_in_dim3A_1275 : i32 to vector<16xi32>
    %gather3A_1277 = tpu.vector_load_idx %arg5[%broadcast_in_dim3A_1276] : memref<128xf32, #tpu.memory_space<vmem>>[vector<16xi32>], vector<16xf32>,
    %lt3A_1278 = arith.cmpf olt, %gather3A_1277, %get3A_1048 : vector<16xf32>
    %eq3A_1279 = arith.cmpf oeq, %gather3A_1277, %get3A_1048 : vector<16xf32>
    %gt3A_1280 = arith.constant 14 : i32
    %gt3A_1281 = vector.broadcast %gt3A_1280 : i32 to vector<16xi32>
    %gt3A_1282 = arith.cmpi sgt, %iota3A, %gt3A_1281 : vector<16xi32>
    %and3A_1283 = arith.andi %eq3A_1279, %gt3A_1282 : vector<16xi1>
    %or3A_1284 = arith.ori %lt3A_1278, %and3A_1283 : vector<16xi1>
    %jit3A_1285 = arith.constant 1 : i32
    %jit3A_1286 = arith.constant 0 : i32
    %broadcast_in_dim3A_1287 = vector.broadcast %jit3A_1285 : i32 to vector<16xi32>
    %broadcast_in_dim3A_1288 = vector.broadcast %jit3A_1286 : i32 to vector<16xi32>
    %select_n3A_1289 = arith.select %or3A_1284, %broadcast_in_dim3A_1287, %broadcast_in_dim3A_1288 : vector<16xi1>, vector<16xi32>
    %add3A_1290 = arith.addi %add3A_1274, %select_n3A_1289 : vector<16xi32>
    %lt3A_1291 = arith.constant 8 : i32
    %lt3A_1292 = vector.broadcast %lt3A_1291 : i32 to vector<16xi32>
    %lt3A_1293 = arith.cmpi slt, %add3A_1290, %lt3A_1292 : vector<16xi32>
    tpu.vector_store_idx %arg6[%add3A_1290], %iota3A masked %lt3A_1293 : memref<16xi32, #tpu.memory_space<vmem>>[vector<16xi32>], vector<16xi32>, vector<16xi1>
    tpu.vector_store_idx %arg7[%add3A_1290], %get3A_1048 masked %lt3A_1293 : memref<16xf32, #tpu.memory_space<vmem>>[vector<16xi32>], vector<16xf32>, vector<16xi1>
    %and3A_1294 = arith.constant 7 : i32
    %and3A_1295 = vector.broadcast %and3A_1294 : i32 to vector<16xi32>
    %and3A_1296 = arith.andi %iota3A, %and3A_1295 : vector<16xi32>
    %gather3A_1297 = tpu.vector_load_idx %arg6[%and3A_1296] : memref<16xi32, #tpu.memory_space<vmem>>[vector<16xi32>], vector<16xi32>,
    %gather3A_1298 = tpu.vector_load_idx %arg7[%and3A_1296] : memref<16xf32, #tpu.memory_space<vmem>>[vector<16xi32>], vector<16xf32>,
    %ge3A_1299 = arith.constant 8 : i32
    %ge3A_1300 = vector.broadcast %ge3A_1299 : i32 to vector<16xi32>
    %ge3A_1301 = arith.cmpi sge, %iota3A, %ge3A_1300 : vector<16xi32>
    %jit3A_1302 = arith.constant 15 : i32
    %jit3A_1303 = arith.constant 0 : i32
    %broadcast_in_dim3A_1304 = vector.broadcast %jit3A_1302 : i32 to vector<16xi32>
    %broadcast_in_dim3A_1305 = vector.broadcast %jit3A_1303 : i32 to vector<16xi32>
    %select_n3A_1306 = arith.select %ge3A_1301, %broadcast_in_dim3A_1304, %broadcast_in_dim3A_1305 : vector<16xi1>, vector<16xi32>
    %add3A_1307 = arith.addi %gather3A_1297, %select_n3A_1306 : vector<16xi32>
    %swap3A_1308 = arith.constant 64 : index
    %swap3A_1309 = tpu.vector_load %arg8[%swap3A_1308] {strides = array<i32>} : memref<128xi32, #tpu.memory_space<vmem>>, vector<16xi32>,
    tpu.vector_store %arg8[%swap3A_1308], %add3A_1307 {strides = array<i32>} : memref<128xi32, #tpu.memory_space<vmem>>, vector<16xi32>,
    %swap3A_1310 = arith.constant 64 : index
    %swap3A_1311 = tpu.vector_load %arg9[%swap3A_1310] {strides = array<i32>} : memref<128xf32, #tpu.memory_space<vmem>>, vector<16xf32>,
    tpu.vector_store %arg9[%swap3A_1310], %gather3A_1298 {strides = array<i32>} : memref<128xf32, #tpu.memory_space<vmem>>, vector<16xf32>,
    %get3A_1312 = arith.constant 80 : index
    %get3A_1313 = tpu.vector_load %arg5[%get3A_1312] {strides = array<i32>} : memref<128xf32, #tpu.memory_space<vmem>>, vector<16xf32>,
    %broadcast_in_dim3A_1314 = arith.constant 0 : i32
    %broadcast_in_dim3A_1315 = vector.broadcast %broadcast_in_dim3A_1314 : i32 to vector<16xi32>
    %broadcast_in_dim3A_1316 = arith.constant 80 : i32
    %broadcast_in_dim3A_1317 = vector.broadcast %broadcast_in_dim3A_1316 : i32 to vector<16xi32>
    %gather3A_1318 = tpu.vector_load_idx %arg5[%broadcast_in_dim3A_1317] : memref<128xf32, #tpu.memory_space<vmem>>[vector<16xi32>], vector<16xf32>,
    %lt3A_1319 = arith.cmpf olt, %gather3A_1318, %get3A_1313 : vector<16xf32>
    %eq3A_1320 = arith.cmpf oeq, %gather3A_1318, %get3A_1313 : vector<16xf32>
    %gt3A_1321 = arith.constant 0 : i32
    %gt3A_1322 = vector.broadcast %gt3A_1321 : i32 to vector<16xi32>
    %gt3A_1323 = arith.cmpi sgt, %iota3A, %gt3A_1322 : vector<16xi32>
    %and3A_1324 = arith.andi %eq3A_1320, %gt3A_1323 : vector<16xi1>
    %or3A_1325 = arith.ori %lt3A_1319, %and3A_1324 : vector<16xi1>
    %jit3A_1326 = arith.constant 1 : i32
    %jit3A_1327 = arith.constant 0 : i32
    %broadcast_in_dim3A_1328 = vector.broadcast %jit3A_1326 : i32 to vector<16xi32>
    %broadcast_in_dim3A_1329 = vector.broadcast %jit3A_1327 : i32 to vector<16xi32>
    %select_n3A_1330 = arith.select %or3A_1325, %broadcast_in_dim3A_1328, %broadcast_in_dim3A_1329 : vector<16xi1>, vector<16xi32>
    %add3A_1331 = arith.addi %broadcast_in_dim3A_1315, %select_n3A_1330 : vector<16xi32>
    %broadcast_in_dim3A_1332 = arith.constant 81 : i32
    %broadcast_in_dim3A_1333 = vector.broadcast %broadcast_in_dim3A_1332 : i32 to vector<16xi32>
    %gather3A_1334 = tpu.vector_load_idx %arg5[%broadcast_in_dim3A_1333] : memref<128xf32, #tpu.memory_space<vmem>>[vector<16xi32>], vector<16xf32>,
    %lt3A_1335 = arith.cmpf olt, %gather3A_1334, %get3A_1313 : vector<16xf32>
    %eq3A_1336 = arith.cmpf oeq, %gather3A_1334, %get3A_1313 : vector<16xf32>
    %gt3A_1337 = arith.constant 1 : i32
    %gt3A_1338 = vector.broadcast %gt3A_1337 : i32 to vector<16xi32>
    %gt3A_1339 = arith.cmpi sgt, %iota3A, %gt3A_1338 : vector<16xi32>
    %and3A_1340 = arith.andi %eq3A_1336, %gt3A_1339 : vector<16xi1>
    %or3A_1341 = arith.ori %lt3A_1335, %and3A_1340 : vector<16xi1>
    %jit3A_1342 = arith.constant 1 : i32
    %jit3A_1343 = arith.constant 0 : i32
    %broadcast_in_dim3A_1344 = vector.broadcast %jit3A_1342 : i32 to vector<16xi32>
    %broadcast_in_dim3A_1345 = vector.broadcast %jit3A_1343 : i32 to vector<16xi32>
    %select_n3A_1346 = arith.select %or3A_1341, %broadcast_in_dim3A_1344, %broadcast_in_dim3A_1345 : vector<16xi1>, vector<16xi32>
    %add3A_1347 = arith.addi %add3A_1331, %select_n3A_1346 : vector<16xi32>
    %broadcast_in_dim3A_1348 = arith.constant 82 : i32
    %broadcast_in_dim3A_1349 = vector.broadcast %broadcast_in_dim3A_1348 : i32 to vector<16xi32>
    %gather3A_1350 = tpu.vector_load_idx %arg5[%broadcast_in_dim3A_1349] : memref<128xf32, #tpu.memory_space<vmem>>[vector<16xi32>], vector<16xf32>,
    %lt3A_1351 = arith.cmpf olt, %gather3A_1350, %get3A_1313 : vector<16xf32>
    %eq3A_1352 = arith.cmpf oeq, %gather3A_1350, %get3A_1313 : vector<16xf32>
    %gt3A_1353 = arith.constant 2 : i32
    %gt3A_1354 = vector.broadcast %gt3A_1353 : i32 to vector<16xi32>
    %gt3A_1355 = arith.cmpi sgt, %iota3A, %gt3A_1354 : vector<16xi32>
    %and3A_1356 = arith.andi %eq3A_1352, %gt3A_1355 : vector<16xi1>
    %or3A_1357 = arith.ori %lt3A_1351, %and3A_1356 : vector<16xi1>
    %jit3A_1358 = arith.constant 1 : i32
    %jit3A_1359 = arith.constant 0 : i32
    %broadcast_in_dim3A_1360 = vector.broadcast %jit3A_1358 : i32 to vector<16xi32>
    %broadcast_in_dim3A_1361 = vector.broadcast %jit3A_1359 : i32 to vector<16xi32>
    %select_n3A_1362 = arith.select %or3A_1357, %broadcast_in_dim3A_1360, %broadcast_in_dim3A_1361 : vector<16xi1>, vector<16xi32>
    %add3A_1363 = arith.addi %add3A_1347, %select_n3A_1362 : vector<16xi32>
    %broadcast_in_dim3A_1364 = arith.constant 83 : i32
    %broadcast_in_dim3A_1365 = vector.broadcast %broadcast_in_dim3A_1364 : i32 to vector<16xi32>
    %gather3A_1366 = tpu.vector_load_idx %arg5[%broadcast_in_dim3A_1365] : memref<128xf32, #tpu.memory_space<vmem>>[vector<16xi32>], vector<16xf32>,
    %lt3A_1367 = arith.cmpf olt, %gather3A_1366, %get3A_1313 : vector<16xf32>
    %eq3A_1368 = arith.cmpf oeq, %gather3A_1366, %get3A_1313 : vector<16xf32>
    %gt3A_1369 = arith.constant 3 : i32
    %gt3A_1370 = vector.broadcast %gt3A_1369 : i32 to vector<16xi32>
    %gt3A_1371 = arith.cmpi sgt, %iota3A, %gt3A_1370 : vector<16xi32>
    %and3A_1372 = arith.andi %eq3A_1368, %gt3A_1371 : vector<16xi1>
    %or3A_1373 = arith.ori %lt3A_1367, %and3A_1372 : vector<16xi1>
    %jit3A_1374 = arith.constant 1 : i32
    %jit3A_1375 = arith.constant 0 : i32
    %broadcast_in_dim3A_1376 = vector.broadcast %jit3A_1374 : i32 to vector<16xi32>
    %broadcast_in_dim3A_1377 = vector.broadcast %jit3A_1375 : i32 to vector<16xi32>
    %select_n3A_1378 = arith.select %or3A_1373, %broadcast_in_dim3A_1376, %broadcast_in_dim3A_1377 : vector<16xi1>, vector<16xi32>
    %add3A_1379 = arith.addi %add3A_1363, %select_n3A_1378 : vector<16xi32>
    %broadcast_in_dim3A_1380 = arith.constant 84 : i32
    %broadcast_in_dim3A_1381 = vector.broadcast %broadcast_in_dim3A_1380 : i32 to vector<16xi32>
    %gather3A_1382 = tpu.vector_load_idx %arg5[%broadcast_in_dim3A_1381] : memref<128xf32, #tpu.memory_space<vmem>>[vector<16xi32>], vector<16xf32>,
    %lt3A_1383 = arith.cmpf olt, %gather3A_1382, %get3A_1313 : vector<16xf32>
    %eq3A_1384 = arith.cmpf oeq, %gather3A_1382, %get3A_1313 : vector<16xf32>
    %gt3A_1385 = arith.constant 4 : i32
    %gt3A_1386 = vector.broadcast %gt3A_1385 : i32 to vector<16xi32>
    %gt3A_1387 = arith.cmpi sgt, %iota3A, %gt3A_1386 : vector<16xi32>
    %and3A_1388 = arith.andi %eq3A_1384, %gt3A_1387 : vector<16xi1>
    %or3A_1389 = arith.ori %lt3A_1383, %and3A_1388 : vector<16xi1>
    %jit3A_1390 = arith.constant 1 : i32
    %jit3A_1391 = arith.constant 0 : i32
    %broadcast_in_dim3A_1392 = vector.broadcast %jit3A_1390 : i32 to vector<16xi32>
    %broadcast_in_dim3A_1393 = vector.broadcast %jit3A_1391 : i32 to vector<16xi32>
    %select_n3A_1394 = arith.select %or3A_1389, %broadcast_in_dim3A_1392, %broadcast_in_dim3A_1393 : vector<16xi1>, vector<16xi32>
    %add3A_1395 = arith.addi %add3A_1379, %select_n3A_1394 : vector<16xi32>
    %broadcast_in_dim3A_1396 = arith.constant 85 : i32
    %broadcast_in_dim3A_1397 = vector.broadcast %broadcast_in_dim3A_1396 : i32 to vector<16xi32>
    %gather3A_1398 = tpu.vector_load_idx %arg5[%broadcast_in_dim3A_1397] : memref<128xf32, #tpu.memory_space<vmem>>[vector<16xi32>], vector<16xf32>,
    %lt3A_1399 = arith.cmpf olt, %gather3A_1398, %get3A_1313 : vector<16xf32>
    %eq3A_1400 = arith.cmpf oeq, %gather3A_1398, %get3A_1313 : vector<16xf32>
    %gt3A_1401 = arith.constant 5 : i32
    %gt3A_1402 = vector.broadcast %gt3A_1401 : i32 to vector<16xi32>
    %gt3A_1403 = arith.cmpi sgt, %iota3A, %gt3A_1402 : vector<16xi32>
    %and3A_1404 = arith.andi %eq3A_1400, %gt3A_1403 : vector<16xi1>
    %or3A_1405 = arith.ori %lt3A_1399, %and3A_1404 : vector<16xi1>
    %jit3A_1406 = arith.constant 1 : i32
    %jit3A_1407 = arith.constant 0 : i32
    %broadcast_in_dim3A_1408 = vector.broadcast %jit3A_1406 : i32 to vector<16xi32>
    %broadcast_in_dim3A_1409 = vector.broadcast %jit3A_1407 : i32 to vector<16xi32>
    %select_n3A_1410 = arith.select %or3A_1405, %broadcast_in_dim3A_1408, %broadcast_in_dim3A_1409 : vector<16xi1>, vector<16xi32>
    %add3A_1411 = arith.addi %add3A_1395, %select_n3A_1410 : vector<16xi32>
    %broadcast_in_dim3A_1412 = arith.constant 86 : i32
    %broadcast_in_dim3A_1413 = vector.broadcast %broadcast_in_dim3A_1412 : i32 to vector<16xi32>
    %gather3A_1414 = tpu.vector_load_idx %arg5[%broadcast_in_dim3A_1413] : memref<128xf32, #tpu.memory_space<vmem>>[vector<16xi32>], vector<16xf32>,
    %lt3A_1415 = arith.cmpf olt, %gather3A_1414, %get3A_1313 : vector<16xf32>
    %eq3A_1416 = arith.cmpf oeq, %gather3A_1414, %get3A_1313 : vector<16xf32>
    %gt3A_1417 = arith.constant 6 : i32
    %gt3A_1418 = vector.broadcast %gt3A_1417 : i32 to vector<16xi32>
    %gt3A_1419 = arith.cmpi sgt, %iota3A, %gt3A_1418 : vector<16xi32>
    %and3A_1420 = arith.andi %eq3A_1416, %gt3A_1419 : vector<16xi1>
    %or3A_1421 = arith.ori %lt3A_1415, %and3A_1420 : vector<16xi1>
    %jit3A_1422 = arith.constant 1 : i32
    %jit3A_1423 = arith.constant 0 : i32
    %broadcast_in_dim3A_1424 = vector.broadcast %jit3A_1422 : i32 to vector<16xi32>
    %broadcast_in_dim3A_1425 = vector.broadcast %jit3A_1423 : i32 to vector<16xi32>
    %select_n3A_1426 = arith.select %or3A_1421, %broadcast_in_dim3A_1424, %broadcast_in_dim3A_1425 : vector<16xi1>, vector<16xi32>
    %add3A_1427 = arith.addi %add3A_1411, %select_n3A_1426 : vector<16xi32>
    %broadcast_in_dim3A_1428 = arith.constant 87 : i32
    %broadcast_in_dim3A_1429 = vector.broadcast %broadcast_in_dim3A_1428 : i32 to vector<16xi32>
    %gather3A_1430 = tpu.vector_load_idx %arg5[%broadcast_in_dim3A_1429] : memref<128xf32, #tpu.memory_space<vmem>>[vector<16xi32>], vector<16xf32>,
    %lt3A_1431 = arith.cmpf olt, %gather3A_1430, %get3A_1313 : vector<16xf32>
    %eq3A_1432 = arith.cmpf oeq, %gather3A_1430, %get3A_1313 : vector<16xf32>
    %gt3A_1433 = arith.constant 7 : i32
    %gt3A_1434 = vector.broadcast %gt3A_1433 : i32 to vector<16xi32>
    %gt3A_1435 = arith.cmpi sgt, %iota3A, %gt3A_1434 : vector<16xi32>
    %and3A_1436 = arith.andi %eq3A_1432, %gt3A_1435 : vector<16xi1>
    %or3A_1437 = arith.ori %lt3A_1431, %and3A_1436 : vector<16xi1>
    %jit3A_1438 = arith.constant 1 : i32
    %jit3A_1439 = arith.constant 0 : i32
    %broadcast_in_dim3A_1440 = vector.broadcast %jit3A_1438 : i32 to vector<16xi32>
    %broadcast_in_dim3A_1441 = vector.broadcast %jit3A_1439 : i32 to vector<16xi32>
    %select_n3A_1442 = arith.select %or3A_1437, %broadcast_in_dim3A_1440, %broadcast_in_dim3A_1441 : vector<16xi1>, vector<16xi32>
    %add3A_1443 = arith.addi %add3A_1427, %select_n3A_1442 : vector<16xi32>
    %broadcast_in_dim3A_1444 = arith.constant 88 : i32
    %broadcast_in_dim3A_1445 = vector.broadcast %broadcast_in_dim3A_1444 : i32 to vector<16xi32>
    %gather3A_1446 = tpu.vector_load_idx %arg5[%broadcast_in_dim3A_1445] : memref<128xf32, #tpu.memory_space<vmem>>[vector<16xi32>], vector<16xf32>,
    %lt3A_1447 = arith.cmpf olt, %gather3A_1446, %get3A_1313 : vector<16xf32>
    %eq3A_1448 = arith.cmpf oeq, %gather3A_1446, %get3A_1313 : vector<16xf32>
    %gt3A_1449 = arith.constant 8 : i32
    %gt3A_1450 = vector.broadcast %gt3A_1449 : i32 to vector<16xi32>
    %gt3A_1451 = arith.cmpi sgt, %iota3A, %gt3A_1450 : vector<16xi32>
    %and3A_1452 = arith.andi %eq3A_1448, %gt3A_1451 : vector<16xi1>
    %or3A_1453 = arith.ori %lt3A_1447, %and3A_1452 : vector<16xi1>
    %jit3A_1454 = arith.constant 1 : i32
    %jit3A_1455 = arith.constant 0 : i32
    %broadcast_in_dim3A_1456 = vector.broadcast %jit3A_1454 : i32 to vector<16xi32>
    %broadcast_in_dim3A_1457 = vector.broadcast %jit3A_1455 : i32 to vector<16xi32>
    %select_n3A_1458 = arith.select %or3A_1453, %broadcast_in_dim3A_1456, %broadcast_in_dim3A_1457 : vector<16xi1>, vector<16xi32>
    %add3A_1459 = arith.addi %add3A_1443, %select_n3A_1458 : vector<16xi32>
    %broadcast_in_dim3A_1460 = arith.constant 89 : i32
    %broadcast_in_dim3A_1461 = vector.broadcast %broadcast_in_dim3A_1460 : i32 to vector<16xi32>
    %gather3A_1462 = tpu.vector_load_idx %arg5[%broadcast_in_dim3A_1461] : memref<128xf32, #tpu.memory_space<vmem>>[vector<16xi32>], vector<16xf32>,
    %lt3A_1463 = arith.cmpf olt, %gather3A_1462, %get3A_1313 : vector<16xf32>
    %eq3A_1464 = arith.cmpf oeq, %gather3A_1462, %get3A_1313 : vector<16xf32>
    %gt3A_1465 = arith.constant 9 : i32
    %gt3A_1466 = vector.broadcast %gt3A_1465 : i32 to vector<16xi32>
    %gt3A_1467 = arith.cmpi sgt, %iota3A, %gt3A_1466 : vector<16xi32>
    %and3A_1468 = arith.andi %eq3A_1464, %gt3A_1467 : vector<16xi1>
    %or3A_1469 = arith.ori %lt3A_1463, %and3A_1468 : vector<16xi1>
    %jit3A_1470 = arith.constant 1 : i32
    %jit3A_1471 = arith.constant 0 : i32
    %broadcast_in_dim3A_1472 = vector.broadcast %jit3A_1470 : i32 to vector<16xi32>
    %broadcast_in_dim3A_1473 = vector.broadcast %jit3A_1471 : i32 to vector<16xi32>
    %select_n3A_1474 = arith.select %or3A_1469, %broadcast_in_dim3A_1472, %broadcast_in_dim3A_1473 : vector<16xi1>, vector<16xi32>
    %add3A_1475 = arith.addi %add3A_1459, %select_n3A_1474 : vector<16xi32>
    %broadcast_in_dim3A_1476 = arith.constant 90 : i32
    %broadcast_in_dim3A_1477 = vector.broadcast %broadcast_in_dim3A_1476 : i32 to vector<16xi32>
    %gather3A_1478 = tpu.vector_load_idx %arg5[%broadcast_in_dim3A_1477] : memref<128xf32, #tpu.memory_space<vmem>>[vector<16xi32>], vector<16xf32>,
    %lt3A_1479 = arith.cmpf olt, %gather3A_1478, %get3A_1313 : vector<16xf32>
    %eq3A_1480 = arith.cmpf oeq, %gather3A_1478, %get3A_1313 : vector<16xf32>
    %gt3A_1481 = arith.constant 10 : i32
    %gt3A_1482 = vector.broadcast %gt3A_1481 : i32 to vector<16xi32>
    %gt3A_1483 = arith.cmpi sgt, %iota3A, %gt3A_1482 : vector<16xi32>
    %and3A_1484 = arith.andi %eq3A_1480, %gt3A_1483 : vector<16xi1>
    %or3A_1485 = arith.ori %lt3A_1479, %and3A_1484 : vector<16xi1>
    %jit3A_1486 = arith.constant 1 : i32
    %jit3A_1487 = arith.constant 0 : i32
    %broadcast_in_dim3A_1488 = vector.broadcast %jit3A_1486 : i32 to vector<16xi32>
    %broadcast_in_dim3A_1489 = vector.broadcast %jit3A_1487 : i32 to vector<16xi32>
    %select_n3A_1490 = arith.select %or3A_1485, %broadcast_in_dim3A_1488, %broadcast_in_dim3A_1489 : vector<16xi1>, vector<16xi32>
    %add3A_1491 = arith.addi %add3A_1475, %select_n3A_1490 : vector<16xi32>
    %broadcast_in_dim3A_1492 = arith.constant 91 : i32
    %broadcast_in_dim3A_1493 = vector.broadcast %broadcast_in_dim3A_1492 : i32 to vector<16xi32>
    %gather3A_1494 = tpu.vector_load_idx %arg5[%broadcast_in_dim3A_1493] : memref<128xf32, #tpu.memory_space<vmem>>[vector<16xi32>], vector<16xf32>,
    %lt3A_1495 = arith.cmpf olt, %gather3A_1494, %get3A_1313 : vector<16xf32>
    %eq3A_1496 = arith.cmpf oeq, %gather3A_1494, %get3A_1313 : vector<16xf32>
    %gt3A_1497 = arith.constant 11 : i32
    %gt3A_1498 = vector.broadcast %gt3A_1497 : i32 to vector<16xi32>
    %gt3A_1499 = arith.cmpi sgt, %iota3A, %gt3A_1498 : vector<16xi32>
    %and3A_1500 = arith.andi %eq3A_1496, %gt3A_1499 : vector<16xi1>
    %or3A_1501 = arith.ori %lt3A_1495, %and3A_1500 : vector<16xi1>
    %jit3A_1502 = arith.constant 1 : i32
    %jit3A_1503 = arith.constant 0 : i32
    %broadcast_in_dim3A_1504 = vector.broadcast %jit3A_1502 : i32 to vector<16xi32>
    %broadcast_in_dim3A_1505 = vector.broadcast %jit3A_1503 : i32 to vector<16xi32>
    %select_n3A_1506 = arith.select %or3A_1501, %broadcast_in_dim3A_1504, %broadcast_in_dim3A_1505 : vector<16xi1>, vector<16xi32>
    %add3A_1507 = arith.addi %add3A_1491, %select_n3A_1506 : vector<16xi32>
    %broadcast_in_dim3A_1508 = arith.constant 92 : i32
    %broadcast_in_dim3A_1509 = vector.broadcast %broadcast_in_dim3A_1508 : i32 to vector<16xi32>
    %gather3A_1510 = tpu.vector_load_idx %arg5[%broadcast_in_dim3A_1509] : memref<128xf32, #tpu.memory_space<vmem>>[vector<16xi32>], vector<16xf32>,
    %lt3A_1511 = arith.cmpf olt, %gather3A_1510, %get3A_1313 : vector<16xf32>
    %eq3A_1512 = arith.cmpf oeq, %gather3A_1510, %get3A_1313 : vector<16xf32>
    %gt3A_1513 = arith.constant 12 : i32
    %gt3A_1514 = vector.broadcast %gt3A_1513 : i32 to vector<16xi32>
    %gt3A_1515 = arith.cmpi sgt, %iota3A, %gt3A_1514 : vector<16xi32>
    %and3A_1516 = arith.andi %eq3A_1512, %gt3A_1515 : vector<16xi1>
    %or3A_1517 = arith.ori %lt3A_1511, %and3A_1516 : vector<16xi1>
    %jit3A_1518 = arith.constant 1 : i32
    %jit3A_1519 = arith.constant 0 : i32
    %broadcast_in_dim3A_1520 = vector.broadcast %jit3A_1518 : i32 to vector<16xi32>
    %broadcast_in_dim3A_1521 = vector.broadcast %jit3A_1519 : i32 to vector<16xi32>
    %select_n3A_1522 = arith.select %or3A_1517, %broadcast_in_dim3A_1520, %broadcast_in_dim3A_1521 : vector<16xi1>, vector<16xi32>
    %add3A_1523 = arith.addi %add3A_1507, %select_n3A_1522 : vector<16xi32>
    %broadcast_in_dim3A_1524 = arith.constant 93 : i32
    %broadcast_in_dim3A_1525 = vector.broadcast %broadcast_in_dim3A_1524 : i32 to vector<16xi32>
    %gather3A_1526 = tpu.vector_load_idx %arg5[%broadcast_in_dim3A_1525] : memref<128xf32, #tpu.memory_space<vmem>>[vector<16xi32>], vector<16xf32>,
    %lt3A_1527 = arith.cmpf olt, %gather3A_1526, %get3A_1313 : vector<16xf32>
    %eq3A_1528 = arith.cmpf oeq, %gather3A_1526, %get3A_1313 : vector<16xf32>
    %gt3A_1529 = arith.constant 13 : i32
    %gt3A_1530 = vector.broadcast %gt3A_1529 : i32 to vector<16xi32>
    %gt3A_1531 = arith.cmpi sgt, %iota3A, %gt3A_1530 : vector<16xi32>
    %and3A_1532 = arith.andi %eq3A_1528, %gt3A_1531 : vector<16xi1>
    %or3A_1533 = arith.ori %lt3A_1527, %and3A_1532 : vector<16xi1>
    %jit3A_1534 = arith.constant 1 : i32
    %jit3A_1535 = arith.constant 0 : i32
    %broadcast_in_dim3A_1536 = vector.broadcast %jit3A_1534 : i32 to vector<16xi32>
    %broadcast_in_dim3A_1537 = vector.broadcast %jit3A_1535 : i32 to vector<16xi32>
    %select_n3A_1538 = arith.select %or3A_1533, %broadcast_in_dim3A_1536, %broadcast_in_dim3A_1537 : vector<16xi1>, vector<16xi32>
    %add3A_1539 = arith.addi %add3A_1523, %select_n3A_1538 : vector<16xi32>
    %broadcast_in_dim3A_1540 = arith.constant 94 : i32
    %broadcast_in_dim3A_1541 = vector.broadcast %broadcast_in_dim3A_1540 : i32 to vector<16xi32>
    %gather3A_1542 = tpu.vector_load_idx %arg5[%broadcast_in_dim3A_1541] : memref<128xf32, #tpu.memory_space<vmem>>[vector<16xi32>], vector<16xf32>,
    %lt3A_1543 = arith.cmpf olt, %gather3A_1542, %get3A_1313 : vector<16xf32>
    %eq3A_1544 = arith.cmpf oeq, %gather3A_1542, %get3A_1313 : vector<16xf32>
    %gt3A_1545 = arith.constant 14 : i32
    %gt3A_1546 = vector.broadcast %gt3A_1545 : i32 to vector<16xi32>
    %gt3A_1547 = arith.cmpi sgt, %iota3A, %gt3A_1546 : vector<16xi32>
    %and3A_1548 = arith.andi %eq3A_1544, %gt3A_1547 : vector<16xi1>
    %or3A_1549 = arith.ori %lt3A_1543, %and3A_1548 : vector<16xi1>
    %jit3A_1550 = arith.constant 1 : i32
    %jit3A_1551 = arith.constant 0 : i32
    %broadcast_in_dim3A_1552 = vector.broadcast %jit3A_1550 : i32 to vector<16xi32>
    %broadcast_in_dim3A_1553 = vector.broadcast %jit3A_1551 : i32 to vector<16xi32>
    %select_n3A_1554 = arith.select %or3A_1549, %broadcast_in_dim3A_1552, %broadcast_in_dim3A_1553 : vector<16xi1>, vector<16xi32>
    %add3A_1555 = arith.addi %add3A_1539, %select_n3A_1554 : vector<16xi32>
    %lt3A_1556 = arith.constant 8 : i32
    %lt3A_1557 = vector.broadcast %lt3A_1556 : i32 to vector<16xi32>
    %lt3A_1558 = arith.cmpi slt, %add3A_1555, %lt3A_1557 : vector<16xi32>
    tpu.vector_store_idx %arg6[%add3A_1555], %iota3A masked %lt3A_1558 : memref<16xi32, #tpu.memory_space<vmem>>[vector<16xi32>], vector<16xi32>, vector<16xi1>
    tpu.vector_store_idx %arg7[%add3A_1555], %get3A_1313 masked %lt3A_1558 : memref<16xf32, #tpu.memory_space<vmem>>[vector<16xi32>], vector<16xf32>, vector<16xi1>
    %and3A_1559 = arith.constant 7 : i32
    %and3A_1560 = vector.broadcast %and3A_1559 : i32 to vector<16xi32>
    %and3A_1561 = arith.andi %iota3A, %and3A_1560 : vector<16xi32>
    %gather3A_1562 = tpu.vector_load_idx %arg6[%and3A_1561] : memref<16xi32, #tpu.memory_space<vmem>>[vector<16xi32>], vector<16xi32>,
    %gather3A_1563 = tpu.vector_load_idx %arg7[%and3A_1561] : memref<16xf32, #tpu.memory_space<vmem>>[vector<16xi32>], vector<16xf32>,
    %ge3A_1564 = arith.constant 8 : i32
    %ge3A_1565 = vector.broadcast %ge3A_1564 : i32 to vector<16xi32>
    %ge3A_1566 = arith.cmpi sge, %iota3A, %ge3A_1565 : vector<16xi32>
    %jit3A_1567 = arith.constant 15 : i32
    %jit3A_1568 = arith.constant 0 : i32
    %broadcast_in_dim3A_1569 = vector.broadcast %jit3A_1567 : i32 to vector<16xi32>
    %broadcast_in_dim3A_1570 = vector.broadcast %jit3A_1568 : i32 to vector<16xi32>
    %select_n3A_1571 = arith.select %ge3A_1566, %broadcast_in_dim3A_1569, %broadcast_in_dim3A_1570 : vector<16xi1>, vector<16xi32>
    %add3A_1572 = arith.addi %gather3A_1562, %select_n3A_1571 : vector<16xi32>
    %swap3A_1573 = arith.constant 80 : index
    %swap3A_1574 = tpu.vector_load %arg8[%swap3A_1573] {strides = array<i32>} : memref<128xi32, #tpu.memory_space<vmem>>, vector<16xi32>,
    tpu.vector_store %arg8[%swap3A_1573], %add3A_1572 {strides = array<i32>} : memref<128xi32, #tpu.memory_space<vmem>>, vector<16xi32>,
    %swap3A_1575 = arith.constant 80 : index
    %swap3A_1576 = tpu.vector_load %arg9[%swap3A_1575] {strides = array<i32>} : memref<128xf32, #tpu.memory_space<vmem>>, vector<16xf32>,
    tpu.vector_store %arg9[%swap3A_1575], %gather3A_1563 {strides = array<i32>} : memref<128xf32, #tpu.memory_space<vmem>>, vector<16xf32>,
    %get3A_1577 = arith.constant 96 : index
    %get3A_1578 = tpu.vector_load %arg5[%get3A_1577] {strides = array<i32>} : memref<128xf32, #tpu.memory_space<vmem>>, vector<16xf32>,
    %broadcast_in_dim3A_1579 = arith.constant 0 : i32
    %broadcast_in_dim3A_1580 = vector.broadcast %broadcast_in_dim3A_1579 : i32 to vector<16xi32>
    %broadcast_in_dim3A_1581 = arith.constant 96 : i32
    %broadcast_in_dim3A_1582 = vector.broadcast %broadcast_in_dim3A_1581 : i32 to vector<16xi32>
    %gather3A_1583 = tpu.vector_load_idx %arg5[%broadcast_in_dim3A_1582] : memref<128xf32, #tpu.memory_space<vmem>>[vector<16xi32>], vector<16xf32>,
    %lt3A_1584 = arith.cmpf olt, %gather3A_1583, %get3A_1578 : vector<16xf32>
    %eq3A_1585 = arith.cmpf oeq, %gather3A_1583, %get3A_1578 : vector<16xf32>
    %gt3A_1586 = arith.constant 0 : i32
    %gt3A_1587 = vector.broadcast %gt3A_1586 : i32 to vector<16xi32>
    %gt3A_1588 = arith.cmpi sgt, %iota3A, %gt3A_1587 : vector<16xi32>
    %and3A_1589 = arith.andi %eq3A_1585, %gt3A_1588 : vector<16xi1>
    %or3A_1590 = arith.ori %lt3A_1584, %and3A_1589 : vector<16xi1>
    %jit3A_1591 = arith.constant 1 : i32
    %jit3A_1592 = arith.constant 0 : i32
    %broadcast_in_dim3A_1593 = vector.broadcast %jit3A_1591 : i32 to vector<16xi32>
    %broadcast_in_dim3A_1594 = vector.broadcast %jit3A_1592 : i32 to vector<16xi32>
    %select_n3A_1595 = arith.select %or3A_1590, %broadcast_in_dim3A_1593, %broadcast_in_dim3A_1594 : vector<16xi1>, vector<16xi32>
    %add3A_1596 = arith.addi %broadcast_in_dim3A_1580, %select_n3A_1595 : vector<16xi32>
    %broadcast_in_dim3A_1597 = arith.constant 97 : i32
    %broadcast_in_dim3A_1598 = vector.broadcast %broadcast_in_dim3A_1597 : i32 to vector<16xi32>
    %gather3A_1599 = tpu.vector_load_idx %arg5[%broadcast_in_dim3A_1598] : memref<128xf32, #tpu.memory_space<vmem>>[vector<16xi32>], vector<16xf32>,
    %lt3A_1600 = arith.cmpf olt, %gather3A_1599, %get3A_1578 : vector<16xf32>
    %eq3A_1601 = arith.cmpf oeq, %gather3A_1599, %get3A_1578 : vector<16xf32>
    %gt3A_1602 = arith.constant 1 : i32
    %gt3A_1603 = vector.broadcast %gt3A_1602 : i32 to vector<16xi32>
    %gt3A_1604 = arith.cmpi sgt, %iota3A, %gt3A_1603 : vector<16xi32>
    %and3A_1605 = arith.andi %eq3A_1601, %gt3A_1604 : vector<16xi1>
    %or3A_1606 = arith.ori %lt3A_1600, %and3A_1605 : vector<16xi1>
    %jit3A_1607 = arith.constant 1 : i32
    %jit3A_1608 = arith.constant 0 : i32
    %broadcast_in_dim3A_1609 = vector.broadcast %jit3A_1607 : i32 to vector<16xi32>
    %broadcast_in_dim3A_1610 = vector.broadcast %jit3A_1608 : i32 to vector<16xi32>
    %select_n3A_1611 = arith.select %or3A_1606, %broadcast_in_dim3A_1609, %broadcast_in_dim3A_1610 : vector<16xi1>, vector<16xi32>
    %add3A_1612 = arith.addi %add3A_1596, %select_n3A_1611 : vector<16xi32>
    %broadcast_in_dim3A_1613 = arith.constant 98 : i32
    %broadcast_in_dim3A_1614 = vector.broadcast %broadcast_in_dim3A_1613 : i32 to vector<16xi32>
    %gather3A_1615 = tpu.vector_load_idx %arg5[%broadcast_in_dim3A_1614] : memref<128xf32, #tpu.memory_space<vmem>>[vector<16xi32>], vector<16xf32>,
    %lt3A_1616 = arith.cmpf olt, %gather3A_1615, %get3A_1578 : vector<16xf32>
    %eq3A_1617 = arith.cmpf oeq, %gather3A_1615, %get3A_1578 : vector<16xf32>
    %gt3A_1618 = arith.constant 2 : i32
    %gt3A_1619 = vector.broadcast %gt3A_1618 : i32 to vector<16xi32>
    %gt3A_1620 = arith.cmpi sgt, %iota3A, %gt3A_1619 : vector<16xi32>
    %and3A_1621 = arith.andi %eq3A_1617, %gt3A_1620 : vector<16xi1>
    %or3A_1622 = arith.ori %lt3A_1616, %and3A_1621 : vector<16xi1>
    %jit3A_1623 = arith.constant 1 : i32
    %jit3A_1624 = arith.constant 0 : i32
    %broadcast_in_dim3A_1625 = vector.broadcast %jit3A_1623 : i32 to vector<16xi32>
    %broadcast_in_dim3A_1626 = vector.broadcast %jit3A_1624 : i32 to vector<16xi32>
    %select_n3A_1627 = arith.select %or3A_1622, %broadcast_in_dim3A_1625, %broadcast_in_dim3A_1626 : vector<16xi1>, vector<16xi32>
    %add3A_1628 = arith.addi %add3A_1612, %select_n3A_1627 : vector<16xi32>
    %broadcast_in_dim3A_1629 = arith.constant 99 : i32
    %broadcast_in_dim3A_1630 = vector.broadcast %broadcast_in_dim3A_1629 : i32 to vector<16xi32>
    %gather3A_1631 = tpu.vector_load_idx %arg5[%broadcast_in_dim3A_1630] : memref<128xf32, #tpu.memory_space<vmem>>[vector<16xi32>], vector<16xf32>,
    %lt3A_1632 = arith.cmpf olt, %gather3A_1631, %get3A_1578 : vector<16xf32>
    %eq3A_1633 = arith.cmpf oeq, %gather3A_1631, %get3A_1578 : vector<16xf32>
    %gt3A_1634 = arith.constant 3 : i32
    %gt3A_1635 = vector.broadcast %gt3A_1634 : i32 to vector<16xi32>
    %gt3A_1636 = arith.cmpi sgt, %iota3A, %gt3A_1635 : vector<16xi32>
    %and3A_1637 = arith.andi %eq3A_1633, %gt3A_1636 : vector<16xi1>
    %or3A_1638 = arith.ori %lt3A_1632, %and3A_1637 : vector<16xi1>
    %jit3A_1639 = arith.constant 1 : i32
    %jit3A_1640 = arith.constant 0 : i32
    %broadcast_in_dim3A_1641 = vector.broadcast %jit3A_1639 : i32 to vector<16xi32>
    %broadcast_in_dim3A_1642 = vector.broadcast %jit3A_1640 : i32 to vector<16xi32>
    %select_n3A_1643 = arith.select %or3A_1638, %broadcast_in_dim3A_1641, %broadcast_in_dim3A_1642 : vector<16xi1>, vector<16xi32>
    %add3A_1644 = arith.addi %add3A_1628, %select_n3A_1643 : vector<16xi32>
    %broadcast_in_dim3A_1645 = arith.constant 100 : i32
    %broadcast_in_dim3A_1646 = vector.broadcast %broadcast_in_dim3A_1645 : i32 to vector<16xi32>
    %gather3A_1647 = tpu.vector_load_idx %arg5[%broadcast_in_dim3A_1646] : memref<128xf32, #tpu.memory_space<vmem>>[vector<16xi32>], vector<16xf32>,
    %lt3A_1648 = arith.cmpf olt, %gather3A_1647, %get3A_1578 : vector<16xf32>
    %eq3A_1649 = arith.cmpf oeq, %gather3A_1647, %get3A_1578 : vector<16xf32>
    %gt3A_1650 = arith.constant 4 : i32
    %gt3A_1651 = vector.broadcast %gt3A_1650 : i32 to vector<16xi32>
    %gt3A_1652 = arith.cmpi sgt, %iota3A, %gt3A_1651 : vector<16xi32>
    %and3A_1653 = arith.andi %eq3A_1649, %gt3A_1652 : vector<16xi1>
    %or3A_1654 = arith.ori %lt3A_1648, %and3A_1653 : vector<16xi1>
    %jit3A_1655 = arith.constant 1 : i32
    %jit3A_1656 = arith.constant 0 : i32
    %broadcast_in_dim3A_1657 = vector.broadcast %jit3A_1655 : i32 to vector<16xi32>
    %broadcast_in_dim3A_1658 = vector.broadcast %jit3A_1656 : i32 to vector<16xi32>
    %select_n3A_1659 = arith.select %or3A_1654, %broadcast_in_dim3A_1657, %broadcast_in_dim3A_1658 : vector<16xi1>, vector<16xi32>
    %add3A_1660 = arith.addi %add3A_1644, %select_n3A_1659 : vector<16xi32>
    %broadcast_in_dim3A_1661 = arith.constant 101 : i32
    %broadcast_in_dim3A_1662 = vector.broadcast %broadcast_in_dim3A_1661 : i32 to vector<16xi32>
    %gather3A_1663 = tpu.vector_load_idx %arg5[%broadcast_in_dim3A_1662] : memref<128xf32, #tpu.memory_space<vmem>>[vector<16xi32>], vector<16xf32>,
    %lt3A_1664 = arith.cmpf olt, %gather3A_1663, %get3A_1578 : vector<16xf32>
    %eq3A_1665 = arith.cmpf oeq, %gather3A_1663, %get3A_1578 : vector<16xf32>
    %gt3A_1666 = arith.constant 5 : i32
    %gt3A_1667 = vector.broadcast %gt3A_1666 : i32 to vector<16xi32>
    %gt3A_1668 = arith.cmpi sgt, %iota3A, %gt3A_1667 : vector<16xi32>
    %and3A_1669 = arith.andi %eq3A_1665, %gt3A_1668 : vector<16xi1>
    %or3A_1670 = arith.ori %lt3A_1664, %and3A_1669 : vector<16xi1>
    %jit3A_1671 = arith.constant 1 : i32
    %jit3A_1672 = arith.constant 0 : i32
    %broadcast_in_dim3A_1673 = vector.broadcast %jit3A_1671 : i32 to vector<16xi32>
    %broadcast_in_dim3A_1674 = vector.broadcast %jit3A_1672 : i32 to vector<16xi32>
    %select_n3A_1675 = arith.select %or3A_1670, %broadcast_in_dim3A_1673, %broadcast_in_dim3A_1674 : vector<16xi1>, vector<16xi32>
    %add3A_1676 = arith.addi %add3A_1660, %select_n3A_1675 : vector<16xi32>
    %broadcast_in_dim3A_1677 = arith.constant 102 : i32
    %broadcast_in_dim3A_1678 = vector.broadcast %broadcast_in_dim3A_1677 : i32 to vector<16xi32>
    %gather3A_1679 = tpu.vector_load_idx %arg5[%broadcast_in_dim3A_1678] : memref<128xf32, #tpu.memory_space<vmem>>[vector<16xi32>], vector<16xf32>,
    %lt3A_1680 = arith.cmpf olt, %gather3A_1679, %get3A_1578 : vector<16xf32>
    %eq3A_1681 = arith.cmpf oeq, %gather3A_1679, %get3A_1578 : vector<16xf32>
    %gt3A_1682 = arith.constant 6 : i32
    %gt3A_1683 = vector.broadcast %gt3A_1682 : i32 to vector<16xi32>
    %gt3A_1684 = arith.cmpi sgt, %iota3A, %gt3A_1683 : vector<16xi32>
    %and3A_1685 = arith.andi %eq3A_1681, %gt3A_1684 : vector<16xi1>
    %or3A_1686 = arith.ori %lt3A_1680, %and3A_1685 : vector<16xi1>
    %jit3A_1687 = arith.constant 1 : i32
    %jit3A_1688 = arith.constant 0 : i32
    %broadcast_in_dim3A_1689 = vector.broadcast %jit3A_1687 : i32 to vector<16xi32>
    %broadcast_in_dim3A_1690 = vector.broadcast %jit3A_1688 : i32 to vector<16xi32>
    %select_n3A_1691 = arith.select %or3A_1686, %broadcast_in_dim3A_1689, %broadcast_in_dim3A_1690 : vector<16xi1>, vector<16xi32>
    %add3A_1692 = arith.addi %add3A_1676, %select_n3A_1691 : vector<16xi32>
    %broadcast_in_dim3A_1693 = arith.constant 103 : i32
    %broadcast_in_dim3A_1694 = vector.broadcast %broadcast_in_dim3A_1693 : i32 to vector<16xi32>
    %gather3A_1695 = tpu.vector_load_idx %arg5[%broadcast_in_dim3A_1694] : memref<128xf32, #tpu.memory_space<vmem>>[vector<16xi32>], vector<16xf32>,
    %lt3A_1696 = arith.cmpf olt, %gather3A_1695, %get3A_1578 : vector<16xf32>
    %eq3A_1697 = arith.cmpf oeq, %gather3A_1695, %get3A_1578 : vector<16xf32>
    %gt3A_1698 = arith.constant 7 : i32
    %gt3A_1699 = vector.broadcast %gt3A_1698 : i32 to vector<16xi32>
    %gt3A_1700 = arith.cmpi sgt, %iota3A, %gt3A_1699 : vector<16xi32>
    %and3A_1701 = arith.andi %eq3A_1697, %gt3A_1700 : vector<16xi1>
    %or3A_1702 = arith.ori %lt3A_1696, %and3A_1701 : vector<16xi1>
    %jit3A_1703 = arith.constant 1 : i32
    %jit3A_1704 = arith.constant 0 : i32
    %broadcast_in_dim3A_1705 = vector.broadcast %jit3A_1703 : i32 to vector<16xi32>
    %broadcast_in_dim3A_1706 = vector.broadcast %jit3A_1704 : i32 to vector<16xi32>
    %select_n3A_1707 = arith.select %or3A_1702, %broadcast_in_dim3A_1705, %broadcast_in_dim3A_1706 : vector<16xi1>, vector<16xi32>
    %add3A_1708 = arith.addi %add3A_1692, %select_n3A_1707 : vector<16xi32>
    %broadcast_in_dim3A_1709 = arith.constant 104 : i32
    %broadcast_in_dim3A_1710 = vector.broadcast %broadcast_in_dim3A_1709 : i32 to vector<16xi32>
    %gather3A_1711 = tpu.vector_load_idx %arg5[%broadcast_in_dim3A_1710] : memref<128xf32, #tpu.memory_space<vmem>>[vector<16xi32>], vector<16xf32>,
    %lt3A_1712 = arith.cmpf olt, %gather3A_1711, %get3A_1578 : vector<16xf32>
    %eq3A_1713 = arith.cmpf oeq, %gather3A_1711, %get3A_1578 : vector<16xf32>
    %gt3A_1714 = arith.constant 8 : i32
    %gt3A_1715 = vector.broadcast %gt3A_1714 : i32 to vector<16xi32>
    %gt3A_1716 = arith.cmpi sgt, %iota3A, %gt3A_1715 : vector<16xi32>
    %and3A_1717 = arith.andi %eq3A_1713, %gt3A_1716 : vector<16xi1>
    %or3A_1718 = arith.ori %lt3A_1712, %and3A_1717 : vector<16xi1>
    %jit3A_1719 = arith.constant 1 : i32
    %jit3A_1720 = arith.constant 0 : i32
    %broadcast_in_dim3A_1721 = vector.broadcast %jit3A_1719 : i32 to vector<16xi32>
    %broadcast_in_dim3A_1722 = vector.broadcast %jit3A_1720 : i32 to vector<16xi32>
    %select_n3A_1723 = arith.select %or3A_1718, %broadcast_in_dim3A_1721, %broadcast_in_dim3A_1722 : vector<16xi1>, vector<16xi32>
    %add3A_1724 = arith.addi %add3A_1708, %select_n3A_1723 : vector<16xi32>
    %broadcast_in_dim3A_1725 = arith.constant 105 : i32
    %broadcast_in_dim3A_1726 = vector.broadcast %broadcast_in_dim3A_1725 : i32 to vector<16xi32>
    %gather3A_1727 = tpu.vector_load_idx %arg5[%broadcast_in_dim3A_1726] : memref<128xf32, #tpu.memory_space<vmem>>[vector<16xi32>], vector<16xf32>,
    %lt3A_1728 = arith.cmpf olt, %gather3A_1727, %get3A_1578 : vector<16xf32>
    %eq3A_1729 = arith.cmpf oeq, %gather3A_1727, %get3A_1578 : vector<16xf32>
    %gt3A_1730 = arith.constant 9 : i32
    %gt3A_1731 = vector.broadcast %gt3A_1730 : i32 to vector<16xi32>
    %gt3A_1732 = arith.cmpi sgt, %iota3A, %gt3A_1731 : vector<16xi32>
    %and3A_1733 = arith.andi %eq3A_1729, %gt3A_1732 : vector<16xi1>
    %or3A_1734 = arith.ori %lt3A_1728, %and3A_1733 : vector<16xi1>
    %jit3A_1735 = arith.constant 1 : i32
    %jit3A_1736 = arith.constant 0 : i32
    %broadcast_in_dim3A_1737 = vector.broadcast %jit3A_1735 : i32 to vector<16xi32>
    %broadcast_in_dim3A_1738 = vector.broadcast %jit3A_1736 : i32 to vector<16xi32>
    %select_n3A_1739 = arith.select %or3A_1734, %broadcast_in_dim3A_1737, %broadcast_in_dim3A_1738 : vector<16xi1>, vector<16xi32>
    %add3A_1740 = arith.addi %add3A_1724, %select_n3A_1739 : vector<16xi32>
    %broadcast_in_dim3A_1741 = arith.constant 106 : i32
    %broadcast_in_dim3A_1742 = vector.broadcast %broadcast_in_dim3A_1741 : i32 to vector<16xi32>
    %gather3A_1743 = tpu.vector_load_idx %arg5[%broadcast_in_dim3A_1742] : memref<128xf32, #tpu.memory_space<vmem>>[vector<16xi32>], vector<16xf32>,
    %lt3A_1744 = arith.cmpf olt, %gather3A_1743, %get3A_1578 : vector<16xf32>
    %eq3A_1745 = arith.cmpf oeq, %gather3A_1743, %get3A_1578 : vector<16xf32>
    %gt3A_1746 = arith.constant 10 : i32
    %gt3A_1747 = vector.broadcast %gt3A_1746 : i32 to vector<16xi32>
    %gt3A_1748 = arith.cmpi sgt, %iota3A, %gt3A_1747 : vector<16xi32>
    %and3A_1749 = arith.andi %eq3A_1745, %gt3A_1748 : vector<16xi1>
    %or3A_1750 = arith.ori %lt3A_1744, %and3A_1749 : vector<16xi1>
    %jit3A_1751 = arith.constant 1 : i32
    %jit3A_1752 = arith.constant 0 : i32
    %broadcast_in_dim3A_1753 = vector.broadcast %jit3A_1751 : i32 to vector<16xi32>
    %broadcast_in_dim3A_1754 = vector.broadcast %jit3A_1752 : i32 to vector<16xi32>
    %select_n3A_1755 = arith.select %or3A_1750, %broadcast_in_dim3A_1753, %broadcast_in_dim3A_1754 : vector<16xi1>, vector<16xi32>
    %add3A_1756 = arith.addi %add3A_1740, %select_n3A_1755 : vector<16xi32>
    %broadcast_in_dim3A_1757 = arith.constant 107 : i32
    %broadcast_in_dim3A_1758 = vector.broadcast %broadcast_in_dim3A_1757 : i32 to vector<16xi32>
    %gather3A_1759 = tpu.vector_load_idx %arg5[%broadcast_in_dim3A_1758] : memref<128xf32, #tpu.memory_space<vmem>>[vector<16xi32>], vector<16xf32>,
    %lt3A_1760 = arith.cmpf olt, %gather3A_1759, %get3A_1578 : vector<16xf32>
    %eq3A_1761 = arith.cmpf oeq, %gather3A_1759, %get3A_1578 : vector<16xf32>
    %gt3A_1762 = arith.constant 11 : i32
    %gt3A_1763 = vector.broadcast %gt3A_1762 : i32 to vector<16xi32>
    %gt3A_1764 = arith.cmpi sgt, %iota3A, %gt3A_1763 : vector<16xi32>
    %and3A_1765 = arith.andi %eq3A_1761, %gt3A_1764 : vector<16xi1>
    %or3A_1766 = arith.ori %lt3A_1760, %and3A_1765 : vector<16xi1>
    %jit3A_1767 = arith.constant 1 : i32
    %jit3A_1768 = arith.constant 0 : i32
    %broadcast_in_dim3A_1769 = vector.broadcast %jit3A_1767 : i32 to vector<16xi32>
    %broadcast_in_dim3A_1770 = vector.broadcast %jit3A_1768 : i32 to vector<16xi32>
    %select_n3A_1771 = arith.select %or3A_1766, %broadcast_in_dim3A_1769, %broadcast_in_dim3A_1770 : vector<16xi1>, vector<16xi32>
    %add3A_1772 = arith.addi %add3A_1756, %select_n3A_1771 : vector<16xi32>
    %broadcast_in_dim3A_1773 = arith.constant 108 : i32
    %broadcast_in_dim3A_1774 = vector.broadcast %broadcast_in_dim3A_1773 : i32 to vector<16xi32>
    %gather3A_1775 = tpu.vector_load_idx %arg5[%broadcast_in_dim3A_1774] : memref<128xf32, #tpu.memory_space<vmem>>[vector<16xi32>], vector<16xf32>,
    %lt3A_1776 = arith.cmpf olt, %gather3A_1775, %get3A_1578 : vector<16xf32>
    %eq3A_1777 = arith.cmpf oeq, %gather3A_1775, %get3A_1578 : vector<16xf32>
    %gt3A_1778 = arith.constant 12 : i32
    %gt3A_1779 = vector.broadcast %gt3A_1778 : i32 to vector<16xi32>
    %gt3A_1780 = arith.cmpi sgt, %iota3A, %gt3A_1779 : vector<16xi32>
    %and3A_1781 = arith.andi %eq3A_1777, %gt3A_1780 : vector<16xi1>
    %or3A_1782 = arith.ori %lt3A_1776, %and3A_1781 : vector<16xi1>
    %jit3A_1783 = arith.constant 1 : i32
    %jit3A_1784 = arith.constant 0 : i32
    %broadcast_in_dim3A_1785 = vector.broadcast %jit3A_1783 : i32 to vector<16xi32>
    %broadcast_in_dim3A_1786 = vector.broadcast %jit3A_1784 : i32 to vector<16xi32>
    %select_n3A_1787 = arith.select %or3A_1782, %broadcast_in_dim3A_1785, %broadcast_in_dim3A_1786 : vector<16xi1>, vector<16xi32>
    %add3A_1788 = arith.addi %add3A_1772, %select_n3A_1787 : vector<16xi32>
    %broadcast_in_dim3A_1789 = arith.constant 109 : i32
    %broadcast_in_dim3A_1790 = vector.broadcast %broadcast_in_dim3A_1789 : i32 to vector<16xi32>
    %gather3A_1791 = tpu.vector_load_idx %arg5[%broadcast_in_dim3A_1790] : memref<128xf32, #tpu.memory_space<vmem>>[vector<16xi32>], vector<16xf32>,
    %lt3A_1792 = arith.cmpf olt, %gather3A_1791, %get3A_1578 : vector<16xf32>
    %eq3A_1793 = arith.cmpf oeq, %gather3A_1791, %get3A_1578 : vector<16xf32>
    %gt3A_1794 = arith.constant 13 : i32
    %gt3A_1795 = vector.broadcast %gt3A_1794 : i32 to vector<16xi32>
    %gt3A_1796 = arith.cmpi sgt, %iota3A, %gt3A_1795 : vector<16xi32>
    %and3A_1797 = arith.andi %eq3A_1793, %gt3A_1796 : vector<16xi1>
    %or3A_1798 = arith.ori %lt3A_1792, %and3A_1797 : vector<16xi1>
    %jit3A_1799 = arith.constant 1 : i32
    %jit3A_1800 = arith.constant 0 : i32
    %broadcast_in_dim3A_1801 = vector.broadcast %jit3A_1799 : i32 to vector<16xi32>
    %broadcast_in_dim3A_1802 = vector.broadcast %jit3A_1800 : i32 to vector<16xi32>
    %select_n3A_1803 = arith.select %or3A_1798, %broadcast_in_dim3A_1801, %broadcast_in_dim3A_1802 : vector<16xi1>, vector<16xi32>
    %add3A_1804 = arith.addi %add3A_1788, %select_n3A_1803 : vector<16xi32>
    %broadcast_in_dim3A_1805 = arith.constant 110 : i32
    %broadcast_in_dim3A_1806 = vector.broadcast %broadcast_in_dim3A_1805 : i32 to vector<16xi32>
    %gather3A_1807 = tpu.vector_load_idx %arg5[%broadcast_in_dim3A_1806] : memref<128xf32, #tpu.memory_space<vmem>>[vector<16xi32>], vector<16xf32>,
    %lt3A_1808 = arith.cmpf olt, %gather3A_1807, %get3A_1578 : vector<16xf32>
    %eq3A_1809 = arith.cmpf oeq, %gather3A_1807, %get3A_1578 : vector<16xf32>
    %gt3A_1810 = arith.constant 14 : i32
    %gt3A_1811 = vector.broadcast %gt3A_1810 : i32 to vector<16xi32>
    %gt3A_1812 = arith.cmpi sgt, %iota3A, %gt3A_1811 : vector<16xi32>
    %and3A_1813 = arith.andi %eq3A_1809, %gt3A_1812 : vector<16xi1>
    %or3A_1814 = arith.ori %lt3A_1808, %and3A_1813 : vector<16xi1>
    %jit3A_1815 = arith.constant 1 : i32
    %jit3A_1816 = arith.constant 0 : i32
    %broadcast_in_dim3A_1817 = vector.broadcast %jit3A_1815 : i32 to vector<16xi32>
    %broadcast_in_dim3A_1818 = vector.broadcast %jit3A_1816 : i32 to vector<16xi32>
    %select_n3A_1819 = arith.select %or3A_1814, %broadcast_in_dim3A_1817, %broadcast_in_dim3A_1818 : vector<16xi1>, vector<16xi32>
    %add3A_1820 = arith.addi %add3A_1804, %select_n3A_1819 : vector<16xi32>
    %lt3A_1821 = arith.constant 8 : i32
    %lt3A_1822 = vector.broadcast %lt3A_1821 : i32 to vector<16xi32>
    %lt3A_1823 = arith.cmpi slt, %add3A_1820, %lt3A_1822 : vector<16xi32>
    tpu.vector_store_idx %arg6[%add3A_1820], %iota3A masked %lt3A_1823 : memref<16xi32, #tpu.memory_space<vmem>>[vector<16xi32>], vector<16xi32>, vector<16xi1>
    tpu.vector_store_idx %arg7[%add3A_1820], %get3A_1578 masked %lt3A_1823 : memref<16xf32, #tpu.memory_space<vmem>>[vector<16xi32>], vector<16xf32>, vector<16xi1>
    %and3A_1824 = arith.constant 7 : i32
    %and3A_1825 = vector.broadcast %and3A_1824 : i32 to vector<16xi32>
    %and3A_1826 = arith.andi %iota3A, %and3A_1825 : vector<16xi32>
    %gather3A_1827 = tpu.vector_load_idx %arg6[%and3A_1826] : memref<16xi32, #tpu.memory_space<vmem>>[vector<16xi32>], vector<16xi32>,
    %gather3A_1828 = tpu.vector_load_idx %arg7[%and3A_1826] : memref<16xf32, #tpu.memory_space<vmem>>[vector<16xi32>], vector<16xf32>,
    %ge3A_1829 = arith.constant 8 : i32
    %ge3A_1830 = vector.broadcast %ge3A_1829 : i32 to vector<16xi32>
    %ge3A_1831 = arith.cmpi sge, %iota3A, %ge3A_1830 : vector<16xi32>
    %jit3A_1832 = arith.constant 15 : i32
    %jit3A_1833 = arith.constant 0 : i32
    %broadcast_in_dim3A_1834 = vector.broadcast %jit3A_1832 : i32 to vector<16xi32>
    %broadcast_in_dim3A_1835 = vector.broadcast %jit3A_1833 : i32 to vector<16xi32>
    %select_n3A_1836 = arith.select %ge3A_1831, %broadcast_in_dim3A_1834, %broadcast_in_dim3A_1835 : vector<16xi1>, vector<16xi32>
    %add3A_1837 = arith.addi %gather3A_1827, %select_n3A_1836 : vector<16xi32>
    %swap3A_1838 = arith.constant 96 : index
    %swap3A_1839 = tpu.vector_load %arg8[%swap3A_1838] {strides = array<i32>} : memref<128xi32, #tpu.memory_space<vmem>>, vector<16xi32>,
    tpu.vector_store %arg8[%swap3A_1838], %add3A_1837 {strides = array<i32>} : memref<128xi32, #tpu.memory_space<vmem>>, vector<16xi32>,
    %swap3A_1840 = arith.constant 96 : index
    %swap3A_1841 = tpu.vector_load %arg9[%swap3A_1840] {strides = array<i32>} : memref<128xf32, #tpu.memory_space<vmem>>, vector<16xf32>,
    tpu.vector_store %arg9[%swap3A_1840], %gather3A_1828 {strides = array<i32>} : memref<128xf32, #tpu.memory_space<vmem>>, vector<16xf32>,
    %get3A_1842 = arith.constant 112 : index
    %get3A_1843 = tpu.vector_load %arg5[%get3A_1842] {strides = array<i32>} : memref<128xf32, #tpu.memory_space<vmem>>, vector<16xf32>,
    %broadcast_in_dim3A_1844 = arith.constant 0 : i32
    %broadcast_in_dim3A_1845 = vector.broadcast %broadcast_in_dim3A_1844 : i32 to vector<16xi32>
    %broadcast_in_dim3A_1846 = arith.constant 112 : i32
    %broadcast_in_dim3A_1847 = vector.broadcast %broadcast_in_dim3A_1846 : i32 to vector<16xi32>
    %gather3A_1848 = tpu.vector_load_idx %arg5[%broadcast_in_dim3A_1847] : memref<128xf32, #tpu.memory_space<vmem>>[vector<16xi32>], vector<16xf32>,
    %lt3A_1849 = arith.cmpf olt, %gather3A_1848, %get3A_1843 : vector<16xf32>
    %eq3A_1850 = arith.cmpf oeq, %gather3A_1848, %get3A_1843 : vector<16xf32>
    %gt3A_1851 = arith.constant 0 : i32
    %gt3A_1852 = vector.broadcast %gt3A_1851 : i32 to vector<16xi32>
    %gt3A_1853 = arith.cmpi sgt, %iota3A, %gt3A_1852 : vector<16xi32>
    %and3A_1854 = arith.andi %eq3A_1850, %gt3A_1853 : vector<16xi1>
    %or3A_1855 = arith.ori %lt3A_1849, %and3A_1854 : vector<16xi1>
    %jit3A_1856 = arith.constant 1 : i32
    %jit3A_1857 = arith.constant 0 : i32
    %broadcast_in_dim3A_1858 = vector.broadcast %jit3A_1856 : i32 to vector<16xi32>
    %broadcast_in_dim3A_1859 = vector.broadcast %jit3A_1857 : i32 to vector<16xi32>
    %select_n3A_1860 = arith.select %or3A_1855, %broadcast_in_dim3A_1858, %broadcast_in_dim3A_1859 : vector<16xi1>, vector<16xi32>
    %add3A_1861 = arith.addi %broadcast_in_dim3A_1845, %select_n3A_1860 : vector<16xi32>
    %broadcast_in_dim3A_1862 = arith.constant 113 : i32
    %broadcast_in_dim3A_1863 = vector.broadcast %broadcast_in_dim3A_1862 : i32 to vector<16xi32>
    %gather3A_1864 = tpu.vector_load_idx %arg5[%broadcast_in_dim3A_1863] : memref<128xf32, #tpu.memory_space<vmem>>[vector<16xi32>], vector<16xf32>,
    %lt3A_1865 = arith.cmpf olt, %gather3A_1864, %get3A_1843 : vector<16xf32>
    %eq3A_1866 = arith.cmpf oeq, %gather3A_1864, %get3A_1843 : vector<16xf32>
    %gt3A_1867 = arith.constant 1 : i32
    %gt3A_1868 = vector.broadcast %gt3A_1867 : i32 to vector<16xi32>
    %gt3A_1869 = arith.cmpi sgt, %iota3A, %gt3A_1868 : vector<16xi32>
    %and3A_1870 = arith.andi %eq3A_1866, %gt3A_1869 : vector<16xi1>
    %or3A_1871 = arith.ori %lt3A_1865, %and3A_1870 : vector<16xi1>
    %jit3A_1872 = arith.constant 1 : i32
    %jit3A_1873 = arith.constant 0 : i32
    %broadcast_in_dim3A_1874 = vector.broadcast %jit3A_1872 : i32 to vector<16xi32>
    %broadcast_in_dim3A_1875 = vector.broadcast %jit3A_1873 : i32 to vector<16xi32>
    %select_n3A_1876 = arith.select %or3A_1871, %broadcast_in_dim3A_1874, %broadcast_in_dim3A_1875 : vector<16xi1>, vector<16xi32>
    %add3A_1877 = arith.addi %add3A_1861, %select_n3A_1876 : vector<16xi32>
    %broadcast_in_dim3A_1878 = arith.constant 114 : i32
    %broadcast_in_dim3A_1879 = vector.broadcast %broadcast_in_dim3A_1878 : i32 to vector<16xi32>
    %gather3A_1880 = tpu.vector_load_idx %arg5[%broadcast_in_dim3A_1879] : memref<128xf32, #tpu.memory_space<vmem>>[vector<16xi32>], vector<16xf32>,
    %lt3A_1881 = arith.cmpf olt, %gather3A_1880, %get3A_1843 : vector<16xf32>
    %eq3A_1882 = arith.cmpf oeq, %gather3A_1880, %get3A_1843 : vector<16xf32>
    %gt3A_1883 = arith.constant 2 : i32
    %gt3A_1884 = vector.broadcast %gt3A_1883 : i32 to vector<16xi32>
    %gt3A_1885 = arith.cmpi sgt, %iota3A, %gt3A_1884 : vector<16xi32>
    %and3A_1886 = arith.andi %eq3A_1882, %gt3A_1885 : vector<16xi1>
    %or3A_1887 = arith.ori %lt3A_1881, %and3A_1886 : vector<16xi1>
    %jit3A_1888 = arith.constant 1 : i32
    %jit3A_1889 = arith.constant 0 : i32
    %broadcast_in_dim3A_1890 = vector.broadcast %jit3A_1888 : i32 to vector<16xi32>
    %broadcast_in_dim3A_1891 = vector.broadcast %jit3A_1889 : i32 to vector<16xi32>
    %select_n3A_1892 = arith.select %or3A_1887, %broadcast_in_dim3A_1890, %broadcast_in_dim3A_1891 : vector<16xi1>, vector<16xi32>
    %add3A_1893 = arith.addi %add3A_1877, %select_n3A_1892 : vector<16xi32>
    %broadcast_in_dim3A_1894 = arith.constant 115 : i32
    %broadcast_in_dim3A_1895 = vector.broadcast %broadcast_in_dim3A_1894 : i32 to vector<16xi32>
    %gather3A_1896 = tpu.vector_load_idx %arg5[%broadcast_in_dim3A_1895] : memref<128xf32, #tpu.memory_space<vmem>>[vector<16xi32>], vector<16xf32>,
    %lt3A_1897 = arith.cmpf olt, %gather3A_1896, %get3A_1843 : vector<16xf32>
    %eq3A_1898 = arith.cmpf oeq, %gather3A_1896, %get3A_1843 : vector<16xf32>
    %gt3A_1899 = arith.constant 3 : i32
    %gt3A_1900 = vector.broadcast %gt3A_1899 : i32 to vector<16xi32>
    %gt3A_1901 = arith.cmpi sgt, %iota3A, %gt3A_1900 : vector<16xi32>
    %and3A_1902 = arith.andi %eq3A_1898, %gt3A_1901 : vector<16xi1>
    %or3A_1903 = arith.ori %lt3A_1897, %and3A_1902 : vector<16xi1>
    %jit3A_1904 = arith.constant 1 : i32
    %jit3A_1905 = arith.constant 0 : i32
    %broadcast_in_dim3A_1906 = vector.broadcast %jit3A_1904 : i32 to vector<16xi32>
    %broadcast_in_dim3A_1907 = vector.broadcast %jit3A_1905 : i32 to vector<16xi32>
    %select_n3A_1908 = arith.select %or3A_1903, %broadcast_in_dim3A_1906, %broadcast_in_dim3A_1907 : vector<16xi1>, vector<16xi32>
    %add3A_1909 = arith.addi %add3A_1893, %select_n3A_1908 : vector<16xi32>
    %broadcast_in_dim3A_1910 = arith.constant 116 : i32
    %broadcast_in_dim3A_1911 = vector.broadcast %broadcast_in_dim3A_1910 : i32 to vector<16xi32>
    %gather3A_1912 = tpu.vector_load_idx %arg5[%broadcast_in_dim3A_1911] : memref<128xf32, #tpu.memory_space<vmem>>[vector<16xi32>], vector<16xf32>,
    %lt3A_1913 = arith.cmpf olt, %gather3A_1912, %get3A_1843 : vector<16xf32>
    %eq3A_1914 = arith.cmpf oeq, %gather3A_1912, %get3A_1843 : vector<16xf32>
    %gt3A_1915 = arith.constant 4 : i32
    %gt3A_1916 = vector.broadcast %gt3A_1915 : i32 to vector<16xi32>
    %gt3A_1917 = arith.cmpi sgt, %iota3A, %gt3A_1916 : vector<16xi32>
    %and3A_1918 = arith.andi %eq3A_1914, %gt3A_1917 : vector<16xi1>
    %or3A_1919 = arith.ori %lt3A_1913, %and3A_1918 : vector<16xi1>
    %jit3A_1920 = arith.constant 1 : i32
    %jit3A_1921 = arith.constant 0 : i32
    %broadcast_in_dim3A_1922 = vector.broadcast %jit3A_1920 : i32 to vector<16xi32>
    %broadcast_in_dim3A_1923 = vector.broadcast %jit3A_1921 : i32 to vector<16xi32>
    %select_n3A_1924 = arith.select %or3A_1919, %broadcast_in_dim3A_1922, %broadcast_in_dim3A_1923 : vector<16xi1>, vector<16xi32>
    %add3A_1925 = arith.addi %add3A_1909, %select_n3A_1924 : vector<16xi32>
    %broadcast_in_dim3A_1926 = arith.constant 117 : i32
    %broadcast_in_dim3A_1927 = vector.broadcast %broadcast_in_dim3A_1926 : i32 to vector<16xi32>
    %gather3A_1928 = tpu.vector_load_idx %arg5[%broadcast_in_dim3A_1927] : memref<128xf32, #tpu.memory_space<vmem>>[vector<16xi32>], vector<16xf32>,
    %lt3A_1929 = arith.cmpf olt, %gather3A_1928, %get3A_1843 : vector<16xf32>
    %eq3A_1930 = arith.cmpf oeq, %gather3A_1928, %get3A_1843 : vector<16xf32>
    %gt3A_1931 = arith.constant 5 : i32
    %gt3A_1932 = vector.broadcast %gt3A_1931 : i32 to vector<16xi32>
    %gt3A_1933 = arith.cmpi sgt, %iota3A, %gt3A_1932 : vector<16xi32>
    %and3A_1934 = arith.andi %eq3A_1930, %gt3A_1933 : vector<16xi1>
    %or3A_1935 = arith.ori %lt3A_1929, %and3A_1934 : vector<16xi1>
    %jit3A_1936 = arith.constant 1 : i32
    %jit3A_1937 = arith.constant 0 : i32
    %broadcast_in_dim3A_1938 = vector.broadcast %jit3A_1936 : i32 to vector<16xi32>
    %broadcast_in_dim3A_1939 = vector.broadcast %jit3A_1937 : i32 to vector<16xi32>
    %select_n3A_1940 = arith.select %or3A_1935, %broadcast_in_dim3A_1938, %broadcast_in_dim3A_1939 : vector<16xi1>, vector<16xi32>
    %add3A_1941 = arith.addi %add3A_1925, %select_n3A_1940 : vector<16xi32>
    %broadcast_in_dim3A_1942 = arith.constant 118 : i32
    %broadcast_in_dim3A_1943 = vector.broadcast %broadcast_in_dim3A_1942 : i32 to vector<16xi32>
    %gather3A_1944 = tpu.vector_load_idx %arg5[%broadcast_in_dim3A_1943] : memref<128xf32, #tpu.memory_space<vmem>>[vector<16xi32>], vector<16xf32>,
    %lt3A_1945 = arith.cmpf olt, %gather3A_1944, %get3A_1843 : vector<16xf32>
    %eq3A_1946 = arith.cmpf oeq, %gather3A_1944, %get3A_1843 : vector<16xf32>
    %gt3A_1947 = arith.constant 6 : i32
    %gt3A_1948 = vector.broadcast %gt3A_1947 : i32 to vector<16xi32>
    %gt3A_1949 = arith.cmpi sgt, %iota3A, %gt3A_1948 : vector<16xi32>
    %and3A_1950 = arith.andi %eq3A_1946, %gt3A_1949 : vector<16xi1>
    %or3A_1951 = arith.ori %lt3A_1945, %and3A_1950 : vector<16xi1>
    %jit3A_1952 = arith.constant 1 : i32
    %jit3A_1953 = arith.constant 0 : i32
    %broadcast_in_dim3A_1954 = vector.broadcast %jit3A_1952 : i32 to vector<16xi32>
    %broadcast_in_dim3A_1955 = vector.broadcast %jit3A_1953 : i32 to vector<16xi32>
    %select_n3A_1956 = arith.select %or3A_1951, %broadcast_in_dim3A_1954, %broadcast_in_dim3A_1955 : vector<16xi1>, vector<16xi32>
    %add3A_1957 = arith.addi %add3A_1941, %select_n3A_1956 : vector<16xi32>
    %broadcast_in_dim3A_1958 = arith.constant 119 : i32
    %broadcast_in_dim3A_1959 = vector.broadcast %broadcast_in_dim3A_1958 : i32 to vector<16xi32>
    %gather3A_1960 = tpu.vector_load_idx %arg5[%broadcast_in_dim3A_1959] : memref<128xf32, #tpu.memory_space<vmem>>[vector<16xi32>], vector<16xf32>,
    %lt3A_1961 = arith.cmpf olt, %gather3A_1960, %get3A_1843 : vector<16xf32>
    %eq3A_1962 = arith.cmpf oeq, %gather3A_1960, %get3A_1843 : vector<16xf32>
    %gt3A_1963 = arith.constant 7 : i32
    %gt3A_1964 = vector.broadcast %gt3A_1963 : i32 to vector<16xi32>
    %gt3A_1965 = arith.cmpi sgt, %iota3A, %gt3A_1964 : vector<16xi32>
    %and3A_1966 = arith.andi %eq3A_1962, %gt3A_1965 : vector<16xi1>
    %or3A_1967 = arith.ori %lt3A_1961, %and3A_1966 : vector<16xi1>
    %jit3A_1968 = arith.constant 1 : i32
    %jit3A_1969 = arith.constant 0 : i32
    %broadcast_in_dim3A_1970 = vector.broadcast %jit3A_1968 : i32 to vector<16xi32>
    %broadcast_in_dim3A_1971 = vector.broadcast %jit3A_1969 : i32 to vector<16xi32>
    %select_n3A_1972 = arith.select %or3A_1967, %broadcast_in_dim3A_1970, %broadcast_in_dim3A_1971 : vector<16xi1>, vector<16xi32>
    %add3A_1973 = arith.addi %add3A_1957, %select_n3A_1972 : vector<16xi32>
    %broadcast_in_dim3A_1974 = arith.constant 120 : i32
    %broadcast_in_dim3A_1975 = vector.broadcast %broadcast_in_dim3A_1974 : i32 to vector<16xi32>
    %gather3A_1976 = tpu.vector_load_idx %arg5[%broadcast_in_dim3A_1975] : memref<128xf32, #tpu.memory_space<vmem>>[vector<16xi32>], vector<16xf32>,
    %lt3A_1977 = arith.cmpf olt, %gather3A_1976, %get3A_1843 : vector<16xf32>
    %eq3A_1978 = arith.cmpf oeq, %gather3A_1976, %get3A_1843 : vector<16xf32>
    %gt3A_1979 = arith.constant 8 : i32
    %gt3A_1980 = vector.broadcast %gt3A_1979 : i32 to vector<16xi32>
    %gt3A_1981 = arith.cmpi sgt, %iota3A, %gt3A_1980 : vector<16xi32>
    %and3A_1982 = arith.andi %eq3A_1978, %gt3A_1981 : vector<16xi1>
    %or3A_1983 = arith.ori %lt3A_1977, %and3A_1982 : vector<16xi1>
    %jit3A_1984 = arith.constant 1 : i32
    %jit3A_1985 = arith.constant 0 : i32
    %broadcast_in_dim3A_1986 = vector.broadcast %jit3A_1984 : i32 to vector<16xi32>
    %broadcast_in_dim3A_1987 = vector.broadcast %jit3A_1985 : i32 to vector<16xi32>
    %select_n3A_1988 = arith.select %or3A_1983, %broadcast_in_dim3A_1986, %broadcast_in_dim3A_1987 : vector<16xi1>, vector<16xi32>
    %add3A_1989 = arith.addi %add3A_1973, %select_n3A_1988 : vector<16xi32>
    %broadcast_in_dim3A_1990 = arith.constant 121 : i32
    %broadcast_in_dim3A_1991 = vector.broadcast %broadcast_in_dim3A_1990 : i32 to vector<16xi32>
    %gather3A_1992 = tpu.vector_load_idx %arg5[%broadcast_in_dim3A_1991] : memref<128xf32, #tpu.memory_space<vmem>>[vector<16xi32>], vector<16xf32>,
    %lt3A_1993 = arith.cmpf olt, %gather3A_1992, %get3A_1843 : vector<16xf32>
    %eq3A_1994 = arith.cmpf oeq, %gather3A_1992, %get3A_1843 : vector<16xf32>
    %gt3A_1995 = arith.constant 9 : i32
    %gt3A_1996 = vector.broadcast %gt3A_1995 : i32 to vector<16xi32>
    %gt3A_1997 = arith.cmpi sgt, %iota3A, %gt3A_1996 : vector<16xi32>
    %and3A_1998 = arith.andi %eq3A_1994, %gt3A_1997 : vector<16xi1>
    %or3A_1999 = arith.ori %lt3A_1993, %and3A_1998 : vector<16xi1>
    %jit3A_2000 = arith.constant 1 : i32
    %jit3A_2001 = arith.constant 0 : i32
    %broadcast_in_dim3A_2002 = vector.broadcast %jit3A_2000 : i32 to vector<16xi32>
    %broadcast_in_dim3A_2003 = vector.broadcast %jit3A_2001 : i32 to vector<16xi32>
    %select_n3A_2004 = arith.select %or3A_1999, %broadcast_in_dim3A_2002, %broadcast_in_dim3A_2003 : vector<16xi1>, vector<16xi32>
    %add3A_2005 = arith.addi %add3A_1989, %select_n3A_2004 : vector<16xi32>
    %broadcast_in_dim3A_2006 = arith.constant 122 : i32
    %broadcast_in_dim3A_2007 = vector.broadcast %broadcast_in_dim3A_2006 : i32 to vector<16xi32>
    %gather3A_2008 = tpu.vector_load_idx %arg5[%broadcast_in_dim3A_2007] : memref<128xf32, #tpu.memory_space<vmem>>[vector<16xi32>], vector<16xf32>,
    %lt3A_2009 = arith.cmpf olt, %gather3A_2008, %get3A_1843 : vector<16xf32>
    %eq3A_2010 = arith.cmpf oeq, %gather3A_2008, %get3A_1843 : vector<16xf32>
    %gt3A_2011 = arith.constant 10 : i32
    %gt3A_2012 = vector.broadcast %gt3A_2011 : i32 to vector<16xi32>
    %gt3A_2013 = arith.cmpi sgt, %iota3A, %gt3A_2012 : vector<16xi32>
    %and3A_2014 = arith.andi %eq3A_2010, %gt3A_2013 : vector<16xi1>
    %or3A_2015 = arith.ori %lt3A_2009, %and3A_2014 : vector<16xi1>
    %jit3A_2016 = arith.constant 1 : i32
    %jit3A_2017 = arith.constant 0 : i32
    %broadcast_in_dim3A_2018 = vector.broadcast %jit3A_2016 : i32 to vector<16xi32>
    %broadcast_in_dim3A_2019 = vector.broadcast %jit3A_2017 : i32 to vector<16xi32>
    %select_n3A_2020 = arith.select %or3A_2015, %broadcast_in_dim3A_2018, %broadcast_in_dim3A_2019 : vector<16xi1>, vector<16xi32>
    %add3A_2021 = arith.addi %add3A_2005, %select_n3A_2020 : vector<16xi32>
    %broadcast_in_dim3A_2022 = arith.constant 123 : i32
    %broadcast_in_dim3A_2023 = vector.broadcast %broadcast_in_dim3A_2022 : i32 to vector<16xi32>
    %gather3A_2024 = tpu.vector_load_idx %arg5[%broadcast_in_dim3A_2023] : memref<128xf32, #tpu.memory_space<vmem>>[vector<16xi32>], vector<16xf32>,
    %lt3A_2025 = arith.cmpf olt, %gather3A_2024, %get3A_1843 : vector<16xf32>
    %eq3A_2026 = arith.cmpf oeq, %gather3A_2024, %get3A_1843 : vector<16xf32>
    %gt3A_2027 = arith.constant 11 : i32
    %gt3A_2028 = vector.broadcast %gt3A_2027 : i32 to vector<16xi32>
    %gt3A_2029 = arith.cmpi sgt, %iota3A, %gt3A_2028 : vector<16xi32>
    %and3A_2030 = arith.andi %eq3A_2026, %gt3A_2029 : vector<16xi1>
    %or3A_2031 = arith.ori %lt3A_2025, %and3A_2030 : vector<16xi1>
    %jit3A_2032 = arith.constant 1 : i32
    %jit3A_2033 = arith.constant 0 : i32
    %broadcast_in_dim3A_2034 = vector.broadcast %jit3A_2032 : i32 to vector<16xi32>
    %broadcast_in_dim3A_2035 = vector.broadcast %jit3A_2033 : i32 to vector<16xi32>
    %select_n3A_2036 = arith.select %or3A_2031, %broadcast_in_dim3A_2034, %broadcast_in_dim3A_2035 : vector<16xi1>, vector<16xi32>
    %add3A_2037 = arith.addi %add3A_2021, %select_n3A_2036 : vector<16xi32>
    %broadcast_in_dim3A_2038 = arith.constant 124 : i32
    %broadcast_in_dim3A_2039 = vector.broadcast %broadcast_in_dim3A_2038 : i32 to vector<16xi32>
    %gather3A_2040 = tpu.vector_load_idx %arg5[%broadcast_in_dim3A_2039] : memref<128xf32, #tpu.memory_space<vmem>>[vector<16xi32>], vector<16xf32>,
    %lt3A_2041 = arith.cmpf olt, %gather3A_2040, %get3A_1843 : vector<16xf32>
    %eq3A_2042 = arith.cmpf oeq, %gather3A_2040, %get3A_1843 : vector<16xf32>
    %gt3A_2043 = arith.constant 12 : i32
    %gt3A_2044 = vector.broadcast %gt3A_2043 : i32 to vector<16xi32>
    %gt3A_2045 = arith.cmpi sgt, %iota3A, %gt3A_2044 : vector<16xi32>
    %and3A_2046 = arith.andi %eq3A_2042, %gt3A_2045 : vector<16xi1>
    %or3A_2047 = arith.ori %lt3A_2041, %and3A_2046 : vector<16xi1>
    %jit3A_2048 = arith.constant 1 : i32
    %jit3A_2049 = arith.constant 0 : i32
    %broadcast_in_dim3A_2050 = vector.broadcast %jit3A_2048 : i32 to vector<16xi32>
    %broadcast_in_dim3A_2051 = vector.broadcast %jit3A_2049 : i32 to vector<16xi32>
    %select_n3A_2052 = arith.select %or3A_2047, %broadcast_in_dim3A_2050, %broadcast_in_dim3A_2051 : vector<16xi1>, vector<16xi32>
    %add3A_2053 = arith.addi %add3A_2037, %select_n3A_2052 : vector<16xi32>
    %broadcast_in_dim3A_2054 = arith.constant 125 : i32
    %broadcast_in_dim3A_2055 = vector.broadcast %broadcast_in_dim3A_2054 : i32 to vector<16xi32>
    %gather3A_2056 = tpu.vector_load_idx %arg5[%broadcast_in_dim3A_2055] : memref<128xf32, #tpu.memory_space<vmem>>[vector<16xi32>], vector<16xf32>,
    %lt3A_2057 = arith.cmpf olt, %gather3A_2056, %get3A_1843 : vector<16xf32>
    %eq3A_2058 = arith.cmpf oeq, %gather3A_2056, %get3A_1843 : vector<16xf32>
    %gt3A_2059 = arith.constant 13 : i32
    %gt3A_2060 = vector.broadcast %gt3A_2059 : i32 to vector<16xi32>
    %gt3A_2061 = arith.cmpi sgt, %iota3A, %gt3A_2060 : vector<16xi32>
    %and3A_2062 = arith.andi %eq3A_2058, %gt3A_2061 : vector<16xi1>
    %or3A_2063 = arith.ori %lt3A_2057, %and3A_2062 : vector<16xi1>
    %jit3A_2064 = arith.constant 1 : i32
    %jit3A_2065 = arith.constant 0 : i32
    %broadcast_in_dim3A_2066 = vector.broadcast %jit3A_2064 : i32 to vector<16xi32>
    %broadcast_in_dim3A_2067 = vector.broadcast %jit3A_2065 : i32 to vector<16xi32>
    %select_n3A_2068 = arith.select %or3A_2063, %broadcast_in_dim3A_2066, %broadcast_in_dim3A_2067 : vector<16xi1>, vector<16xi32>
    %add3A_2069 = arith.addi %add3A_2053, %select_n3A_2068 : vector<16xi32>
    %broadcast_in_dim3A_2070 = arith.constant 126 : i32
    %broadcast_in_dim3A_2071 = vector.broadcast %broadcast_in_dim3A_2070 : i32 to vector<16xi32>
    %gather3A_2072 = tpu.vector_load_idx %arg5[%broadcast_in_dim3A_2071] : memref<128xf32, #tpu.memory_space<vmem>>[vector<16xi32>], vector<16xf32>,
    %lt3A_2073 = arith.cmpf olt, %gather3A_2072, %get3A_1843 : vector<16xf32>
    %eq3A_2074 = arith.cmpf oeq, %gather3A_2072, %get3A_1843 : vector<16xf32>
    %gt3A_2075 = arith.constant 14 : i32
    %gt3A_2076 = vector.broadcast %gt3A_2075 : i32 to vector<16xi32>
    %gt3A_2077 = arith.cmpi sgt, %iota3A, %gt3A_2076 : vector<16xi32>
    %and3A_2078 = arith.andi %eq3A_2074, %gt3A_2077 : vector<16xi1>
    %or3A_2079 = arith.ori %lt3A_2073, %and3A_2078 : vector<16xi1>
    %jit3A_2080 = arith.constant 1 : i32
    %jit3A_2081 = arith.constant 0 : i32
    %broadcast_in_dim3A_2082 = vector.broadcast %jit3A_2080 : i32 to vector<16xi32>
    %broadcast_in_dim3A_2083 = vector.broadcast %jit3A_2081 : i32 to vector<16xi32>
    %select_n3A_2084 = arith.select %or3A_2079, %broadcast_in_dim3A_2082, %broadcast_in_dim3A_2083 : vector<16xi1>, vector<16xi32>
    %add3A_2085 = arith.addi %add3A_2069, %select_n3A_2084 : vector<16xi32>
    %lt3A_2086 = arith.constant 8 : i32
    %lt3A_2087 = vector.broadcast %lt3A_2086 : i32 to vector<16xi32>
    %lt3A_2088 = arith.cmpi slt, %add3A_2085, %lt3A_2087 : vector<16xi32>
    tpu.vector_store_idx %arg6[%add3A_2085], %iota3A masked %lt3A_2088 : memref<16xi32, #tpu.memory_space<vmem>>[vector<16xi32>], vector<16xi32>, vector<16xi1>
    tpu.vector_store_idx %arg7[%add3A_2085], %get3A_1843 masked %lt3A_2088 : memref<16xf32, #tpu.memory_space<vmem>>[vector<16xi32>], vector<16xf32>, vector<16xi1>
    %and3A_2089 = arith.constant 7 : i32
    %and3A_2090 = vector.broadcast %and3A_2089 : i32 to vector<16xi32>
    %and3A_2091 = arith.andi %iota3A, %and3A_2090 : vector<16xi32>
    %gather3A_2092 = tpu.vector_load_idx %arg6[%and3A_2091] : memref<16xi32, #tpu.memory_space<vmem>>[vector<16xi32>], vector<16xi32>,
    %gather3A_2093 = tpu.vector_load_idx %arg7[%and3A_2091] : memref<16xf32, #tpu.memory_space<vmem>>[vector<16xi32>], vector<16xf32>,
    %ge3A_2094 = arith.constant 8 : i32
    %ge3A_2095 = vector.broadcast %ge3A_2094 : i32 to vector<16xi32>
    %ge3A_2096 = arith.cmpi sge, %iota3A, %ge3A_2095 : vector<16xi32>
    %jit3A_2097 = arith.constant 15 : i32
    %jit3A_2098 = arith.constant 0 : i32
    %broadcast_in_dim3A_2099 = vector.broadcast %jit3A_2097 : i32 to vector<16xi32>
    %broadcast_in_dim3A_2100 = vector.broadcast %jit3A_2098 : i32 to vector<16xi32>
    %select_n3A_2101 = arith.select %ge3A_2096, %broadcast_in_dim3A_2099, %broadcast_in_dim3A_2100 : vector<16xi1>, vector<16xi32>
    %add3A_2102 = arith.addi %gather3A_2092, %select_n3A_2101 : vector<16xi32>
    %swap3A_2103 = arith.constant 112 : index
    %swap3A_2104 = tpu.vector_load %arg8[%swap3A_2103] {strides = array<i32>} : memref<128xi32, #tpu.memory_space<vmem>>, vector<16xi32>,
    tpu.vector_store %arg8[%swap3A_2103], %add3A_2102 {strides = array<i32>} : memref<128xi32, #tpu.memory_space<vmem>>, vector<16xi32>,
    %swap3A_2105 = arith.constant 112 : index
    %swap3A_2106 = tpu.vector_load %arg9[%swap3A_2105] {strides = array<i32>} : memref<128xf32, #tpu.memory_space<vmem>>, vector<16xf32>,
    tpu.vector_store %arg9[%swap3A_2105], %gather3A_2093 {strides = array<i32>} : memref<128xf32, #tpu.memory_space<vmem>>, vector<16xf32>,
    %mul3A = arith.constant 2 : i32
    %mul3A_2107 = arith.muli %arg1, %mul3A : i32
    %add3A_2108 = arith.addi %mul3A_2107, %arg0 : i32
    %scan3A = arith.constant 0 : i32
    %scan3A_2109 = arith.constant 0 : i32
    %scan3A_2110 = arith.constant 24 : i32
    %scan3A_2111 = arith.addi %scan3A_2109, %scan3A_2110 : i32
    %scan3A_2112 = arith.constant 1 : i32
    %scan3A_2113 = scf.for %scan3A_2115 = %scan3A_2109 to %scan3A_2111 step %scan3A_2112 iter_args(%scan3A_2116 = %scan3A) -> (i32)  : i32 {
      %mul3A_2117 = arith.constant 24 : i32
      %mul3A_2118 = arith.muli %add3A_2108, %mul3A_2117 : i32
      %add3A_2119 = arith.addi %mul3A_2118, %scan3A_2115 : i32
      %jit3A_2120 = arith.constant 192 : i32
      %div3A = arith.divsi %add3A_2119, %jit3A_2120 : i32
      %sign3A = arith.constant 0 : i32
      %sign3A_2121 = arith.cmpi sgt, %add3A_2119, %sign3A : i32
      %sign3A_2122 = arith.extui %sign3A_2121 : i1 to i32
      %sign3A_2123 = arith.constant 0 : i32
      %sign3A_2124 = arith.cmpi slt, %add3A_2119, %sign3A_2123 : i32
      %sign3A_2125 = arith.extui %sign3A_2124 : i1 to i32
      %sign3A_2126 = arith.subi %sign3A_2122, %sign3A_2125 : i32
      %sign3A_2127 = arith.constant 0 : i32
      %sign3A_2128 = arith.cmpi sgt, %jit3A_2120, %sign3A_2127 : i32
      %sign3A_2129 = arith.extui %sign3A_2128 : i1 to i32
      %sign3A_2130 = arith.constant 0 : i32
      %sign3A_2131 = arith.cmpi slt, %jit3A_2120, %sign3A_2130 : i32
      %sign3A_2132 = arith.extui %sign3A_2131 : i1 to i32
      %sign3A_2133 = arith.subi %sign3A_2129, %sign3A_2132 : i32
      %ne3A = arith.cmpi ne, %sign3A_2126, %sign3A_2133 : i32
      %rem3A = arith.remsi %add3A_2119, %jit3A_2120 : i32
      %ne3A_2134 = arith.constant 0 : i32
      %ne3A_2135 = arith.cmpi ne, %rem3A, %ne3A_2134 : i32
      %and3A_2136 = arith.andi %ne3A, %ne3A_2135 : i1
      %sub3A = arith.constant 1 : i32
      %sub3A_2137 = arith.subi %div3A, %sub3A : i32
      %select_n3A_2138 = arith.select %and3A_2136, %sub3A_2137, %div3A : i32
      %mul3A_2139 = arith.constant 192 : i32
      %mul3A_2140 = arith.muli %select_n3A_2138, %mul3A_2139 : i32
      %sub3A_2141 = arith.subi %add3A_2119, %mul3A_2140 : i32
      "tpu.region"() ({
        %run_scoped3A = tpu.sem_alloc : memref<!tpu.dma_semaphore, #tpu.memory_space<semaphore_mem>>
        %dma_start3A_2469 = arith.constant 0 : i32
        %dma_start3A_2470 = tpu.memref_slice %arg2[%add3A_2119, %dma_start3A_2469] : memref<768x7680xf32, #tpu.memory_space<hbm>> -> memref<1x7680xf32, #tpu.memory_space<hbm>>
        %dma_start3A_2471 = tpu.memref_squeeze %dma_start3A_2470 : memref<1x7680xf32, #tpu.memory_space<hbm>> -> memref<7680xf32, #tpu.memory_space<hbm>>
        %dma_start3A_2472 = arith.constant 0 : i32
        %dma_start3A_2473 = tpu.memref_slice %arg2[%add3A_2119, %dma_start3A_2472] : memref<768x7680xf32, #tpu.memory_space<hbm>> -> memref<1x7680xf32, #tpu.memory_space<hbm>>
        %dma_start3A_2474 = tpu.memref_squeeze %dma_start3A_2473 : memref<1x7680xf32, #tpu.memory_space<hbm>> -> memref<7680xf32, #tpu.memory_space<hbm>>
        tpu.enqueue_dma source(%dma_start3A_2474 : memref<7680xf32, #tpu.memory_space<hbm>>) target(%arg10 : memref<7680xf32, #tpu.memory_space<vmem>>) target_semaphore(%run_scoped3A : memref<!tpu.dma_semaphore, #tpu.memory_space<semaphore_mem>>)
        %dma_wait3A_2475 = arith.constant 0 : i32
        %dma_wait3A_2476 = tpu.memref_slice %arg2[%add3A_2119, %dma_wait3A_2475] : memref<768x7680xf32, #tpu.memory_space<hbm>> -> memref<1x7680xf32, #tpu.memory_space<hbm>>
        %dma_wait3A_2477 = tpu.memref_squeeze %dma_wait3A_2476 : memref<1x7680xf32, #tpu.memory_space<hbm>> -> memref<7680xf32, #tpu.memory_space<hbm>>
        %dma_wait3A_2478 = arith.constant 0 : i32
        %dma_wait3A_2479 = tpu.memref_slice %arg2[%add3A_2119, %dma_wait3A_2478] : memref<768x7680xf32, #tpu.memory_space<hbm>> -> memref<1x7680xf32, #tpu.memory_space<hbm>>
        %dma_wait3A_2480 = tpu.memref_squeeze %dma_wait3A_2479 : memref<1x7680xf32, #tpu.memory_space<hbm>> -> memref<7680xf32, #tpu.memory_space<hbm>>
        tpu.wait_dma2 semaphore(%run_scoped3A : memref<!tpu.dma_semaphore, #tpu.memory_space<semaphore_mem>>) src(%dma_wait3A_2480 : memref<7680xf32, #tpu.memory_space<hbm>>) dst(%arg10 : memref<7680xf32, #tpu.memory_space<vmem>>)
        tpu.yield
      }) : () -> ()
      %get3A_2142 = arith.constant 0 : index
      %get3A_2143 = tpu.vector_load %arg8[%get3A_2142] {strides = array<i32>} : memref<128xi32, #tpu.memory_space<vmem>>, vector<16xi32>,
      %get3A_2144 = arith.constant 0 : index
      %get3A_2145 = tpu.vector_load %arg9[%get3A_2144] {strides = array<i32>} : memref<128xf32, #tpu.memory_space<vmem>>, vector<16xf32>,
      %scan3A_2146 = arith.constant 0 : i32
      %scan3A_2147 = arith.constant 256 : i32
      %scan3A_2148 = arith.addi %scan3A_2146, %scan3A_2147 : i32
      %scan3A_2149 = arith.constant 4 : i32
      %scan3A_2150 = scf.for %scan3A_2469 = %scan3A_2146 to %scan3A_2148 step %scan3A_2149 iter_args(%scan3A_2470 = %get3A_2143) -> (vector<16xi32>)  : i32 {
        %gather3A_2471 = tpu.vector_load_idx %arg10[%scan3A_2470] : memref<7680xf32, #tpu.memory_space<vmem>>[vector<16xi32>], vector<16xf32>,
        %mul3A_2472 = arith.mulf %gather3A_2471, %get3A_2145 : vector<16xf32>
        %mul3A_2473 = arith.constant 16 : i32
        %mul3A_2474 = arith.muli %scan3A_2469, %mul3A_2473 : i32
        %swap3A_2475 = arith.constant 0 : i32
        %swap3A_2476 = arith.index_cast %swap3A_2475 : i32 to index
        %swap3A_2477 = arith.index_cast %mul3A_2474 : i32 to index
        %swap3A_2478 = tpu.vector_load %arg11[%swap3A_2476, %swap3A_2477] {strides = array<i32>} : memref<8x4096xf32, #tpu.memory_space<vmem>>, vector<16xf32>,
        tpu.vector_store %arg11[%swap3A_2476, %swap3A_2477], %mul3A_2472 {strides = array<i32>} : memref<8x4096xf32, #tpu.memory_space<vmem>>, vector<16xf32>,
        %add3A_2479 = arith.constant 30 : i32
        %add3A_2480 = vector.broadcast %add3A_2479 : i32 to vector<16xi32>
        %add3A_2481 = arith.addi %scan3A_2470, %add3A_2480 : vector<16xi32>
        %scan3A_2482 = arith.constant 1 : i32
        %scan3A_2483 = arith.addi %scan3A_2469, %scan3A_2482 : i32
        %gather3A_2484 = tpu.vector_load_idx %arg10[%add3A_2481] : memref<7680xf32, #tpu.memory_space<vmem>>[vector<16xi32>], vector<16xf32>,
        %mul3A_2485 = arith.mulf %gather3A_2484, %get3A_2145 : vector<16xf32>
        %mul3A_2486 = arith.constant 16 : i32
        %mul3A_2487 = arith.muli %scan3A_2483, %mul3A_2486 : i32
        %swap3A_2488 = arith.constant 0 : i32
        %swap3A_2489 = arith.index_cast %swap3A_2488 : i32 to index
        %swap3A_2490 = arith.index_cast %mul3A_2487 : i32 to index
        %swap3A_2491 = tpu.vector_load %arg11[%swap3A_2489, %swap3A_2490] {strides = array<i32>} : memref<8x4096xf32, #tpu.memory_space<vmem>>, vector<16xf32>,
        tpu.vector_store %arg11[%swap3A_2489, %swap3A_2490], %mul3A_2485 {strides = array<i32>} : memref<8x4096xf32, #tpu.memory_space<vmem>>, vector<16xf32>,
        %add3A_2492 = arith.constant 30 : i32
        %add3A_2493 = vector.broadcast %add3A_2492 : i32 to vector<16xi32>
        %add3A_2494 = arith.addi %add3A_2481, %add3A_2493 : vector<16xi32>
        %scan3A_2495 = arith.constant 2 : i32
        %scan3A_2496 = arith.addi %scan3A_2469, %scan3A_2495 : i32
        %gather3A_2497 = tpu.vector_load_idx %arg10[%add3A_2494] : memref<7680xf32, #tpu.memory_space<vmem>>[vector<16xi32>], vector<16xf32>,
        %mul3A_2498 = arith.mulf %gather3A_2497, %get3A_2145 : vector<16xf32>
        %mul3A_2499 = arith.constant 16 : i32
        %mul3A_2500 = arith.muli %scan3A_2496, %mul3A_2499 : i32
        %swap3A_2501 = arith.constant 0 : i32
        %swap3A_2502 = arith.index_cast %swap3A_2501 : i32 to index
        %swap3A_2503 = arith.index_cast %mul3A_2500 : i32 to index
        %swap3A_2504 = tpu.vector_load %arg11[%swap3A_2502, %swap3A_2503] {strides = array<i32>} : memref<8x4096xf32, #tpu.memory_space<vmem>>, vector<16xf32>,
        tpu.vector_store %arg11[%swap3A_2502, %swap3A_2503], %mul3A_2498 {strides = array<i32>} : memref<8x4096xf32, #tpu.memory_space<vmem>>, vector<16xf32>,
        %add3A_2505 = arith.constant 30 : i32
        %add3A_2506 = vector.broadcast %add3A_2505 : i32 to vector<16xi32>
        %add3A_2507 = arith.addi %add3A_2494, %add3A_2506 : vector<16xi32>
        %scan3A_2508 = arith.constant 3 : i32
        %scan3A_2509 = arith.addi %scan3A_2469, %scan3A_2508 : i32
        %gather3A_2510 = tpu.vector_load_idx %arg10[%add3A_2507] : memref<7680xf32, #tpu.memory_space<vmem>>[vector<16xi32>], vector<16xf32>,
        %mul3A_2511 = arith.mulf %gather3A_2510, %get3A_2145 : vector<16xf32>
        %mul3A_2512 = arith.constant 16 : i32
        %mul3A_2513 = arith.muli %scan3A_2509, %mul3A_2512 : i32
        %swap3A_2514 = arith.constant 0 : i32
        %swap3A_2515 = arith.index_cast %swap3A_2514 : i32 to index
        %swap3A_2516 = arith.index_cast %mul3A_2513 : i32 to index
        %swap3A_2517 = tpu.vector_load %arg11[%swap3A_2515, %swap3A_2516] {strides = array<i32>} : memref<8x4096xf32, #tpu.memory_space<vmem>>, vector<16xf32>,
        tpu.vector_store %arg11[%swap3A_2515, %swap3A_2516], %mul3A_2511 {strides = array<i32>} : memref<8x4096xf32, #tpu.memory_space<vmem>>, vector<16xf32>,
        %add3A_2518 = arith.constant 30 : i32
        %add3A_2519 = vector.broadcast %add3A_2518 : i32 to vector<16xi32>
        %add3A_2520 = arith.addi %add3A_2507, %add3A_2519 : vector<16xi32>
        scf.yield %add3A_2520 : vector<16xi32>
      }
      %scan3A_2151 = arith.constant 256 : i32
      %mul3A_2152 = arith.constant 1536 : i32
      %mul3A_2153 = arith.muli %select_n3A_2138, %mul3A_2152 : i32
      %add3A_2154 = arith.constant 0 : i32
      %add3A_2155 = arith.addi %mul3A_2153, %add3A_2154 : i32
      %add3A_2156 = arith.addi %add3A_2155, %sub3A_2141 : i32
      %dma_start3A = arith.constant 0 : i32
      %dma_start3A_2157 = arith.constant 0 : i32
      %dma_start3A_2158 = tpu.memref_slice %arg11[%dma_start3A, %dma_start3A_2157] : memref<8x4096xf32, #tpu.memory_space<vmem>> -> memref<1x4096xf32, #tpu.memory_space<vmem>>
      %dma_start3A_2159 = tpu.memref_squeeze %dma_start3A_2158 : memref<1x4096xf32, #tpu.memory_space<vmem>> -> memref<4096xf32, #tpu.memory_space<vmem>>
      %dma_start3A_2160 = arith.constant 0 : i32
      %dma_start3A_2161 = tpu.memref_slice %arg4[%add3A_2156, %dma_start3A_2160] : memref<6144x4096xf32, #tpu.memory_space<hbm>> -> memref<1x4096xf32, #tpu.memory_space<hbm>>
      %dma_start3A_2162 = tpu.memref_squeeze %dma_start3A_2161 : memref<1x4096xf32, #tpu.memory_space<hbm>> -> memref<4096xf32, #tpu.memory_space<hbm>>
      %dma_start3A_2163 = arith.constant 0 : i32
      %dma_start3A_2164 = tpu.memref_slice %arg4[%add3A_2156, %dma_start3A_2163] : memref<6144x4096xf32, #tpu.memory_space<hbm>> -> memref<1x4096xf32, #tpu.memory_space<hbm>>
      %dma_start3A_2165 = tpu.memref_squeeze %dma_start3A_2164 : memref<1x4096xf32, #tpu.memory_space<hbm>> -> memref<4096xf32, #tpu.memory_space<hbm>>
      %dma_start3A_2166 = arith.constant 0 : i32
      %dma_start3A_2167 = tpu.memref_slice %arg11[%dma_start3A, %dma_start3A_2166] : memref<8x4096xf32, #tpu.memory_space<vmem>> -> memref<1x4096xf32, #tpu.memory_space<vmem>>
      %dma_start3A_2168 = tpu.memref_squeeze %dma_start3A_2167 : memref<1x4096xf32, #tpu.memory_space<vmem>> -> memref<4096xf32, #tpu.memory_space<vmem>>
      tpu.enqueue_dma source(%dma_start3A_2168 : memref<4096xf32, #tpu.memory_space<vmem>>) target(%dma_start3A_2165 : memref<4096xf32, #tpu.memory_space<hbm>>) target_semaphore(%arg12 : memref<!tpu.dma_semaphore, #tpu.memory_space<semaphore_mem>>)
      %get3A_2169 = arith.constant 16 : index
      %get3A_2170 = tpu.vector_load %arg8[%get3A_2169] {strides = array<i32>} : memref<128xi32, #tpu.memory_space<vmem>>, vector<16xi32>,
      %get3A_2171 = arith.constant 16 : index
      %get3A_2172 = tpu.vector_load %arg9[%get3A_2171] {strides = array<i32>} : memref<128xf32, #tpu.memory_space<vmem>>, vector<16xf32>,
      %scan3A_2173 = arith.constant 0 : i32
      %scan3A_2174 = arith.constant 256 : i32
      %scan3A_2175 = arith.addi %scan3A_2173, %scan3A_2174 : i32
      %scan3A_2176 = arith.constant 4 : i32
      %scan3A_2177 = scf.for %scan3A_2469 = %scan3A_2173 to %scan3A_2175 step %scan3A_2176 iter_args(%scan3A_2470 = %get3A_2170) -> (vector<16xi32>)  : i32 {
        %gather3A_2471 = tpu.vector_load_idx %arg10[%scan3A_2470] : memref<7680xf32, #tpu.memory_space<vmem>>[vector<16xi32>], vector<16xf32>,
        %mul3A_2472 = arith.mulf %gather3A_2471, %get3A_2172 : vector<16xf32>
        %mul3A_2473 = arith.constant 16 : i32
        %mul3A_2474 = arith.muli %scan3A_2469, %mul3A_2473 : i32
        %swap3A_2475 = arith.constant 1 : i32
        %swap3A_2476 = arith.index_cast %swap3A_2475 : i32 to index
        %swap3A_2477 = arith.index_cast %mul3A_2474 : i32 to index
        %swap3A_2478 = tpu.vector_load %arg11[%swap3A_2476, %swap3A_2477] {strides = array<i32>} : memref<8x4096xf32, #tpu.memory_space<vmem>>, vector<16xf32>,
        tpu.vector_store %arg11[%swap3A_2476, %swap3A_2477], %mul3A_2472 {strides = array<i32>} : memref<8x4096xf32, #tpu.memory_space<vmem>>, vector<16xf32>,
        %add3A_2479 = arith.constant 30 : i32
        %add3A_2480 = vector.broadcast %add3A_2479 : i32 to vector<16xi32>
        %add3A_2481 = arith.addi %scan3A_2470, %add3A_2480 : vector<16xi32>
        %scan3A_2482 = arith.constant 1 : i32
        %scan3A_2483 = arith.addi %scan3A_2469, %scan3A_2482 : i32
        %gather3A_2484 = tpu.vector_load_idx %arg10[%add3A_2481] : memref<7680xf32, #tpu.memory_space<vmem>>[vector<16xi32>], vector<16xf32>,
        %mul3A_2485 = arith.mulf %gather3A_2484, %get3A_2172 : vector<16xf32>
        %mul3A_2486 = arith.constant 16 : i32
        %mul3A_2487 = arith.muli %scan3A_2483, %mul3A_2486 : i32
        %swap3A_2488 = arith.constant 1 : i32
        %swap3A_2489 = arith.index_cast %swap3A_2488 : i32 to index
        %swap3A_2490 = arith.index_cast %mul3A_2487 : i32 to index
        %swap3A_2491 = tpu.vector_load %arg11[%swap3A_2489, %swap3A_2490] {strides = array<i32>} : memref<8x4096xf32, #tpu.memory_space<vmem>>, vector<16xf32>,
        tpu.vector_store %arg11[%swap3A_2489, %swap3A_2490], %mul3A_2485 {strides = array<i32>} : memref<8x4096xf32, #tpu.memory_space<vmem>>, vector<16xf32>,
        %add3A_2492 = arith.constant 30 : i32
        %add3A_2493 = vector.broadcast %add3A_2492 : i32 to vector<16xi32>
        %add3A_2494 = arith.addi %add3A_2481, %add3A_2493 : vector<16xi32>
        %scan3A_2495 = arith.constant 2 : i32
        %scan3A_2496 = arith.addi %scan3A_2469, %scan3A_2495 : i32
        %gather3A_2497 = tpu.vector_load_idx %arg10[%add3A_2494] : memref<7680xf32, #tpu.memory_space<vmem>>[vector<16xi32>], vector<16xf32>,
        %mul3A_2498 = arith.mulf %gather3A_2497, %get3A_2172 : vector<16xf32>
        %mul3A_2499 = arith.constant 16 : i32
        %mul3A_2500 = arith.muli %scan3A_2496, %mul3A_2499 : i32
        %swap3A_2501 = arith.constant 1 : i32
        %swap3A_2502 = arith.index_cast %swap3A_2501 : i32 to index
        %swap3A_2503 = arith.index_cast %mul3A_2500 : i32 to index
        %swap3A_2504 = tpu.vector_load %arg11[%swap3A_2502, %swap3A_2503] {strides = array<i32>} : memref<8x4096xf32, #tpu.memory_space<vmem>>, vector<16xf32>,
        tpu.vector_store %arg11[%swap3A_2502, %swap3A_2503], %mul3A_2498 {strides = array<i32>} : memref<8x4096xf32, #tpu.memory_space<vmem>>, vector<16xf32>,
        %add3A_2505 = arith.constant 30 : i32
        %add3A_2506 = vector.broadcast %add3A_2505 : i32 to vector<16xi32>
        %add3A_2507 = arith.addi %add3A_2494, %add3A_2506 : vector<16xi32>
        %scan3A_2508 = arith.constant 3 : i32
        %scan3A_2509 = arith.addi %scan3A_2469, %scan3A_2508 : i32
        %gather3A_2510 = tpu.vector_load_idx %arg10[%add3A_2507] : memref<7680xf32, #tpu.memory_space<vmem>>[vector<16xi32>], vector<16xf32>,
        %mul3A_2511 = arith.mulf %gather3A_2510, %get3A_2172 : vector<16xf32>
        %mul3A_2512 = arith.constant 16 : i32
        %mul3A_2513 = arith.muli %scan3A_2509, %mul3A_2512 : i32
        %swap3A_2514 = arith.constant 1 : i32
        %swap3A_2515 = arith.index_cast %swap3A_2514 : i32 to index
        %swap3A_2516 = arith.index_cast %mul3A_2513 : i32 to index
        %swap3A_2517 = tpu.vector_load %arg11[%swap3A_2515, %swap3A_2516] {strides = array<i32>} : memref<8x4096xf32, #tpu.memory_space<vmem>>, vector<16xf32>,
        tpu.vector_store %arg11[%swap3A_2515, %swap3A_2516], %mul3A_2511 {strides = array<i32>} : memref<8x4096xf32, #tpu.memory_space<vmem>>, vector<16xf32>,
        %add3A_2518 = arith.constant 30 : i32
        %add3A_2519 = vector.broadcast %add3A_2518 : i32 to vector<16xi32>
        %add3A_2520 = arith.addi %add3A_2507, %add3A_2519 : vector<16xi32>
        scf.yield %add3A_2520 : vector<16xi32>
      }
      %scan3A_2178 = arith.constant 256 : i32
      %mul3A_2179 = arith.constant 1536 : i32
      %mul3A_2180 = arith.muli %select_n3A_2138, %mul3A_2179 : i32
      %add3A_2181 = arith.constant 192 : i32
      %add3A_2182 = arith.addi %mul3A_2180, %add3A_2181 : i32
      %add3A_2183 = arith.addi %add3A_2182, %sub3A_2141 : i32
      %dma_start3A_2184 = arith.constant 1 : i32
      %dma_start3A_2185 = arith.constant 0 : i32
      %dma_start3A_2186 = tpu.memref_slice %arg11[%dma_start3A_2184, %dma_start3A_2185] : memref<8x4096xf32, #tpu.memory_space<vmem>> -> memref<1x4096xf32, #tpu.memory_space<vmem>>
      %dma_start3A_2187 = tpu.memref_squeeze %dma_start3A_2186 : memref<1x4096xf32, #tpu.memory_space<vmem>> -> memref<4096xf32, #tpu.memory_space<vmem>>
      %dma_start3A_2188 = arith.constant 0 : i32
      %dma_start3A_2189 = tpu.memref_slice %arg4[%add3A_2183, %dma_start3A_2188] : memref<6144x4096xf32, #tpu.memory_space<hbm>> -> memref<1x4096xf32, #tpu.memory_space<hbm>>
      %dma_start3A_2190 = tpu.memref_squeeze %dma_start3A_2189 : memref<1x4096xf32, #tpu.memory_space<hbm>> -> memref<4096xf32, #tpu.memory_space<hbm>>
      %dma_start3A_2191 = arith.constant 0 : i32
      %dma_start3A_2192 = tpu.memref_slice %arg4[%add3A_2183, %dma_start3A_2191] : memref<6144x4096xf32, #tpu.memory_space<hbm>> -> memref<1x4096xf32, #tpu.memory_space<hbm>>
      %dma_start3A_2193 = tpu.memref_squeeze %dma_start3A_2192 : memref<1x4096xf32, #tpu.memory_space<hbm>> -> memref<4096xf32, #tpu.memory_space<hbm>>
      %dma_start3A_2194 = arith.constant 0 : i32
      %dma_start3A_2195 = tpu.memref_slice %arg11[%dma_start3A_2184, %dma_start3A_2194] : memref<8x4096xf32, #tpu.memory_space<vmem>> -> memref<1x4096xf32, #tpu.memory_space<vmem>>
      %dma_start3A_2196 = tpu.memref_squeeze %dma_start3A_2195 : memref<1x4096xf32, #tpu.memory_space<vmem>> -> memref<4096xf32, #tpu.memory_space<vmem>>
      tpu.enqueue_dma source(%dma_start3A_2196 : memref<4096xf32, #tpu.memory_space<vmem>>) target(%dma_start3A_2193 : memref<4096xf32, #tpu.memory_space<hbm>>) target_semaphore(%arg12 : memref<!tpu.dma_semaphore, #tpu.memory_space<semaphore_mem>>)
      %get3A_2197 = arith.constant 32 : index
      %get3A_2198 = tpu.vector_load %arg8[%get3A_2197] {strides = array<i32>} : memref<128xi32, #tpu.memory_space<vmem>>, vector<16xi32>,
      %get3A_2199 = arith.constant 32 : index
      %get3A_2200 = tpu.vector_load %arg9[%get3A_2199] {strides = array<i32>} : memref<128xf32, #tpu.memory_space<vmem>>, vector<16xf32>,
      %scan3A_2201 = arith.constant 0 : i32
      %scan3A_2202 = arith.constant 256 : i32
      %scan3A_2203 = arith.addi %scan3A_2201, %scan3A_2202 : i32
      %scan3A_2204 = arith.constant 4 : i32
      %scan3A_2205 = scf.for %scan3A_2469 = %scan3A_2201 to %scan3A_2203 step %scan3A_2204 iter_args(%scan3A_2470 = %get3A_2198) -> (vector<16xi32>)  : i32 {
        %gather3A_2471 = tpu.vector_load_idx %arg10[%scan3A_2470] : memref<7680xf32, #tpu.memory_space<vmem>>[vector<16xi32>], vector<16xf32>,
        %mul3A_2472 = arith.mulf %gather3A_2471, %get3A_2200 : vector<16xf32>
        %mul3A_2473 = arith.constant 16 : i32
        %mul3A_2474 = arith.muli %scan3A_2469, %mul3A_2473 : i32
        %swap3A_2475 = arith.constant 2 : i32
        %swap3A_2476 = arith.index_cast %swap3A_2475 : i32 to index
        %swap3A_2477 = arith.index_cast %mul3A_2474 : i32 to index
        %swap3A_2478 = tpu.vector_load %arg11[%swap3A_2476, %swap3A_2477] {strides = array<i32>} : memref<8x4096xf32, #tpu.memory_space<vmem>>, vector<16xf32>,
        tpu.vector_store %arg11[%swap3A_2476, %swap3A_2477], %mul3A_2472 {strides = array<i32>} : memref<8x4096xf32, #tpu.memory_space<vmem>>, vector<16xf32>,
        %add3A_2479 = arith.constant 30 : i32
        %add3A_2480 = vector.broadcast %add3A_2479 : i32 to vector<16xi32>
        %add3A_2481 = arith.addi %scan3A_2470, %add3A_2480 : vector<16xi32>
        %scan3A_2482 = arith.constant 1 : i32
        %scan3A_2483 = arith.addi %scan3A_2469, %scan3A_2482 : i32
        %gather3A_2484 = tpu.vector_load_idx %arg10[%add3A_2481] : memref<7680xf32, #tpu.memory_space<vmem>>[vector<16xi32>], vector<16xf32>,
        %mul3A_2485 = arith.mulf %gather3A_2484, %get3A_2200 : vector<16xf32>
        %mul3A_2486 = arith.constant 16 : i32
        %mul3A_2487 = arith.muli %scan3A_2483, %mul3A_2486 : i32
        %swap3A_2488 = arith.constant 2 : i32
        %swap3A_2489 = arith.index_cast %swap3A_2488 : i32 to index
        %swap3A_2490 = arith.index_cast %mul3A_2487 : i32 to index
        %swap3A_2491 = tpu.vector_load %arg11[%swap3A_2489, %swap3A_2490] {strides = array<i32>} : memref<8x4096xf32, #tpu.memory_space<vmem>>, vector<16xf32>,
        tpu.vector_store %arg11[%swap3A_2489, %swap3A_2490], %mul3A_2485 {strides = array<i32>} : memref<8x4096xf32, #tpu.memory_space<vmem>>, vector<16xf32>,
        %add3A_2492 = arith.constant 30 : i32
        %add3A_2493 = vector.broadcast %add3A_2492 : i32 to vector<16xi32>
        %add3A_2494 = arith.addi %add3A_2481, %add3A_2493 : vector<16xi32>
        %scan3A_2495 = arith.constant 2 : i32
        %scan3A_2496 = arith.addi %scan3A_2469, %scan3A_2495 : i32
        %gather3A_2497 = tpu.vector_load_idx %arg10[%add3A_2494] : memref<7680xf32, #tpu.memory_space<vmem>>[vector<16xi32>], vector<16xf32>,
        %mul3A_2498 = arith.mulf %gather3A_2497, %get3A_2200 : vector<16xf32>
        %mul3A_2499 = arith.constant 16 : i32
        %mul3A_2500 = arith.muli %scan3A_2496, %mul3A_2499 : i32
        %swap3A_2501 = arith.constant 2 : i32
        %swap3A_2502 = arith.index_cast %swap3A_2501 : i32 to index
        %swap3A_2503 = arith.index_cast %mul3A_2500 : i32 to index
        %swap3A_2504 = tpu.vector_load %arg11[%swap3A_2502, %swap3A_2503] {strides = array<i32>} : memref<8x4096xf32, #tpu.memory_space<vmem>>, vector<16xf32>,
        tpu.vector_store %arg11[%swap3A_2502, %swap3A_2503], %mul3A_2498 {strides = array<i32>} : memref<8x4096xf32, #tpu.memory_space<vmem>>, vector<16xf32>,
        %add3A_2505 = arith.constant 30 : i32
        %add3A_2506 = vector.broadcast %add3A_2505 : i32 to vector<16xi32>
        %add3A_2507 = arith.addi %add3A_2494, %add3A_2506 : vector<16xi32>
        %scan3A_2508 = arith.constant 3 : i32
        %scan3A_2509 = arith.addi %scan3A_2469, %scan3A_2508 : i32
        %gather3A_2510 = tpu.vector_load_idx %arg10[%add3A_2507] : memref<7680xf32, #tpu.memory_space<vmem>>[vector<16xi32>], vector<16xf32>,
        %mul3A_2511 = arith.mulf %gather3A_2510, %get3A_2200 : vector<16xf32>
        %mul3A_2512 = arith.constant 16 : i32
        %mul3A_2513 = arith.muli %scan3A_2509, %mul3A_2512 : i32
        %swap3A_2514 = arith.constant 2 : i32
        %swap3A_2515 = arith.index_cast %swap3A_2514 : i32 to index
        %swap3A_2516 = arith.index_cast %mul3A_2513 : i32 to index
        %swap3A_2517 = tpu.vector_load %arg11[%swap3A_2515, %swap3A_2516] {strides = array<i32>} : memref<8x4096xf32, #tpu.memory_space<vmem>>, vector<16xf32>,
        tpu.vector_store %arg11[%swap3A_2515, %swap3A_2516], %mul3A_2511 {strides = array<i32>} : memref<8x4096xf32, #tpu.memory_space<vmem>>, vector<16xf32>,
        %add3A_2518 = arith.constant 30 : i32
        %add3A_2519 = vector.broadcast %add3A_2518 : i32 to vector<16xi32>
        %add3A_2520 = arith.addi %add3A_2507, %add3A_2519 : vector<16xi32>
        scf.yield %add3A_2520 : vector<16xi32>
      }
      %scan3A_2206 = arith.constant 256 : i32
      %mul3A_2207 = arith.constant 1536 : i32
      %mul3A_2208 = arith.muli %select_n3A_2138, %mul3A_2207 : i32
      %add3A_2209 = arith.constant 384 : i32
      %add3A_2210 = arith.addi %mul3A_2208, %add3A_2209 : i32
      %add3A_2211 = arith.addi %add3A_2210, %sub3A_2141 : i32
      %dma_start3A_2212 = arith.constant 2 : i32
      %dma_start3A_2213 = arith.constant 0 : i32
      %dma_start3A_2214 = tpu.memref_slice %arg11[%dma_start3A_2212, %dma_start3A_2213] : memref<8x4096xf32, #tpu.memory_space<vmem>> -> memref<1x4096xf32, #tpu.memory_space<vmem>>
      %dma_start3A_2215 = tpu.memref_squeeze %dma_start3A_2214 : memref<1x4096xf32, #tpu.memory_space<vmem>> -> memref<4096xf32, #tpu.memory_space<vmem>>
      %dma_start3A_2216 = arith.constant 0 : i32
      %dma_start3A_2217 = tpu.memref_slice %arg4[%add3A_2211, %dma_start3A_2216] : memref<6144x4096xf32, #tpu.memory_space<hbm>> -> memref<1x4096xf32, #tpu.memory_space<hbm>>
      %dma_start3A_2218 = tpu.memref_squeeze %dma_start3A_2217 : memref<1x4096xf32, #tpu.memory_space<hbm>> -> memref<4096xf32, #tpu.memory_space<hbm>>
      %dma_start3A_2219 = arith.constant 0 : i32
      %dma_start3A_2220 = tpu.memref_slice %arg4[%add3A_2211, %dma_start3A_2219] : memref<6144x4096xf32, #tpu.memory_space<hbm>> -> memref<1x4096xf32, #tpu.memory_space<hbm>>
      %dma_start3A_2221 = tpu.memref_squeeze %dma_start3A_2220 : memref<1x4096xf32, #tpu.memory_space<hbm>> -> memref<4096xf32, #tpu.memory_space<hbm>>
      %dma_start3A_2222 = arith.constant 0 : i32
      %dma_start3A_2223 = tpu.memref_slice %arg11[%dma_start3A_2212, %dma_start3A_2222] : memref<8x4096xf32, #tpu.memory_space<vmem>> -> memref<1x4096xf32, #tpu.memory_space<vmem>>
      %dma_start3A_2224 = tpu.memref_squeeze %dma_start3A_2223 : memref<1x4096xf32, #tpu.memory_space<vmem>> -> memref<4096xf32, #tpu.memory_space<vmem>>
      tpu.enqueue_dma source(%dma_start3A_2224 : memref<4096xf32, #tpu.memory_space<vmem>>) target(%dma_start3A_2221 : memref<4096xf32, #tpu.memory_space<hbm>>) target_semaphore(%arg12 : memref<!tpu.dma_semaphore, #tpu.memory_space<semaphore_mem>>)
      %get3A_2225 = arith.constant 48 : index
      %get3A_2226 = tpu.vector_load %arg8[%get3A_2225] {strides = array<i32>} : memref<128xi32, #tpu.memory_space<vmem>>, vector<16xi32>,
      %get3A_2227 = arith.constant 48 : index
      %get3A_2228 = tpu.vector_load %arg9[%get3A_2227] {strides = array<i32>} : memref<128xf32, #tpu.memory_space<vmem>>, vector<16xf32>,
      %scan3A_2229 = arith.constant 0 : i32
      %scan3A_2230 = arith.constant 256 : i32
      %scan3A_2231 = arith.addi %scan3A_2229, %scan3A_2230 : i32
      %scan3A_2232 = arith.constant 4 : i32
      %scan3A_2233 = scf.for %scan3A_2469 = %scan3A_2229 to %scan3A_2231 step %scan3A_2232 iter_args(%scan3A_2470 = %get3A_2226) -> (vector<16xi32>)  : i32 {
        %gather3A_2471 = tpu.vector_load_idx %arg10[%scan3A_2470] : memref<7680xf32, #tpu.memory_space<vmem>>[vector<16xi32>], vector<16xf32>,
        %mul3A_2472 = arith.mulf %gather3A_2471, %get3A_2228 : vector<16xf32>
        %mul3A_2473 = arith.constant 16 : i32
        %mul3A_2474 = arith.muli %scan3A_2469, %mul3A_2473 : i32
        %swap3A_2475 = arith.constant 3 : i32
        %swap3A_2476 = arith.index_cast %swap3A_2475 : i32 to index
        %swap3A_2477 = arith.index_cast %mul3A_2474 : i32 to index
        %swap3A_2478 = tpu.vector_load %arg11[%swap3A_2476, %swap3A_2477] {strides = array<i32>} : memref<8x4096xf32, #tpu.memory_space<vmem>>, vector<16xf32>,
        tpu.vector_store %arg11[%swap3A_2476, %swap3A_2477], %mul3A_2472 {strides = array<i32>} : memref<8x4096xf32, #tpu.memory_space<vmem>>, vector<16xf32>,
        %add3A_2479 = arith.constant 30 : i32
        %add3A_2480 = vector.broadcast %add3A_2479 : i32 to vector<16xi32>
        %add3A_2481 = arith.addi %scan3A_2470, %add3A_2480 : vector<16xi32>
        %scan3A_2482 = arith.constant 1 : i32
        %scan3A_2483 = arith.addi %scan3A_2469, %scan3A_2482 : i32
        %gather3A_2484 = tpu.vector_load_idx %arg10[%add3A_2481] : memref<7680xf32, #tpu.memory_space<vmem>>[vector<16xi32>], vector<16xf32>,
        %mul3A_2485 = arith.mulf %gather3A_2484, %get3A_2228 : vector<16xf32>
        %mul3A_2486 = arith.constant 16 : i32
        %mul3A_2487 = arith.muli %scan3A_2483, %mul3A_2486 : i32
        %swap3A_2488 = arith.constant 3 : i32
        %swap3A_2489 = arith.index_cast %swap3A_2488 : i32 to index
        %swap3A_2490 = arith.index_cast %mul3A_2487 : i32 to index
        %swap3A_2491 = tpu.vector_load %arg11[%swap3A_2489, %swap3A_2490] {strides = array<i32>} : memref<8x4096xf32, #tpu.memory_space<vmem>>, vector<16xf32>,
        tpu.vector_store %arg11[%swap3A_2489, %swap3A_2490], %mul3A_2485 {strides = array<i32>} : memref<8x4096xf32, #tpu.memory_space<vmem>>, vector<16xf32>,
        %add3A_2492 = arith.constant 30 : i32
        %add3A_2493 = vector.broadcast %add3A_2492 : i32 to vector<16xi32>
        %add3A_2494 = arith.addi %add3A_2481, %add3A_2493 : vector<16xi32>
        %scan3A_2495 = arith.constant 2 : i32
        %scan3A_2496 = arith.addi %scan3A_2469, %scan3A_2495 : i32
        %gather3A_2497 = tpu.vector_load_idx %arg10[%add3A_2494] : memref<7680xf32, #tpu.memory_space<vmem>>[vector<16xi32>], vector<16xf32>,
        %mul3A_2498 = arith.mulf %gather3A_2497, %get3A_2228 : vector<16xf32>
        %mul3A_2499 = arith.constant 16 : i32
        %mul3A_2500 = arith.muli %scan3A_2496, %mul3A_2499 : i32
        %swap3A_2501 = arith.constant 3 : i32
        %swap3A_2502 = arith.index_cast %swap3A_2501 : i32 to index
        %swap3A_2503 = arith.index_cast %mul3A_2500 : i32 to index
        %swap3A_2504 = tpu.vector_load %arg11[%swap3A_2502, %swap3A_2503] {strides = array<i32>} : memref<8x4096xf32, #tpu.memory_space<vmem>>, vector<16xf32>,
        tpu.vector_store %arg11[%swap3A_2502, %swap3A_2503], %mul3A_2498 {strides = array<i32>} : memref<8x4096xf32, #tpu.memory_space<vmem>>, vector<16xf32>,
        %add3A_2505 = arith.constant 30 : i32
        %add3A_2506 = vector.broadcast %add3A_2505 : i32 to vector<16xi32>
        %add3A_2507 = arith.addi %add3A_2494, %add3A_2506 : vector<16xi32>
        %scan3A_2508 = arith.constant 3 : i32
        %scan3A_2509 = arith.addi %scan3A_2469, %scan3A_2508 : i32
        %gather3A_2510 = tpu.vector_load_idx %arg10[%add3A_2507] : memref<7680xf32, #tpu.memory_space<vmem>>[vector<16xi32>], vector<16xf32>,
        %mul3A_2511 = arith.mulf %gather3A_2510, %get3A_2228 : vector<16xf32>
        %mul3A_2512 = arith.constant 16 : i32
        %mul3A_2513 = arith.muli %scan3A_2509, %mul3A_2512 : i32
        %swap3A_2514 = arith.constant 3 : i32
        %swap3A_2515 = arith.index_cast %swap3A_2514 : i32 to index
        %swap3A_2516 = arith.index_cast %mul3A_2513 : i32 to index
        %swap3A_2517 = tpu.vector_load %arg11[%swap3A_2515, %swap3A_2516] {strides = array<i32>} : memref<8x4096xf32, #tpu.memory_space<vmem>>, vector<16xf32>,
        tpu.vector_store %arg11[%swap3A_2515, %swap3A_2516], %mul3A_2511 {strides = array<i32>} : memref<8x4096xf32, #tpu.memory_space<vmem>>, vector<16xf32>,
        %add3A_2518 = arith.constant 30 : i32
        %add3A_2519 = vector.broadcast %add3A_2518 : i32 to vector<16xi32>
        %add3A_2520 = arith.addi %add3A_2507, %add3A_2519 : vector<16xi32>
        scf.yield %add3A_2520 : vector<16xi32>
      }
      %scan3A_2234 = arith.constant 256 : i32
      %mul3A_2235 = arith.constant 1536 : i32
      %mul3A_2236 = arith.muli %select_n3A_2138, %mul3A_2235 : i32
      %add3A_2237 = arith.constant 576 : i32
      %add3A_2238 = arith.addi %mul3A_2236, %add3A_2237 : i32
      %add3A_2239 = arith.addi %add3A_2238, %sub3A_2141 : i32
      %dma_start3A_2240 = arith.constant 3 : i32
      %dma_start3A_2241 = arith.constant 0 : i32
      %dma_start3A_2242 = tpu.memref_slice %arg11[%dma_start3A_2240, %dma_start3A_2241] : memref<8x4096xf32, #tpu.memory_space<vmem>> -> memref<1x4096xf32, #tpu.memory_space<vmem>>
      %dma_start3A_2243 = tpu.memref_squeeze %dma_start3A_2242 : memref<1x4096xf32, #tpu.memory_space<vmem>> -> memref<4096xf32, #tpu.memory_space<vmem>>
      %dma_start3A_2244 = arith.constant 0 : i32
      %dma_start3A_2245 = tpu.memref_slice %arg4[%add3A_2239, %dma_start3A_2244] : memref<6144x4096xf32, #tpu.memory_space<hbm>> -> memref<1x4096xf32, #tpu.memory_space<hbm>>
      %dma_start3A_2246 = tpu.memref_squeeze %dma_start3A_2245 : memref<1x4096xf32, #tpu.memory_space<hbm>> -> memref<4096xf32, #tpu.memory_space<hbm>>
      %dma_start3A_2247 = arith.constant 0 : i32
      %dma_start3A_2248 = tpu.memref_slice %arg4[%add3A_2239, %dma_start3A_2247] : memref<6144x4096xf32, #tpu.memory_space<hbm>> -> memref<1x4096xf32, #tpu.memory_space<hbm>>
      %dma_start3A_2249 = tpu.memref_squeeze %dma_start3A_2248 : memref<1x4096xf32, #tpu.memory_space<hbm>> -> memref<4096xf32, #tpu.memory_space<hbm>>
      %dma_start3A_2250 = arith.constant 0 : i32
      %dma_start3A_2251 = tpu.memref_slice %arg11[%dma_start3A_2240, %dma_start3A_2250] : memref<8x4096xf32, #tpu.memory_space<vmem>> -> memref<1x4096xf32, #tpu.memory_space<vmem>>
      %dma_start3A_2252 = tpu.memref_squeeze %dma_start3A_2251 : memref<1x4096xf32, #tpu.memory_space<vmem>> -> memref<4096xf32, #tpu.memory_space<vmem>>
      tpu.enqueue_dma source(%dma_start3A_2252 : memref<4096xf32, #tpu.memory_space<vmem>>) target(%dma_start3A_2249 : memref<4096xf32, #tpu.memory_space<hbm>>) target_semaphore(%arg12 : memref<!tpu.dma_semaphore, #tpu.memory_space<semaphore_mem>>)
      %get3A_2253 = arith.constant 64 : index
      %get3A_2254 = tpu.vector_load %arg8[%get3A_2253] {strides = array<i32>} : memref<128xi32, #tpu.memory_space<vmem>>, vector<16xi32>,
      %get3A_2255 = arith.constant 64 : index
      %get3A_2256 = tpu.vector_load %arg9[%get3A_2255] {strides = array<i32>} : memref<128xf32, #tpu.memory_space<vmem>>, vector<16xf32>,
      %scan3A_2257 = arith.constant 0 : i32
      %scan3A_2258 = arith.constant 256 : i32
      %scan3A_2259 = arith.addi %scan3A_2257, %scan3A_2258 : i32
      %scan3A_2260 = arith.constant 4 : i32
      %scan3A_2261 = scf.for %scan3A_2469 = %scan3A_2257 to %scan3A_2259 step %scan3A_2260 iter_args(%scan3A_2470 = %get3A_2254) -> (vector<16xi32>)  : i32 {
        %gather3A_2471 = tpu.vector_load_idx %arg10[%scan3A_2470] : memref<7680xf32, #tpu.memory_space<vmem>>[vector<16xi32>], vector<16xf32>,
        %mul3A_2472 = arith.mulf %gather3A_2471, %get3A_2256 : vector<16xf32>
        %mul3A_2473 = arith.constant 16 : i32
        %mul3A_2474 = arith.muli %scan3A_2469, %mul3A_2473 : i32
        %swap3A_2475 = arith.constant 4 : i32
        %swap3A_2476 = arith.index_cast %swap3A_2475 : i32 to index
        %swap3A_2477 = arith.index_cast %mul3A_2474 : i32 to index
        %swap3A_2478 = tpu.vector_load %arg11[%swap3A_2476, %swap3A_2477] {strides = array<i32>} : memref<8x4096xf32, #tpu.memory_space<vmem>>, vector<16xf32>,
        tpu.vector_store %arg11[%swap3A_2476, %swap3A_2477], %mul3A_2472 {strides = array<i32>} : memref<8x4096xf32, #tpu.memory_space<vmem>>, vector<16xf32>,
        %add3A_2479 = arith.constant 30 : i32
        %add3A_2480 = vector.broadcast %add3A_2479 : i32 to vector<16xi32>
        %add3A_2481 = arith.addi %scan3A_2470, %add3A_2480 : vector<16xi32>
        %scan3A_2482 = arith.constant 1 : i32
        %scan3A_2483 = arith.addi %scan3A_2469, %scan3A_2482 : i32
        %gather3A_2484 = tpu.vector_load_idx %arg10[%add3A_2481] : memref<7680xf32, #tpu.memory_space<vmem>>[vector<16xi32>], vector<16xf32>,
        %mul3A_2485 = arith.mulf %gather3A_2484, %get3A_2256 : vector<16xf32>
        %mul3A_2486 = arith.constant 16 : i32
        %mul3A_2487 = arith.muli %scan3A_2483, %mul3A_2486 : i32
        %swap3A_2488 = arith.constant 4 : i32
        %swap3A_2489 = arith.index_cast %swap3A_2488 : i32 to index
        %swap3A_2490 = arith.index_cast %mul3A_2487 : i32 to index
        %swap3A_2491 = tpu.vector_load %arg11[%swap3A_2489, %swap3A_2490] {strides = array<i32>} : memref<8x4096xf32, #tpu.memory_space<vmem>>, vector<16xf32>,
        tpu.vector_store %arg11[%swap3A_2489, %swap3A_2490], %mul3A_2485 {strides = array<i32>} : memref<8x4096xf32, #tpu.memory_space<vmem>>, vector<16xf32>,
        %add3A_2492 = arith.constant 30 : i32
        %add3A_2493 = vector.broadcast %add3A_2492 : i32 to vector<16xi32>
        %add3A_2494 = arith.addi %add3A_2481, %add3A_2493 : vector<16xi32>
        %scan3A_2495 = arith.constant 2 : i32
        %scan3A_2496 = arith.addi %scan3A_2469, %scan3A_2495 : i32
        %gather3A_2497 = tpu.vector_load_idx %arg10[%add3A_2494] : memref<7680xf32, #tpu.memory_space<vmem>>[vector<16xi32>], vector<16xf32>,
        %mul3A_2498 = arith.mulf %gather3A_2497, %get3A_2256 : vector<16xf32>
        %mul3A_2499 = arith.constant 16 : i32
        %mul3A_2500 = arith.muli %scan3A_2496, %mul3A_2499 : i32
        %swap3A_2501 = arith.constant 4 : i32
        %swap3A_2502 = arith.index_cast %swap3A_2501 : i32 to index
        %swap3A_2503 = arith.index_cast %mul3A_2500 : i32 to index
        %swap3A_2504 = tpu.vector_load %arg11[%swap3A_2502, %swap3A_2503] {strides = array<i32>} : memref<8x4096xf32, #tpu.memory_space<vmem>>, vector<16xf32>,
        tpu.vector_store %arg11[%swap3A_2502, %swap3A_2503], %mul3A_2498 {strides = array<i32>} : memref<8x4096xf32, #tpu.memory_space<vmem>>, vector<16xf32>,
        %add3A_2505 = arith.constant 30 : i32
        %add3A_2506 = vector.broadcast %add3A_2505 : i32 to vector<16xi32>
        %add3A_2507 = arith.addi %add3A_2494, %add3A_2506 : vector<16xi32>
        %scan3A_2508 = arith.constant 3 : i32
        %scan3A_2509 = arith.addi %scan3A_2469, %scan3A_2508 : i32
        %gather3A_2510 = tpu.vector_load_idx %arg10[%add3A_2507] : memref<7680xf32, #tpu.memory_space<vmem>>[vector<16xi32>], vector<16xf32>,
        %mul3A_2511 = arith.mulf %gather3A_2510, %get3A_2256 : vector<16xf32>
        %mul3A_2512 = arith.constant 16 : i32
        %mul3A_2513 = arith.muli %scan3A_2509, %mul3A_2512 : i32
        %swap3A_2514 = arith.constant 4 : i32
        %swap3A_2515 = arith.index_cast %swap3A_2514 : i32 to index
        %swap3A_2516 = arith.index_cast %mul3A_2513 : i32 to index
        %swap3A_2517 = tpu.vector_load %arg11[%swap3A_2515, %swap3A_2516] {strides = array<i32>} : memref<8x4096xf32, #tpu.memory_space<vmem>>, vector<16xf32>,
        tpu.vector_store %arg11[%swap3A_2515, %swap3A_2516], %mul3A_2511 {strides = array<i32>} : memref<8x4096xf32, #tpu.memory_space<vmem>>, vector<16xf32>,
        %add3A_2518 = arith.constant 30 : i32
        %add3A_2519 = vector.broadcast %add3A_2518 : i32 to vector<16xi32>
        %add3A_2520 = arith.addi %add3A_2507, %add3A_2519 : vector<16xi32>
        scf.yield %add3A_2520 : vector<16xi32>
      }
      %scan3A_2262 = arith.constant 256 : i32
      %mul3A_2263 = arith.constant 1536 : i32
      %mul3A_2264 = arith.muli %select_n3A_2138, %mul3A_2263 : i32
      %add3A_2265 = arith.constant 768 : i32
      %add3A_2266 = arith.addi %mul3A_2264, %add3A_2265 : i32
      %add3A_2267 = arith.addi %add3A_2266, %sub3A_2141 : i32
      %dma_start3A_2268 = arith.constant 4 : i32
      %dma_start3A_2269 = arith.constant 0 : i32
      %dma_start3A_2270 = tpu.memref_slice %arg11[%dma_start3A_2268, %dma_start3A_2269] : memref<8x4096xf32, #tpu.memory_space<vmem>> -> memref<1x4096xf32, #tpu.memory_space<vmem>>
      %dma_start3A_2271 = tpu.memref_squeeze %dma_start3A_2270 : memref<1x4096xf32, #tpu.memory_space<vmem>> -> memref<4096xf32, #tpu.memory_space<vmem>>
      %dma_start3A_2272 = arith.constant 0 : i32
      %dma_start3A_2273 = tpu.memref_slice %arg4[%add3A_2267, %dma_start3A_2272] : memref<6144x4096xf32, #tpu.memory_space<hbm>> -> memref<1x4096xf32, #tpu.memory_space<hbm>>
      %dma_start3A_2274 = tpu.memref_squeeze %dma_start3A_2273 : memref<1x4096xf32, #tpu.memory_space<hbm>> -> memref<4096xf32, #tpu.memory_space<hbm>>
      %dma_start3A_2275 = arith.constant 0 : i32
      %dma_start3A_2276 = tpu.memref_slice %arg4[%add3A_2267, %dma_start3A_2275] : memref<6144x4096xf32, #tpu.memory_space<hbm>> -> memref<1x4096xf32, #tpu.memory_space<hbm>>
      %dma_start3A_2277 = tpu.memref_squeeze %dma_start3A_2276 : memref<1x4096xf32, #tpu.memory_space<hbm>> -> memref<4096xf32, #tpu.memory_space<hbm>>
      %dma_start3A_2278 = arith.constant 0 : i32
      %dma_start3A_2279 = tpu.memref_slice %arg11[%dma_start3A_2268, %dma_start3A_2278] : memref<8x4096xf32, #tpu.memory_space<vmem>> -> memref<1x4096xf32, #tpu.memory_space<vmem>>
      %dma_start3A_2280 = tpu.memref_squeeze %dma_start3A_2279 : memref<1x4096xf32, #tpu.memory_space<vmem>> -> memref<4096xf32, #tpu.memory_space<vmem>>
      tpu.enqueue_dma source(%dma_start3A_2280 : memref<4096xf32, #tpu.memory_space<vmem>>) target(%dma_start3A_2277 : memref<4096xf32, #tpu.memory_space<hbm>>) target_semaphore(%arg12 : memref<!tpu.dma_semaphore, #tpu.memory_space<semaphore_mem>>)
      %get3A_2281 = arith.constant 80 : index
      %get3A_2282 = tpu.vector_load %arg8[%get3A_2281] {strides = array<i32>} : memref<128xi32, #tpu.memory_space<vmem>>, vector<16xi32>,
      %get3A_2283 = arith.constant 80 : index
      %get3A_2284 = tpu.vector_load %arg9[%get3A_2283] {strides = array<i32>} : memref<128xf32, #tpu.memory_space<vmem>>, vector<16xf32>,
      %scan3A_2285 = arith.constant 0 : i32
      %scan3A_2286 = arith.constant 256 : i32
      %scan3A_2287 = arith.addi %scan3A_2285, %scan3A_2286 : i32
      %scan3A_2288 = arith.constant 4 : i32
      %scan3A_2289 = scf.for %scan3A_2469 = %scan3A_2285 to %scan3A_2287 step %scan3A_2288 iter_args(%scan3A_2470 = %get3A_2282) -> (vector<16xi32>)  : i32 {
        %gather3A_2471 = tpu.vector_load_idx %arg10[%scan3A_2470] : memref<7680xf32, #tpu.memory_space<vmem>>[vector<16xi32>], vector<16xf32>,
        %mul3A_2472 = arith.mulf %gather3A_2471, %get3A_2284 : vector<16xf32>
        %mul3A_2473 = arith.constant 16 : i32
        %mul3A_2474 = arith.muli %scan3A_2469, %mul3A_2473 : i32
        %swap3A_2475 = arith.constant 5 : i32
        %swap3A_2476 = arith.index_cast %swap3A_2475 : i32 to index
        %swap3A_2477 = arith.index_cast %mul3A_2474 : i32 to index
        %swap3A_2478 = tpu.vector_load %arg11[%swap3A_2476, %swap3A_2477] {strides = array<i32>} : memref<8x4096xf32, #tpu.memory_space<vmem>>, vector<16xf32>,
        tpu.vector_store %arg11[%swap3A_2476, %swap3A_2477], %mul3A_2472 {strides = array<i32>} : memref<8x4096xf32, #tpu.memory_space<vmem>>, vector<16xf32>,
        %add3A_2479 = arith.constant 30 : i32
        %add3A_2480 = vector.broadcast %add3A_2479 : i32 to vector<16xi32>
        %add3A_2481 = arith.addi %scan3A_2470, %add3A_2480 : vector<16xi32>
        %scan3A_2482 = arith.constant 1 : i32
        %scan3A_2483 = arith.addi %scan3A_2469, %scan3A_2482 : i32
        %gather3A_2484 = tpu.vector_load_idx %arg10[%add3A_2481] : memref<7680xf32, #tpu.memory_space<vmem>>[vector<16xi32>], vector<16xf32>,
        %mul3A_2485 = arith.mulf %gather3A_2484, %get3A_2284 : vector<16xf32>
        %mul3A_2486 = arith.constant 16 : i32
        %mul3A_2487 = arith.muli %scan3A_2483, %mul3A_2486 : i32
        %swap3A_2488 = arith.constant 5 : i32
        %swap3A_2489 = arith.index_cast %swap3A_2488 : i32 to index
        %swap3A_2490 = arith.index_cast %mul3A_2487 : i32 to index
        %swap3A_2491 = tpu.vector_load %arg11[%swap3A_2489, %swap3A_2490] {strides = array<i32>} : memref<8x4096xf32, #tpu.memory_space<vmem>>, vector<16xf32>,
        tpu.vector_store %arg11[%swap3A_2489, %swap3A_2490], %mul3A_2485 {strides = array<i32>} : memref<8x4096xf32, #tpu.memory_space<vmem>>, vector<16xf32>,
        %add3A_2492 = arith.constant 30 : i32
        %add3A_2493 = vector.broadcast %add3A_2492 : i32 to vector<16xi32>
        %add3A_2494 = arith.addi %add3A_2481, %add3A_2493 : vector<16xi32>
        %scan3A_2495 = arith.constant 2 : i32
        %scan3A_2496 = arith.addi %scan3A_2469, %scan3A_2495 : i32
        %gather3A_2497 = tpu.vector_load_idx %arg10[%add3A_2494] : memref<7680xf32, #tpu.memory_space<vmem>>[vector<16xi32>], vector<16xf32>,
        %mul3A_2498 = arith.mulf %gather3A_2497, %get3A_2284 : vector<16xf32>
        %mul3A_2499 = arith.constant 16 : i32
        %mul3A_2500 = arith.muli %scan3A_2496, %mul3A_2499 : i32
        %swap3A_2501 = arith.constant 5 : i32
        %swap3A_2502 = arith.index_cast %swap3A_2501 : i32 to index
        %swap3A_2503 = arith.index_cast %mul3A_2500 : i32 to index
        %swap3A_2504 = tpu.vector_load %arg11[%swap3A_2502, %swap3A_2503] {strides = array<i32>} : memref<8x4096xf32, #tpu.memory_space<vmem>>, vector<16xf32>,
        tpu.vector_store %arg11[%swap3A_2502, %swap3A_2503], %mul3A_2498 {strides = array<i32>} : memref<8x4096xf32, #tpu.memory_space<vmem>>, vector<16xf32>,
        %add3A_2505 = arith.constant 30 : i32
        %add3A_2506 = vector.broadcast %add3A_2505 : i32 to vector<16xi32>
        %add3A_2507 = arith.addi %add3A_2494, %add3A_2506 : vector<16xi32>
        %scan3A_2508 = arith.constant 3 : i32
        %scan3A_2509 = arith.addi %scan3A_2469, %scan3A_2508 : i32
        %gather3A_2510 = tpu.vector_load_idx %arg10[%add3A_2507] : memref<7680xf32, #tpu.memory_space<vmem>>[vector<16xi32>], vector<16xf32>,
        %mul3A_2511 = arith.mulf %gather3A_2510, %get3A_2284 : vector<16xf32>
        %mul3A_2512 = arith.constant 16 : i32
        %mul3A_2513 = arith.muli %scan3A_2509, %mul3A_2512 : i32
        %swap3A_2514 = arith.constant 5 : i32
        %swap3A_2515 = arith.index_cast %swap3A_2514 : i32 to index
        %swap3A_2516 = arith.index_cast %mul3A_2513 : i32 to index
        %swap3A_2517 = tpu.vector_load %arg11[%swap3A_2515, %swap3A_2516] {strides = array<i32>} : memref<8x4096xf32, #tpu.memory_space<vmem>>, vector<16xf32>,
        tpu.vector_store %arg11[%swap3A_2515, %swap3A_2516], %mul3A_2511 {strides = array<i32>} : memref<8x4096xf32, #tpu.memory_space<vmem>>, vector<16xf32>,
        %add3A_2518 = arith.constant 30 : i32
        %add3A_2519 = vector.broadcast %add3A_2518 : i32 to vector<16xi32>
        %add3A_2520 = arith.addi %add3A_2507, %add3A_2519 : vector<16xi32>
        scf.yield %add3A_2520 : vector<16xi32>
      }
      %scan3A_2290 = arith.constant 256 : i32
      %mul3A_2291 = arith.constant 1536 : i32
      %mul3A_2292 = arith.muli %select_n3A_2138, %mul3A_2291 : i32
      %add3A_2293 = arith.constant 960 : i32
      %add3A_2294 = arith.addi %mul3A_2292, %add3A_2293 : i32
      %add3A_2295 = arith.addi %add3A_2294, %sub3A_2141 : i32
      %dma_start3A_2296 = arith.constant 5 : i32
      %dma_start3A_2297 = arith.constant 0 : i32
      %dma_start3A_2298 = tpu.memref_slice %arg11[%dma_start3A_2296, %dma_start3A_2297] : memref<8x4096xf32, #tpu.memory_space<vmem>> -> memref<1x4096xf32, #tpu.memory_space<vmem>>
      %dma_start3A_2299 = tpu.memref_squeeze %dma_start3A_2298 : memref<1x4096xf32, #tpu.memory_space<vmem>> -> memref<4096xf32, #tpu.memory_space<vmem>>
      %dma_start3A_2300 = arith.constant 0 : i32
      %dma_start3A_2301 = tpu.memref_slice %arg4[%add3A_2295, %dma_start3A_2300] : memref<6144x4096xf32, #tpu.memory_space<hbm>> -> memref<1x4096xf32, #tpu.memory_space<hbm>>
      %dma_start3A_2302 = tpu.memref_squeeze %dma_start3A_2301 : memref<1x4096xf32, #tpu.memory_space<hbm>> -> memref<4096xf32, #tpu.memory_space<hbm>>
      %dma_start3A_2303 = arith.constant 0 : i32
      %dma_start3A_2304 = tpu.memref_slice %arg4[%add3A_2295, %dma_start3A_2303] : memref<6144x4096xf32, #tpu.memory_space<hbm>> -> memref<1x4096xf32, #tpu.memory_space<hbm>>
      %dma_start3A_2305 = tpu.memref_squeeze %dma_start3A_2304 : memref<1x4096xf32, #tpu.memory_space<hbm>> -> memref<4096xf32, #tpu.memory_space<hbm>>
      %dma_start3A_2306 = arith.constant 0 : i32
      %dma_start3A_2307 = tpu.memref_slice %arg11[%dma_start3A_2296, %dma_start3A_2306] : memref<8x4096xf32, #tpu.memory_space<vmem>> -> memref<1x4096xf32, #tpu.memory_space<vmem>>
      %dma_start3A_2308 = tpu.memref_squeeze %dma_start3A_2307 : memref<1x4096xf32, #tpu.memory_space<vmem>> -> memref<4096xf32, #tpu.memory_space<vmem>>
      tpu.enqueue_dma source(%dma_start3A_2308 : memref<4096xf32, #tpu.memory_space<vmem>>) target(%dma_start3A_2305 : memref<4096xf32, #tpu.memory_space<hbm>>) target_semaphore(%arg12 : memref<!tpu.dma_semaphore, #tpu.memory_space<semaphore_mem>>)
      %get3A_2309 = arith.constant 96 : index
      %get3A_2310 = tpu.vector_load %arg8[%get3A_2309] {strides = array<i32>} : memref<128xi32, #tpu.memory_space<vmem>>, vector<16xi32>,
      %get3A_2311 = arith.constant 96 : index
      %get3A_2312 = tpu.vector_load %arg9[%get3A_2311] {strides = array<i32>} : memref<128xf32, #tpu.memory_space<vmem>>, vector<16xf32>,
      %scan3A_2313 = arith.constant 0 : i32
      %scan3A_2314 = arith.constant 256 : i32
      %scan3A_2315 = arith.addi %scan3A_2313, %scan3A_2314 : i32
      %scan3A_2316 = arith.constant 4 : i32
      %scan3A_2317 = scf.for %scan3A_2469 = %scan3A_2313 to %scan3A_2315 step %scan3A_2316 iter_args(%scan3A_2470 = %get3A_2310) -> (vector<16xi32>)  : i32 {
        %gather3A_2471 = tpu.vector_load_idx %arg10[%scan3A_2470] : memref<7680xf32, #tpu.memory_space<vmem>>[vector<16xi32>], vector<16xf32>,
        %mul3A_2472 = arith.mulf %gather3A_2471, %get3A_2312 : vector<16xf32>
        %mul3A_2473 = arith.constant 16 : i32
        %mul3A_2474 = arith.muli %scan3A_2469, %mul3A_2473 : i32
        %swap3A_2475 = arith.constant 6 : i32
        %swap3A_2476 = arith.index_cast %swap3A_2475 : i32 to index
        %swap3A_2477 = arith.index_cast %mul3A_2474 : i32 to index
        %swap3A_2478 = tpu.vector_load %arg11[%swap3A_2476, %swap3A_2477] {strides = array<i32>} : memref<8x4096xf32, #tpu.memory_space<vmem>>, vector<16xf32>,
        tpu.vector_store %arg11[%swap3A_2476, %swap3A_2477], %mul3A_2472 {strides = array<i32>} : memref<8x4096xf32, #tpu.memory_space<vmem>>, vector<16xf32>,
        %add3A_2479 = arith.constant 30 : i32
        %add3A_2480 = vector.broadcast %add3A_2479 : i32 to vector<16xi32>
        %add3A_2481 = arith.addi %scan3A_2470, %add3A_2480 : vector<16xi32>
        %scan3A_2482 = arith.constant 1 : i32
        %scan3A_2483 = arith.addi %scan3A_2469, %scan3A_2482 : i32
        %gather3A_2484 = tpu.vector_load_idx %arg10[%add3A_2481] : memref<7680xf32, #tpu.memory_space<vmem>>[vector<16xi32>], vector<16xf32>,
        %mul3A_2485 = arith.mulf %gather3A_2484, %get3A_2312 : vector<16xf32>
        %mul3A_2486 = arith.constant 16 : i32
        %mul3A_2487 = arith.muli %scan3A_2483, %mul3A_2486 : i32
        %swap3A_2488 = arith.constant 6 : i32
        %swap3A_2489 = arith.index_cast %swap3A_2488 : i32 to index
        %swap3A_2490 = arith.index_cast %mul3A_2487 : i32 to index
        %swap3A_2491 = tpu.vector_load %arg11[%swap3A_2489, %swap3A_2490] {strides = array<i32>} : memref<8x4096xf32, #tpu.memory_space<vmem>>, vector<16xf32>,
        tpu.vector_store %arg11[%swap3A_2489, %swap3A_2490], %mul3A_2485 {strides = array<i32>} : memref<8x4096xf32, #tpu.memory_space<vmem>>, vector<16xf32>,
        %add3A_2492 = arith.constant 30 : i32
        %add3A_2493 = vector.broadcast %add3A_2492 : i32 to vector<16xi32>
        %add3A_2494 = arith.addi %add3A_2481, %add3A_2493 : vector<16xi32>
        %scan3A_2495 = arith.constant 2 : i32
        %scan3A_2496 = arith.addi %scan3A_2469, %scan3A_2495 : i32
        %gather3A_2497 = tpu.vector_load_idx %arg10[%add3A_2494] : memref<7680xf32, #tpu.memory_space<vmem>>[vector<16xi32>], vector<16xf32>,
        %mul3A_2498 = arith.mulf %gather3A_2497, %get3A_2312 : vector<16xf32>
        %mul3A_2499 = arith.constant 16 : i32
        %mul3A_2500 = arith.muli %scan3A_2496, %mul3A_2499 : i32
        %swap3A_2501 = arith.constant 6 : i32
        %swap3A_2502 = arith.index_cast %swap3A_2501 : i32 to index
        %swap3A_2503 = arith.index_cast %mul3A_2500 : i32 to index
        %swap3A_2504 = tpu.vector_load %arg11[%swap3A_2502, %swap3A_2503] {strides = array<i32>} : memref<8x4096xf32, #tpu.memory_space<vmem>>, vector<16xf32>,
        tpu.vector_store %arg11[%swap3A_2502, %swap3A_2503], %mul3A_2498 {strides = array<i32>} : memref<8x4096xf32, #tpu.memory_space<vmem>>, vector<16xf32>,
        %add3A_2505 = arith.constant 30 : i32
        %add3A_2506 = vector.broadcast %add3A_2505 : i32 to vector<16xi32>
        %add3A_2507 = arith.addi %add3A_2494, %add3A_2506 : vector<16xi32>
        %scan3A_2508 = arith.constant 3 : i32
        %scan3A_2509 = arith.addi %scan3A_2469, %scan3A_2508 : i32
        %gather3A_2510 = tpu.vector_load_idx %arg10[%add3A_2507] : memref<7680xf32, #tpu.memory_space<vmem>>[vector<16xi32>], vector<16xf32>,
        %mul3A_2511 = arith.mulf %gather3A_2510, %get3A_2312 : vector<16xf32>
        %mul3A_2512 = arith.constant 16 : i32
        %mul3A_2513 = arith.muli %scan3A_2509, %mul3A_2512 : i32
        %swap3A_2514 = arith.constant 6 : i32
        %swap3A_2515 = arith.index_cast %swap3A_2514 : i32 to index
        %swap3A_2516 = arith.index_cast %mul3A_2513 : i32 to index
        %swap3A_2517 = tpu.vector_load %arg11[%swap3A_2515, %swap3A_2516] {strides = array<i32>} : memref<8x4096xf32, #tpu.memory_space<vmem>>, vector<16xf32>,
        tpu.vector_store %arg11[%swap3A_2515, %swap3A_2516], %mul3A_2511 {strides = array<i32>} : memref<8x4096xf32, #tpu.memory_space<vmem>>, vector<16xf32>,
        %add3A_2518 = arith.constant 30 : i32
        %add3A_2519 = vector.broadcast %add3A_2518 : i32 to vector<16xi32>
        %add3A_2520 = arith.addi %add3A_2507, %add3A_2519 : vector<16xi32>
        scf.yield %add3A_2520 : vector<16xi32>
      }
      %scan3A_2318 = arith.constant 256 : i32
      %mul3A_2319 = arith.constant 1536 : i32
      %mul3A_2320 = arith.muli %select_n3A_2138, %mul3A_2319 : i32
      %add3A_2321 = arith.constant 1152 : i32
      %add3A_2322 = arith.addi %mul3A_2320, %add3A_2321 : i32
      %add3A_2323 = arith.addi %add3A_2322, %sub3A_2141 : i32
      %dma_start3A_2324 = arith.constant 6 : i32
      %dma_start3A_2325 = arith.constant 0 : i32
      %dma_start3A_2326 = tpu.memref_slice %arg11[%dma_start3A_2324, %dma_start3A_2325] : memref<8x4096xf32, #tpu.memory_space<vmem>> -> memref<1x4096xf32, #tpu.memory_space<vmem>>
      %dma_start3A_2327 = tpu.memref_squeeze %dma_start3A_2326 : memref<1x4096xf32, #tpu.memory_space<vmem>> -> memref<4096xf32, #tpu.memory_space<vmem>>
      %dma_start3A_2328 = arith.constant 0 : i32
      %dma_start3A_2329 = tpu.memref_slice %arg4[%add3A_2323, %dma_start3A_2328] : memref<6144x4096xf32, #tpu.memory_space<hbm>> -> memref<1x4096xf32, #tpu.memory_space<hbm>>
      %dma_start3A_2330 = tpu.memref_squeeze %dma_start3A_2329 : memref<1x4096xf32, #tpu.memory_space<hbm>> -> memref<4096xf32, #tpu.memory_space<hbm>>
      %dma_start3A_2331 = arith.constant 0 : i32
      %dma_start3A_2332 = tpu.memref_slice %arg4[%add3A_2323, %dma_start3A_2331] : memref<6144x4096xf32, #tpu.memory_space<hbm>> -> memref<1x4096xf32, #tpu.memory_space<hbm>>
      %dma_start3A_2333 = tpu.memref_squeeze %dma_start3A_2332 : memref<1x4096xf32, #tpu.memory_space<hbm>> -> memref<4096xf32, #tpu.memory_space<hbm>>
      %dma_start3A_2334 = arith.constant 0 : i32
      %dma_start3A_2335 = tpu.memref_slice %arg11[%dma_start3A_2324, %dma_start3A_2334] : memref<8x4096xf32, #tpu.memory_space<vmem>> -> memref<1x4096xf32, #tpu.memory_space<vmem>>
      %dma_start3A_2336 = tpu.memref_squeeze %dma_start3A_2335 : memref<1x4096xf32, #tpu.memory_space<vmem>> -> memref<4096xf32, #tpu.memory_space<vmem>>
      tpu.enqueue_dma source(%dma_start3A_2336 : memref<4096xf32, #tpu.memory_space<vmem>>) target(%dma_start3A_2333 : memref<4096xf32, #tpu.memory_space<hbm>>) target_semaphore(%arg12 : memref<!tpu.dma_semaphore, #tpu.memory_space<semaphore_mem>>)
      %get3A_2337 = arith.constant 112 : index
      %get3A_2338 = tpu.vector_load %arg8[%get3A_2337] {strides = array<i32>} : memref<128xi32, #tpu.memory_space<vmem>>, vector<16xi32>,
      %get3A_2339 = arith.constant 112 : index
      %get3A_2340 = tpu.vector_load %arg9[%get3A_2339] {strides = array<i32>} : memref<128xf32, #tpu.memory_space<vmem>>, vector<16xf32>,
      %scan3A_2341 = arith.constant 0 : i32
      %scan3A_2342 = arith.constant 256 : i32
      %scan3A_2343 = arith.addi %scan3A_2341, %scan3A_2342 : i32
      %scan3A_2344 = arith.constant 4 : i32
      %scan3A_2345 = scf.for %scan3A_2469 = %scan3A_2341 to %scan3A_2343 step %scan3A_2344 iter_args(%scan3A_2470 = %get3A_2338) -> (vector<16xi32>)  : i32 {
        %gather3A_2471 = tpu.vector_load_idx %arg10[%scan3A_2470] : memref<7680xf32, #tpu.memory_space<vmem>>[vector<16xi32>], vector<16xf32>,
        %mul3A_2472 = arith.mulf %gather3A_2471, %get3A_2340 : vector<16xf32>
        %mul3A_2473 = arith.constant 16 : i32
        %mul3A_2474 = arith.muli %scan3A_2469, %mul3A_2473 : i32
        %swap3A_2475 = arith.constant 7 : i32
        %swap3A_2476 = arith.index_cast %swap3A_2475 : i32 to index
        %swap3A_2477 = arith.index_cast %mul3A_2474 : i32 to index
        %swap3A_2478 = tpu.vector_load %arg11[%swap3A_2476, %swap3A_2477] {strides = array<i32>} : memref<8x4096xf32, #tpu.memory_space<vmem>>, vector<16xf32>,
        tpu.vector_store %arg11[%swap3A_2476, %swap3A_2477], %mul3A_2472 {strides = array<i32>} : memref<8x4096xf32, #tpu.memory_space<vmem>>, vector<16xf32>,
        %add3A_2479 = arith.constant 30 : i32
        %add3A_2480 = vector.broadcast %add3A_2479 : i32 to vector<16xi32>
        %add3A_2481 = arith.addi %scan3A_2470, %add3A_2480 : vector<16xi32>
        %scan3A_2482 = arith.constant 1 : i32
        %scan3A_2483 = arith.addi %scan3A_2469, %scan3A_2482 : i32
        %gather3A_2484 = tpu.vector_load_idx %arg10[%add3A_2481] : memref<7680xf32, #tpu.memory_space<vmem>>[vector<16xi32>], vector<16xf32>,
        %mul3A_2485 = arith.mulf %gather3A_2484, %get3A_2340 : vector<16xf32>
        %mul3A_2486 = arith.constant 16 : i32
        %mul3A_2487 = arith.muli %scan3A_2483, %mul3A_2486 : i32
        %swap3A_2488 = arith.constant 7 : i32
        %swap3A_2489 = arith.index_cast %swap3A_2488 : i32 to index
        %swap3A_2490 = arith.index_cast %mul3A_2487 : i32 to index
        %swap3A_2491 = tpu.vector_load %arg11[%swap3A_2489, %swap3A_2490] {strides = array<i32>} : memref<8x4096xf32, #tpu.memory_space<vmem>>, vector<16xf32>,
        tpu.vector_store %arg11[%swap3A_2489, %swap3A_2490], %mul3A_2485 {strides = array<i32>} : memref<8x4096xf32, #tpu.memory_space<vmem>>, vector<16xf32>,
        %add3A_2492 = arith.constant 30 : i32
        %add3A_2493 = vector.broadcast %add3A_2492 : i32 to vector<16xi32>
        %add3A_2494 = arith.addi %add3A_2481, %add3A_2493 : vector<16xi32>
        %scan3A_2495 = arith.constant 2 : i32
        %scan3A_2496 = arith.addi %scan3A_2469, %scan3A_2495 : i32
        %gather3A_2497 = tpu.vector_load_idx %arg10[%add3A_2494] : memref<7680xf32, #tpu.memory_space<vmem>>[vector<16xi32>], vector<16xf32>,
        %mul3A_2498 = arith.mulf %gather3A_2497, %get3A_2340 : vector<16xf32>
        %mul3A_2499 = arith.constant 16 : i32
        %mul3A_2500 = arith.muli %scan3A_2496, %mul3A_2499 : i32
        %swap3A_2501 = arith.constant 7 : i32
        %swap3A_2502 = arith.index_cast %swap3A_2501 : i32 to index
        %swap3A_2503 = arith.index_cast %mul3A_2500 : i32 to index
        %swap3A_2504 = tpu.vector_load %arg11[%swap3A_2502, %swap3A_2503] {strides = array<i32>} : memref<8x4096xf32, #tpu.memory_space<vmem>>, vector<16xf32>,
        tpu.vector_store %arg11[%swap3A_2502, %swap3A_2503], %mul3A_2498 {strides = array<i32>} : memref<8x4096xf32, #tpu.memory_space<vmem>>, vector<16xf32>,
        %add3A_2505 = arith.constant 30 : i32
        %add3A_2506 = vector.broadcast %add3A_2505 : i32 to vector<16xi32>
        %add3A_2507 = arith.addi %add3A_2494, %add3A_2506 : vector<16xi32>
        %scan3A_2508 = arith.constant 3 : i32
        %scan3A_2509 = arith.addi %scan3A_2469, %scan3A_2508 : i32
        %gather3A_2510 = tpu.vector_load_idx %arg10[%add3A_2507] : memref<7680xf32, #tpu.memory_space<vmem>>[vector<16xi32>], vector<16xf32>,
        %mul3A_2511 = arith.mulf %gather3A_2510, %get3A_2340 : vector<16xf32>
        %mul3A_2512 = arith.constant 16 : i32
        %mul3A_2513 = arith.muli %scan3A_2509, %mul3A_2512 : i32
        %swap3A_2514 = arith.constant 7 : i32
        %swap3A_2515 = arith.index_cast %swap3A_2514 : i32 to index
        %swap3A_2516 = arith.index_cast %mul3A_2513 : i32 to index
        %swap3A_2517 = tpu.vector_load %arg11[%swap3A_2515, %swap3A_2516] {strides = array<i32>} : memref<8x4096xf32, #tpu.memory_space<vmem>>, vector<16xf32>,
        tpu.vector_store %arg11[%swap3A_2515, %swap3A_2516], %mul3A_2511 {strides = array<i32>} : memref<8x4096xf32, #tpu.memory_space<vmem>>, vector<16xf32>,
        %add3A_2518 = arith.constant 30 : i32
        %add3A_2519 = vector.broadcast %add3A_2518 : i32 to vector<16xi32>
        %add3A_2520 = arith.addi %add3A_2507, %add3A_2519 : vector<16xi32>
        scf.yield %add3A_2520 : vector<16xi32>
      }
      %scan3A_2346 = arith.constant 256 : i32
      %mul3A_2347 = arith.constant 1536 : i32
      %mul3A_2348 = arith.muli %select_n3A_2138, %mul3A_2347 : i32
      %add3A_2349 = arith.constant 1344 : i32
      %add3A_2350 = arith.addi %mul3A_2348, %add3A_2349 : i32
      %add3A_2351 = arith.addi %add3A_2350, %sub3A_2141 : i32
      %dma_start3A_2352 = arith.constant 7 : i32
      %dma_start3A_2353 = arith.constant 0 : i32
      %dma_start3A_2354 = tpu.memref_slice %arg11[%dma_start3A_2352, %dma_start3A_2353] : memref<8x4096xf32, #tpu.memory_space<vmem>> -> memref<1x4096xf32, #tpu.memory_space<vmem>>
      %dma_start3A_2355 = tpu.memref_squeeze %dma_start3A_2354 : memref<1x4096xf32, #tpu.memory_space<vmem>> -> memref<4096xf32, #tpu.memory_space<vmem>>
      %dma_start3A_2356 = arith.constant 0 : i32
      %dma_start3A_2357 = tpu.memref_slice %arg4[%add3A_2351, %dma_start3A_2356] : memref<6144x4096xf32, #tpu.memory_space<hbm>> -> memref<1x4096xf32, #tpu.memory_space<hbm>>
      %dma_start3A_2358 = tpu.memref_squeeze %dma_start3A_2357 : memref<1x4096xf32, #tpu.memory_space<hbm>> -> memref<4096xf32, #tpu.memory_space<hbm>>
      %dma_start3A_2359 = arith.constant 0 : i32
      %dma_start3A_2360 = tpu.memref_slice %arg4[%add3A_2351, %dma_start3A_2359] : memref<6144x4096xf32, #tpu.memory_space<hbm>> -> memref<1x4096xf32, #tpu.memory_space<hbm>>
      %dma_start3A_2361 = tpu.memref_squeeze %dma_start3A_2360 : memref<1x4096xf32, #tpu.memory_space<hbm>> -> memref<4096xf32, #tpu.memory_space<hbm>>
      %dma_start3A_2362 = arith.constant 0 : i32
      %dma_start3A_2363 = tpu.memref_slice %arg11[%dma_start3A_2352, %dma_start3A_2362] : memref<8x4096xf32, #tpu.memory_space<vmem>> -> memref<1x4096xf32, #tpu.memory_space<vmem>>
      %dma_start3A_2364 = tpu.memref_squeeze %dma_start3A_2363 : memref<1x4096xf32, #tpu.memory_space<vmem>> -> memref<4096xf32, #tpu.memory_space<vmem>>
      tpu.enqueue_dma source(%dma_start3A_2364 : memref<4096xf32, #tpu.memory_space<vmem>>) target(%dma_start3A_2361 : memref<4096xf32, #tpu.memory_space<hbm>>) target_semaphore(%arg12 : memref<!tpu.dma_semaphore, #tpu.memory_space<semaphore_mem>>)
      %dma_wait3A = arith.constant 0 : i32
      %dma_wait3A_2365 = arith.constant 0 : i32
      %dma_wait3A_2366 = tpu.memref_slice %arg11[%dma_wait3A, %dma_wait3A_2365] : memref<8x4096xf32, #tpu.memory_space<vmem>> -> memref<1x4096xf32, #tpu.memory_space<vmem>>
      %dma_wait3A_2367 = tpu.memref_squeeze %dma_wait3A_2366 : memref<1x4096xf32, #tpu.memory_space<vmem>> -> memref<4096xf32, #tpu.memory_space<vmem>>
      %dma_wait3A_2368 = arith.constant 0 : i32
      %dma_wait3A_2369 = tpu.memref_slice %arg4[%add3A_2156, %dma_wait3A_2368] : memref<6144x4096xf32, #tpu.memory_space<hbm>> -> memref<1x4096xf32, #tpu.memory_space<hbm>>
      %dma_wait3A_2370 = tpu.memref_squeeze %dma_wait3A_2369 : memref<1x4096xf32, #tpu.memory_space<hbm>> -> memref<4096xf32, #tpu.memory_space<hbm>>
      %dma_wait3A_2371 = arith.constant 0 : i32
      %dma_wait3A_2372 = tpu.memref_slice %arg4[%add3A_2156, %dma_wait3A_2371] : memref<6144x4096xf32, #tpu.memory_space<hbm>> -> memref<1x4096xf32, #tpu.memory_space<hbm>>
      %dma_wait3A_2373 = tpu.memref_squeeze %dma_wait3A_2372 : memref<1x4096xf32, #tpu.memory_space<hbm>> -> memref<4096xf32, #tpu.memory_space<hbm>>
      %dma_wait3A_2374 = arith.constant 0 : i32
      %dma_wait3A_2375 = tpu.memref_slice %arg11[%dma_wait3A, %dma_wait3A_2374] : memref<8x4096xf32, #tpu.memory_space<vmem>> -> memref<1x4096xf32, #tpu.memory_space<vmem>>
      %dma_wait3A_2376 = tpu.memref_squeeze %dma_wait3A_2375 : memref<1x4096xf32, #tpu.memory_space<vmem>> -> memref<4096xf32, #tpu.memory_space<vmem>>
      tpu.wait_dma2 semaphore(%arg12 : memref<!tpu.dma_semaphore, #tpu.memory_space<semaphore_mem>>) src(%dma_wait3A_2376 : memref<4096xf32, #tpu.memory_space<vmem>>) dst(%dma_wait3A_2373 : memref<4096xf32, #tpu.memory_space<hbm>>)
      %dma_wait3A_2377 = arith.constant 1 : i32
      %dma_wait3A_2378 = arith.constant 0 : i32
      %dma_wait3A_2379 = tpu.memref_slice %arg11[%dma_wait3A_2377, %dma_wait3A_2378] : memref<8x4096xf32, #tpu.memory_space<vmem>> -> memref<1x4096xf32, #tpu.memory_space<vmem>>
      %dma_wait3A_2380 = tpu.memref_squeeze %dma_wait3A_2379 : memref<1x4096xf32, #tpu.memory_space<vmem>> -> memref<4096xf32, #tpu.memory_space<vmem>>
      %dma_wait3A_2381 = arith.constant 0 : i32
      %dma_wait3A_2382 = tpu.memref_slice %arg4[%add3A_2183, %dma_wait3A_2381] : memref<6144x4096xf32, #tpu.memory_space<hbm>> -> memref<1x4096xf32, #tpu.memory_space<hbm>>
      %dma_wait3A_2383 = tpu.memref_squeeze %dma_wait3A_2382 : memref<1x4096xf32, #tpu.memory_space<hbm>> -> memref<4096xf32, #tpu.memory_space<hbm>>
      %dma_wait3A_2384 = arith.constant 0 : i32
      %dma_wait3A_2385 = tpu.memref_slice %arg4[%add3A_2183, %dma_wait3A_2384] : memref<6144x4096xf32, #tpu.memory_space<hbm>> -> memref<1x4096xf32, #tpu.memory_space<hbm>>
      %dma_wait3A_2386 = tpu.memref_squeeze %dma_wait3A_2385 : memref<1x4096xf32, #tpu.memory_space<hbm>> -> memref<4096xf32, #tpu.memory_space<hbm>>
      %dma_wait3A_2387 = arith.constant 0 : i32
      %dma_wait3A_2388 = tpu.memref_slice %arg11[%dma_wait3A_2377, %dma_wait3A_2387] : memref<8x4096xf32, #tpu.memory_space<vmem>> -> memref<1x4096xf32, #tpu.memory_space<vmem>>
      %dma_wait3A_2389 = tpu.memref_squeeze %dma_wait3A_2388 : memref<1x4096xf32, #tpu.memory_space<vmem>> -> memref<4096xf32, #tpu.memory_space<vmem>>
      tpu.wait_dma2 semaphore(%arg12 : memref<!tpu.dma_semaphore, #tpu.memory_space<semaphore_mem>>) src(%dma_wait3A_2389 : memref<4096xf32, #tpu.memory_space<vmem>>) dst(%dma_wait3A_2386 : memref<4096xf32, #tpu.memory_space<hbm>>)
      %dma_wait3A_2390 = arith.constant 2 : i32
      %dma_wait3A_2391 = arith.constant 0 : i32
      %dma_wait3A_2392 = tpu.memref_slice %arg11[%dma_wait3A_2390, %dma_wait3A_2391] : memref<8x4096xf32, #tpu.memory_space<vmem>> -> memref<1x4096xf32, #tpu.memory_space<vmem>>
      %dma_wait3A_2393 = tpu.memref_squeeze %dma_wait3A_2392 : memref<1x4096xf32, #tpu.memory_space<vmem>> -> memref<4096xf32, #tpu.memory_space<vmem>>
      %dma_wait3A_2394 = arith.constant 0 : i32
      %dma_wait3A_2395 = tpu.memref_slice %arg4[%add3A_2211, %dma_wait3A_2394] : memref<6144x4096xf32, #tpu.memory_space<hbm>> -> memref<1x4096xf32, #tpu.memory_space<hbm>>
      %dma_wait3A_2396 = tpu.memref_squeeze %dma_wait3A_2395 : memref<1x4096xf32, #tpu.memory_space<hbm>> -> memref<4096xf32, #tpu.memory_space<hbm>>
      %dma_wait3A_2397 = arith.constant 0 : i32
      %dma_wait3A_2398 = tpu.memref_slice %arg4[%add3A_2211, %dma_wait3A_2397] : memref<6144x4096xf32, #tpu.memory_space<hbm>> -> memref<1x4096xf32, #tpu.memory_space<hbm>>
      %dma_wait3A_2399 = tpu.memref_squeeze %dma_wait3A_2398 : memref<1x4096xf32, #tpu.memory_space<hbm>> -> memref<4096xf32, #tpu.memory_space<hbm>>
      %dma_wait3A_2400 = arith.constant 0 : i32
      %dma_wait3A_2401 = tpu.memref_slice %arg11[%dma_wait3A_2390, %dma_wait3A_2400] : memref<8x4096xf32, #tpu.memory_space<vmem>> -> memref<1x4096xf32, #tpu.memory_space<vmem>>
      %dma_wait3A_2402 = tpu.memref_squeeze %dma_wait3A_2401 : memref<1x4096xf32, #tpu.memory_space<vmem>> -> memref<4096xf32, #tpu.memory_space<vmem>>
      tpu.wait_dma2 semaphore(%arg12 : memref<!tpu.dma_semaphore, #tpu.memory_space<semaphore_mem>>) src(%dma_wait3A_2402 : memref<4096xf32, #tpu.memory_space<vmem>>) dst(%dma_wait3A_2399 : memref<4096xf32, #tpu.memory_space<hbm>>)
      %dma_wait3A_2403 = arith.constant 3 : i32
      %dma_wait3A_2404 = arith.constant 0 : i32
      %dma_wait3A_2405 = tpu.memref_slice %arg11[%dma_wait3A_2403, %dma_wait3A_2404] : memref<8x4096xf32, #tpu.memory_space<vmem>> -> memref<1x4096xf32, #tpu.memory_space<vmem>>
      %dma_wait3A_2406 = tpu.memref_squeeze %dma_wait3A_2405 : memref<1x4096xf32, #tpu.memory_space<vmem>> -> memref<4096xf32, #tpu.memory_space<vmem>>
      %dma_wait3A_2407 = arith.constant 0 : i32
      %dma_wait3A_2408 = tpu.memref_slice %arg4[%add3A_2239, %dma_wait3A_2407] : memref<6144x4096xf32, #tpu.memory_space<hbm>> -> memref<1x4096xf32, #tpu.memory_space<hbm>>
      %dma_wait3A_2409 = tpu.memref_squeeze %dma_wait3A_2408 : memref<1x4096xf32, #tpu.memory_space<hbm>> -> memref<4096xf32, #tpu.memory_space<hbm>>
      %dma_wait3A_2410 = arith.constant 0 : i32
      %dma_wait3A_2411 = tpu.memref_slice %arg4[%add3A_2239, %dma_wait3A_2410] : memref<6144x4096xf32, #tpu.memory_space<hbm>> -> memref<1x4096xf32, #tpu.memory_space<hbm>>
      %dma_wait3A_2412 = tpu.memref_squeeze %dma_wait3A_2411 : memref<1x4096xf32, #tpu.memory_space<hbm>> -> memref<4096xf32, #tpu.memory_space<hbm>>
      %dma_wait3A_2413 = arith.constant 0 : i32
      %dma_wait3A_2414 = tpu.memref_slice %arg11[%dma_wait3A_2403, %dma_wait3A_2413] : memref<8x4096xf32, #tpu.memory_space<vmem>> -> memref<1x4096xf32, #tpu.memory_space<vmem>>
      %dma_wait3A_2415 = tpu.memref_squeeze %dma_wait3A_2414 : memref<1x4096xf32, #tpu.memory_space<vmem>> -> memref<4096xf32, #tpu.memory_space<vmem>>
      tpu.wait_dma2 semaphore(%arg12 : memref<!tpu.dma_semaphore, #tpu.memory_space<semaphore_mem>>) src(%dma_wait3A_2415 : memref<4096xf32, #tpu.memory_space<vmem>>) dst(%dma_wait3A_2412 : memref<4096xf32, #tpu.memory_space<hbm>>)
      %dma_wait3A_2416 = arith.constant 4 : i32
      %dma_wait3A_2417 = arith.constant 0 : i32
      %dma_wait3A_2418 = tpu.memref_slice %arg11[%dma_wait3A_2416, %dma_wait3A_2417] : memref<8x4096xf32, #tpu.memory_space<vmem>> -> memref<1x4096xf32, #tpu.memory_space<vmem>>
      %dma_wait3A_2419 = tpu.memref_squeeze %dma_wait3A_2418 : memref<1x4096xf32, #tpu.memory_space<vmem>> -> memref<4096xf32, #tpu.memory_space<vmem>>
      %dma_wait3A_2420 = arith.constant 0 : i32
      %dma_wait3A_2421 = tpu.memref_slice %arg4[%add3A_2267, %dma_wait3A_2420] : memref<6144x4096xf32, #tpu.memory_space<hbm>> -> memref<1x4096xf32, #tpu.memory_space<hbm>>
      %dma_wait3A_2422 = tpu.memref_squeeze %dma_wait3A_2421 : memref<1x4096xf32, #tpu.memory_space<hbm>> -> memref<4096xf32, #tpu.memory_space<hbm>>
      %dma_wait3A_2423 = arith.constant 0 : i32
      %dma_wait3A_2424 = tpu.memref_slice %arg4[%add3A_2267, %dma_wait3A_2423] : memref<6144x4096xf32, #tpu.memory_space<hbm>> -> memref<1x4096xf32, #tpu.memory_space<hbm>>
      %dma_wait3A_2425 = tpu.memref_squeeze %dma_wait3A_2424 : memref<1x4096xf32, #tpu.memory_space<hbm>> -> memref<4096xf32, #tpu.memory_space<hbm>>
      %dma_wait3A_2426 = arith.constant 0 : i32
      %dma_wait3A_2427 = tpu.memref_slice %arg11[%dma_wait3A_2416, %dma_wait3A_2426] : memref<8x4096xf32, #tpu.memory_space<vmem>> -> memref<1x4096xf32, #tpu.memory_space<vmem>>
      %dma_wait3A_2428 = tpu.memref_squeeze %dma_wait3A_2427 : memref<1x4096xf32, #tpu.memory_space<vmem>> -> memref<4096xf32, #tpu.memory_space<vmem>>
      tpu.wait_dma2 semaphore(%arg12 : memref<!tpu.dma_semaphore, #tpu.memory_space<semaphore_mem>>) src(%dma_wait3A_2428 : memref<4096xf32, #tpu.memory_space<vmem>>) dst(%dma_wait3A_2425 : memref<4096xf32, #tpu.memory_space<hbm>>)
      %dma_wait3A_2429 = arith.constant 5 : i32
      %dma_wait3A_2430 = arith.constant 0 : i32
      %dma_wait3A_2431 = tpu.memref_slice %arg11[%dma_wait3A_2429, %dma_wait3A_2430] : memref<8x4096xf32, #tpu.memory_space<vmem>> -> memref<1x4096xf32, #tpu.memory_space<vmem>>
      %dma_wait3A_2432 = tpu.memref_squeeze %dma_wait3A_2431 : memref<1x4096xf32, #tpu.memory_space<vmem>> -> memref<4096xf32, #tpu.memory_space<vmem>>
      %dma_wait3A_2433 = arith.constant 0 : i32
      %dma_wait3A_2434 = tpu.memref_slice %arg4[%add3A_2295, %dma_wait3A_2433] : memref<6144x4096xf32, #tpu.memory_space<hbm>> -> memref<1x4096xf32, #tpu.memory_space<hbm>>
      %dma_wait3A_2435 = tpu.memref_squeeze %dma_wait3A_2434 : memref<1x4096xf32, #tpu.memory_space<hbm>> -> memref<4096xf32, #tpu.memory_space<hbm>>
      %dma_wait3A_2436 = arith.constant 0 : i32
      %dma_wait3A_2437 = tpu.memref_slice %arg4[%add3A_2295, %dma_wait3A_2436] : memref<6144x4096xf32, #tpu.memory_space<hbm>> -> memref<1x4096xf32, #tpu.memory_space<hbm>>
      %dma_wait3A_2438 = tpu.memref_squeeze %dma_wait3A_2437 : memref<1x4096xf32, #tpu.memory_space<hbm>> -> memref<4096xf32, #tpu.memory_space<hbm>>
      %dma_wait3A_2439 = arith.constant 0 : i32
      %dma_wait3A_2440 = tpu.memref_slice %arg11[%dma_wait3A_2429, %dma_wait3A_2439] : memref<8x4096xf32, #tpu.memory_space<vmem>> -> memref<1x4096xf32, #tpu.memory_space<vmem>>
      %dma_wait3A_2441 = tpu.memref_squeeze %dma_wait3A_2440 : memref<1x4096xf32, #tpu.memory_space<vmem>> -> memref<4096xf32, #tpu.memory_space<vmem>>
      tpu.wait_dma2 semaphore(%arg12 : memref<!tpu.dma_semaphore, #tpu.memory_space<semaphore_mem>>) src(%dma_wait3A_2441 : memref<4096xf32, #tpu.memory_space<vmem>>) dst(%dma_wait3A_2438 : memref<4096xf32, #tpu.memory_space<hbm>>)
      %dma_wait3A_2442 = arith.constant 6 : i32
      %dma_wait3A_2443 = arith.constant 0 : i32
      %dma_wait3A_2444 = tpu.memref_slice %arg11[%dma_wait3A_2442, %dma_wait3A_2443] : memref<8x4096xf32, #tpu.memory_space<vmem>> -> memref<1x4096xf32, #tpu.memory_space<vmem>>
      %dma_wait3A_2445 = tpu.memref_squeeze %dma_wait3A_2444 : memref<1x4096xf32, #tpu.memory_space<vmem>> -> memref<4096xf32, #tpu.memory_space<vmem>>
      %dma_wait3A_2446 = arith.constant 0 : i32
      %dma_wait3A_2447 = tpu.memref_slice %arg4[%add3A_2323, %dma_wait3A_2446] : memref<6144x4096xf32, #tpu.memory_space<hbm>> -> memref<1x4096xf32, #tpu.memory_space<hbm>>
      %dma_wait3A_2448 = tpu.memref_squeeze %dma_wait3A_2447 : memref<1x4096xf32, #tpu.memory_space<hbm>> -> memref<4096xf32, #tpu.memory_space<hbm>>
      %dma_wait3A_2449 = arith.constant 0 : i32
      %dma_wait3A_2450 = tpu.memref_slice %arg4[%add3A_2323, %dma_wait3A_2449] : memref<6144x4096xf32, #tpu.memory_space<hbm>> -> memref<1x4096xf32, #tpu.memory_space<hbm>>
      %dma_wait3A_2451 = tpu.memref_squeeze %dma_wait3A_2450 : memref<1x4096xf32, #tpu.memory_space<hbm>> -> memref<4096xf32, #tpu.memory_space<hbm>>
      %dma_wait3A_2452 = arith.constant 0 : i32
      %dma_wait3A_2453 = tpu.memref_slice %arg11[%dma_wait3A_2442, %dma_wait3A_2452] : memref<8x4096xf32, #tpu.memory_space<vmem>> -> memref<1x4096xf32, #tpu.memory_space<vmem>>
      %dma_wait3A_2454 = tpu.memref_squeeze %dma_wait3A_2453 : memref<1x4096xf32, #tpu.memory_space<vmem>> -> memref<4096xf32, #tpu.memory_space<vmem>>
      tpu.wait_dma2 semaphore(%arg12 : memref<!tpu.dma_semaphore, #tpu.memory_space<semaphore_mem>>) src(%dma_wait3A_2454 : memref<4096xf32, #tpu.memory_space<vmem>>) dst(%dma_wait3A_2451 : memref<4096xf32, #tpu.memory_space<hbm>>)
      %dma_wait3A_2455 = arith.constant 7 : i32
      %dma_wait3A_2456 = arith.constant 0 : i32
      %dma_wait3A_2457 = tpu.memref_slice %arg11[%dma_wait3A_2455, %dma_wait3A_2456] : memref<8x4096xf32, #tpu.memory_space<vmem>> -> memref<1x4096xf32, #tpu.memory_space<vmem>>
      %dma_wait3A_2458 = tpu.memref_squeeze %dma_wait3A_2457 : memref<1x4096xf32, #tpu.memory_space<vmem>> -> memref<4096xf32, #tpu.memory_space<vmem>>
      %dma_wait3A_2459 = arith.constant 0 : i32
      %dma_wait3A_2460 = tpu.memref_slice %arg4[%add3A_2351, %dma_wait3A_2459] : memref<6144x4096xf32, #tpu.memory_space<hbm>> -> memref<1x4096xf32, #tpu.memory_space<hbm>>
      %dma_wait3A_2461 = tpu.memref_squeeze %dma_wait3A_2460 : memref<1x4096xf32, #tpu.memory_space<hbm>> -> memref<4096xf32, #tpu.memory_space<hbm>>
      %dma_wait3A_2462 = arith.constant 0 : i32
      %dma_wait3A_2463 = tpu.memref_slice %arg4[%add3A_2351, %dma_wait3A_2462] : memref<6144x4096xf32, #tpu.memory_space<hbm>> -> memref<1x4096xf32, #tpu.memory_space<hbm>>
      %dma_wait3A_2464 = tpu.memref_squeeze %dma_wait3A_2463 : memref<1x4096xf32, #tpu.memory_space<hbm>> -> memref<4096xf32, #tpu.memory_space<hbm>>
      %dma_wait3A_2465 = arith.constant 0 : i32
      %dma_wait3A_2466 = tpu.memref_slice %arg11[%dma_wait3A_2455, %dma_wait3A_2465] : memref<8x4096xf32, #tpu.memory_space<vmem>> -> memref<1x4096xf32, #tpu.memory_space<vmem>>
      %dma_wait3A_2467 = tpu.memref_squeeze %dma_wait3A_2466 : memref<1x4096xf32, #tpu.memory_space<vmem>> -> memref<4096xf32, #tpu.memory_space<vmem>>
      tpu.wait_dma2 semaphore(%arg12 : memref<!tpu.dma_semaphore, #tpu.memory_space<semaphore_mem>>) src(%dma_wait3A_2467 : memref<4096xf32, #tpu.memory_space<vmem>>) dst(%dma_wait3A_2464 : memref<4096xf32, #tpu.memory_space<hbm>>)
      %scan3A_2468 = arith.constant 0 : i32
      scf.yield %scan3A_2468 : i32
    }
    %scan3A_2114 = arith.constant 24 : i32
    return
  }
}

</mosaic_0001>

<sc_bundles>
// kernel: kernel.3.cloned.1.call-start
scs
__scs_entry_jumppad:
0x0: {  	(pc) =	sbr.rel $0x88, $3  }
0x1: {  	(tag) =	ssettag $0x0;
	lr =	simm.s32 $0x1  }
0x2: {  	[smem:$0x3F9F] =	sst lr;
	_ =	strace $0xD0000000  }
0x3: {  	_ = 	snop  }
0x4: {  	_ = 	snop  }
0x5: {  	_ = 	snop  }
0x6: {  	_ = 	snop  }
0x7: {  	_ = 	snop  }
__scs_overlays_trampoline_lowered:
0x8: {  	[smem:$0x3FAE] =	sst s0  }
0x9: {  	[smem:$0x3FAF] =	sst s1  }
0xa: {  	[smem:$0x3FB0] =	sst s2  }
0xb: {  	[smem:$0x3FB1] =	sst s3  }
0xc: {  	[smem:$0x3FB2] =	sst s4  }
0xd: {  	[smem:$0x3FB3] =	sst s5  }
0xe: {  	[smem:$0x3FB4] =	sst s6  }
0xf: {  	[smem:$0x3FB5] =	sst s7  }
0x10: {  	[smem:$0x3FB6] =	sst s8  }
0x11: {  	[smem:$0x3FB7] =	sst s9;
	s0 =	simm.s32 @!p0 $0x0  }
0x12: {  	s1 =	sld [smem:$0x3F9D];
	s0 =	simm.s32 @p0 $0x1  }
0x13: {  	[smem:$0x3FB8] =	sst s0;
	s0 =	simm.s32 @!p1 $0x0  }
0x14: {  	s2 =	sld [smem:$0x3F9C];
	s0 =	simm.s32 @p1 $0x1  }
0x15: {  	[smem:$0x3FB9] =	sst s0;
	s0 =	simm.s32 @!p2 $0x0  }
0x16: {  	s3 =	sld [smem:$0x3FDB];
	s0 =	simm.s32 @p2 $0x1  }
0x17: {  	s4 =	simm.s32 $0x1BF5;
	[smem:$0x3FBB] =	sst s0  }
0x18: {  	s0 =	sld [smem:$0x3F9E];
	_ =	swait.ge [sflag:s4], $0x0  }
0x19: {  	s7 =	sld [smem:$0x3F9F]  }
0x1a: {  	s8 =	sadd.s32 $0xFFFFE003, lr  }
0x1b: {  	s9 =	sadd.s32 $0xFFFFFEF7, lr;
	s5 =	simm.s32 $0xFFFFFFFF;
	p2 =	slt.u32 s8, $0xFFFFF086  }
0x1c: {  	p1 =	slt.u32 s9, $0xF7A;
	s5 =	simm.s32 @!p2 $0x0  }
0x1d: {  	s5 =	simm.s32 @p1 $0x1;
	p0 =	seq.s32 s7, s2  }
0x1e: {  	s7 =	smul.u32 @!p0 $0xF7A, s2;
	p2 =	seq.s32 @!p0 s5, $0x0  }
0x1f: {  	s9 =	smul.u32 $0xF7A, s1;
	s8 =	simm.s32 @!p0 $0x1BF5;
	p2 =	por !p2, p0  }
0x20: {  	[sflag:s8] =	ssyncset.s32 @!p0 $0xFFFFF086;
	s6 =	sadd.s32 @!p0 s3, s7;
	s7 =	simm.s32 @!p0 $0x108  }
0x21: {  	s3 =	sadd.s32 s3, s9;
	s6 =	sadd.s32 @!p0 $0x88, s6;
	s7 =	simm.s32 @p2 $0x1082  }
0x22: {  	[simem:s7], [sflag:s8] =	dma.local @!p0 [hbm:s6], $0xF7A  }
0x23: {  	s9 =	sor.u32 $0xD0000000, s2;
	s6 =	simm.s32 $0x108;
	_ =	swait.ge @!p0 [sflag:s8], $0x0  }
0x24: {  	s3 =	sadd.s32 $0x88, s3;
	s6 =	simm.s32 @!p1 $0x1082;
	[sflag:s4] =	ssyncset.s32 $0xFFFFF086  }
0x25: {  	[simem:s6], [sflag:s4] =	dma.local [hbm:s3], $0xF7A  }
0x26: {  	[smem:$0x3F9F] =	sst s1;
	(tag) =	ssettag s2;
	_ =	strace s9  }
0x27: {  	s1 =	sld [smem:$0x3FAF]  }
0x28: {  	s2 =	sld [smem:$0x3FB0]  }
0x29: {  	s4 =	sld [smem:$0x3FB2]  }
0x2a: {  	p0 =	seq.s32 s5, $0x0;
	s5 =	sld [smem:$0x3FB3]  }
0x2b: {  	s6 =	sld [smem:$0x3FB4]  }
0x2c: {  	s7 =	sld [smem:$0x3FB5]  }
0x2d: {  	s3 =	simm.s32 $0x108;
	s8 =	sld [smem:$0x3FB6]  }
0x2e: {  	s3 =	simm.s32 @!p0 $0x1082;
	s9 =	sld [smem:$0x3FB7]  }
0x2f: {  	lr =	sadd.s32 s0, s3;
	s0 =	sld [smem:$0x3FAE]  }
0x30: {  	s3 =	sld [smem:$0x3FB1]  }
0x31: {  	[smem:$0x3FBA] =	sst s10  }
0x32: {  	s10 =	sld [smem:$0x3FB8];
	_ =	sdelay $0x3  }
0x33: {  	p0 =	seq.s32 s10, $0x1;
	s10 =	sld [smem:$0x3FBA];
	_ =	sdelay $0x3  }
0x34: {  	[smem:$0x3FBA] =	sst s10  }
0x35: {  	s10 =	sld [smem:$0x3FB9];
	_ =	sdelay $0x3  }
0x36: {  	p1 =	seq.s32 s10, $0x1;
	s10 =	sld [smem:$0x3FBA];
	_ =	sdelay $0x3  }
0x37: {  	[smem:$0x3FBA] =	sst s10  }
0x38: {  	s10 =	sld [smem:$0x3FBB]  }
0x39: {  	_ = 	snop;
	(pc) =	sbr.ind lr, $3  }
0x3a: {  	_ = 	snop  }
0x3b: {  	_ = 	snop  }
0x3c: {  	p2 =	seq.s32 s10, $0x1;
	s10 =	sld [smem:$0x3FBA]  }
0x3d: {  	_ =	shalt  }
0x3e: {  	_ =	shalt  }
0x3f: {  	_ =	shalt  }
0x40: {  	_ =	shalt  }
0x41: {  	_ =	shalt  }
0x42: {  	_ =	shalt  }
0x43: {  	_ =	shalt  }
0x44: {  	_ =	shalt  }
0x45: {  	_ =	shalt  }
0x46: {  	_ =	shalt  }
0x47: {  	_ =	shalt  }
0x48: {  	_ =	shalt  }
0x49: {  	_ =	shalt  }
0x4a: {  	_ =	shalt  }
0x4b: {  	_ =	shalt  }
0x4c: {  	_ =	shalt  }
0x4d: {  	_ =	shalt  }
0x4e: {  	_ =	shalt  }
0x4f: {  	_ =	shalt  }
0x50: {  	_ =	shalt  }
0x51: {  	_ =	shalt  }
0x52: {  	_ =	shalt  }
0x53: {  	_ =	shalt  }
0x54: {  	_ =	shalt  }
0x55: {  	_ =	shalt  }
0x56: {  	_ =	shalt  }
0x57: {  	_ =	shalt  }
0x58: {  	_ =	shalt  }
0x59: {  	_ =	shalt  }
0x5a: {  	_ =	shalt  }
0x5b: {  	_ =	shalt  }
0x5c: {  	_ =	shalt  }
0x5d: {  	_ =	shalt  }
0x5e: {  	_ =	shalt  }
0x5f: {  	_ =	shalt  }
0x60: {  	_ =	shalt  }
0x61: {  	_ =	shalt  }
0x62: {  	_ =	shalt  }
0x63: {  	_ =	shalt  }
0x64: {  	_ =	shalt  }
0x65: {  	_ =	shalt  }
0x66: {  	_ =	shalt  }
0x67: {  	_ =	shalt  }
0x68: {  	_ =	shalt  }
0x69: {  	_ =	shalt  }
0x6a: {  	_ =	shalt  }
0x6b: {  	_ =	shalt  }
0x6c: {  	_ =	shalt  }
0x6d: {  	_ =	shalt  }
0x6e: {  	_ =	shalt  }
0x6f: {  	_ =	shalt  }
0x70: {  	_ =	shalt  }
0x71: {  	_ =	shalt  }
0x72: {  	_ =	shalt  }
0x73: {  	_ =	shalt  }
0x74: {  	_ =	shalt  }
0x75: {  	_ =	shalt  }
0x76: {  	_ =	shalt  }
0x77: {  	_ =	shalt  }
0x78: {  	_ =	shalt  }
0x79: {  	_ =	shalt  }
0x7a: {  	_ =	shalt  }
0x7b: {  	_ =	shalt  }
0x7c: {  	_ =	shalt  }
0x7d: {  	_ =	shalt  }
0x7e: {  	_ =	shalt  }
0x7f: {  	_ =	shalt  }
0x80: {  	_ =	shalt  }
0x81: {  	_ =	shalt  }
0x82: {  	_ =	shalt  }
0x83: {  	_ =	shalt  }
0x84: {  	_ =	shalt  }
0x85: {  	_ =	shalt  }
0x86: {  	_ =	shalt  }
0x87: {  	_ =	shalt  }
.Lfunc_end0:
.L_simem_size_0:
called_computation.1_lowered:
.L_overlay_start_0:
0x88: {  	s2 =	sld [smem:$0x3FD9]  }
0x89: {  	s3 =	sld [smem:$0x3FFE];
	_ =	sdelay $0x1  }
0x8a: {  	s1 =	srdreg.scid  }
0x8b: {  	s0 =	sand.u32 $0x1, s1  }
0x8c: {  	s16 =	sshll.u32 s0, $0xA;
	s2 =	sadd.s32 s3, s2  }
0x8d: {  	s2 =	sadd.s32 s2, s16  }
0x8e: {  	[smem:$0x3FC6] =	sst s2  }
0x8f: {  	_ = 	snop  }
0x90: {  	(tm) =	ssettm $0x1  }
0x91: {  	s17 =	sld [smem:$0x3FFB];
	_ =	sdelay $0x3  }
0x92: {  	_ =	strace s17  }
0x93: {  	s2 =	sld [smem:$0x3FFC];
	_ =	sdelay $0x3  }
0x94: {  	_ =	strace s2  }
0x95: {  	s2 =	sld [smem:$0x3FFD];
	_ =	sdelay $0x3  }
0x96: {  	_ =	strace s2  }
0x97: {  	_ =	strace $0x8FFFFFFF  }
0x98: {  	s18 =	sld [smem:$0x3FDB];
	_ =	sdelay $0x1  }
0x99: {  	s19 =	simm.s32 $_scs_section_size  }
0x9a: {  	s4 =	simm.s32 $_size__tile_overlayer_lowered;
	s5 =	simm.s32 $_tile_overlayer_lowered  }
0x9b: {  	s22 =	simm.s32 $0x1BFF;
	s21 =	sshll.u32 s5, $0x1;
	s2 =	sadd.s32 s19, s18  }
0x9c: {  	s6 =	simm.s32 $0x0;
	s20 =	sshll.u32 s4, $0x1;
	s4 =	sadd.s32 s21, s2  }
0x9d: {  	[timem:s6], [sflag:s22] =	dma.local [hbm:s4], s20  }
0x9e: {  	_ =	swait.ge [sflag:s22], s20  }
0x9f: {  	s3 =	ssub.s32 $0x0, s20;
	[sflag:s22] =	ssyncset.done $0x0  }
0xa0: {  	[sflag:s22] =	ssyncadd.s32 s3;
	_ =	sdelay $0x1  }
0xa1: {  	s23 =	simm.s32 $0x1B8B  }
0xa2: {  	_ =	swait.ge [sflag:s23], $0x1  }
0xa3: {  	[sflag:s23] =	ssyncset.done $0x0  }
0xa4: {  	s25 =	simm.s32 $0x1B8E;
	s24 =	sld [smem:$0x3FFE];
	[sflag:s23] =	ssyncadd.s32 $0xFFFFFFFF  }
0xa5: {  	s26 =	simm.s32 $execute0_lowered;
	[smem:$0x3FD2] =	sst s25  }
0xa6: {  	s4 =	sshll.u32 s26, $0x1;
	_ =	strace $0x80000046;
	[dreg:$0x1] =	wrdreg $0xFFFFFFFF  }
0xa7: {  	s28 =	simm.s32 $_size_execute0_lowered;
	s2 =	sadd.s32 s2, s4;
	[dreg:$0x0] =	wrdreg $0x0  }
0xa8: {  	s4 =	sshll.u32 s28, $0x1;
	[dreg:$0x2] =	wrdreg s2  }
0xa9: {  	[dreg:$0x3] =	wrdreg s4  }
0xaa: {  	[dreg:$0x4] =	wrdreg $0xC0  }
0xab: {  	_ =	task [dreg:s6], $0x5FFFF  }
0xac: {  	[dreg:$0x1] =	wrdreg $0xFFFFFFFF  }
0xad: {  	[dreg:$0x0] =	wrdreg $0x60  }
0xae: {  	[dreg:$0x2] =	wrdreg s24  }
0xaf: {  	[dreg:$0x3] =	wrdreg $0x9  }
0xb0: {  	_ =	task.clear_ibuf [dreg:s6], $0x4FFFF;
	_ =	strace $0x90000046  }
0xb1: {  	s29 =	simm.s32 $0x9;
	_ =	strace $0x80000048  }
0xb2: {  	_ =	swait.ge [sflag:s29], $0x1  }
0xb3: {  	[sflag:s29] =	ssyncadd.s32 $0xFFFFFFFF  }
0xb4: {  	_ =	strace $0x90000048  }
0xb5: {  	_ =	sfence  }
0xb6: {  	s30 =	sld [smem:$0x0];
	_ =	sdelay $0x2  }
0xb7: {  	s31 =	sshll.u32 s1, $0xD;
	s1 =	sshrl.u32 s1, $0x2  }
0xb8: {  	s3 =	sand.u32 $0x4000, s31;
	s1 =	sadd.s32 s1, s30  }
0xb9: {  	s0 =	sor.u32 s3, s0;
	s1 =	sshll.u32 s1, $0x11  }
0xba: {  	s0 =	sor.u32 s1, s0  }
0xbb: {  	s0 =	sadd.s32 $0x8F2B, s0  }
0xbc: {  	[sflag:s0] =	ssyncadd.remote.s32 $0x1  }
0xbd: {  	_ =	sfence.sel $0xFFFF  }
0xbe: {  	[dreg:$0x0] =	wrdreg $0xFFFFFFFF;
	(pc) =	sbr.abs _section_cstart, $3  }
0xbf: {  	[dreg:$0x1] =	wrdreg $0xFFFFFFFF  }
0xc0: {  	_ =	task.clear_ibuf [dreg:s6], $0x2FFFF;
	_ =	strace $0x9FFFFFFF  }
0xc1: {  	(tm) =	ssettm $0x7FFFFFFF  }
tec
execute0_lowered:
.L_overlay_start_1:
0x0: {  	(tag) =	ssettag $0x1  }
0x1: {  	v0 =	vimm.s32 $0x0;
	v14 =	vlaneseq.u32  }
0x2: {  	v7 =	vimm.s32 $0x47;
	v8 =	vimm.s32 $0x48;
	v9 =	vimm.s32 $0x49  }
0x3: {  	v10 =	vimm.s32 $0x4A;
	v11 =	vimm.s32 $0x4B;
	v12 =	vimm.s32 $0x4C  }
0x4: {  	v13 =	vimm.s32 $0x4D;
	v15 =	vimm.s32 $0x4E;
	v18 =	vimm.s32 $0x50  }
0x5: {  	v19 =	vimm.s32 $0x51;
	v20 =	vimm.s32 $0x52;
	v21 =	vimm.s32 $0x53  }
0x6: {  	v22 =	vimm.s32 $0x54;
	v23 =	vimm.s32 $0x55;
	v24 =	vimm.s32 $0x56  }
0x7: {  	v25 =	vimm.s32 $0x57;
	v26 =	vimm.s32 $0x58;
	v27 =	vimm.s32 $0x59  }
0x8: {  	v28 =	vimm.s32 $0x5A;
	v29 =	vimm.s32 $0x5B;
	v30 =	vimm.s32 $0x5C  }
0x9: {  	v31 =	vimm.s32 $0x5D;
	v32 =	vimm.s32 $0x5E;
	v33 =	vimm.s32 $0x60  }
0xa: {  	v34 =	vimm.s32 $0x61;
	v35 =	vimm.s32 $0x62;
	v36 =	vimm.s32 $0x63  }
0xb: {  	v37 =	vimm.s32 $0x64;
	v38 =	vimm.s32 $0x65;
	v39 =	vimm.s32 $0x66  }
0xc: {  	s5 =	rddreg [dreg:$0x0];
	v40 =	vimm.s32 $0x67;
	v41 =	vimm.s32 $0x68;
	v42 =	vimm.s32 $0x69  }
0xd: {  	s0 =	rddreg [dreg:$0x1];
	s1 =	simm.s32 $0x0;
	s2 =	srdreg.scid;
	v43 =	vimm.s32 $0x6A;
	v44 =	vimm.s32 $0x6B;
	v45 =	vimm.s32 $0x6C  }
0xe: {  	v46 =	vimm.s32 $0x6D;
	v47 =	vimm.s32 $0x6E;
	v48 =	vimm.s32 $0x70;
	s10 =	simm.s32 $0x100;
	s11 =	simm.s32 $0x400;
	s12 =	simm.s32 $0x280  }
0xf: {  	v49 =	vimm.s32 $0x71;
	v50 =	vimm.s32 $0x72;
	v51 =	vimm.s32 $0x73;
	s13 =	simm.s32 $0x1;
	s14 =	simm.s32 $0x0;
	[smem:$0x7FF] =	sst s1  }
0x10: {  	v52 =	vimm.s32 $0x74;
	v53 =	vimm.s32 $0x75;
	v54 =	vimm.s32 $0x76;
	s6 =	sand.u32 $0x1, s2;
	s3 =	sadd.s32 $0xA00, s5;
	s2 =	stileid.u32  }
0x11: {  	v55 =	vimm.s32 $0x77;
	v56 =	vimm.s32 $0x78;
	v57 =	vimm.s32 $0x79;
	s4 =	sadd.s32 $0x800, s5;
	s5 =	sadd.s32 $0xB4A00, s5;
	s7 =	ssub.s32 $0x2, s6  }
0x12: {  	v58 =	vimm.s32 $0x7A;
	v59 =	vimm.s32 $0x7B;
	v60 =	vimm.s32 $0x7C;
	_ =	strace $0x80000047;
	s9 =	sshll.u32 s2, $0x1;
	s8 =	sshrl.u32 s7, $0x1  }
0x13: {  	v61 =	vimm.s32 $0x7D;
	v62 =	vimm.s32 $0x7E;
	v1 =	vshrl.u32 v14, $0x3;
	s6 =	sor.u32 s6, s9;
	s9 =	simm.s32 $0x80;
	s7 =	ssub.s32 s7, s8  }
0x14: {  	vm12 =	vcmask $0x3F24;
	v16 =	vand.u32 $0x7, v14;
	v17 =	vmul.u32 $0xF, v1;
	s6 =	smul.u32 $0x18, s6;
	s8 =	simm.s32 $0x2;
	s7 =	smax.u32 s7, $0x1  }
.LBB2_1:
0x15: {  	[tilespmem:s1], [sflag:$0x2] =	stream.linear.gather [hbm4b:s4+s1], $0x80, $0x38;
	[tilespmem:$0xA080] =	vst v63  }
0x16: {  	_ =	swait.ge [sflag:s8], $0x80  }
0x17: {  	v3 =	vimm.s32 $0x1;
	[sflag:s8] =	ssyncset.done $0x0  }
0x18: {  	[sflag:s8] =	ssyncadd.s32 $0xFFFFFF80  }
0x19: {  	v1 =	vld [tilespmem:$0x0]  }
0x1a: {  	v2 =	vld.msk [tilespmem:s1+$0x0], $0xffff;
	_ =	sdelay $0x1  }
0x1b: {  	v63 =	vld.idx.msk [tilespmem:v3+s1+$0x0], $0xffff;
	v3 =	vimm.s32 $0x2  }
0x1c: {  	v5 =	vimm.s32 $0x5  }
0x1d: {  	v4 =	vimm.s32 $0x4  }
0x1e: {  	vm15 =	veq.f32 v2, v1;
	vm0 =	vlt.f32 v2, v1;
	v2 =	vimm.s32 $0x3  }
0x1f: {  	vm3 =	vcmask $0x3F04  }
0x20: {  	v3 =	vld.idx.msk [tilespmem:v3+s1+$0x0], $0xffff;
	vm15 =	vmand vm15, vm3  }
0x21: {  	vm4 =	vcmask $0x3F08;
	v5 =	vld.idx.msk [tilespmem:v5+s1+$0x0], $0xffff;
	vm0 =	vmor vm0, vm15;
	vm15 =	veq.f32 v63, v1  }
0x22: {  	v4 =	vld.idx.msk [tilespmem:v4+s1+$0x0], $0xffff;
	vm1 =	vlt.f32 v63, v1;
	vm15 =	vmand vm15, vm4  }
0x23: {  	vm5 =	vcmask $0x3F0C;
	v6 =	vimm.s32 $0x6;
	vm1 =	vmor vm1, vm15;
	v2 =	vld.idx.msk [tilespmem:v2+s1+$0x0], $0xffff  }
0x24: {  	vm6 =	vcmask $0x3F10;
	vm7 =	vcmask $0x3F14;
	v63 =	vsel vm1, $0x1, v0  }
0x25: {  	vm2 =	veq.f32 v3, v1;
	vm15 =	vlt.f32 v3, v1;
	v3 =	vsel vm0, $0x1, v0  }
0x26: {  	vm4 =	veq.f32 v5, v1;
	vm2 =	vmand vm2, vm5;
	v3 =	vadd.s32 v3, v63  }
0x27: {  	vm5 =	vlt.f32 v5, v1;
	v5 =	vimm.s32 $0x9;
	vm9 =	vmor vm15, vm2  }
0x28: {  	v6 =	vld.idx.msk [tilespmem:v6+s1+$0x0], $0xffff;
	v63 =	vsel vm9, $0x1, v0;
	vm9 =	veq.f32 v4, v1;
	vm10 =	veq.f32 v2, v1  }
0x29: {  	vm11 =	vlt.f32 v2, v1;
	v2 =	vadd.s32 v63, v3;
	v63 =	vimm.s32 $0x8  }
0x2a: {  	vm0 =	vmand vm10, vm6;
	vm10 =	vlt.f32 v4, v1;
	v4 =	vimm.s32 $0x7  }
0x2b: {  	vm8 =	vcmask $0x3F18;
	vm2 =	vmand vm9, vm7  }
0x2c: {  	vm9 =	vcmask $0x3F1C;
	vm0 =	vmor vm11, vm0;
	vm11 =	vmor vm10, vm2  }
0x2d: {  	v5 =	vld.idx.msk [tilespmem:v5+s1+$0x0], $0xffff;
	v3 =	vsel vm0, $0x1, v0;
	vm0 =	vmand vm4, vm8;
	vm4 =	veq.f32 v6, v1  }
0x2e: {  	vm0 =	vmor vm5, vm0;
	vm5 =	vlt.f32 v6, v1;
	v6 =	vimm.s32 $0xA;
	v63 =	vld.idx.msk [tilespmem:v63+s1+$0x0], $0xffff  }
0x2f: {  	v2 =	vadd.s32 v3, v2;
	v3 =	vsel vm11, $0x1, v0;
	vm2 =	vmand vm4, vm9;
	v4 =	vld.idx.msk [tilespmem:v4+s1+$0x0], $0xffff  }
0x30: {  	v2 =	vadd.s32 v3, v2;
	v3 =	vsel vm0, $0x1, v0;
	vm6 =	vmor vm5, vm2  }
0x31: {  	vm10 =	vcmask $0x3F20;
	v2 =	vadd.s32 v3, v2;
	v3 =	vsel vm6, $0x1, v0  }
0x32: {  	vm8 =	veq.f32 v5, v1;
	vm9 =	vlt.f32 v5, v1;
	v5 =	vimm.s32 $0xD  }
0x33: {  	v6 =	vld.idx.msk [tilespmem:v6+s1+$0x0], $0xffff;
	vm5 =	veq.f32 v63, v1;
	vm6 =	vlt.f32 v63, v1;
	v63 =	vimm.s32 $0xC  }
0x34: {  	vm7 =	veq.f32 v4, v1;
	vm4 =	vlt.f32 v4, v1;
	v4 =	vimm.s32 $0xB  }
0x35: {  	vm14 =	vcmask $0x3F30;
	vm11 =	vcmask $0x3F24;
	vm0 =	vmand vm7, vm10  }
0x36: {  	v2 =	vadd.s32 v3, v2;
	vm2 =	vmand vm5, vm11;
	vm0 =	vmor vm4, vm0  }
0x37: {  	vm5 =	vcmask $0x3F28;
	vm7 =	vmor vm6, vm2;
	v5 =	vld.idx.msk [tilespmem:v5+s1+$0x0], $0xffff;
	v3 =	vsel vm0, $0x1, v0  }
0x38: {  	vm10 =	veq.f32 v6, v1;
	vm11 =	vlt.f32 v6, v1;
	v6 =	vimm.s32 $0xE;
	v63 =	vld.idx.msk [tilespmem:v63+s1+$0x0], $0xffff  }
0x39: {  	vm4 =	vcmask $0x3F2C;
	vm0 =	vmand vm8, vm5;
	v2 =	vadd.s32 v3, v2;
	v4 =	vld.idx.msk [tilespmem:v4+s1+$0x0], $0xffff  }
0x3a: {  	v3 =	vsel vm7, $0x1, v0;
	vm0 =	vmor vm9, vm0;
	vm2 =	vmand vm10, vm4  }
0x3b: {  	v2 =	vadd.s32 v3, v2;
	v3 =	vsel vm0, $0x1, v0;
	vm7 =	vmor vm11, vm2  }
0x3c: {  	vm13 =	vcmask $0x3F3C;
	v2 =	vadd.s32 v3, v2;
	v3 =	vsel vm7, $0x1, v0  }
0x3d: {  	vm7 =	veq.f32 v5, v1;
	v2 =	vadd.s32 v3, v2;
	v6 =	vld.idx.msk [tilespmem:v6+s1+$0x0], $0xffff;
	vm10 =	veq.f32 v63, v1  }
0x3e: {  	vm11 =	vlt.f32 v63, v1;
	vm8 =	veq.f32 v4, v1;
	vm9 =	vlt.f32 v4, v1  }
0x3f: {  	vm0 =	vmand vm8, vm14;
	vm14 =	vcmask $0x3F34;
	vm8 =	vlt.f32 v5, v1  }
0x40: {  	vm0 =	vmor vm9, vm0;
	vm2 =	vmand vm10, vm14;
	vm9 =	vcmask $0x3F38  }
0x41: {  	v3 =	vsel vm0, $0x1, v0;
	vm6 =	vmor vm11, vm2;
	vm0 =	vmand vm7, vm9  }
0x42: {  	vm10 =	veq.f32 v6, v1;
	vm11 =	vlt.f32 v6, v1;
	v2 =	vadd.s32 v3, v2  }
0x43: {  	v3 =	vsel vm6, $0x1, v0;
	vm0 =	vmor vm8, vm0;
	vm2 =	vmand vm10, vm13  }
0x44: {  	v2 =	vadd.s32 v3, v2;
	v3 =	vsel vm0, $0x1, v0;
	vm6 =	vmor vm11, vm2  }
0x45: {  	v2 =	vadd.s32 v3, v2;
	v3 =	vsel vm6, $0x1, v0  }
0x46: {  	v2 =	vadd.s32 v3, v2  }
0x47: {  	vm7 =	vlt.u32 v2, $0x8;
	_ =	sdelay $0x5  }
0x48: {  	[tilespmem:v2+s9+$0x0] =	vst.idx.msk vm7, v14  }
0x49: {  	[tilespmem:v2+s10+$0x0] =	vst.idx.msk vm7, v1  }
0x4a: {  	v2 =	vld.idx.msk [tilespmem:v16+s10+$0x0], $0xffff;
	_ =	sdelay $0x2  }
0x4b: {  	v1 =	vld.idx.msk [tilespmem:v16+s9+$0x0], $0xffff;
	_ =	sdelay $0x1  }
0x4c: {  	[tilespmem:$0x200] =	vst v2;
	v2 =	vimm.s32 $0x10;
	_ =	sdelay $0x2  }
0x4d: {  	v3 =	vimm.s32 $0x11;
	v1 =	vadd.s32 v17, v1  }
0x4e: {  	v4 =	vimm.s32 $0x12;
	[tilespmem:$0x180] =	vst v1;
	v1 =	vld [tilespmem:$0x10]  }
0x4f: {  	v5 =	vimm.s32 $0x14;
	v2 =	vld.idx.msk [tilespmem:v2+s1+$0x0], $0xffff;
	_ =	sdelay $0x2  }
0x50: {  	v3 =	vld.idx.msk [tilespmem:v3+s1+$0x0], $0xffff  }
0x51: {  	v4 =	vld.idx.msk [tilespmem:v4+s1+$0x0], $0xffff  }
0x52: {  	v5 =	vld.idx.msk [tilespmem:v5+s1+$0x0], $0xffff;
	vm8 =	veq.f32 v2, v1;
	vm9 =	vlt.f32 v2, v1;
	v2 =	vimm.s32 $0x13;
	_ =	sdelay $0x2  }
0x53: {  	vm3 =	vcmask $0x3F04;
	v63 =	vimm.s32 $0x16;
	v6 =	vimm.s32 $0x15  }
0x54: {  	vm6 =	vcmask $0x3F08;
	vm7 =	vcmask $0x3F0C;
	vm10 =	veq.f32 v3, v1  }
0x55: {  	vm11 =	vlt.f32 v3, v1;
	vm15 =	veq.f32 v4, v1;
	vm2 =	veq.f32 v5, v1;
	v2 =	vld.idx.msk [tilespmem:v2+s1+$0x0], $0xffff  }
0x56: {  	vm1 =	vmand vm10, vm6;
	vm15 =	vmand vm15, vm7;
	vm0 =	vmand vm8, vm3  }
0x57: {  	vm1 =	vmor vm11, vm1;
	vm8 =	vcmask $0x3F10;
	vm0 =	vmor vm9, vm0  }
0x58: {  	vm9 =	vlt.f32 v4, v1;
	v4 =	vsel vm1, $0x1, v0;
	v3 =	vsel vm0, $0x1, v0  }
0x59: {  	v6 =	vld.idx.msk [tilespmem:v6+s1+$0x0], $0xffff;
	vm10 =	vmor vm9, vm15;
	vm9 =	vcmask $0x3F14;
	v3 =	vadd.s32 v3, v4  }
0x5a: {  	v63 =	vld.idx.msk [tilespmem:v63+s1+$0x0], $0xffff;
	v4 =	vsel vm10, $0x1, v0;
	vm0 =	veq.f32 v2, v1;
	vm1 =	vlt.f32 v2, v1  }
0x5b: {  	v2 =	vadd.s32 v4, v3;
	v4 =	vimm.s32 $0x17;
	vm0 =	vmand vm0, vm8  }
0x5c: {  	vm2 =	vmand vm2, vm9;
	vm10 =	vcmask $0x3F18;
	vm0 =	vmor vm1, vm0  }
0x5d: {  	vm1 =	vlt.f32 v5, v1;
	v5 =	vimm.s32 $0x18;
	v3 =	vsel vm0, $0x1, v0  }
0x5e: {  	vm11 =	vmor vm1, vm2;
	vm0 =	veq.f32 v6, v1;
	vm1 =	vlt.f32 v6, v1  }
0x5f: {  	vm2 =	veq.f32 v63, v1;
	v6 =	vimm.s32 $0x19;
	v2 =	vadd.s32 v3, v2  }
0x60: {  	v3 =	vsel vm11, $0x1, v0;
	vm0 =	vmand vm0, vm10;
	vm11 =	vcmask $0x3F1C;
	v4 =	vld.idx.msk [tilespmem:v4+s1+$0x0], $0xffff  }
0x61: {  	vm0 =	vmor vm1, vm0;
	vm1 =	vlt.f32 v63, v1;
	v63 =	vimm.s32 $0x1A  }
0x62: {  	vm2 =	vmand vm2, vm11;
	v5 =	vld.idx.msk [tilespmem:v5+s1+$0x0], $0xffff  }
0x63: {  	v2 =	vadd.s32 v3, v2;
	v3 =	vsel vm0, $0x1, v0;
	vm0 =	vmor vm1, vm2  }
0x64: {  	v2 =	vadd.s32 v3, v2;
	v3 =	vsel vm0, $0x1, v0  }
0x65: {  	vm13 =	vcmask $0x3F20;
	v6 =	vld.idx.msk [tilespmem:v6+s1+$0x0], $0xffff;
	v2 =	vadd.s32 v3, v2;
	vm0 =	veq.f32 v4, v1  }
0x66: {  	v63 =	vld.idx.msk [tilespmem:v63+s1+$0x0], $0xffff;
	vm1 =	vlt.f32 v4, v1;
	v4 =	vimm.s32 $0x1B;
	vm0 =	vmand vm0, vm13  }
0x67: {  	vm2 =	veq.f32 v5, v1;
	vm0 =	vmor vm1, vm0;
	vm1 =	vlt.f32 v5, v1  }
0x68: {  	v5 =	vimm.s32 $0x1C;
	vm2 =	vmand vm2, vm12;
	v3 =	vsel vm0, $0x1, v0  }
0x69: {  	vm0 =	vmor vm1, vm2;
	v2 =	vadd.s32 v3, v2  }
0x6a: {  	vm1 =	vlt.f32 v6, v1;
	v3 =	vsel vm0, $0x1, v0;
	vm0 =	veq.f32 v6, v1  }
0x6b: {  	v4 =	vld.idx.msk [tilespmem:v4+s1+$0x0], $0xffff;
	vm2 =	veq.f32 v63, v1;
	v6 =	vimm.s32 $0x1D;
	vm0 =	vmand vm0, vm5  }
0x6c: {  	vm0 =	vmor vm1, vm0;
	vm1 =	vlt.f32 v63, v1;
	v63 =	vimm.s32 $0x1E  }
0x6d: {  	v5 =	vld.idx.msk [tilespmem:v5+s1+$0x0], $0xffff  }
0x6e: {  	vm2 =	vmand vm2, vm4;
	v2 =	vadd.s32 v3, v2  }
0x6f: {  	v3 =	vsel vm0, $0x1, v0;
	vm0 =	vmor vm1, vm2;
	vm2 =	vcmask $0x3F30  }
0x70: {  	v2 =	vadd.s32 v3, v2;
	v3 =	vsel vm0, $0x1, v0;
	v6 =	vld.idx.msk [tilespmem:v6+s1+$0x0], $0xffff;
	vm0 =	veq.f32 v4, v1  }
0x71: {  	vm1 =	vlt.f32 v4, v1;
	vm0 =	vmand vm0, vm2;
	v63 =	vld.idx.msk [tilespmem:v63+s1+$0x0], $0xffff  }
0x72: {  	v2 =	vadd.s32 v3, v2;
	vm2 =	veq.f32 v5, v1;
	vm0 =	vmor vm1, vm0  }
0x73: {  	vm1 =	vlt.f32 v5, v1;
	vm2 =	vmand vm2, vm14;
	v3 =	vsel vm0, $0x1, v0  }
0x74: {  	vm15 =	vcmask $0x3F3C;
	vm0 =	vmor vm1, vm2;
	v2 =	vadd.s32 v3, v2  }
0x75: {  	vm2 =	vcmask $0x3F38;
	v3 =	vsel vm0, $0x1, v0;
	vm0 =	veq.f32 v6, v1  }
0x76: {  	vm1 =	vlt.f32 v6, v1;
	vm0 =	vmand vm0, vm2;
	vm2 =	veq.f32 v63, v1  }
0x77: {  	vm0 =	vmor vm1, vm0;
	vm1 =	vlt.f32 v63, v1;
	vm2 =	vmand vm2, vm15  }
0x78: {  	v2 =	vadd.s32 v3, v2;
	v3 =	vsel vm0, $0x1, v0;
	vm0 =	vmor vm1, vm2  }
0x79: {  	v2 =	vadd.s32 v3, v2;
	v3 =	vsel vm0, $0x1, v0  }
0x7a: {  	v2 =	vadd.s32 v3, v2  }
0x7b: {  	vm0 =	vlt.u32 v2, $0x8;
	_ =	sdelay $0x5  }
0x7c: {  	[tilespmem:v2+s9+$0x0] =	vst.idx.msk vm0, v14  }
0x7d: {  	[tilespmem:v2+s10+$0x0] =	vst.idx.msk vm0, v1  }
0x7e: {  	v2 =	vld.idx.msk [tilespmem:v16+s10+$0x0], $0xffff;
	_ =	sdelay $0x2  }
0x7f: {  	v1 =	vld.idx.msk [tilespmem:v16+s9+$0x0], $0xffff;
	_ =	sdelay $0x1  }
0x80: {  	[tilespmem:$0x210] =	vst v2;
	v2 =	vimm.s32 $0x20;
	_ =	sdelay $0x2  }
0x81: {  	v1 =	vadd.s32 v17, v1  }
0x82: {  	[tilespmem:$0x190] =	vst v1;
	v1 =	vld [tilespmem:$0x20]  }
0x83: {  	v3 =	vimm.s32 $0x21;
	v2 =	vld.idx.msk [tilespmem:v2+s1+$0x0], $0xffff  }
0x84: {  	v4 =	vimm.s32 $0x22;
	_ =	sdelay $0x2  }
0x85: {  	v5 =	vimm.s32 $0x24  }
0x86: {  	v3 =	vld.idx.msk [tilespmem:v3+s1+$0x0], $0xffff;
	vm0 =	veq.f32 v2, v1;
	vm1 =	vlt.f32 v2, v1;
	v2 =	vimm.s32 $0x23  }
0x87: {  	v4 =	vld.idx.msk [tilespmem:v4+s1+$0x0], $0xffff;
	_ =	sdelay $0x2  }
0x88: {  	v6 =	vimm.s32 $0x25;
	v5 =	vld.idx.msk [tilespmem:v5+s1+$0x0], $0xffff  }
0x89: {  	v63 =	vimm.s32 $0x26;
	vm0 =	vmand vm0, vm3;
	v2 =	vld.idx.msk [tilespmem:v2+s1+$0x0], $0xffff  }
0x8a: {  	vm15 =	veq.f32 v4, v1;
	vm0 =	vmor vm1, vm0;
	vm1 =	veq.f32 v3, v1  }
0x8b: {  	vm2 =	vlt.f32 v3, v1;
	vm15 =	vmand vm15, vm7;
	vm1 =	vmand vm1, vm6  }
0x8c: {  	v3 =	vsel vm0, $0x1, v0;
	vm1 =	vmor vm2, vm1;
	vm2 =	vlt.f32 v4, v1  }
0x8d: {  	v6 =	vld.idx.msk [tilespmem:v6+s1+$0x0], $0xffff;
	v4 =	vsel vm1, $0x1, v0;
	vm0 =	vmor vm2, vm15;
	vm2 =	veq.f32 v5, v1  }
0x8e: {  	v3 =	vadd.s32 v3, v4;
	v4 =	vsel vm0, $0x1, v0;
	vm0 =	veq.f32 v2, v1  }
0x8f: {  	v63 =	vld.idx.msk [tilespmem:v63+s1+$0x0], $0xffff;
	vm1 =	vlt.f32 v2, v1;
	v2 =	vadd.s32 v4, v3;
	v4 =	vimm.s32 $0x27  }
0x90: {  	vm2 =	vmand vm2, vm9;
	vm0 =	vmand vm0, vm8  }
0x91: {  	vm0 =	vmor vm1, vm0;
	vm1 =	vlt.f32 v5, v1;
	v5 =	vimm.s32 $0x28  }
0x92: {  	v3 =	vsel vm0, $0x1, v0;
	vm0 =	vmor vm1, vm2;
	vm1 =	vlt.f32 v6, v1  }
0x93: {  	v2 =	vadd.s32 v3, v2;
	v3 =	vsel vm0, $0x1, v0;
	vm0 =	veq.f32 v6, v1  }
0x94: {  	vm2 =	veq.f32 v63, v1;
	v6 =	vimm.s32 $0x29;
	v4 =	vld.idx.msk [tilespmem:v4+s1+$0x0], $0xffff;
	vm0 =	vmand vm0, vm10  }
0x95: {  	vm0 =	vmor vm1, vm0;
	vm1 =	vlt.f32 v63, v1;
	v63 =	vimm.s32 $0x2A  }
0x96: {  	vm2 =	vmand vm2, vm11;
	v5 =	vld.idx.msk [tilespmem:v5+s1+$0x0], $0xffff  }
0x97: {  	v2 =	vadd.s32 v3, v2;
	v3 =	vsel vm0, $0x1, v0;
	vm0 =	vmor vm1, vm2  }
0x98: {  	v2 =	vadd.s32 v3, v2;
	v3 =	vsel vm0, $0x1, v0  }
0x99: {  	v6 =	vld.idx.msk [tilespmem:v6+s1+$0x0], $0xffff;
	v2 =	vadd.s32 v3, v2;
	vm0 =	veq.f32 v4, v1  }
0x9a: {  	vm1 =	vlt.f32 v4, v1;
	v4 =	vimm.s32 $0x2B;
	v63 =	vld.idx.msk [tilespmem:v63+s1+$0x0], $0xffff;
	vm0 =	vmand vm0, vm13  }
0x9b: {  	vm2 =	veq.f32 v5, v1;
	vm0 =	vmor vm1, vm0;
	vm1 =	vlt.f32 v5, v1  }
0x9c: {  	v5 =	vimm.s32 $0x2C;
	vm2 =	vmand vm2, vm12;
	v3 =	vsel vm0, $0x1, v0  }
0x9d: {  	vm0 =	vmor vm1, vm2;
	v2 =	vadd.s32 v3, v2  }
0x9e: {  	vm1 =	vlt.f32 v6, v1;
	v3 =	vsel vm0, $0x1, v0;
	vm0 =	veq.f32 v6, v1  }
0x9f: {  	v4 =	vld.idx.msk [tilespmem:v4+s1+$0x0], $0xffff;
	v6 =	vimm.s32 $0x2D;
	vm0 =	vmand vm0, vm5;
	vm2 =	veq.f32 v63, v1  }
0xa0: {  	vm0 =	vmor vm1, vm0;
	vm1 =	vlt.f32 v63, v1;
	v63 =	vimm.s32 $0x2E  }
0xa1: {  	v5 =	vld.idx.msk [tilespmem:v5+s1+$0x0], $0xffff  }
0xa2: {  	v2 =	vadd.s32 v3, v2;
	vm2 =	vmand vm2, vm4  }
0xa3: {  	v3 =	vsel vm0, $0x1, v0;
	vm0 =	vmor vm1, vm2;
	vm2 =	vcmask $0x3F30  }
0xa4: {  	v2 =	vadd.s32 v3, v2;
	v3 =	vsel vm0, $0x1, v0;
	v6 =	vld.idx.msk [tilespmem:v6+s1+$0x0], $0xffff;
	vm0 =	veq.f32 v4, v1  }
0xa5: {  	vm1 =	vlt.f32 v4, v1;
	vm0 =	vmand vm0, vm2;
	v63 =	vld.idx.msk [tilespmem:v63+s1+$0x0], $0xffff  }
0xa6: {  	v2 =	vadd.s32 v3, v2;
	vm2 =	veq.f32 v5, v1;
	vm0 =	vmor vm1, vm0  }
0xa7: {  	vm1 =	vlt.f32 v5, v1;
	vm2 =	vmand vm2, vm14;
	v3 =	vsel vm0, $0x1, v0  }
0xa8: {  	vm15 =	vcmask $0x3F3C;
	vm0 =	vmor vm1, vm2;
	v2 =	vadd.s32 v3, v2  }
0xa9: {  	vm2 =	vcmask $0x3F38;
	v3 =	vsel vm0, $0x1, v0;
	vm0 =	veq.f32 v6, v1  }
0xaa: {  	vm1 =	vlt.f32 v6, v1;
	vm0 =	vmand vm0, vm2;
	vm2 =	veq.f32 v63, v1  }
0xab: {  	vm0 =	vmor vm1, vm0;
	vm1 =	vlt.f32 v63, v1;
	vm2 =	vmand vm2, vm15  }
0xac: {  	v2 =	vadd.s32 v3, v2;
	v3 =	vsel vm0, $0x1, v0;
	vm0 =	vmor vm1, vm2  }
0xad: {  	v2 =	vadd.s32 v3, v2;
	v3 =	vsel vm0, $0x1, v0  }
0xae: {  	v2 =	vadd.s32 v3, v2  }
0xaf: {  	vm0 =	vlt.u32 v2, $0x8;
	_ =	sdelay $0x5  }
0xb0: {  	[tilespmem:v2+s9+$0x0] =	vst.idx.msk vm0, v14  }
0xb1: {  	[tilespmem:v2+s10+$0x0] =	vst.idx.msk vm0, v1  }
0xb2: {  	v2 =	vld.idx.msk [tilespmem:v16+s10+$0x0], $0xffff;
	_ =	sdelay $0x2  }
0xb3: {  	v1 =	vld.idx.msk [tilespmem:v16+s9+$0x0], $0xffff;
	_ =	sdelay $0x1  }
0xb4: {  	[tilespmem:$0x220] =	vst v2;
	v2 =	vimm.s32 $0x30;
	_ =	sdelay $0x2  }
0xb5: {  	v1 =	vadd.s32 v17, v1  }
0xb6: {  	[tilespmem:$0x1A0] =	vst v1;
	v1 =	vld [tilespmem:$0x30]  }
0xb7: {  	v3 =	vimm.s32 $0x31;
	v2 =	vld.idx.msk [tilespmem:v2+s1+$0x0], $0xffff  }
0xb8: {  	v4 =	vimm.s32 $0x32;
	_ =	sdelay $0x2  }
0xb9: {  	v5 =	vimm.s32 $0x34  }
0xba: {  	v3 =	vld.idx.msk [tilespmem:v3+s1+$0x0], $0xffff;
	vm0 =	veq.f32 v2, v1;
	vm1 =	vlt.f32 v2, v1;
	v2 =	vimm.s32 $0x33  }
0xbb: {  	v4 =	vld.idx.msk [tilespmem:v4+s1+$0x0], $0xffff;
	_ =	sdelay $0x2  }
0xbc: {  	v5 =	vld.idx.msk [tilespmem:v5+s1+$0x0], $0xffff;
	vm0 =	vmand vm0, vm3  }
0xbd: {  	v6 =	vimm.s32 $0x35;
	vm0 =	vmor vm1, vm0;
	vm1 =	veq.f32 v3, v1;
	v2 =	vld.idx.msk [tilespmem:v2+s1+$0x0], $0xffff  }
0xbe: {  	vm2 =	vlt.f32 v3, v1;
	vm15 =	veq.f32 v4, v1;
	vm1 =	vmand vm1, vm6  }
0xbf: {  	v63 =	vimm.s32 $0x36;
	vm15 =	vmand vm15, vm7;
	vm1 =	vmor vm2, vm1  }
0xc0: {  	v3 =	vsel vm0, $0x1, v0;
	vm2 =	vlt.f32 v4, v1;
	v4 =	vsel vm1, $0x1, v0  }
0xc1: {  	vm0 =	vmor vm2, vm15;
	vm2 =	veq.f32 v5, v1;
	v3 =	vadd.s32 v3, v4  }
0xc2: {  	v6 =	vld.idx.msk [tilespmem:v6+s1+$0x0], $0xffff;
	v4 =	vsel vm0, $0x1, v0;
	vm0 =	veq.f32 v2, v1;
	vm1 =	vlt.f32 v2, v1  }
0xc3: {  	v2 =	vadd.s32 v4, v3;
	v4 =	vimm.s32 $0x37;
	vm0 =	vmand vm0, vm8  }
0xc4: {  	v63 =	vld.idx.msk [tilespmem:v63+s1+$0x0], $0xffff;
	vm0 =	vmor vm1, vm0;
	vm1 =	vlt.f32 v5, v1;
	v5 =	vimm.s32 $0x38;
	_ =	sdelay $0x1  }
0xc5: {  	vm2 =	vmand vm2, vm9;
	v3 =	vsel vm0, $0x1, v0  }
0xc6: {  	vm0 =	vmor vm1, vm2;
	vm1 =	vlt.f32 v6, v1;
	v2 =	vadd.s32 v3, v2  }
0xc7: {  	v3 =	vsel vm0, $0x1, v0;
	vm0 =	veq.f32 v6, v1;
	v6 =	vimm.s32 $0x39;
	v4 =	vld.idx.msk [tilespmem:v4+s1+$0x0], $0xffff  }
0xc8: {  	vm2 =	veq.f32 v63, v1;
	vm0 =	vmand vm0, vm10;
	v5 =	vld.idx.msk [tilespmem:v5+s1+$0x0], $0xffff  }
0xc9: {  	vm0 =	vmor vm1, vm0;
	vm1 =	vlt.f32 v63, v1;
	v63 =	vimm.s32 $0x3A  }
0xca: {  	vm2 =	vmand vm2, vm11;
	v2 =	vadd.s32 v3, v2;
	v3 =	vsel vm0, $0x1, v0  }
0xcb: {  	vm0 =	vmor vm1, vm2;
	v2 =	vadd.s32 v3, v2  }
0xcc: {  	v3 =	vsel vm0, $0x1, v0;
	v6 =	vld.idx.msk [tilespmem:v6+s1+$0x0], $0xffff;
	vm0 =	veq.f32 v4, v1;
	vm1 =	vlt.f32 v4, v1  }
0xcd: {  	v4 =	vimm.s32 $0x3B;
	vm0 =	vmand vm0, vm13;
	vm2 =	veq.f32 v5, v1  }
0xce: {  	v63 =	vld.idx.msk [tilespmem:v63+s1+$0x0], $0xffff;
	vm0 =	vmor vm1, vm0;
	vm1 =	vlt.f32 v5, v1;
	v5 =	vimm.s32 $0x3C  }
0xcf: {  	vm3 =	vmmov vm5;
	vm2 =	vmand vm2, vm12  }
0xd0: {  	v2 =	vadd.s32 v3, v2;
	v3 =	vsel vm0, $0x1, v0;
	vm0 =	vmor vm1, vm2  }
0xd1: {  	v2 =	vadd.s32 v3, v2;
	v3 =	vsel vm0, $0x1, v0;
	vm0 =	veq.f32 v6, v1  }
0xd2: {  	vm1 =	vlt.f32 v6, v1;
	v4 =	vld.idx.msk [tilespmem:v4+s1+$0x0], $0xffff;
	v6 =	vimm.s32 $0x3D;
	vm0 =	vmand vm0, vm5  }
0xd3: {  	vm2 =	veq.f32 v63, v1;
	vm5 =	vlt.f32 v63, v1;
	v63 =	vimm.s32 $0x3E;
	v5 =	vld.idx.msk [tilespmem:v5+s1+$0x0], $0xffff  }
0xd4: {  	vm0 =	vmor vm1, vm0  }
0xd5: {  	v2 =	vadd.s32 v3, v2;
	vm2 =	vmand vm2, vm4;
	v3 =	vsel vm0, $0x1, v0  }
0xd6: {  	vm13 =	vmmov vm4;
	vm5 =	vmor vm5, vm2;
	v2 =	vadd.s32 v3, v2  }
0xd7: {  	v3 =	vsel vm5, $0x1, v0;
	vm5 =	vcmask $0x3F30;
	v6 =	vld.idx.msk [tilespmem:v6+s1+$0x0], $0xffff;
	vm0 =	veq.f32 v4, v1  }
0xd8: {  	vm1 =	vlt.f32 v4, v1;
	v63 =	vld.idx.msk [tilespmem:v63+s1+$0x0], $0xffff;
	vm0 =	vmand vm0, vm5;
	vm2 =	veq.f32 v5, v1  }
0xd9: {  	vm0 =	vmor vm1, vm0;
	vm4 =	vlt.f32 v5, v1;
	vm2 =	vmand vm2, vm14  }
0xda: {  	v2 =	vadd.s32 v3, v2;
	v3 =	vsel vm0, $0x1, v0;
	vm4 =	vmor vm4, vm2  }
0xdb: {  	v2 =	vadd.s32 v3, v2;
	v3 =	vsel vm4, $0x1, v0  }
0xdc: {  	vm0 =	veq.f32 v6, v1;
	vm1 =	vlt.f32 v6, v1;
	vm4 =	vcmask $0x3F38  }
0xdd: {  	vm0 =	vmand vm0, vm4;
	vm2 =	veq.f32 v63, v1;
	vm4 =	vcmask $0x3F3C  }
0xde: {  	vm0 =	vmor vm1, vm0;
	vm1 =	vlt.f32 v63, v1;
	vm2 =	vmand vm2, vm4  }
0xdf: {  	v2 =	vadd.s32 v3, v2;
	v3 =	vsel vm0, $0x1, v0;
	vm0 =	vmor vm1, vm2  }
0xe0: {  	v2 =	vadd.s32 v3, v2;
	v3 =	vsel vm0, $0x1, v0  }
0xe1: {  	v2 =	vadd.s32 v3, v2  }
0xe2: {  	vm0 =	vlt.u32 v2, $0x8;
	_ =	sdelay $0x5  }
0xe3: {  	[tilespmem:v2+s9+$0x0] =	vst.idx.msk vm0, v14  }
0xe4: {  	[tilespmem:v2+s10+$0x0] =	vst.idx.msk vm0, v1  }
0xe5: {  	v2 =	vld.idx.msk [tilespmem:v16+s10+$0x0], $0xffff;
	_ =	sdelay $0x2  }
0xe6: {  	v1 =	vld.idx.msk [tilespmem:v16+s9+$0x0], $0xffff;
	_ =	sdelay $0x1  }
0xe7: {  	[tilespmem:$0x230] =	vst v2;
	v2 =	vimm.s32 $0x40;
	_ =	sdelay $0x2  }
0xe8: {  	v1 =	vadd.s32 v17, v1  }
0xe9: {  	[tilespmem:$0x1B0] =	vst v1;
	v1 =	vld [tilespmem:$0x40]  }
0xea: {  	v2 =	vld.idx.msk [tilespmem:v2+s1+$0x0], $0xffff  }
0xeb: {  	v3 =	vimm.s32 $0x41  }
0xec: {  	v4 =	vimm.s32 $0x42;
	_ =	sdelay $0x2  }
0xed: {  	vm0 =	veq.f32 v2, v1;
	vm1 =	vlt.f32 v2, v1;
	v2 =	vimm.s32 $0x43  }
0xee: {  	v5 =	vimm.s32 $0x44;
	v3 =	vld.idx.msk [tilespmem:v3+s1+$0x0], $0xffff  }
0xef: {  	v4 =	vld.idx.msk [tilespmem:v4+s1+$0x0], $0xffff;
	_ =	sdelay $0x1  }
0xf0: {  	v6 =	vimm.s32 $0x45;
	vm2 =	vcmask $0x3F04  }
0xf1: {  	v63 =	vimm.s32 $0x46;
	vm0 =	vmand vm0, vm2;
	v2 =	vld.idx.msk [tilespmem:v2+s1+$0x0], $0xffff  }
0xf2: {  	v5 =	vld.idx.msk [tilespmem:v5+s1+$0x0], $0xffff;
	vm0 =	vmor vm1, vm0;
	vm1 =	veq.f32 v3, v1  }
0xf3: {  	vm15 =	veq.f32 v4, v1;
	vm2 =	vlt.f32 v3, v1;
	vm1 =	vmand vm1, vm6  }
0xf4: {  	vm15 =	vmand vm15, vm7;
	vm1 =	vmor vm2, vm1;
	vm2 =	vlt.f32 v4, v1  }
0xf5: {  	v6 =	vld.idx.msk [tilespmem:v6+s1+$0x0], $0xffff;
	v3 =	vsel vm0, $0x1, v0;
	v4 =	vsel vm1, $0x1, v0;
	vm0 =	vmor vm2, vm15  }
0xf6: {  	v63 =	vld.idx.msk [tilespmem:v63+s1+$0x0], $0xffff;
	v3 =	vadd.s32 v3, v4;
	v4 =	vsel vm0, $0x1, v0;
	vm0 =	veq.f32 v2, v1  }
0xf7: {  	vm2 =	veq.f32 v5, v1;
	vm1 =	vlt.f32 v2, v1;
	vm0 =	vmand vm0, vm8  }
0xf8: {  	vm2 =	vmand vm2, vm9;
	vm0 =	vmor vm1, vm0;
	vm1 =	vlt.f32 v5, v1  }
0xf9: {  	v2 =	vadd.s32 v4, v3;
	v4 =	vld.idx.msk [tilespmem:v7+s1+$0x0], $0xffff;
	v3 =	vsel vm0, $0x1, v0;
	vm0 =	vmor vm1, vm2  }
0xfa: {  	v2 =	vadd.s32 v3, v2;
	v3 =	vsel vm0, $0x1, v0;
	vm0 =	veq.f32 v6, v1  }
0xfb: {  	v5 =	vld.idx.msk [tilespmem:v8+s1+$0x0], $0xffff;
	vm1 =	vlt.f32 v6, v1;
	vm2 =	veq.f32 v63, v1;
	vm0 =	vmand vm0, vm10  }
0xfc: {  	vm2 =	vmand vm2, vm11;
	vm0 =	vmor vm1, vm0  }
0xfd: {  	v2 =	vadd.s32 v3, v2;
	vm1 =	vlt.f32 v63, v1;
	v63 =	vld.idx.msk [tilespmem:v10+s1+$0x0], $0xffff;
	v3 =	vsel vm0, $0x1, v0  }
0xfe: {  	v6 =	vld.idx.msk [tilespmem:v9+s1+$0x0], $0xffff;
	vm0 =	vmor vm1, vm2;
	vm1 =	vlt.f32 v4, v1;
	vm2 =	vcmask $0x3F20  }
0xff: {  	v2 =	vadd.s32 v3, v2;
	v3 =	vsel vm0, $0x1, v0;
	vm0 =	veq.f32 v4, v1  }
0x100: {  	vm0 =	vmand vm0, vm2;
	vm2 =	veq.f32 v5, v1;
	v2 =	vadd.s32 v3, v2  }
0x101: {  	vm0 =	vmor vm1, vm0;
	vm1 =	vlt.f32 v5, v1;
	vm2 =	vmand vm2, vm12;
	v5 =	vld.idx.msk [tilespmem:v12+s1+$0x0], $0xffff  }
0x102: {  	v4 =	vld.idx.msk [tilespmem:v11+s1+$0x0], $0xffff;
	v3 =	vsel vm0, $0x1, v0;
	vm0 =	vmor vm1, vm2;
	vm2 =	veq.f32 v63, v1  }
0x103: {  	v2 =	vadd.s32 v3, v2;
	v3 =	vsel vm0, $0x1, v0;
	vm0 =	veq.f32 v6, v1  }
0x104: {  	vm1 =	vlt.f32 v6, v1;
	vm2 =	vmand vm2, vm13;
	vm0 =	vmand vm0, vm3  }
0x105: {  	v2 =	vadd.s32 v3, v2;
	vm0 =	vmor vm1, vm0;
	vm1 =	vlt.f32 v63, v1  }
0x106: {  	v6 =	vld.idx.msk [tilespmem:v13+s1+$0x0], $0xffff;
	v3 =	vsel vm0, $0x1, v0;
	vm0 =	vmor vm1, vm2;
	vm2 =	veq.f32 v5, v1  }
0x107: {  	v63 =	vld.idx.msk [tilespmem:v15+s1+$0x0], $0xffff;
	v2 =	vadd.s32 v3, v2;
	v3 =	vsel vm0, $0x1, v0;
	vm0 =	veq.f32 v4, v1  }
0x108: {  	vm1 =	vlt.f32 v4, v1;
	vm2 =	vmand vm2, vm14;
	vm0 =	vmand vm0, vm5  }
0x109: {  	v2 =	vadd.s32 v3, v2;
	vm0 =	vmor vm1, vm0;
	vm1 =	vlt.f32 v5, v1  }
0x10a: {  	v3 =	vsel vm0, $0x1, v0;
	vm0 =	vmor vm1, vm2;
	vm2 =	vcmask $0x3F38  }
0x10b: {  	v2 =	vadd.s32 v3, v2;
	v3 =	vsel vm0, $0x1, v0;
	vm0 =	veq.f32 v6, v1  }
0x10c: {  	vm1 =	vlt.f32 v6, v1;
	vm0 =	vmand vm0, vm2;
	vm2 =	veq.f32 v63, v1  }
0x10d: {  	vm0 =	vmor vm1, vm0;
	vm1 =	vlt.f32 v63, v1;
	vm2 =	vmand vm2, vm4  }
0x10e: {  	v2 =	vadd.s32 v3, v2;
	v3 =	vsel vm0, $0x1, v0;
	vm4 =	vmor vm1, vm2  }
0x10f: {  	v2 =	vadd.s32 v3, v2;
	v3 =	vsel vm4, $0x1, v0  }
0x110: {  	v2 =	vadd.s32 v3, v2  }
0x111: {  	vm4 =	vlt.u32 v2, $0x8;
	_ =	sdelay $0x5  }
0x112: {  	[tilespmem:v2+s9+$0x0] =	vst.idx.msk vm4, v14  }
0x113: {  	[tilespmem:v2+s10+$0x0] =	vst.idx.msk vm4, v1  }
0x114: {  	v1 =	vld.idx.msk [tilespmem:v16+s9+$0x0], $0xffff  }
0x115: {  	v2 =	vld.idx.msk [tilespmem:v16+s10+$0x0], $0xffff;
	_ =	sdelay $0x4  }
0x116: {  	v1 =	vadd.s32 v17, v1;
	[tilespmem:$0x240] =	vst v2  }
0x117: {  	[tilespmem:$0x1C0] =	vst v1;
	v1 =	vld [tilespmem:$0x50]  }
0x118: {  	v2 =	vld.idx.msk [tilespmem:v18+s1+$0x0], $0xffff;
	_ =	sdelay $0x1  }
0x119: {  	v3 =	vld.idx.msk [tilespmem:v19+s1+$0x0], $0xffff  }
0x11a: {  	v4 =	vld.idx.msk [tilespmem:v20+s1+$0x0], $0xffff;
	_ =	sdelay $0x1  }
0x11b: {  	vm4 =	vcmask $0x3F04;
	v5 =	vld.idx.msk [tilespmem:v22+s1+$0x0], $0xffff;
	vm0 =	veq.f32 v2, v1  }
0x11c: {  	vm1 =	vlt.f32 v2, v1;
	v2 =	vld.idx.msk [tilespmem:v21+s1+$0x0], $0xffff;
	vm0 =	vmand vm0, vm4  }
0x11d: {  	vm0 =	vmor vm1, vm0;
	vm1 =	veq.f32 v3, v1  }
0x11e: {  	vm2 =	vlt.f32 v3, v1;
	vm15 =	veq.f32 v4, v1;
	vm1 =	vmand vm1, vm6  }
0x11f: {  	v6 =	vld.idx.msk [tilespmem:v23+s1+$0x0], $0xffff;
	vm15 =	vmand vm15, vm7;
	vm6 =	vlt.f32 v4, v1;
	vm1 =	vmor vm2, vm1  }
0x120: {  	v63 =	vld.idx.msk [tilespmem:v24+s1+$0x0], $0xffff;
	v3 =	vsel vm0, $0x1, v0;
	vm6 =	vmor vm6, vm15;
	v4 =	vsel vm1, $0x1, v0  }
0x121: {  	vm2 =	veq.f32 v5, v1;
	vm0 =	veq.f32 v2, v1;
	v3 =	vadd.s32 v3, v4  }
0x122: {  	v4 =	vsel vm6, $0x1, v0;
	vm6 =	vlt.f32 v2, v1;
	vm0 =	vmand vm0, vm8  }
0x123: {  	vm2 =	vmand vm2, vm9;
	vm0 =	vmor vm6, vm0;
	vm6 =	vlt.f32 v5, v1  }
0x124: {  	v2 =	vadd.s32 v4, v3;
	v3 =	vsel vm0, $0x1, v0;
	vm6 =	vmor vm6, vm2  }
0x125: {  	v4 =	vld.idx.msk [tilespmem:v25+s1+$0x0], $0xffff;
	vm0 =	veq.f32 v6, v1;
	vm2 =	veq.f32 v63, v1;
	v2 =	vadd.s32 v3, v2  }
0x126: {  	v5 =	vld.idx.msk [tilespmem:v26+s1+$0x0], $0xffff;
	v3 =	vsel vm6, $0x1, v0;
	vm6 =	vlt.f32 v6, v1;
	vm0 =	vmand vm0, vm10  }
0x127: {  	vm2 =	vmand vm2, vm11;
	vm0 =	vmor vm6, vm0  }
0x128: {  	vm6 =	vlt.f32 v63, v1;
	v2 =	vadd.s32 v3, v2;
	v3 =	vsel vm0, $0x1, v0  }
0x129: {  	v6 =	vld.idx.msk [tilespmem:v27+s1+$0x0], $0xffff;
	vm6 =	vmor vm6, vm2;
	v2 =	vadd.s32 v3, v2  }
0x12a: {  	v63 =	vld.idx.msk [tilespmem:v28+s1+$0x0], $0xffff;
	v3 =	vsel vm6, $0x1, v0;
	vm0 =	veq.f32 v4, v1;
	vm6 =	vcmask $0x3F20  }
0x12b: {  	vm1 =	vlt.f32 v4, v1;
	vm2 =	veq.f32 v5, v1;
	vm0 =	vmand vm0, vm6  }
0x12c: {  	vm6 =	vlt.f32 v5, v1;
	vm2 =	vmand vm2, vm12;
	vm0 =	vmor vm1, vm0  }
0x12d: {  	v2 =	vadd.s32 v3, v2;
	v5 =	vld.idx.msk [tilespmem:v30+s1+$0x0], $0xffff;
	vm6 =	vmor vm6, vm2;
	v3 =	vsel vm0, $0x1, v0  }
0x12e: {  	v4 =	vld.idx.msk [tilespmem:v29+s1+$0x0], $0xffff;
	v2 =	vadd.s32 v3, v2;
	v3 =	vsel vm6, $0x1, v0;
	vm6 =	veq.f32 v6, v1  }
0x12f: {  	vm1 =	vlt.f32 v6, v1;
	vm0 =	vmand vm6, vm3;
	vm6 =	veq.f32 v63, v1  }
0x130: {  	v2 =	vadd.s32 v3, v2;
	vm0 =	vmor vm1, vm0;
	vm1 =	vlt.f32 v63, v1  }
0x131: {  	v6 =	vld.idx.msk [tilespmem:v31+s1+$0x0], $0xffff;
	vm2 =	vmand vm6, vm13;
	vm6 =	vmmov vm13;
	vm13 =	vcmask $0x3F3C  }
0x132: {  	v63 =	vld.idx.msk [tilespmem:v32+s1+$0x0], $0xffff;
	v3 =	vsel vm0, $0x1, v0;
	vm0 =	vmor vm1, vm2;
	vm2 =	veq.f32 v5, v1  }
0x133: {  	v2 =	vadd.s32 v3, v2;
	v3 =	vsel vm0, $0x1, v0;
	vm0 =	veq.f32 v4, v1  }
0x134: {  	vm1 =	vlt.f32 v4, v1;
	vm2 =	vmand vm2, vm14;
	vm0 =	vmand vm0, vm5  }
0x135: {  	vm14 =	vcmask $0x3F38;
	vm5 =	vlt.f32 v5, v1;
	vm0 =	vmor vm1, vm0  }
0x136: {  	v2 =	vadd.s32 v3, v2;
	vm5 =	vmor vm5, vm2;
	v3 =	vsel vm0, $0x1, v0  }
0x137: {  	vm0 =	veq.f32 v6, v1;
	vm2 =	veq.f32 v63, v1;
	v2 =	vadd.s32 v3, v2  }
0x138: {  	v3 =	vsel vm5, $0x1, v0;
	vm5 =	vlt.f32 v6, v1;
	vm0 =	vmand vm0, vm14  }
0x139: {  	vm2 =	vmand vm2, vm13;
	vm0 =	vmor vm5, vm0;
	vm5 =	vlt.f32 v63, v1  }
0x13a: {  	v2 =	vadd.s32 v3, v2;
	v3 =	vsel vm0, $0x1, v0;
	vm5 =	vmor vm5, vm2  }
0x13b: {  	v2 =	vadd.s32 v3, v2;
	v3 =	vsel vm5, $0x1, v0  }
0x13c: {  	v2 =	vadd.s32 v3, v2  }
0x13d: {  	vm5 =	vlt.u32 v2, $0x8;
	_ =	sdelay $0x5  }
0x13e: {  	[tilespmem:v2+s9+$0x0] =	vst.idx.msk vm5, v14  }
0x13f: {  	[tilespmem:v2+s10+$0x0] =	vst.idx.msk vm5, v1  }
0x140: {  	v1 =	vld.idx.msk [tilespmem:v16+s9+$0x0], $0xffff  }
0x141: {  	v2 =	vld.idx.msk [tilespmem:v16+s10+$0x0], $0xffff;
	_ =	sdelay $0x4  }
0x142: {  	v1 =	vadd.s32 v17, v1;
	[tilespmem:$0x250] =	vst v2  }
0x143: {  	[tilespmem:$0x1D0] =	vst v1;
	v1 =	vld [tilespmem:$0x60]  }
0x144: {  	v2 =	vld.idx.msk [tilespmem:v33+s1+$0x0], $0xffff;
	_ =	sdelay $0x1  }
0x145: {  	v3 =	vld.idx.msk [tilespmem:v34+s1+$0x0], $0xffff  }
0x146: {  	v4 =	vld.idx.msk [tilespmem:v35+s1+$0x0], $0xffff;
	_ =	sdelay $0x1  }
0x147: {  	v5 =	vld.idx.msk [tilespmem:v37+s1+$0x0], $0xffff;
	vm0 =	veq.f32 v2, v1  }
0x148: {  	vm3 =	vcmask $0x3F08;
	vm1 =	vlt.f32 v2, v1;
	v2 =	vld.idx.msk [tilespmem:v36+s1+$0x0], $0xffff;
	vm0 =	vmand vm0, vm4  }
0x149: {  	vm5 =	vmmov vm4;
	vm0 =	vmor vm1, vm0;
	vm1 =	veq.f32 v3, v1  }
0x14a: {  	vm2 =	vlt.f32 v3, v1;
	vm15 =	veq.f32 v4, v1;
	vm1 =	vmand vm1, vm3  }
0x14b: {  	v6 =	vld.idx.msk [tilespmem:v38+s1+$0x0], $0xffff;
	vm4 =	vlt.f32 v4, v1;
	vm15 =	vmand vm15, vm7;
	vm1 =	vmor vm2, vm1  }
0x14c: {  	v63 =	vld.idx.msk [tilespmem:v39+s1+$0x0], $0xffff;
	vm4 =	vmor vm4, vm15;
	v3 =	vsel vm0, $0x1, v0;
	v4 =	vsel vm1, $0x1, v0  }
0x14d: {  	vm2 =	veq.f32 v5, v1;
	vm0 =	veq.f32 v2, v1;
	v3 =	vadd.s32 v3, v4  }
0x14e: {  	v4 =	vsel vm4, $0x1, v0;
	vm4 =	vlt.f32 v2, v1;
	vm0 =	vmand vm0, vm8  }
0x14f: {  	vm2 =	vmand vm2, vm9;
	vm0 =	vmor vm4, vm0;
	vm4 =	vlt.f32 v5, v1  }
0x150: {  	v2 =	vadd.s32 v4, v3;
	v4 =	vld.idx.msk [tilespmem:v40+s1+$0x0], $0xffff;
	v3 =	vsel vm0, $0x1, v0;
	vm4 =	vmor vm4, vm2  }
0x151: {  	v5 =	vld.idx.msk [tilespmem:v41+s1+$0x0], $0xffff;
	vm0 =	veq.f32 v6, v1;
	vm2 =	veq.f32 v63, v1;
	v2 =	vadd.s32 v3, v2  }
0x152: {  	v3 =	vsel vm4, $0x1, v0;
	vm4 =	vlt.f32 v6, v1;
	vm0 =	vmand vm0, vm10  }
0x153: {  	vm2 =	vmand vm2, vm11;
	vm0 =	vmor vm4, vm0;
	vm4 =	vlt.f32 v63, v1  }
0x154: {  	v2 =	vadd.s32 v3, v2;
	v3 =	vsel vm0, $0x1, v0;
	vm4 =	vmor vm4, vm2  }
0x155: {  	v6 =	vld.idx.msk [tilespmem:v42+s1+$0x0], $0xffff;
	v2 =	vadd.s32 v3, v2;
	v3 =	vsel vm4, $0x1, v0  }
0x156: {  	vm0 =	veq.f32 v4, v1;
	vm4 =	vcmask $0x3F20;
	vm2 =	veq.f32 v5, v1  }
0x157: {  	v63 =	vld.idx.msk [tilespmem:v43+s1+$0x0], $0xffff;
	vm1 =	vlt.f32 v4, v1;
	vm0 =	vmand vm0, vm4;
	vm2 =	vmand vm2, vm12  }
0x158: {  	v2 =	vadd.s32 v3, v2;
	vm0 =	vmor vm1, vm0;
	vm1 =	vlt.f32 v5, v1  }
0x159: {  	v4 =	vld.idx.msk [tilespmem:v44+s1+$0x0], $0xffff;
	v3 =	vsel vm0, $0x1, v0;
	vm0 =	vmor vm1, vm2;
	vm2 =	vcmask $0x3F28  }
0x15a: {  	v2 =	vadd.s32 v3, v2;
	v3 =	vsel vm0, $0x1, v0;
	vm0 =	veq.f32 v6, v1  }
0x15b: {  	vm3 =	vcmask $0x3F30;
	v5 =	vld.idx.msk [tilespmem:v45+s1+$0x0], $0xffff;
	vm1 =	vlt.f32 v6, v1;
	vm0 =	vmand vm0, vm2  }
0x15c: {  	vm2 =	veq.f32 v63, v1;
	v2 =	vadd.s32 v3, v2;
	vm0 =	vmor vm1, vm0  }
0x15d: {  	vm1 =	vlt.f32 v63, v1;
	vm2 =	vmand vm2, vm6;
	v3 =	vsel vm0, $0x1, v0  }
0x15e: {  	v6 =	vld.idx.msk [tilespmem:v46+s1+$0x0], $0xffff;
	vm6 =	vmor vm1, vm2;
	vm0 =	veq.f32 v4, v1;
	v2 =	vadd.s32 v3, v2  }
0x15f: {  	v63 =	vld.idx.msk [tilespmem:v47+s1+$0x0], $0xffff;
	v3 =	vsel vm6, $0x1, v0;
	vm6 =	vlt.f32 v4, v1;
	vm0 =	vmand vm0, vm3  }
0x160: {  	vm2 =	veq.f32 v5, v1;
	vm0 =	vmor vm6, vm0;
	vm6 =	vcmask $0x3F34  }
0x161: {  	vm1 =	vlt.f32 v5, v1;
	vm2 =	vmand vm2, vm6  }
0x162: {  	v2 =	vadd.s32 v3, v2;
	v3 =	vsel vm0, $0x1, v0;
	vm0 =	vmor vm1, vm2  }
0x163: {  	v2 =	vadd.s32 v3, v2;
	v3 =	vsel vm0, $0x1, v0;
	vm0 =	veq.f32 v6, v1  }
0x164: {  	vm1 =	vlt.f32 v6, v1;
	vm2 =	veq.f32 v63, v1;
	vm0 =	vmand vm0, vm14  }
0x165: {  	vm2 =	vmand vm2, vm13;
	vm0 =	vmor vm1, vm0;
	vm1 =	vlt.f32 v63, v1  }
0x166: {  	v2 =	vadd.s32 v3, v2;
	v3 =	vsel vm0, $0x1, v0;
	vm0 =	vmor vm1, vm2  }
0x167: {  	v2 =	vadd.s32 v3, v2;
	v3 =	vsel vm0, $0x1, v0  }
0x168: {  	v2 =	vadd.s32 v3, v2  }
0x169: {  	vm0 =	vlt.u32 v2, $0x8;
	_ =	sdelay $0x5  }
0x16a: {  	[tilespmem:v2+s9+$0x0] =	vst.idx.msk vm0, v14  }
0x16b: {  	[tilespmem:v2+s10+$0x0] =	vst.idx.msk vm0, v1  }
0x16c: {  	v1 =	vld.idx.msk [tilespmem:v16+s9+$0x0], $0xffff  }
0x16d: {  	v2 =	vld.idx.msk [tilespmem:v16+s10+$0x0], $0xffff;
	_ =	sdelay $0x4  }
0x16e: {  	v1 =	vadd.s32 v17, v1;
	[tilespmem:$0x260] =	vst v2  }
0x16f: {  	[tilespmem:$0x1E0] =	vst v1;
	v1 =	vld [tilespmem:$0x70]  }
0x170: {  	v2 =	vld.idx.msk [tilespmem:v48+s1+$0x0], $0xffff;
	_ =	sdelay $0x1  }
0x171: {  	v3 =	vld.idx.msk [tilespmem:v49+s1+$0x0], $0xffff  }
0x172: {  	v4 =	vld.idx.msk [tilespmem:v50+s1+$0x0], $0xffff;
	_ =	sdelay $0x1  }
0x173: {  	vm0 =	veq.f32 v2, v1  }
0x174: {  	vm1 =	vlt.f32 v2, v1;
	v2 =	vld.idx.msk [tilespmem:v51+s1+$0x0], $0xffff;
	vm0 =	vmand vm0, vm5  }
0x175: {  	v5 =	vld.idx.msk [tilespmem:v52+s1+$0x0], $0xffff;
	vm5 =	vcmask $0x3F08;
	vm0 =	vmor vm1, vm0;
	vm1 =	veq.f32 v3, v1  }
0x176: {  	v6 =	vld.idx.msk [tilespmem:v53+s1+$0x0], $0xffff;
	vm2 =	vlt.f32 v3, v1;
	vm15 =	veq.f32 v4, v1;
	vm1 =	vmand vm1, vm5  }
0x177: {  	v63 =	vld.idx.msk [tilespmem:v54+s1+$0x0], $0xffff;
	vm15 =	vmand vm15, vm7;
	vm5 =	vlt.f32 v4, v1;
	vm1 =	vmor vm2, vm1  }
0x178: {  	v3 =	vsel vm0, $0x1, v0;
	vm5 =	vmor vm5, vm15;
	v4 =	vsel vm1, $0x1, v0  }
0x179: {  	vm7 =	veq.f32 v2, v1;
	v3 =	vadd.s32 v3, v4;
	v4 =	vsel vm5, $0x1, v0  }
0x17a: {  	vm5 =	vlt.f32 v2, v1;
	vm0 =	vmand vm7, vm8;
	vm7 =	veq.f32 v5, v1  }
0x17b: {  	vm8 =	vlt.f32 v5, v1;
	vm0 =	vmor vm5, vm0;
	vm2 =	vmand vm7, vm9  }
0x17c: {  	v5 =	vld.idx.msk [tilespmem:v56+s1+$0x0], $0xffff;
	v2 =	vadd.s32 v4, v3;
	vm7 =	veq.f32 v6, v1;
	vm9 =	veq.f32 v63, v1  }
0x17d: {  	v4 =	vld.idx.msk [tilespmem:v55+s1+$0x0], $0xffff;
	v3 =	vsel vm0, $0x1, v0;
	vm5 =	vmor vm8, vm2;
	vm8 =	vlt.f32 v6, v1  }
0x17e: {  	vm0 =	vmand vm7, vm10;
	vm10 =	vlt.f32 v63, v1;
	vm2 =	vmand vm9, vm11  }
0x17f: {  	v6 =	vld.idx.msk [tilespmem:v57+s1+$0x0], $0xffff;
	v2 =	vadd.s32 v3, v2;
	v3 =	vsel vm5, $0x1, v0;
	vm0 =	vmor vm8, vm0  }
0x180: {  	vm11 =	vmor vm10, vm2;
	v2 =	vadd.s32 v3, v2;
	v3 =	vsel vm0, $0x1, v0  }
0x181: {  	v2 =	vadd.s32 v3, v2;
	v3 =	vsel vm11, $0x1, v0  }
0x182: {  	v63 =	vld.idx.msk [tilespmem:v60+s1+$0x0], $0xffff;
	vm8 =	veq.f32 v5, v1;
	vm9 =	vlt.f32 v5, v1;
	vm5 =	veq.f32 v4, v1  }
0x183: {  	v5 =	vld.idx.msk [tilespmem:v59+s1+$0x0], $0xffff;
	vm7 =	vlt.f32 v4, v1;
	vm2 =	vmand vm8, vm12;
	v2 =	vadd.s32 v3, v2  }
0x184: {  	v4 =	vld.idx.msk [tilespmem:v58+s1+$0x0], $0xffff;
	vm0 =	vmand vm5, vm4;
	vm10 =	vmor vm9, vm2;
	vm11 =	veq.f32 v6, v1  }
0x185: {  	vm4 =	vlt.f32 v6, v1;
	vm5 =	vcmask $0x3F28;
	vm0 =	vmor vm7, vm0  }
0x186: {  	vm9 =	vcmask $0x3F2C;
	v3 =	vsel vm0, $0x1, v0;
	vm0 =	vmand vm11, vm5  }
0x187: {  	vm5 =	vlt.f32 v63, v1;
	v2 =	vadd.s32 v3, v2;
	v3 =	vsel vm10, $0x1, v0  }
0x188: {  	vm0 =	vmor vm4, vm0;
	vm10 =	veq.f32 v5, v1;
	vm11 =	vlt.f32 v5, v1;
	v5 =	vld.idx.msk [tilespmem:v62+s1+$0x0], $0xffff  }
0x189: {  	vm4 =	veq.f32 v63, v1;
	v2 =	vadd.s32 v3, v2;
	vm8 =	veq.f32 v4, v1;
	v3 =	vld.idx.msk [tilespmem:v61+s1+$0x0], $0xffff  }
0x18a: {  	vm7 =	vlt.f32 v4, v1;
	v4 =	vsel vm0, $0x1, v0;
	vm0 =	vmand vm8, vm9  }
0x18b: {  	vm2 =	vmand vm10, vm3;
	v2 =	vadd.s32 v4, v2;
	vm0 =	vmor vm7, vm0  }
0x18c: {  	vm1 =	vmor vm11, vm2;
	vm2 =	vmand vm4, vm6;
	v4 =	vsel vm0, $0x1, v0  }
0x18d: {  	vm0 =	vmor vm5, vm2;
	v2 =	vadd.s32 v4, v2;
	v4 =	vsel vm1, $0x1, v0  }
0x18e: {  	vm9 =	veq.f32 v5, v1;
	vm10 =	vlt.f32 v5, v1;
	vm7 =	veq.f32 v3, v1  }
0x18f: {  	vm8 =	vlt.f32 v3, v1;
	v2 =	vadd.s32 v4, v2;
	vm2 =	vmand vm7, vm14  }
0x190: {  	v3 =	vsel vm0, $0x1, v0;
	vm1 =	vmor vm8, vm2;
	vm2 =	vmand vm9, vm13  }
0x191: {  	v2 =	vadd.s32 v3, v2;
	vm0 =	vmor vm10, vm2;
	v4 =	vsel vm1, $0x1, v0  }
0x192: {  	v2 =	vadd.s32 v4, v2;
	v3 =	vsel vm0, $0x1, v0  }
0x193: {  	v2 =	vadd.s32 v3, v2  }
0x194: {  	vm11 =	vlt.u32 v2, $0x8;
	_ =	sdelay $0x5  }
0x195: {  	[tilespmem:v2+s9+$0x0] =	vst.idx.msk vm11, v14  }
0x196: {  	[tilespmem:v2+s10+$0x0] =	vst.idx.msk vm11, v1  }
0x197: {  	v1 =	vld.idx.msk [tilespmem:v16+s9+$0x0], $0xffff  }
0x198: {  	v2 =	vld.idx.msk [tilespmem:v16+s10+$0x0], $0xffff;
	_ =	sdelay $0x4  }
0x199: {  	v1 =	vadd.s32 v17, v1;
	[tilespmem:$0x270] =	vst v2  }
0x19a: {  	s15 =	simm.s32 $0x0;
	[tilespmem:$0x1F0] =	vst v1  }
.LBB2_2:
0x19b: {  	s18 =	sadd.s32 s6, s15  }
0x19c: {  	s16 =	sshrl.u32 s18, $0x3  }
0x19d: {  	s31 =	sshll.u32 s15, $0x7;
	s17 =	smul.u32 $0xF000, s16  }
0x19e: {  	s16 =	sand.u32 $0x380, s31  }
0x19f: {  	s17 =	sor.u32 s16, s17  }
0x1a0: {  	s17 =	sshrl.u32 s17, $0x3  }
0x1a1: {  	s17 =	sadd.s32 s3, s17  }
0x1a2: {  	[tilespmem:s12], [sflag:$0x2] =	stream.strided.gather [hbm4b:s17+s9], $0x1E00, s11, s9, $0x38;
	[tilespmem:$0xA080] =	vst v63  }
0x1a3: {  	_ =	swait.ge [sflag:s8], $0x1E00  }
0x1a4: {  	[sflag:s8] =	ssyncset.done $0x0  }
0x1a5: {  	[sflag:s8] =	ssyncadd.s32 $0xFFFFE200  }
0x1a6: {  	v1 =	vld [tilespmem:$0x180];
	_ =	sdelay $0x6  }
0x1a7: {  	v63 =	vld [tilespmem:$0x200]  }
0x1a8: {  	v2 =	vld.idx.msk [tilespmem:v1+s12+$0x0], $0xffff;
	_ =	sdelay $0x2  }
0x1a9: {  	v3 =	vadd.s32 $0x1E, v1  }
0x1aa: {  	s17 =	simm.s32 $0x0  }
0x1ab: {  	s19 =	sand.u32 $0x40, s17;
	s20 =	sand.u32 $0x7C00, s17;
	v2 =	vmul.f32 v2, v63  }
0x1ac: {  	s20 =	sor.u32 s19, s20  }
0x1ad: {  	[tilespmem:s20+$0x2080] =	vst v2  }
0x1ae: {  	v2 =	vld.idx.msk [tilespmem:v3+s12+$0x0], $0xffff;
	_ =	sdelay $0x2  }
0x1af: {  	v3 =	vadd.s32 $0x3C, v1;
	_ =	sdelay $0x1  }
0x1b0: {  	v2 =	vmul.f32 v2, v63;
	_ =	sdelay $0x1  }
0x1b1: {  	[tilespmem:s20+$0x2090] =	vst v2  }
0x1b2: {  	v2 =	vld.idx.msk [tilespmem:v3+s12+$0x0], $0xffff;
	_ =	sdelay $0x2  }
0x1b3: {  	v3 =	vadd.s32 $0x5A, v1;
	_ =	sdelay $0x1  }
0x1b4: {  	v2 =	vmul.f32 v2, v63;
	_ =	sdelay $0x1  }
0x1b5: {  	[tilespmem:s20+$0x20A0] =	vst v2  }
0x1b6: {  	v2 =	vld.idx.msk [tilespmem:v3+s12+$0x0], $0xffff;
	_ =	sdelay $0x2  }
0x1b7: {  	v1 =	vadd.s32 $0x78, v1;
	_ =	sdelay $0x1  }
0x1b8: {  	v2 =	vmul.f32 v2, v63;
	_ =	sdelay $0x1  }
0x1b9: {  	s19 =	simm.s32 $0x0;
	[tilespmem:s20+$0x20B0] =	vst v2;
	s20 =	simm.s32 $0x0  }
.LBB2_3:
0x1ba: {  	v2 =	vld.idx.msk [tilespmem:v1+s12+$0x0], $0xffff;
	s19 =	sadd.s32 $0x4, s19  }
0x1bb: {  	p0 =	slt.u32 s19, $0xFC;
	_ =	sdelay $0x2  }
0x1bc: {  	v3 =	vadd.s32 $0x1E, v1  }
0x1bd: {  	s17 =	sadd.s32 $0x200, s17;
	s20 =	sadd.s32 $0x40, s20  }
0x1be: {  	s21 =	sand.u32 $0x40, s20;
	s22 =	sand.u32 $0x7C00, s17;
	v2 =	vmul.f32 v2, v63  }
0x1bf: {  	s21 =	sor.u32 s21, s22  }
0x1c0: {  	[tilespmem:s21+$0x2080] =	vst v2  }
0x1c1: {  	v2 =	vld.idx.msk [tilespmem:v3+s12+$0x0], $0xffff;
	_ =	sdelay $0x3  }
0x1c2: {  	v3 =	vadd.s32 $0x3C, v1;
	_ =	sdelay $0x1  }
0x1c3: {  	v2 =	vmul.f32 v2, v63;
	_ =	sdelay $0x1  }
0x1c4: {  	[tilespmem:s21+$0x2090] =	vst v2  }
0x1c5: {  	v2 =	vld.idx.msk [tilespmem:v3+s12+$0x0], $0xffff;
	_ =	sdelay $0x3  }
0x1c6: {  	v3 =	vadd.s32 $0x5A, v1;
	_ =	sdelay $0x1  }
0x1c7: {  	v2 =	vmul.f32 v2, v63;
	_ =	sdelay $0x1  }
0x1c8: {  	[tilespmem:s21+$0x20A0] =	vst v2  }
0x1c9: {  	v2 =	vld.idx.msk [tilespmem:v3+s12+$0x0], $0xffff;
	_ =	sdelay $0x3  }
.Ltmp0:
0x1ca: {  	v1 =	vadd.s32 $0x78, v1;
	(pc) =	sbr.rel @p0 .LBB2_3-.Ltmp0, $3  }
0x1cb: {  	_ = 	snop  }
0x1cc: {  	v2 =	vmul.f32 v2, v63;
	_ =	sdelay $0x1  }
0x1cd: {  	[tilespmem:s21+$0x20B0] =	vst v2  }
0x1ce: {  	s17 =	smulhi.u32 $0xAAAAAAAB, s18;
	_ =	sdelay $0x1  }
0x1cf: {  	s17 =	sshrl.u32 s17, $0x7  }
0x1d0: {  	s19 =	smul.u32 $0xFFFFFF40, s17  }
0x1d1: {  	s17 =	smul.u32 $0x600, s17  }
0x1d2: {  	s18 =	sadd.s32 s18, s19  }
0x1d3: {  	s19 =	sadd.s32 s17, s18  }
0x1d4: {  	s19 =	sshll.u32 s19, $0xC  }
0x1d5: {  	s20 =	sand.u32 $0xFFFF8000, s19  }
0x1d6: {  	s20 =	sor.u32 s16, s20  }
0x1d7: {  	s20 =	sshrl.u32 s20, $0x3  }
0x1d8: {  	s21 =	simm.s32 $0x2080;
	s20 =	sadd.s32 s5, s20  }
0x1d9: {  	s22 =	simm.s32 $0x80;
	s23 =	simm.s32 $0x2480;
	s24 =	sadd.s32 $0x0, s20  }
.LBB2_5:
0x1da: {  	[hbm4b:s24+s1] =	stream.linear.scatter [tilespmem:s21], [sflag:$0x1], $0x80, $0x38;
	[tilespmem:$0xA080] =	vst v63  }
0x1db: {  	s24 =	smov.u32 s22;
	s21 =	smov.u32 s23;
	p0 =	sne.s32 s22, $0xF80  }
.Ltmp1:
0x1dc: {  	s22 =	sadd.s32 $0x80, s22;
	(pc) =	sbr.rel @p0 .LBB2_5-.Ltmp1, $2  }
0x1dd: {  	_ =	sdelay $0x2  }
0x1de: {  	s23 =	sadd.s32 $0x400, s23;
	s24 =	sadd.s32 s24, s20  }
0x1df: {  	[hbm4b:s24+s1] =	stream.linear.scatter [tilespmem:s21], [sflag:$0x1], $0x80, $0x38;
	[tilespmem:$0xA080] =	vst v63  }
0x1e0: {  	v1 =	vld [tilespmem:$0x190];
	_ =	sdelay $0x6  }
0x1e1: {  	v63 =	vld [tilespmem:$0x210]  }
0x1e2: {  	v2 =	vld.idx.msk [tilespmem:v1+s12+$0x0], $0xffff;
	_ =	sdelay $0x2  }
0x1e3: {  	v3 =	vadd.s32 $0x1E, v1  }
0x1e4: {  	s20 =	simm.s32 $0x0  }
0x1e5: {  	s31 =	sand.u32 $0x40, s20;
	s22 =	sand.u32 $0x7C00, s20;
	v2 =	vmul.f32 v2, v63  }
0x1e6: {  	s22 =	sor.u32 s31, s22  }
0x1e7: {  	[tilespmem:s22+$0x2100] =	vst v2  }
0x1e8: {  	v2 =	vld.idx.msk [tilespmem:v3+s12+$0x0], $0xffff;
	_ =	sdelay $0x2  }
0x1e9: {  	v3 =	vadd.s32 $0x3C, v1;
	_ =	sdelay $0x1  }
0x1ea: {  	v2 =	vmul.f32 v2, v63;
	_ =	sdelay $0x1  }
0x1eb: {  	[tilespmem:s22+$0x2110] =	vst v2  }
0x1ec: {  	v2 =	vld.idx.msk [tilespmem:v3+s12+$0x0], $0xffff;
	_ =	sdelay $0x2  }
0x1ed: {  	v3 =	vadd.s32 $0x5A, v1;
	_ =	sdelay $0x1  }
0x1ee: {  	v2 =	vmul.f32 v2, v63;
	_ =	sdelay $0x1  }
0x1ef: {  	[tilespmem:s22+$0x2120] =	vst v2  }
0x1f0: {  	v2 =	vld.idx.msk [tilespmem:v3+s12+$0x0], $0xffff;
	_ =	sdelay $0x2  }
0x1f1: {  	v1 =	vadd.s32 $0x78, v1;
	_ =	sdelay $0x1  }
0x1f2: {  	v2 =	vmul.f32 v2, v63;
	_ =	sdelay $0x1  }
0x1f3: {  	s21 =	simm.s32 $0x0;
	[tilespmem:s22+$0x2130] =	vst v2;
	s22 =	simm.s32 $0x0  }
.LBB2_7:
0x1f4: {  	v2 =	vld.idx.msk [tilespmem:v1+s12+$0x0], $0xffff;
	s21 =	sadd.s32 $0x4, s21  }
0x1f5: {  	p0 =	slt.u32 s21, $0xFC;
	_ =	sdelay $0x2  }
0x1f6: {  	v3 =	vadd.s32 $0x1E, v1  }
0x1f7: {  	s20 =	sadd.s32 $0x200, s20;
	s22 =	sadd.s32 $0x40, s22  }
0x1f8: {  	s23 =	sand.u32 $0x40, s22;
	s24 =	sand.u32 $0x7C00, s20;
	v2 =	vmul.f32 v2, v63  }
0x1f9: {  	s23 =	sor.u32 s23, s24  }
0x1fa: {  	[tilespmem:s23+$0x2100] =	vst v2  }
0x1fb: {  	v2 =	vld.idx.msk [tilespmem:v3+s12+$0x0], $0xffff;
	_ =	sdelay $0x3  }
0x1fc: {  	v3 =	vadd.s32 $0x3C, v1;
	_ =	sdelay $0x1  }
0x1fd: {  	v2 =	vmul.f32 v2, v63;
	_ =	sdelay $0x1  }
0x1fe: {  	[tilespmem:s23+$0x2110] =	vst v2  }
0x1ff: {  	v2 =	vld.idx.msk [tilespmem:v3+s12+$0x0], $0xffff;
	_ =	sdelay $0x3  }
0x200: {  	v3 =	vadd.s32 $0x5A, v1;
	_ =	sdelay $0x1  }
0x201: {  	v2 =	vmul.f32 v2, v63;
	_ =	sdelay $0x1  }
0x202: {  	[tilespmem:s23+$0x2120] =	vst v2  }
0x203: {  	v2 =	vld.idx.msk [tilespmem:v3+s12+$0x0], $0xffff;
	_ =	sdelay $0x3  }
.Ltmp2:
0x204: {  	v1 =	vadd.s32 $0x78, v1;
	(pc) =	sbr.rel @p0 .LBB2_7-.Ltmp2, $3  }
0x205: {  	_ = 	snop  }
0x206: {  	v2 =	vmul.f32 v2, v63;
	_ =	sdelay $0x1  }
0x207: {  	[tilespmem:s23+$0x2130] =	vst v2  }
0x208: {  	s20 =	sadd.s32 $0xC0000, s19  }
0x209: {  	s20 =	sand.u32 $0xFFFF8000, s20  }
0x20a: {  	s20 =	sor.u32 s16, s20  }
0x20b: {  	s20 =	sshrl.u32 s20, $0x3  }
0x20c: {  	s21 =	simm.s32 $0x2100;
	s20 =	sadd.s32 s5, s20  }
0x20d: {  	s22 =	simm.s32 $0x80;
	s23 =	simm.s32 $0x2500;
	s24 =	sadd.s32 $0x0, s20  }
.LBB2_9:
0x20e: {  	[hbm4b:s24+s1] =	stream.linear.scatter [tilespmem:s21], [sflag:$0x1], $0x80, $0x38;
	[tilespmem:$0xA080] =	vst v63  }
0x20f: {  	s24 =	smov.u32 s22;
	s21 =	smov.u32 s23;
	p0 =	sne.s32 s22, $0xF80  }
.Ltmp3:
0x210: {  	s22 =	sadd.s32 $0x80, s22;
	(pc) =	sbr.rel @p0 .LBB2_9-.Ltmp3, $2  }
0x211: {  	_ =	sdelay $0x2  }
0x212: {  	s23 =	sadd.s32 $0x400, s23;
	s24 =	sadd.s32 s24, s20  }
0x213: {  	[hbm4b:s24+s1] =	stream.linear.scatter [tilespmem:s21], [sflag:$0x1], $0x80, $0x38;
	[tilespmem:$0xA080] =	vst v63  }
0x214: {  	v1 =	vld [tilespmem:$0x1A0];
	_ =	sdelay $0x6  }
0x215: {  	v63 =	vld [tilespmem:$0x220]  }
0x216: {  	v2 =	vld.idx.msk [tilespmem:v1+s12+$0x0], $0xffff;
	_ =	sdelay $0x2  }
0x217: {  	v3 =	vadd.s32 $0x1E, v1  }
0x218: {  	s20 =	simm.s32 $0x0  }
0x219: {  	s31 =	sand.u32 $0x40, s20;
	s22 =	sand.u32 $0x7C00, s20;
	v2 =	vmul.f32 v2, v63  }
0x21a: {  	s22 =	sor.u32 s31, s22  }
0x21b: {  	[tilespmem:s22+$0x2180] =	vst v2  }
0x21c: {  	v2 =	vld.idx.msk [tilespmem:v3+s12+$0x0], $0xffff;
	_ =	sdelay $0x2  }
0x21d: {  	v3 =	vadd.s32 $0x3C, v1;
	_ =	sdelay $0x1  }
0x21e: {  	v2 =	vmul.f32 v2, v63;
	_ =	sdelay $0x1  }
0x21f: {  	[tilespmem:s22+$0x2190] =	vst v2  }
0x220: {  	v2 =	vld.idx.msk [tilespmem:v3+s12+$0x0], $0xffff;
	_ =	sdelay $0x2  }
0x221: {  	v3 =	vadd.s32 $0x5A, v1;
	_ =	sdelay $0x1  }
0x222: {  	v2 =	vmul.f32 v2, v63;
	_ =	sdelay $0x1  }
0x223: {  	[tilespmem:s22+$0x21A0] =	vst v2  }
0x224: {  	v2 =	vld.idx.msk [tilespmem:v3+s12+$0x0], $0xffff;
	_ =	sdelay $0x2  }
0x225: {  	v1 =	vadd.s32 $0x78, v1;
	_ =	sdelay $0x1  }
0x226: {  	v2 =	vmul.f32 v2, v63;
	_ =	sdelay $0x1  }
0x227: {  	s21 =	simm.s32 $0x0;
	[tilespmem:s22+$0x21B0] =	vst v2;
	s22 =	simm.s32 $0x0  }
.LBB2_11:
0x228: {  	v2 =	vld.idx.msk [tilespmem:v1+s12+$0x0], $0xffff;
	s21 =	sadd.s32 $0x4, s21  }
0x229: {  	p0 =	slt.u32 s21, $0xFC;
	_ =	sdelay $0x2  }
0x22a: {  	v3 =	vadd.s32 $0x1E, v1  }
0x22b: {  	s20 =	sadd.s32 $0x200, s20;
	s22 =	sadd.s32 $0x40, s22  }
0x22c: {  	s23 =	sand.u32 $0x40, s22;
	s24 =	sand.u32 $0x7C00, s20;
	v2 =	vmul.f32 v2, v63  }
0x22d: {  	s23 =	sor.u32 s23, s24  }
0x22e: {  	[tilespmem:s23+$0x2180] =	vst v2  }
0x22f: {  	v2 =	vld.idx.msk [tilespmem:v3+s12+$0x0], $0xffff;
	_ =	sdelay $0x3  }
0x230: {  	v3 =	vadd.s32 $0x3C, v1;
	_ =	sdelay $0x1  }
0x231: {  	v2 =	vmul.f32 v2, v63;
	_ =	sdelay $0x1  }
0x232: {  	[tilespmem:s23+$0x2190] =	vst v2  }
0x233: {  	v2 =	vld.idx.msk [tilespmem:v3+s12+$0x0], $0xffff;
	_ =	sdelay $0x3  }
0x234: {  	v3 =	vadd.s32 $0x5A, v1;
	_ =	sdelay $0x1  }
0x235: {  	v2 =	vmul.f32 v2, v63;
	_ =	sdelay $0x1  }
0x236: {  	[tilespmem:s23+$0x21A0] =	vst v2  }
0x237: {  	v2 =	vld.idx.msk [tilespmem:v3+s12+$0x0], $0xffff;
	_ =	sdelay $0x3  }
.Ltmp4:
0x238: {  	v1 =	vadd.s32 $0x78, v1;
	(pc) =	sbr.rel @p0 .LBB2_11-.Ltmp4, $3  }
0x239: {  	_ = 	snop  }
0x23a: {  	v2 =	vmul.f32 v2, v63;
	_ =	sdelay $0x1  }
0x23b: {  	[tilespmem:s23+$0x21B0] =	vst v2  }
0x23c: {  	s19 =	sadd.s32 $0x180000, s19  }
0x23d: {  	s19 =	sand.u32 $0xFFFF8000, s19  }
0x23e: {  	s19 =	sor.u32 s16, s19  }
0x23f: {  	s19 =	sshrl.u32 s19, $0x3  }
0x240: {  	s20 =	simm.s32 $0x2180;
	s19 =	sadd.s32 s5, s19  }
0x241: {  	s21 =	simm.s32 $0x80;
	s22 =	simm.s32 $0x2580;
	s23 =	sadd.s32 $0x0, s19  }
.LBB2_13:
0x242: {  	[hbm4b:s23+s1] =	stream.linear.scatter [tilespmem:s20], [sflag:$0x1], $0x80, $0x38;
	[tilespmem:$0xA080] =	vst v63  }
0x243: {  	s23 =	smov.u32 s21;
	s20 =	smov.u32 s22;
	p0 =	sne.s32 s21, $0xF80  }
.Ltmp5:
0x244: {  	s21 =	sadd.s32 $0x80, s21;
	(pc) =	sbr.rel @p0 .LBB2_13-.Ltmp5, $2  }
0x245: {  	_ =	sdelay $0x2  }
0x246: {  	s22 =	sadd.s32 $0x400, s22;
	s23 =	sadd.s32 s23, s19  }
0x247: {  	[hbm4b:s23+s1] =	stream.linear.scatter [tilespmem:s20], [sflag:$0x1], $0x80, $0x38;
	[tilespmem:$0xA080] =	vst v63  }
0x248: {  	v1 =	vld [tilespmem:$0x1B0];
	_ =	sdelay $0x6  }
0x249: {  	v63 =	vld [tilespmem:$0x230]  }
0x24a: {  	v2 =	vld.idx.msk [tilespmem:v1+s12+$0x0], $0xffff;
	_ =	sdelay $0x2  }
0x24b: {  	v3 =	vadd.s32 $0x1E, v1  }
0x24c: {  	s19 =	simm.s32 $0x0  }
0x24d: {  	s31 =	sand.u32 $0x40, s19;
	s21 =	sand.u32 $0x7C00, s19;
	v2 =	vmul.f32 v2, v63  }
0x24e: {  	s21 =	sor.u32 s31, s21  }
0x24f: {  	[tilespmem:s21+$0x2200] =	vst v2  }
0x250: {  	v2 =	vld.idx.msk [tilespmem:v3+s12+$0x0], $0xffff;
	_ =	sdelay $0x2  }
0x251: {  	v3 =	vadd.s32 $0x3C, v1;
	_ =	sdelay $0x1  }
0x252: {  	v2 =	vmul.f32 v2, v63;
	_ =	sdelay $0x1  }
0x253: {  	[tilespmem:s21+$0x2210] =	vst v2  }
0x254: {  	v2 =	vld.idx.msk [tilespmem:v3+s12+$0x0], $0xffff;
	_ =	sdelay $0x2  }
0x255: {  	v3 =	vadd.s32 $0x5A, v1;
	_ =	sdelay $0x1  }
0x256: {  	v2 =	vmul.f32 v2, v63;
	_ =	sdelay $0x1  }
0x257: {  	[tilespmem:s21+$0x2220] =	vst v2  }
0x258: {  	v2 =	vld.idx.msk [tilespmem:v3+s12+$0x0], $0xffff;
	_ =	sdelay $0x2  }
0x259: {  	v1 =	vadd.s32 $0x78, v1;
	_ =	sdelay $0x1  }
0x25a: {  	v2 =	vmul.f32 v2, v63;
	_ =	sdelay $0x1  }
0x25b: {  	s20 =	simm.s32 $0x0;
	[tilespmem:s21+$0x2230] =	vst v2;
	s21 =	simm.s32 $0x0  }
.LBB2_15:
0x25c: {  	v2 =	vld.idx.msk [tilespmem:v1+s12+$0x0], $0xffff;
	s20 =	sadd.s32 $0x4, s20  }
0x25d: {  	p0 =	slt.u32 s20, $0xFC;
	_ =	sdelay $0x2  }
0x25e: {  	v3 =	vadd.s32 $0x1E, v1  }
0x25f: {  	s19 =	sadd.s32 $0x200, s19;
	s21 =	sadd.s32 $0x40, s21  }
0x260: {  	s22 =	sand.u32 $0x40, s21;
	s23 =	sand.u32 $0x7C00, s19;
	v2 =	vmul.f32 v2, v63  }
0x261: {  	s22 =	sor.u32 s22, s23  }
0x262: {  	[tilespmem:s22+$0x2200] =	vst v2  }
0x263: {  	v2 =	vld.idx.msk [tilespmem:v3+s12+$0x0], $0xffff;
	_ =	sdelay $0x3  }
0x264: {  	v3 =	vadd.s32 $0x3C, v1;
	_ =	sdelay $0x1  }
0x265: {  	v2 =	vmul.f32 v2, v63;
	_ =	sdelay $0x1  }
0x266: {  	[tilespmem:s22+$0x2210] =	vst v2  }
0x267: {  	v2 =	vld.idx.msk [tilespmem:v3+s12+$0x0], $0xffff;
	_ =	sdelay $0x3  }
0x268: {  	v3 =	vadd.s32 $0x5A, v1;
	_ =	sdelay $0x1  }
0x269: {  	v2 =	vmul.f32 v2, v63;
	_ =	sdelay $0x1  }
0x26a: {  	[tilespmem:s22+$0x2220] =	vst v2  }
0x26b: {  	v2 =	vld.idx.msk [tilespmem:v3+s12+$0x0], $0xffff;
	_ =	sdelay $0x3  }
.Ltmp6:
0x26c: {  	v1 =	vadd.s32 $0x78, v1;
	(pc) =	sbr.rel @p0 .LBB2_15-.Ltmp6, $3  }
0x26d: {  	_ = 	snop  }
0x26e: {  	v2 =	vmul.f32 v2, v63;
	_ =	sdelay $0x1  }
0x26f: {  	[tilespmem:s22+$0x2230] =	vst v2  }
0x270: {  	s17 =	sadd.s32 s18, s17  }
0x271: {  	s17 =	sshll.u32 s17, $0xC  }
0x272: {  	s31 =	sadd.s32 $0x240000, s17  }
0x273: {  	s18 =	sand.u32 $0xFFFF8000, s31  }
0x274: {  	s18 =	sor.u32 s16, s18  }
0x275: {  	s18 =	sshrl.u32 s18, $0x3  }
0x276: {  	s19 =	simm.s32 $0x2200;
	s18 =	sadd.s32 s5, s18  }
0x277: {  	s20 =	simm.s32 $0x80;
	s21 =	simm.s32 $0x2600;
	s22 =	sadd.s32 $0x0, s18  }
.LBB2_17:
0x278: {  	[hbm4b:s22+s1] =	stream.linear.scatter [tilespmem:s19], [sflag:$0x1], $0x80, $0x38;
	[tilespmem:$0xA080] =	vst v63  }
0x279: {  	s22 =	smov.u32 s20;
	s19 =	smov.u32 s21;
	p0 =	sne.s32 s20, $0xF80  }
.Ltmp7:
0x27a: {  	s20 =	sadd.s32 $0x80, s20;
	(pc) =	sbr.rel @p0 .LBB2_17-.Ltmp7, $2  }
0x27b: {  	_ =	sdelay $0x2  }
0x27c: {  	s21 =	sadd.s32 $0x400, s21;
	s22 =	sadd.s32 s22, s18  }
0x27d: {  	[hbm4b:s22+s1] =	stream.linear.scatter [tilespmem:s19], [sflag:$0x1], $0x80, $0x38;
	[tilespmem:$0xA080] =	vst v63  }
0x27e: {  	v1 =	vld [tilespmem:$0x1C0];
	_ =	sdelay $0x6  }
0x27f: {  	v63 =	vld [tilespmem:$0x240]  }
0x280: {  	v2 =	vld.idx.msk [tilespmem:v1+s12+$0x0], $0xffff;
	_ =	sdelay $0x1  }
0x281: {  	p0 =	por $0x0, $0x0;
	s18 =	simm.s32 $0x1  }
0x282: {  	s18 =	simm.s32 @!p0 $0x0;
	v3 =	vadd.s32 $0x1E, v1  }
0x283: {  	s18 =	sshll.u32 s18, $0x6  }
0x284: {  	s20 =	sadd.s32 $0x0, s18;
	v2 =	vmul.f32 v2, v63  }
0x285: {  	s18 =	sor.u32 $0x200, s20  }
0x286: {  	[tilespmem:s18+$0x2080] =	vst v2  }
0x287: {  	v2 =	vld.idx.msk [tilespmem:v3+s12+$0x0], $0xffff;
	_ =	sdelay $0x2  }
0x288: {  	v3 =	vadd.s32 $0x3C, v1;
	_ =	sdelay $0x1  }
0x289: {  	v2 =	vmul.f32 v2, v63  }
0x28a: {  	s30 =	sor.u32 $0x210, s20  }
0x28b: {  	[tilespmem:s30+$0x2080] =	vst v2  }
0x28c: {  	v2 =	vld.idx.msk [tilespmem:v3+s12+$0x0], $0xffff;
	_ =	sdelay $0x2  }
0x28d: {  	v3 =	vadd.s32 $0x5A, v1;
	_ =	sdelay $0x1  }
0x28e: {  	v2 =	vmul.f32 v2, v63  }
0x28f: {  	s31 =	sor.u32 $0x220, s20  }
0x290: {  	[tilespmem:s31+$0x2080] =	vst v2  }
0x291: {  	v2 =	vld.idx.msk [tilespmem:v3+s12+$0x0], $0xffff;
	_ =	sdelay $0x2  }
0x292: {  	v1 =	vadd.s32 $0x78, v1;
	_ =	sdelay $0x1  }
0x293: {  	v2 =	vmul.f32 v2, v63  }
0x294: {  	s19 =	simm.s32 $0x0;
	s20 =	sor.u32 $0x230, s20;
	s18 =	simm.s32 $0x0  }
.LBB2_19:
0x295: {  	s19 =	sadd.s32 $0x4, s19;
	[tilespmem:s20+$0x2080] =	vst v2;
	s18 =	sadd.s32 $0x200, s18;
	p0 =	por !p0, !p0  }
0x296: {  	v2 =	vld.idx.msk [tilespmem:v1+s12+$0x0], $0xffff;
	p1 =	slt.u32 s19, $0xFC;
	_ =	sdelay $0x2  }
0x297: {  	s20 =	simm.s32 $0x1  }
0x298: {  	v3 =	vadd.s32 $0x1E, v1;
	s20 =	simm.s32 @!p0 $0x0  }
0x299: {  	s20 =	sshll.u32 s20, $0x6  }
0x29a: {  	s20 =	sadd.s32 s20, s18;
	v2 =	vmul.f32 v2, v63  }
0x29b: {  	s21 =	sor.u32 $0x200, s20  }
0x29c: {  	[tilespmem:s21+$0x2080] =	vst v2  }
0x29d: {  	v2 =	vld.idx.msk [tilespmem:v3+s12+$0x0], $0xffff;
	_ =	sdelay $0x3  }
0x29e: {  	v3 =	vadd.s32 $0x3C, v1;
	_ =	sdelay $0x1  }
0x29f: {  	v2 =	vmul.f32 v2, v63  }
0x2a0: {  	s21 =	sor.u32 $0x210, s20  }
0x2a1: {  	[tilespmem:s21+$0x2080] =	vst v2  }
0x2a2: {  	v2 =	vld.idx.msk [tilespmem:v3+s12+$0x0], $0xffff;
	_ =	sdelay $0x3  }
0x2a3: {  	v3 =	vadd.s32 $0x5A, v1;
	_ =	sdelay $0x1  }
0x2a4: {  	v2 =	vmul.f32 v2, v63  }
0x2a5: {  	s21 =	sor.u32 $0x220, s20  }
0x2a6: {  	[tilespmem:s21+$0x2080] =	vst v2  }
0x2a7: {  	v2 =	vld.idx.msk [tilespmem:v3+s12+$0x0], $0xffff;
	_ =	sdelay $0x2  }
.Ltmp8:
0x2a8: {  	(pc) =	sbr.rel @p1 .LBB2_19-.Ltmp8, $3  }
0x2a9: {  	v1 =	vadd.s32 $0x78, v1;
	_ =	sdelay $0x1  }
0x2aa: {  	v2 =	vmul.f32 v2, v63  }
0x2ab: {  	s20 =	sor.u32 $0x230, s20  }
0x2ac: {  	s18 =	sadd.s32 $0x300000, s17  }
0x2ad: {  	s18 =	sand.u32 $0xFFFF8000, s18  }
0x2ae: {  	s18 =	sor.u32 s16, s18  }
0x2af: {  	s18 =	sshrl.u32 s18, $0x3  }
0x2b0: {  	s19 =	simm.s32 $0x2280;
	s18 =	sadd.s32 s5, s18  }
0x2b1: {  	[tilespmem:s20+$0x2080] =	vst v2;
	s20 =	simm.s32 $0x80;
	s21 =	simm.s32 $0x2680;
	s22 =	sadd.s32 $0x0, s18  }
.LBB2_21:
0x2b2: {  	[hbm4b:s22+s1] =	stream.linear.scatter [tilespmem:s19], [sflag:$0x1], $0x80, $0x38;
	[tilespmem:$0xA080] =	vst v63  }
0x2b3: {  	s22 =	smov.u32 s20;
	s19 =	smov.u32 s21;
	p0 =	sne.s32 s20, $0xF80  }
.Ltmp9:
0x2b4: {  	s20 =	sadd.s32 $0x80, s20;
	(pc) =	sbr.rel @p0 .LBB2_21-.Ltmp9, $2  }
0x2b5: {  	_ =	sdelay $0x2  }
0x2b6: {  	s21 =	sadd.s32 $0x400, s21;
	s22 =	sadd.s32 s22, s18  }
0x2b7: {  	[hbm4b:s22+s1] =	stream.linear.scatter [tilespmem:s19], [sflag:$0x1], $0x80, $0x38;
	[tilespmem:$0xA080] =	vst v63  }
0x2b8: {  	v1 =	vld [tilespmem:$0x1D0];
	_ =	sdelay $0x6  }
0x2b9: {  	v63 =	vld [tilespmem:$0x250]  }
0x2ba: {  	v2 =	vld.idx.msk [tilespmem:v1+s12+$0x0], $0xffff;
	_ =	sdelay $0x1  }
0x2bb: {  	p0 =	por $0x0, $0x0;
	s18 =	simm.s32 $0x1  }
0x2bc: {  	s18 =	simm.s32 @!p0 $0x0;
	v3 =	vadd.s32 $0x1E, v1  }
0x2bd: {  	s18 =	sshll.u32 s18, $0x6  }
0x2be: {  	s20 =	sadd.s32 $0x0, s18;
	v2 =	vmul.f32 v2, v63  }
0x2bf: {  	s18 =	sor.u32 $0x280, s20  }
0x2c0: {  	[tilespmem:s18+$0x2080] =	vst v2  }
0x2c1: {  	v2 =	vld.idx.msk [tilespmem:v3+s12+$0x0], $0xffff;
	_ =	sdelay $0x2  }
0x2c2: {  	v3 =	vadd.s32 $0x3C, v1;
	_ =	sdelay $0x1  }
0x2c3: {  	v2 =	vmul.f32 v2, v63  }
0x2c4: {  	s30 =	sor.u32 $0x290, s20  }
0x2c5: {  	[tilespmem:s30+$0x2080] =	vst v2  }
0x2c6: {  	v2 =	vld.idx.msk [tilespmem:v3+s12+$0x0], $0xffff;
	_ =	sdelay $0x2  }
0x2c7: {  	v3 =	vadd.s32 $0x5A, v1;
	_ =	sdelay $0x1  }
0x2c8: {  	v2 =	vmul.f32 v2, v63  }
0x2c9: {  	s31 =	sor.u32 $0x2A0, s20  }
0x2ca: {  	[tilespmem:s31+$0x2080] =	vst v2  }
0x2cb: {  	v2 =	vld.idx.msk [tilespmem:v3+s12+$0x0], $0xffff;
	_ =	sdelay $0x2  }
0x2cc: {  	v1 =	vadd.s32 $0x78, v1;
	_ =	sdelay $0x1  }
0x2cd: {  	v2 =	vmul.f32 v2, v63  }
0x2ce: {  	s19 =	simm.s32 $0x0;
	s20 =	sor.u32 $0x2B0, s20;
	s18 =	simm.s32 $0x0  }
.LBB2_23:
0x2cf: {  	s19 =	sadd.s32 $0x4, s19;
	[tilespmem:s20+$0x2080] =	vst v2;
	s18 =	sadd.s32 $0x200, s18;
	p0 =	por !p0, !p0  }
0x2d0: {  	v2 =	vld.idx.msk [tilespmem:v1+s12+$0x0], $0xffff;
	p1 =	slt.u32 s19, $0xFC;
	_ =	sdelay $0x2  }
0x2d1: {  	s20 =	simm.s32 $0x1  }
0x2d2: {  	v3 =	vadd.s32 $0x1E, v1;
	s20 =	simm.s32 @!p0 $0x0  }
0x2d3: {  	s20 =	sshll.u32 s20, $0x6  }
0x2d4: {  	s20 =	sadd.s32 s20, s18;
	v2 =	vmul.f32 v2, v63  }
0x2d5: {  	s21 =	sor.u32 $0x280, s20  }
0x2d6: {  	[tilespmem:s21+$0x2080] =	vst v2  }
0x2d7: {  	v2 =	vld.idx.msk [tilespmem:v3+s12+$0x0], $0xffff;
	_ =	sdelay $0x3  }
0x2d8: {  	v3 =	vadd.s32 $0x3C, v1;
	_ =	sdelay $0x1  }
0x2d9: {  	v2 =	vmul.f32 v2, v63  }
0x2da: {  	s21 =	sor.u32 $0x290, s20  }
0x2db: {  	[tilespmem:s21+$0x2080] =	vst v2  }
0x2dc: {  	v2 =	vld.idx.msk [tilespmem:v3+s12+$0x0], $0xffff;
	_ =	sdelay $0x3  }
0x2dd: {  	v3 =	vadd.s32 $0x5A, v1;
	_ =	sdelay $0x1  }
0x2de: {  	v2 =	vmul.f32 v2, v63  }
0x2df: {  	s21 =	sor.u32 $0x2A0, s20  }
0x2e0: {  	[tilespmem:s21+$0x2080] =	vst v2  }
0x2e1: {  	v2 =	vld.idx.msk [tilespmem:v3+s12+$0x0], $0xffff;
	_ =	sdelay $0x2  }
.Ltmp10:
0x2e2: {  	(pc) =	sbr.rel @p1 .LBB2_23-.Ltmp10, $3  }
0x2e3: {  	v1 =	vadd.s32 $0x78, v1;
	_ =	sdelay $0x1  }
0x2e4: {  	v2 =	vmul.f32 v2, v63  }
0x2e5: {  	s20 =	sor.u32 $0x2B0, s20  }
0x2e6: {  	s18 =	sadd.s32 $0x3C0000, s17  }
0x2e7: {  	s18 =	sand.u32 $0xFFFF8000, s18  }
0x2e8: {  	s18 =	sor.u32 s16, s18  }
0x2e9: {  	s18 =	sshrl.u32 s18, $0x3  }
0x2ea: {  	s19 =	simm.s32 $0x2300;
	s18 =	sadd.s32 s5, s18  }
0x2eb: {  	[tilespmem:s20+$0x2080] =	vst v2;
	s20 =	simm.s32 $0x80;
	s21 =	simm.s32 $0x2700;
	s22 =	sadd.s32 $0x0, s18  }
.LBB2_25:
0x2ec: {  	[hbm4b:s22+s1] =	stream.linear.scatter [tilespmem:s19], [sflag:$0x1], $0x80, $0x38;
	[tilespmem:$0xA080] =	vst v63  }
0x2ed: {  	s22 =	smov.u32 s20;
	s19 =	smov.u32 s21;
	p0 =	sne.s32 s20, $0xF80  }
.Ltmp11:
0x2ee: {  	s20 =	sadd.s32 $0x80, s20;
	(pc) =	sbr.rel @p0 .LBB2_25-.Ltmp11, $2  }
0x2ef: {  	_ =	sdelay $0x2  }
0x2f0: {  	s21 =	sadd.s32 $0x400, s21;
	s22 =	sadd.s32 s22, s18  }
0x2f1: {  	[hbm4b:s22+s1] =	stream.linear.scatter [tilespmem:s19], [sflag:$0x1], $0x80, $0x38;
	[tilespmem:$0xA080] =	vst v63  }
0x2f2: {  	v1 =	vld [tilespmem:$0x1E0];
	_ =	sdelay $0x6  }
0x2f3: {  	v63 =	vld [tilespmem:$0x260]  }
0x2f4: {  	v2 =	vld.idx.msk [tilespmem:v1+s12+$0x0], $0xffff;
	_ =	sdelay $0x1  }
0x2f5: {  	p0 =	por $0x0, $0x0;
	s18 =	simm.s32 $0x1  }
0x2f6: {  	s18 =	simm.s32 @!p0 $0x0;
	v3 =	vadd.s32 $0x1E, v1  }
0x2f7: {  	s18 =	sshll.u32 s18, $0x6  }
0x2f8: {  	s20 =	sadd.s32 $0x0, s18;
	v2 =	vmul.f32 v2, v63  }
0x2f9: {  	s18 =	sor.u32 $0x300, s20  }
0x2fa: {  	[tilespmem:s18+$0x2080] =	vst v2  }
0x2fb: {  	v2 =	vld.idx.msk [tilespmem:v3+s12+$0x0], $0xffff;
	_ =	sdelay $0x2  }
0x2fc: {  	v3 =	vadd.s32 $0x3C, v1;
	_ =	sdelay $0x1  }
0x2fd: {  	v2 =	vmul.f32 v2, v63  }
0x2fe: {  	s30 =	sor.u32 $0x310, s20  }
0x2ff: {  	[tilespmem:s30+$0x2080] =	vst v2  }
0x300: {  	v2 =	vld.idx.msk [tilespmem:v3+s12+$0x0], $0xffff;
	_ =	sdelay $0x2  }
0x301: {  	v3 =	vadd.s32 $0x5A, v1;
	_ =	sdelay $0x1  }
0x302: {  	v2 =	vmul.f32 v2, v63  }
0x303: {  	s31 =	sor.u32 $0x320, s20  }
0x304: {  	[tilespmem:s31+$0x2080] =	vst v2  }
0x305: {  	v2 =	vld.idx.msk [tilespmem:v3+s12+$0x0], $0xffff;
	_ =	sdelay $0x2  }
0x306: {  	v1 =	vadd.s32 $0x78, v1;
	_ =	sdelay $0x1  }
0x307: {  	v2 =	vmul.f32 v2, v63  }
0x308: {  	s19 =	simm.s32 $0x0;
	s20 =	sor.u32 $0x330, s20;
	s18 =	simm.s32 $0x0  }
.LBB2_27:
0x309: {  	s19 =	sadd.s32 $0x4, s19;
	[tilespmem:s20+$0x2080] =	vst v2;
	s18 =	sadd.s32 $0x200, s18;
	p0 =	por !p0, !p0  }
0x30a: {  	v2 =	vld.idx.msk [tilespmem:v1+s12+$0x0], $0xffff;
	p1 =	slt.u32 s19, $0xFC;
	_ =	sdelay $0x2  }
0x30b: {  	s20 =	simm.s32 $0x1  }
0x30c: {  	v3 =	vadd.s32 $0x1E, v1;
	s20 =	simm.s32 @!p0 $0x0  }
0x30d: {  	s20 =	sshll.u32 s20, $0x6  }
0x30e: {  	s20 =	sadd.s32 s20, s18;
	v2 =	vmul.f32 v2, v63  }
0x30f: {  	s21 =	sor.u32 $0x300, s20  }
0x310: {  	[tilespmem:s21+$0x2080] =	vst v2  }
0x311: {  	v2 =	vld.idx.msk [tilespmem:v3+s12+$0x0], $0xffff;
	_ =	sdelay $0x3  }
0x312: {  	v3 =	vadd.s32 $0x3C, v1;
	_ =	sdelay $0x1  }
0x313: {  	v2 =	vmul.f32 v2, v63  }
0x314: {  	s21 =	sor.u32 $0x310, s20  }
0x315: {  	[tilespmem:s21+$0x2080] =	vst v2  }
0x316: {  	v2 =	vld.idx.msk [tilespmem:v3+s12+$0x0], $0xffff;
	_ =	sdelay $0x3  }
0x317: {  	v3 =	vadd.s32 $0x5A, v1;
	_ =	sdelay $0x1  }
0x318: {  	v2 =	vmul.f32 v2, v63  }
0x319: {  	s21 =	sor.u32 $0x320, s20  }
0x31a: {  	[tilespmem:s21+$0x2080] =	vst v2  }
0x31b: {  	v2 =	vld.idx.msk [tilespmem:v3+s12+$0x0], $0xffff;
	_ =	sdelay $0x2  }
.Ltmp12:
0x31c: {  	(pc) =	sbr.rel @p1 .LBB2_27-.Ltmp12, $3  }
0x31d: {  	v1 =	vadd.s32 $0x78, v1;
	_ =	sdelay $0x1  }
0x31e: {  	v2 =	vmul.f32 v2, v63  }
0x31f: {  	s20 =	sor.u32 $0x330, s20  }
0x320: {  	s18 =	sadd.s32 $0x480000, s17  }
0x321: {  	s18 =	sand.u32 $0xFFFF8000, s18  }
0x322: {  	s18 =	sor.u32 s16, s18  }
0x323: {  	s18 =	sshrl.u32 s18, $0x3  }
0x324: {  	s19 =	simm.s32 $0x2380;
	s18 =	sadd.s32 s5, s18  }
0x325: {  	[tilespmem:s20+$0x2080] =	vst v2;
	s20 =	simm.s32 $0x80;
	s21 =	simm.s32 $0x2780;
	s22 =	sadd.s32 $0x0, s18  }
.LBB2_29:
0x326: {  	[hbm4b:s22+s1] =	stream.linear.scatter [tilespmem:s19], [sflag:$0x1], $0x80, $0x38;
	[tilespmem:$0xA080] =	vst v63  }
0x327: {  	s22 =	smov.u32 s20;
	s19 =	smov.u32 s21;
	p0 =	sne.s32 s20, $0xF80  }
.Ltmp13:
0x328: {  	s20 =	sadd.s32 $0x80, s20;
	(pc) =	sbr.rel @p0 .LBB2_29-.Ltmp13, $2  }
0x329: {  	_ =	sdelay $0x2  }
0x32a: {  	s21 =	sadd.s32 $0x400, s21;
	s22 =	sadd.s32 s22, s18  }
0x32b: {  	[hbm4b:s22+s1] =	stream.linear.scatter [tilespmem:s19], [sflag:$0x1], $0x80, $0x38;
	[tilespmem:$0xA080] =	vst v63  }
0x32c: {  	v1 =	vld [tilespmem:$0x1F0];
	_ =	sdelay $0x6  }
0x32d: {  	v63 =	vld [tilespmem:$0x270]  }
0x32e: {  	v2 =	vld.idx.msk [tilespmem:v1+s12+$0x0], $0xffff;
	_ =	sdelay $0x1  }
0x32f: {  	p0 =	por $0x0, $0x0;
	s18 =	simm.s32 $0x1  }
0x330: {  	s18 =	simm.s32 @!p0 $0x0;
	v3 =	vadd.s32 $0x1E, v1  }
0x331: {  	s18 =	sshll.u32 s18, $0x6  }
0x332: {  	s20 =	sadd.s32 $0x0, s18;
	v2 =	vmul.f32 v2, v63  }
0x333: {  	s18 =	sor.u32 $0x380, s20  }
0x334: {  	[tilespmem:s18+$0x2080] =	vst v2  }
0x335: {  	v2 =	vld.idx.msk [tilespmem:v3+s12+$0x0], $0xffff;
	_ =	sdelay $0x2  }
0x336: {  	v3 =	vadd.s32 $0x3C, v1;
	_ =	sdelay $0x1  }
0x337: {  	v2 =	vmul.f32 v2, v63  }
0x338: {  	s30 =	sor.u32 $0x390, s20  }
0x339: {  	[tilespmem:s30+$0x2080] =	vst v2  }
0x33a: {  	v2 =	vld.idx.msk [tilespmem:v3+s12+$0x0], $0xffff;
	_ =	sdelay $0x2  }
0x33b: {  	v3 =	vadd.s32 $0x5A, v1;
	_ =	sdelay $0x1  }
0x33c: {  	v2 =	vmul.f32 v2, v63  }
0x33d: {  	s31 =	sor.u32 $0x3A0, s20  }
0x33e: {  	[tilespmem:s31+$0x2080] =	vst v2  }
0x33f: {  	v2 =	vld.idx.msk [tilespmem:v3+s12+$0x0], $0xffff;
	_ =	sdelay $0x2  }
0x340: {  	v1 =	vadd.s32 $0x78, v1;
	_ =	sdelay $0x1  }
0x341: {  	v2 =	vmul.f32 v2, v63  }
0x342: {  	s19 =	simm.s32 $0x0;
	s20 =	sor.u32 $0x3B0, s20;
	s18 =	simm.s32 $0x0  }
.LBB2_31:
0x343: {  	s19 =	sadd.s32 $0x4, s19;
	[tilespmem:s20+$0x2080] =	vst v2;
	s18 =	sadd.s32 $0x200, s18;
	p0 =	por !p0, !p0  }
0x344: {  	v2 =	vld.idx.msk [tilespmem:v1+s12+$0x0], $0xffff;
	p1 =	slt.u32 s19, $0xFC;
	_ =	sdelay $0x2  }
0x345: {  	s20 =	simm.s32 $0x1  }
0x346: {  	v3 =	vadd.s32 $0x1E, v1;
	s20 =	simm.s32 @!p0 $0x0  }
0x347: {  	s20 =	sshll.u32 s20, $0x6  }
0x348: {  	s20 =	sadd.s32 s20, s18;
	v2 =	vmul.f32 v2, v63  }
0x349: {  	s21 =	sor.u32 $0x380, s20  }
0x34a: {  	[tilespmem:s21+$0x2080] =	vst v2  }
0x34b: {  	v2 =	vld.idx.msk [tilespmem:v3+s12+$0x0], $0xffff;
	_ =	sdelay $0x3  }
0x34c: {  	v3 =	vadd.s32 $0x3C, v1;
	_ =	sdelay $0x1  }
0x34d: {  	v2 =	vmul.f32 v2, v63  }
0x34e: {  	s21 =	sor.u32 $0x390, s20  }
0x34f: {  	[tilespmem:s21+$0x2080] =	vst v2  }
0x350: {  	v2 =	vld.idx.msk [tilespmem:v3+s12+$0x0], $0xffff;
	_ =	sdelay $0x3  }
0x351: {  	v3 =	vadd.s32 $0x5A, v1;
	_ =	sdelay $0x1  }
0x352: {  	v2 =	vmul.f32 v2, v63  }
0x353: {  	s21 =	sor.u32 $0x3A0, s20  }
0x354: {  	[tilespmem:s21+$0x2080] =	vst v2  }
0x355: {  	v2 =	vld.idx.msk [tilespmem:v3+s12+$0x0], $0xffff;
	_ =	sdelay $0x2  }
.Ltmp14:
0x356: {  	(pc) =	sbr.rel @p1 .LBB2_31-.Ltmp14, $3  }
0x357: {  	v1 =	vadd.s32 $0x78, v1;
	_ =	sdelay $0x1  }
0x358: {  	v2 =	vmul.f32 v2, v63  }
0x359: {  	s20 =	sor.u32 $0x3B0, s20  }
0x35a: {  	s17 =	sadd.s32 $0x540000, s17  }
0x35b: {  	s17 =	sand.u32 $0xFFFF8000, s17  }
0x35c: {  	s16 =	sor.u32 s16, s17  }
0x35d: {  	s16 =	sshrl.u32 s16, $0x3  }
0x35e: {  	s18 =	simm.s32 $0x80;
	s16 =	sadd.s32 s5, s16  }
0x35f: {  	[tilespmem:s20+$0x2080] =	vst v2;
	s19 =	simm.s32 $0x2800;
	s17 =	simm.s32 $0x2400;
	s20 =	sadd.s32 $0x0, s16  }
.LBB2_33:
0x360: {  	[hbm4b:s20+s1] =	stream.linear.scatter [tilespmem:s17], [sflag:$0x1], $0x80, $0x38;
	[tilespmem:$0xA080] =	vst v63  }
0x361: {  	s20 =	smov.u32 s18;
	s17 =	smov.u32 s19;
	p0 =	sne.s32 s18, $0xF80  }
.Ltmp15:
0x362: {  	s18 =	sadd.s32 $0x80, s18;
	(pc) =	sbr.rel @p0 .LBB2_33-.Ltmp15, $2  }
0x363: {  	_ =	sdelay $0x2  }
0x364: {  	s19 =	sadd.s32 $0x400, s19;
	s20 =	sadd.s32 s20, s16  }
0x365: {  	[hbm4b:s20+s1] =	stream.linear.scatter [tilespmem:s17], [sflag:$0x1], $0x80, $0x38;
	[tilespmem:$0xA080] =	vst v63  }
0x366: {  	_ =	swait.ge [sflag:s13], $0x1000  }
0x367: {  	[sflag:s13] =	ssyncset.done $0x0  }
0x368: {  	[sflag:s13] =	ssyncadd.s32 $0xFFFFF000  }
0x369: {  	_ =	swait.ge [sflag:s13], $0x1000  }
0x36a: {  	[sflag:s13] =	ssyncset.done $0x0  }
0x36b: {  	[sflag:s13] =	ssyncadd.s32 $0xFFFFF000  }
0x36c: {  	_ =	swait.ge [sflag:s13], $0x1000  }
0x36d: {  	[sflag:s13] =	ssyncset.done $0x0  }
0x36e: {  	[sflag:s13] =	ssyncadd.s32 $0xFFFFF000  }
0x36f: {  	_ =	swait.ge [sflag:s13], $0x1000  }
0x370: {  	[sflag:s13] =	ssyncset.done $0x0  }
0x371: {  	[sflag:s13] =	ssyncadd.s32 $0xFFFFF000  }
0x372: {  	_ =	swait.ge [sflag:s13], $0x1000  }
0x373: {  	[sflag:s13] =	ssyncset.done $0x0  }
0x374: {  	[sflag:s13] =	ssyncadd.s32 $0xFFFFF000  }
0x375: {  	_ =	swait.ge [sflag:s13], $0x1000  }
0x376: {  	[sflag:s13] =	ssyncset.done $0x0  }
0x377: {  	s15 =	sadd.s32 $0x1, s15;
	[sflag:s13] =	ssyncadd.s32 $0xFFFFF000  }
0x378: {  	p0 =	sne.s32 s15, $0x18;
	_ =	swait.ge [sflag:s13], $0x1000  }
.Ltmp16:
0x379: {  	[sflag:s13] =	ssyncset.done $0x0;
	(pc) =	sbr.rel @p0 .LBB2_2-.Ltmp16, $4  }
0x37a: {  	[sflag:s13] =	ssyncadd.s32 $0xFFFFF000  }
0x37b: {  	_ =	swait.ge [sflag:s13], $0x1000  }
0x37c: {  	[sflag:s13] =	ssyncset.done $0x0  }
0x37d: {  	[sflag:s13] =	ssyncadd.s32 $0xFFFFF000  }
0x37e: {  	s14 =	sadd.s32 $0x1, s14  }
0x37f: {  	p0 =	sne.s32 s14, s7  }
.Ltmp17:
0x380: {  	_ = 	snop;
	(pc) =	sbr.rel @p0 .LBB2_1-.Ltmp17, $1  }
0x381: {  	_ =	sdelay $0x3  }
0x382: {  	_ =	sfence.sel $0x180000  }
0x383: {  	[bflag:$0x0] =	sbarrier.arrive $0xFFFF  }
0x384: {  	p0 =	sne.s32 s2, $0x0;
	_ =	strace $0x90000047  }
0x385: {  	s0 =	sadd.s32 @!p0 $0x100000, s0;
	[bflag:$0x2] =	sbarrier.arrive $0xFFFF  }
0x386: {  	[sflag:s0] =	ssyncadd.tile.s32 @!p0 $0x1;
	_ =	shalt  }
.Lfunc_end2:
_tile_overlayer_lowered:
.L_overlay_start_2:
0x387: {  	(tag) =	ssettag $0x2  }
0x388: {  	s0 =	rddreg [dreg:$0x0];
	s2 =	stileid.u32  }
0x389: {  	s1 =	rddreg [dreg:$0x1];
	p0 =	sne.s32 s2, $0x0  }
0x38a: {  	s3 =	rddreg [dreg:$0x2];
	[bflag:$0x3] =	sbarrier.arrive $0xFFFF;
	s2 =	simm.s32 @!p0 $0x1C02  }
0x38b: {  	[timem:s3], [sflag:s2] =	dma.local @!p0 [hbm:s0], s1  }
0x38c: {  	s0 =	simm.s32 @!p0 $0x2  }
0x38d: {  	_ =	swait.ge @!p0 [sflag:s0], s1  }
0x38e: {  	s1 =	ssub.s32 @!p0 $0x0, s1;
	[sflag:s0] =	ssyncset.done @!p0 $0x0  }
0x38f: {  	[sflag:s0] =	ssyncadd.s32 @!p0 s1  }
0x390: {  	[bflag:$0x3] =	sbarrier.arrive $0xFFFF  }
0x391: {  	_ =	shalt  }

// kernel: sparse-core-data-format-call.cloned.1.call-start
scs
called_computation_lowered:
.L_overlay_start_0:
0x0: {  	s2 =	sld [smem:$0x3FD9]  }
0x1: {  	s3 =	sld [smem:$0x3FFE];
	_ =	sdelay $0x1  }
0x2: {  	s1 =	srdreg.scid  }
0x3: {  	s0 =	sand.u32 $0x1, s1  }
0x4: {  	s18 =	sshll.u32 s0, $0xA;
	s2 =	sadd.s32 s3, s2  }
0x5: {  	s2 =	sadd.s32 s2, s18  }
0x6: {  	[smem:$0x3FC6] =	sst s2  }
0x7: {  	_ = 	snop  }
0x8: {  	s2 =	sld [smem:$0x3FD0];
	(tm) =	ssettm $0x1  }
0x9: {  	s19 =	sld [smem:$0x3FFB];
	_ =	sdelay $0x3  }
0xa: {  	_ =	strace s19  }
0xb: {  	s3 =	sld [smem:$0x3FFC];
	_ =	sdelay $0x3  }
0xc: {  	_ =	strace s3  }
0xd: {  	s3 =	sld [smem:$0x3FFD];
	_ =	sdelay $0x3  }
0xe: {  	_ =	strace s3  }
0xf: {  	_ =	strace $0x8FFFFFFF  }
0x10: {  	s20 =	sld [smem:$0x3FDB];
	_ =	sdelay $0x1  }
0x11: {  	s4 =	simm.s32 $_scs_section_size  }
0x12: {  	s5 =	simm.s32 $_size__tile_overlayer_lowered;
	s6 =	simm.s32 $_tile_overlayer_lowered  }
0x13: {  	s23 =	simm.s32 $0x1BFF;
	s22 =	sshll.u32 s6, $0x1;
	s3 =	sadd.s32 s4, s20  }
0x14: {  	s7 =	simm.s32 $0x0;
	s21 =	sshll.u32 s5, $0x1;
	s5 =	sadd.s32 s22, s3  }
0x15: {  	[timem:s7], [sflag:s23] =	dma.local [hbm:s5], s21  }
0x16: {  	_ =	swait.ge [sflag:s23], s21  }
0x17: {  	s4 =	ssub.s32 $0x0, s21;
	[sflag:s23] =	ssyncset.done $0x0  }
0x18: {  	[sflag:s23] =	ssyncadd.s32 s4;
	_ =	sdelay $0x1  }
0x19: {  	s24 =	simm.s32 $0x1B8B  }
0x1a: {  	_ =	swait.ge [sflag:s24], $0x1  }
0x1b: {  	[sflag:s24] =	ssyncset.done $0x0  }
0x1c: {  	s26 =	simm.s32 $0x1B8E;
	s25 =	sld [smem:$0x3FFE];
	[sflag:s24] =	ssyncadd.s32 $0xFFFFFFFF  }
0x1d: {  	s27 =	simm.s32 $execute0_lowered;
	[smem:$0x3FD2] =	sst s26  }
0x1e: {  	s5 =	sshll.u32 s27, $0x1;
	_ =	strace $0x80000049;
	[dreg:$0x1] =	wrdreg $0xFFFFFFFF  }
0x1f: {  	s28 =	simm.s32 $_size_execute0_lowered;
	s3 =	sadd.s32 s3, s5;
	[dreg:$0x0] =	wrdreg $0x0  }
0x20: {  	s5 =	sshll.u32 s28, $0x1;
	[dreg:$0x2] =	wrdreg s3  }
0x21: {  	[dreg:$0x3] =	wrdreg s5  }
0x22: {  	[dreg:$0x4] =	wrdreg $0xC0  }
0x23: {  	_ =	task [dreg:s7], $0x5FFFF  }
0x24: {  	[dreg:$0x1] =	wrdreg $0xFFFFFFFF  }
0x25: {  	[dreg:$0x0] =	wrdreg $0x60  }
0x26: {  	[dreg:$0x2] =	wrdreg s25  }
0x27: {  	[dreg:$0x3] =	wrdreg s2  }
0x28: {  	[dreg:$0x4] =	wrdreg $0x9  }
0x29: {  	_ =	task.clear_ibuf [dreg:s7], $0x5FFFF;
	_ =	strace $0x90000049  }
0x2a: {  	s29 =	simm.s32 $0x9;
	_ =	strace $0x8000004B  }
0x2b: {  	_ =	swait.ge [sflag:s29], $0x1  }
0x2c: {  	[sflag:s29] =	ssyncadd.s32 $0xFFFFFFFF  }
0x2d: {  	_ =	strace $0x9000004B  }
0x2e: {  	_ =	sfence  }
0x2f: {  	s30 =	sld [smem:$0x0];
	_ =	sdelay $0x2  }
0x30: {  	s31 =	sshll.u32 s1, $0xD;
	s1 =	sshrl.u32 s1, $0x2  }
0x31: {  	s3 =	sand.u32 $0x4000, s31;
	s1 =	sadd.s32 s1, s30  }
0x32: {  	s0 =	sor.u32 s3, s0;
	s1 =	sshll.u32 s1, $0x11  }
0x33: {  	s0 =	sor.u32 s1, s0  }
0x34: {  	s0 =	sadd.s32 $0x8F2B, s0  }
0x35: {  	[sflag:s0] =	ssyncadd.remote.s32 $0x1  }
0x36: {  	_ =	sfence.sel $0xFFFF  }
0x37: {  	[dreg:$0x0] =	wrdreg $0xFFFFFFFF;
	(pc) =	sbr.abs _section_cstart, $3  }
0x38: {  	[dreg:$0x1] =	wrdreg $0xFFFFFFFF  }
0x39: {  	_ =	task.clear_ibuf [dreg:s7], $0x2FFFF;
	_ =	strace $0x9FFFFFFF  }
0x3a: {  	(tm) =	ssettm $0x7FFFFFFF  }
0x3b: {  	_ =	shalt  }
tec
execute0_lowered:
.L_overlay_start_1:
0x0: {  	(tag) =	ssettag $0x1  }
0x1: {  	s0 =	stileid.u32;
	s4 =	rddreg [dreg:$0x0]  }
0x2: {  	s3 =	rddreg [dreg:$0x1];
	s7 =	srdreg.scid;
	s8 =	simm.s32 $0x2  }
0x3: {  	s15 =	simm.s32 $0x0;
	s9 =	simm.s32 $0x1000;
	s17 =	simm.s32 $0x0  }
0x4: {  	s18 =	simm.s32 $0x0;
	s16 =	simm.s32 $0x0;
	s1 =	sshll.u32 s0, $0x7  }
0x5: {  	s10 =	simm.s32 $0x0;
	s11 =	simm.s32 $0x0;
	s2 =	sand.u32 $0x180, s1  }
0x6: {  	s14 =	simm.s32 $0x0;
	s4 =	sadd.s32 $0x800, s4;
	s5 =	ssub.s32 $0x200, s2  }
0x7: {  	s7 =	sshll.u32 s7, $0x4;
	s1 =	rddreg [dreg:$0x2];
	s6 =	sand.u32 $0x180, s5  }
0x8: {  	s7 =	sand.u32 $0x10, s7;
	p0 =	sne.s32 s6, $0x0;
	s6 =	simm.s32 $0x1  }
.Ltmp0:
0x9: {  	s5 =	sshrl.u32 s5, $0x9;
	s6 =	simm.s32 @!p0 $0x0;
	(pc) =	sbr.rel .LBB1_1-.Ltmp0, $4  }
0xa: {  	_ =	strace $0x8000004A;
	s7 =	sor.u32 s0, s7;
	s6 =	sadd.s32 s6, s5  }
0xb: {  	s7 =	sshrl.u32 s7, $0x2;
	s5 =	simm.s32 $0x1;
	s6 =	smul.u32 $0x30, s6  }
0xc: {  	s13 =	smov.u32 s2;
	s12 =	smov.u32 s7;
	[sflag:s5] =	ssyncpa.u1 $0x0  }
0xd: {  	p0 =	por $0x0, $0x0;
	[sflag:s8] =	ssyncpa.u1 $0x0;
	s8 =	sor.u32 $0x1, s6  }
.LBB1_4:
0xe: {  	v5 =	vld [tilespmem:s22+$0xFFFFFFD0];
	[tilespmem:s21+$0x2040 ss:$0x81] =	vst.msk $0xffff, v1  }
0xf: {  	v58 =	vld [tilespmem:s22+$0xFFFFFFE0];
	[tilespmem:s21+$0x2850 ss:$0x81] =	vst.msk $0xffff, v2  }
0x10: {  	s23 =	sshra.s32 s23, $0x2;
	v59 =	vld [tilespmem:s22+$0xFFFFFFF0];
	[tilespmem:s21+$0x3060 ss:$0x81] =	vst.msk $0xffff, v3  }
0x11: {  	v60 =	vld [tilespmem:s22+$0x0];
	[tilespmem:s21+$0x0 ss:$0x81] =	vst.msk $0xffff, v0;
	s20 =	sadd.s32 s23, s20  }
0x12: {  	v61 =	vld [tilespmem:s22+$0x10];
	[tilespmem:s20+$0x3870 ss:$0x81] =	vst.msk $0xffff, v4  }
0x13: {  	v62 =	vld [tilespmem:s22+$0x20];
	[tilespmem:s20+$0x810 ss:$0x81] =	vst.msk $0xffff, v5  }
0x14: {  	v63 =	vld [tilespmem:s22+$0xFFFFFFC0];
	s29 =	sand.u32 $0x78, s16;
	s30 =	sshll.u32 s16, $0x3;
	[tilespmem:s20+$0x1020 ss:$0x81] =	vst.msk $0xffff, v58  }
0x15: {  	s18 =	sshll.u32 s18, $0x7;
	s17 =	smul.u32 $0xC0000, s17;
	s22 =	sand.u32 $0xC00, s30;
	[tilespmem:s20+$0x1830 ss:$0x81] =	vst.msk $0xffff, v59  }
0x16: {  	s15 =	sshll.u32 s15, $0x9;
	s18 =	sand.u32 $0x380, s18;
	s21 =	sor.u32 s29, s22;
	[tilespmem:s20+$0x2040 ss:$0x81] =	vst.msk $0xffff, v60  }
0x17: {  	s31 =	sand.u32 $0x7, s16;
	s17 =	sadd.s32 s3, s17;
	s18 =	sor.u32 s18, s21;
	[tilespmem:s20+$0x2850 ss:$0x81] =	vst.msk $0xffff, v61  }
0x18: {  	s16 =	sshll.u32 s31, $0x12;
	s15 =	sadd.s32 s15, s17;
	s18 =	sshrl.u32 s18, $0x3;
	[tilespmem:s20+$0x3060 ss:$0x81] =	vst.msk $0xffff, v62  }
0x19: {  	s16 =	sor.u32 $0x80, s16;
	[tilespmem:s20+$0x0 ss:$0x81] =	vst.msk $0xffff, v63;
	s15 =	sadd.s32 s18, s15  }
0x1a: {  	[hbm4b:s15+s16] =	stream.strided.scatter [tilespmem:s19], [sflag:$0x2], $0x4000, s9, s16, $0x20;
	[tilespmem:$0x10100] =	vst v63  }
.LBB1_5:
0x1b: {  	s19 =	sadd.s32 $0x80, s10  }
0x1c: {  	s15 =	simm.s32 $0x1;
	p2 =	sgt.s32 s19, $0x5FF  }
0x1d: {  	s15 =	simm.s32 @!p2 $0x0  }
0x1e: {  	s20 =	sadd.s32 s15, s11  }
0x1f: {  	s21 =	smov.u32 s12;
	s15 =	sadd.s32 $0x8, s12;
	p3 =	sgt.s32 s20, $0x3  }
0x20: {  	s21 =	smov.u32 @p3 s15  }
0x21: {  	s22 =	smov.u32 s13;
	s15 =	sadd.s32 $0x200, s13;
	p4 =	sgt.s32 s21, $0x7  }
0x22: {  	p1 =	slt.u32 s14, $0x2;
	s22 =	smov.u32 @p4 s15  }
0x23: {  	s17 =	smov.u32 s11;
	s19 =	simm.s32 @p2 $0x0;
	p2 =	sgt.s32 s22, $0x1FF  }
0x24: {  	s23 =	simm.s32 @!p1 $0x2;
	s22 =	smov.u32 @p2 s2;
	p2 =	sne.s32 s14, s8  }
.Ltmp1:
0x25: {  	s18 =	smov.u32 s12;
	_ =	swait.ge @!p1 [sflag:s23], $0x4000;
	(pc) =	sbr.rel @!p2 .LBB1_6-.Ltmp1, $4  }
0x26: {  	s16 =	smov.u32 s13;
	[sflag:s23] =	ssyncset.done @!p1 $0x0;
	s20 =	simm.s32 @p3 $0x0  }
0x27: {  	p0 =	por !p0, !p0;
	[sflag:s23] =	ssyncadd.s32 @!p1 $0xFFFFC000;
	s11 =	smov.u32 s20  }
0x28: {  	s21 =	smov.u32 @p4 s7;
	s15 =	smov.u32 s10;
	s10 =	smov.u32 s19  }
0x29: {  	s12 =	smov.u32 s21;
	s14 =	sadd.s32 $0x1, s14;
	s13 =	smov.u32 s22  }
.LBB1_1:
0x2a: {  	p1 =	sge.u32 s14, s6  }
0x2b: {  	s19 =	sshrl.u32 @!p1 s11, $0x2  }
0x2c: {  	s20 =	sshll.u32 @!p1 s10, $0x2;
	s21 =	sshll.u32 @!p1 s11, $0x7;
	s19 =	smul.u32 @!p1 $0x1800, s19  }
0x2d: {  	s22 =	sand.u32 @!p1 $0x7F, s10;
	s20 =	sand.u32 @!p1 $0xFFFFFE00, s20;
	s21 =	sand.u32 @!p1 $0x180, s21  }
0x2e: {  	s19 =	sadd.s32 @!p1 s19, s20;
	s20 =	sor.u32 @!p1 s22, s21  }
0x2f: {  	s20 =	sor.u32 @!p1 s19, s20  }
0x30: {  	s21 =	smulhi.u32 @!p1 $0xAAAAAAAB, s20  }
0x31: {  	s19 =	smulhi.u32 @!p1 $0xAAAAAAAB, s19  }
0x32: {  	s31 =	sadd.s32 $0xFFFFFFFF, s14;
	s23 =	smul.u32 @!p1 $0x1800, s13;
	s21 =	sshrl.u32 @!p1 s21, $0xA  }
0x33: {  	s22 =	sxor.u32 @!p1 $0xFFFFFFFF, s14;
	s19 =	sshrl.u32 @!p1 s19, $0xA;
	s21 =	smul.u32 @!p1 $0x600, s21  }
0x34: {  	s24 =	smul.u32 @!p1 $0x300, s12;
	s22 =	sshll.u32 @!p1 s22, $0xE;
	s19 =	sand.u32 @!p1 $0x3, s19  }
0x35: {  	s19 =	smul.u32 @!p1 $0xC0, s19;
	s20 =	ssub.s32 @!p1 s20, s21;
	s21 =	sadd.s32 @!p1 s4, s23  }
0x36: {  	s22 =	sand.u32 @!p1 $0x4000, s22;
	s21 =	sadd.s32 @!p1 s24, s21;
	s23 =	sand.u32 @!p1 $0x7, s20  }
0x37: {  	s20 =	sshrl.u32 @!p1 s20, $0x3;
	s19 =	sadd.s32 @!p1 s19, s21;
	s21 =	sshll.u32 @!p1 s23, $0x12  }
0x38: {  	s19 =	sadd.s32 @!p1 s20, s19;
	s20 =	sor.u32 @!p1 $0x80, s21;
	s21 =	simm.s32 @!p1 $0xC000  }
0x39: {  	[tilespmem:s22], [sflag:$0x1] =	stream.strided.gather @!p1 [hbm4b:s19+s20], $0x4000, s21, s20, $0x38;
	[tilespmem:$0x10100] =	vst v63  }
0x3a: {  	p1 =	sge.u32 s31, s6  }
.Ltmp2:
0x3b: {  	_ = 	snop;
	(pc) =	sbr.rel @p1 .LBB1_5-.Ltmp2, $1  }
0x3c: {  	_ =	sdelay $0x3  }
0x3d: {  	s19 =	simm.s32 $0x1  }
0x3e: {  	_ =	swait.ge [sflag:s5], $0x4000;
	s19 =	simm.s32 @!p0 $0x0  }
0x3f: {  	[sflag:s5] =	ssyncset.done $0x0;
	s20 =	sshll.u32 s19, $0xE  }
0x40: {  	[sflag:s5] =	ssyncadd.s32 $0xFFFFC000;
	s22 =	sor.u32 $0x40, s20  }
0x41: {  	s19 =	smul.u32 $0x10200, s19;
	v0 =	vld [tilespmem:s22+$0x30]  }
0x42: {  	v3 =	vld [tilespmem:s22+$0xFFFFFFD0]  }
0x43: {  	s19 =	sshrl.u32 s19, $0x2;
	v4 =	vld [tilespmem:s22+$0xFFFFFFE0]  }
0x44: {  	v5 =	vld [tilespmem:s22+$0xFFFFFFF0];
	s20 =	sor.u32 $0x8000, s19  }
0x45: {  	s31 =	sand.u32 $0x1, s14;
	v1 =	vld [tilespmem:s22+$0x0];
	s21 =	sadd.s32 $0x0, s20  }
0x46: {  	v2 =	vld [tilespmem:s22+$0x10];
	s19 =	smul.u32 $0x10200, s31;
	[tilespmem:s21+$0x3870 ss:$0x81] =	vst.msk $0xffff, v0  }
0x47: {  	[tilespmem:s21+$0x810 ss:$0x81] =	vst.msk $0xffff, v3;
	v3 =	vld [tilespmem:s22+$0x20]  }
0x48: {  	s19 =	sshrl.u32 s19, $0x2;
	v0 =	vld [tilespmem:s22+$0xFFFFFFC0];
	[tilespmem:s21+$0x1020 ss:$0x81] =	vst.msk $0xffff, v4;
	s22 =	sadd.s32 $0x80, s22  }
0x49: {  	s23 =	simm.s32 $0x4;
	s24 =	simm.s32 $0x8;
	s19 =	sor.u32 $0x8000, s19;
	[tilespmem:s21+$0x1830 ss:$0x81] =	vst.msk $0xffff, v5;
	v4 =	vld [tilespmem:s22+$0x30]  }
.LBB1_3:
0x4a: {  	p1 =	sne.s32 s24, $0x1FC;
	v5 =	vld [tilespmem:s22+$0xFFFFFFD0];
	[tilespmem:s21+$0x2040 ss:$0x81] =	vst.msk $0xffff, v1  }
0x4b: {  	v6 =	vld [tilespmem:s22+$0xFFFFFFE0];
	[tilespmem:s21+$0x2850 ss:$0x81] =	vst.msk $0xffff, v2  }
0x4c: {  	s25 =	sshra.s32 s23, $0x2;
	s23 =	smov.u32 s24;
	v7 =	vld [tilespmem:s22+$0xFFFFFFF0];
	[tilespmem:s21+$0x3060 ss:$0x81] =	vst.msk $0xffff, v3  }
.Ltmp3:
0x4d: {  	v1 =	vld [tilespmem:s22+$0x0];
	[tilespmem:s21+$0x0 ss:$0x81] =	vst.msk $0xffff, v0;
	s21 =	sadd.s32 s25, s20;
	(pc) =	sbr.rel @p1 .LBB1_3-.Ltmp3, $4  }
0x4e: {  	v2 =	vld [tilespmem:s22+$0x10];
	[tilespmem:s21+$0x3870 ss:$0x81] =	vst.msk $0xffff, v4  }
0x4f: {  	[tilespmem:s21+$0x810 ss:$0x81] =	vst.msk $0xffff, v5;
	v3 =	vld [tilespmem:s22+$0x20]  }
0x50: {  	v0 =	vld [tilespmem:s22+$0xFFFFFFC0];
	[tilespmem:s21+$0x1020 ss:$0x81] =	vst.msk $0xffff, v6;
	s22 =	sadd.s32 $0x80, s22  }
0x51: {  	s24 =	sadd.s32 $0x4, s24;
	v4 =	vld [tilespmem:s22+$0x30];
	[tilespmem:s21+$0x1830 ss:$0x81] =	vst.msk $0xffff, v7  }
.Ltmp4:
0x52: {  	_ = 	snop;
	(pc) =	sbr.rel .LBB1_4-.Ltmp4, $1  }
0x53: {  	_ =	sdelay $0x3  }
.LBB1_6:
0x54: {  	_ =	sfence.sel $0x180000  }
0x55: {  	s2 =	simm.s32 $0x1;
	[bflag:$0x0] =	sbarrier.arrive $0xFFFF  }
0x56: {  	s31 =	simm.s32 $0x2;
	[sflag:s2] =	ssyncpa.u1 $0x1  }
0x57: {  	[sflag:s31] =	ssyncpa.u1 $0x1  }
0x58: {  	p0 =	sne.s32 s0, $0x0;
	_ =	strace $0x9000004A  }
0x59: {  	s0 =	sadd.s32 @!p0 $0x100000, s1;
	[bflag:$0x2] =	sbarrier.arrive $0xFFFF  }
0x5a: {  	[sflag:s0] =	ssyncadd.tile.s32 @!p0 $0x1;
	_ =	shalt  }
.Lfunc_end1:
_tile_overlayer_lowered:
.L_overlay_start_2:
0x5b: {  	(tag) =	ssettag $0x2  }
0x5c: {  	s0 =	rddreg [dreg:$0x0];
	s2 =	stileid.u32  }
0x5d: {  	s1 =	rddreg [dreg:$0x1];
	p0 =	sne.s32 s2, $0x0  }
0x5e: {  	s3 =	rddreg [dreg:$0x2];
	[bflag:$0x3] =	sbarrier.arrive $0xFFFF;
	s2 =	simm.s32 @!p0 $0x1C01  }
0x5f: {  	[timem:s3], [sflag:s2] =	dma.local @!p0 [hbm:s0], s1  }
0x60: {  	s0 =	simm.s32 @!p0 $0x1  }
0x61: {  	_ =	swait.ge @!p0 [sflag:s0], s1  }
0x62: {  	s1 =	ssub.s32 @!p0 $0x0, s1;
	[sflag:s0] =	ssyncset.done @!p0 $0x0  }
0x63: {  	[sflag:s0] =	ssyncadd.s32 @!p0 s1  }
0x64: {  	[bflag:$0x3] =	sbarrier.arrive $0xFFFF  }
0x65: {  	_ =	shalt  }

</sc_bundles>
